<compile_context>
chip_gen: v7x
topology: tpu7x:2x2x1
jax: 0.10.2.dev20260603
libtpu: 0.0.44.dev20260713+nightly
codegen_flags: <defaults>
</compile_context>

<pallas_src>
import functools

import jax
import jax.numpy as jnp
from jax import lax
from jax.experimental import pallas as pl
from jax.experimental.pallas import tpu as pltpu
from jax.experimental.pallas import tpu_sc as plsc

N_NODES = 10000
N_EDGES = 320000
D_IN = 128
D_HID = 128
ALPHA = 0.1
C_MIN = 0.2
RESIDUAL_W = C_MIN - ALPHA
COEFF = 1.0 - RESIDUAL_W - ALPHA

NC = 2
NS = 16
CHUNK = 128
NCHUNK = 158
E_TILE = NCHUNK * CHUNK
E_PAD = NS * E_TILE
NP = 10240
HALF = NP // NC
ACC_ROWS = HALF + CHUNK
ZROWS = ACC_ROWS // NS
WROWS = HALF // NS
PAD_COL = 10000
BLK = 1024
GRID = NP // BLK

_mesh = plsc.VectorSubcoreMesh(core_axis_name="c", subcore_axis_name="s")


def _chunks(total):
    off = 0
    while total > 0:
        n = min(CHUNK, total)
        yield off, n
        off += n
        total -= n


@functools.partial(
    pl.kernel,
    out_type=jax.ShapeDtypeStruct((NC, HALF, D_HID), jnp.float32),
    mesh=_mesh,
    scratch_types=[
        pltpu.VMEM((NCHUNK, CHUNK), jnp.int32),
        pltpu.VMEM((CHUNK, D_HID), jnp.float32),
        pltpu.VMEM((CHUNK, D_HID), jnp.float32),
        pltpu.VMEM_SHARED((ACC_ROWS, D_HID), jnp.float32),
    ],
)
def _sc_degree(cols_hbm, degp_hbm, idxc, ones_v, zbuf, acc):
    c = lax.axis_index("c")
    s = lax.axis_index("s")
    pltpu.sync_copy(cols_hbm.at[c, s], idxc)

    one16 = jnp.full((16,), 1.0, dtype=jnp.float32)
    zero16 = jnp.zeros((16,), dtype=jnp.float32)

    def _fill(i, _):
        for k in range(D_HID // 16):
            ones_v[i, pl.ds(k * 16, 16)] = one16
            zbuf[i, pl.ds(k * 16, 16)] = zero16
        return 0

    lax.fori_loop(0, CHUNK, _fill, 0)

    zbase = s * ZROWS
    for off, n in _chunks(ZROWS):
        pltpu.sync_copy(zbuf.at[pl.ds(0, n)], acc.at[pl.ds(zbase + off, n)])
    plsc.subcore_barrier()

    def _scat(j, _):
        pltpu.sync_copy(ones_v, acc.at[idxc.at[j]], add=True)
        return 0

    lax.fori_loop(0, NCHUNK, _scat, 0)
    plsc.subcore_barrier()

    wbase = s * WROWS
    for off, n in _chunks(WROWS):
        pltpu.sync_copy(acc.at[pl.ds(wbase + off, n)], zbuf.at[pl.ds(0, n)])
        pltpu.sync_copy(zbuf.at[pl.ds(0, n)],
                        degp_hbm.at[c, pl.ds(wbase + off, n)])


@functools.partial(
    pl.kernel,
    out_type=jax.ShapeDtypeStruct((NC, HALF, D_HID), jnp.float32),
    mesh=_mesh,
    scratch_types=[
        pltpu.VMEM((NCHUNK, CHUNK), jnp.int32),
        pltpu.VMEM((NCHUNK, CHUNK), jnp.int32),
        pltpu.VMEM((CHUNK, D_HID), jnp.float32),
        pltpu.VMEM((CHUNK, D_HID), jnp.float32),
        pltpu.VMEM_SHARED((ACC_ROWS, D_HID), jnp.float32),
        pltpu.SemaphoreType.DMA,
        pltpu.SemaphoreType.DMA,
    ],
)
def _sc_gather_scatter(hs_hbm, rows_hbm, cols_hbm, s_hbm,
                       idxr, idxc, buf_a, buf_b, acc, sem_a, sem_b):
    c = lax.axis_index("c")
    s = lax.axis_index("s")
    pltpu.sync_copy(rows_hbm.at[s], idxr)
    pltpu.sync_copy(cols_hbm.at[c, s], idxc)

    zero16 = jnp.zeros((16,), dtype=jnp.float32)

    def _zero_row(i, _):
        for k in range(D_HID // 16):
            buf_a[i, pl.ds(k * 16, 16)] = zero16
        return 0

    lax.fori_loop(0, CHUNK, _zero_row, 0)

    zbase = s * ZROWS
    for off, n in _chunks(ZROWS):
        pltpu.sync_copy(buf_a.at[pl.ds(0, n)], acc.at[pl.ds(zbase + off, n)])
    plsc.subcore_barrier()

    bufs = (buf_a, buf_b)
    sems = (sem_a, sem_b)
    pltpu.async_copy(hs_hbm.at[idxr.at[0]], buf_a, sem_a)
    pltpu.async_copy(hs_hbm.at[idxr.at[1]], buf_b, sem_b)

    def _outer(jo, _):
        for b in range(2):
            j = jo * 2 + b
            pltpu.make_async_copy(hs_hbm.at[idxr.at[j]], bufs[b],
                                  sems[b]).wait()
            pltpu.sync_copy(bufs[b], acc.at[idxc.at[j]], add=True)

            @pl.when(j + 2 < NCHUNK)
            def _():
                pltpu.async_copy(hs_hbm.at[idxr.at[j + 2]], bufs[b], sems[b])
        return 0

    lax.fori_loop(0, NCHUNK // 2, _outer, 0)
    plsc.subcore_barrier()

    wbase = s * WROWS
    for off, n in _chunks(WROWS):
        pltpu.sync_copy(acc.at[pl.ds(wbase + off, n)], buf_a.at[pl.ds(0, n)])
        pltpu.sync_copy(buf_a.at[pl.ds(0, n)],
                        s_hbm.at[c, pl.ds(wbase + off, n)])


def _prologue_body(x_ref, w_ref, b_ref, degp_ref, h_ref, hs_ref, dv_ref):
    h = jnp.dot(x_ref[...], w_ref[...], preferred_element_type=jnp.float32)
    h = jnp.maximum(h + b_ref[...], 0.0)
    deg = degp_ref[...][:, 0:1] + 1.0
    dv = lax.rsqrt(deg)
    dvb = jnp.broadcast_to(dv, (BLK, D_HID))
    h_ref[...] = h
    hs_ref[...] = dvb * h
    dv_ref[...] = dvb


_tc_prologue = pl.pallas_call(
    _prologue_body,
    grid=(GRID,),
    in_specs=[
        pl.BlockSpec((BLK, D_IN), lambda b: (b, 0)),
        pl.BlockSpec((D_IN, D_HID), lambda b: (0, 0)),
        pl.BlockSpec((1, D_HID), lambda b: (0, 0)),
        pl.BlockSpec((BLK, D_HID), lambda b: (b, 0)),
    ],
    out_specs=[
        pl.BlockSpec((BLK, D_HID), lambda b: (b, 0)),
        pl.BlockSpec((BLK, D_HID), lambda b: (b, 0)),
        pl.BlockSpec((BLK, D_HID), lambda b: (b, 0)),
    ],
    out_shape=[
        jax.ShapeDtypeStruct((NP, D_HID), jnp.float32),
        jax.ShapeDtypeStruct((NP, D_HID), jnp.float32),
        jax.ShapeDtypeStruct((NP, D_HID), jnp.float32),
    ],
)


def _layer_body(s_ref, h_ref, x0_ref, dv_ref, w_ref, b_ref, ho_ref, hso_ref):
    dv = dv_ref[...]
    h = h_ref[...]
    agg = dv * s_ref[...] + dv * dv * h
    t = COEFF * agg + RESIDUAL_W * h + ALPHA * x0_ref[...]
    u = jnp.dot(t, w_ref[...], preferred_element_type=jnp.float32)
    b = b_ref[...]
    v = jnp.maximum(u - b, 0.0) + b
    ho_ref[...] = v
    hso_ref[...] = dv * v


_tc_layer = pl.pallas_call(
    _layer_body,
    grid=(GRID,),
    in_specs=[
        pl.BlockSpec((BLK, D_HID), lambda b: (b, 0)),
        pl.BlockSpec((BLK, D_HID), lambda b: (b, 0)),
        pl.BlockSpec((BLK, D_HID), lambda b: (b, 0)),
        pl.BlockSpec((BLK, D_HID), lambda b: (b, 0)),
        pl.BlockSpec((D_HID, D_HID), lambda b: (0, 0)),
        pl.BlockSpec((1, D_HID), lambda b: (0, 0)),
    ],
    out_specs=[
        pl.BlockSpec((BLK, D_HID), lambda b: (b, 0)),
        pl.BlockSpec((BLK, D_HID), lambda b: (b, 0)),
    ],
    out_shape=[
        jax.ShapeDtypeStruct((NP, D_HID), jnp.float32),
        jax.ShapeDtypeStruct((NP, D_HID), jnp.float32),
    ],
)


def _final_body(s_ref, h_ref, x0_ref, dv_ref, w_ref, b_ref, wo_ref, bo_ref,
                out_ref):
    dv = dv_ref[...]
    h = h_ref[...]
    agg = dv * s_ref[...] + dv * dv * h
    t = COEFF * agg + RESIDUAL_W * h + ALPHA * x0_ref[...]
    u = jnp.dot(t, w_ref[...], preferred_element_type=jnp.float32)
    b = b_ref[...]
    v = jnp.maximum(u - b, 0.0) + b
    out_ref[...] = jnp.dot(v, wo_ref[...],
                           preferred_element_type=jnp.float32) + bo_ref[...]


def _make_final(n_cls):
    return pl.pallas_call(
        _final_body,
        grid=(GRID,),
        in_specs=[
            pl.BlockSpec((BLK, D_HID), lambda b: (b, 0)),
            pl.BlockSpec((BLK, D_HID), lambda b: (b, 0)),
            pl.BlockSpec((BLK, D_HID), lambda b: (b, 0)),
            pl.BlockSpec((BLK, D_HID), lambda b: (b, 0)),
            pl.BlockSpec((D_HID, D_HID), lambda b: (0, 0)),
            pl.BlockSpec((1, D_HID), lambda b: (0, 0)),
            pl.BlockSpec((D_HID, n_cls), lambda b: (0, 0)),
            pl.BlockSpec((1, n_cls), lambda b: (0, 0)),
        ],
        out_specs=pl.BlockSpec((BLK, n_cls), lambda b: (b, 0)),
        out_shape=jax.ShapeDtypeStruct((NP, n_cls), jnp.float32),
    )


@jax.jit
def kernel(x, edge_index, W_in, b_in, Wg, srelu_b, W_out, b_out):
    n_layers = Wg.shape[0]
    n_cls = W_out.shape[1]

    row = edge_index[0].astype(jnp.int32).reshape(NS, N_EDGES // NS)
    col = edge_index[1].astype(jnp.int32).reshape(NS, N_EDGES // NS)
    padw = E_TILE - N_EDGES // NS
    rowp = jnp.concatenate([row, jnp.zeros((NS, padw), jnp.int32)], axis=1)
    colp = jnp.concatenate(
        [col, jnp.full((NS, padw), PAD_COL, jnp.int32)], axis=1)
    col_lo = jnp.where(colp < HALF, colp, HALF)
    col_hi = jnp.where(colp >= HALF, colp - HALF, HALF)
    cols = jnp.stack([col_lo, col_hi]).reshape(NC, NS, NCHUNK, CHUNK)
    rowp = rowp.reshape(NS, NCHUNK, CHUNK)

    degp = _sc_degree(cols).reshape(NP, D_HID)
    h, hs, dvb = _tc_prologue(x, W_in, b_in.reshape(1, D_HID), degp)
    x0 = h
    for i in range(n_layers - 1):
        s_part = _sc_gather_scatter(hs, rowp, cols).reshape(NP, D_HID)
        h, hs = _tc_layer(s_part, h, x0, dvb, Wg[i],
                          srelu_b[i].reshape(1, D_HID))
    s_part = _sc_gather_scatter(hs, rowp, cols).reshape(NP, D_HID)
    out = _make_final(n_cls)(s_part, h, x0, dvb, Wg[n_layers - 1],
                             srelu_b[n_layers - 1].reshape(1, D_HID),
                             W_out, b_out.reshape(1, n_cls))
    return out[:N_NODES]

# --- scband reference (transcript-rebuilt; emitter-appended) ---
"""Pipeline reference for scband-egnn-17626545783200 (READ-ONLY COPY).

The authoritative reference and input builder live on the scoring server;
editing this copy changes nothing except your own understanding.
"""

import jax, jax.numpy as jnp
import numpy as np

N = 10000
E = 320000
D = 128
H = 128
C = 40
L = 4
ALPHA = 0.1
C_MIN = 0.2
BIAS_SRELU = -10.0


def gcn_norm(edge_index, num_nodes):
    # symmetric GCN normalization with self-loops (fill_value=1), as in PyG gcn_norm
    row = edge_index[0]
    col = edge_index[1]
    loop = jnp.arange(num_nodes, dtype=row.dtype)
    row = jnp.concatenate([row, loop])
    col = jnp.concatenate([col, loop])
    ew = jnp.ones(row.shape[0], dtype=jnp.float32)
    deg = jnp.zeros((num_nodes,), dtype=jnp.float32).at[col].add(ew)
    dinv = jnp.where(deg > 0, deg ** -0.5, 0.0)
    norm = dinv[row] * ew * dinv[col]
    return row, col, norm


def setup_inputs(seed: int = 0):
    key = jax.random.key(seed)
    ks = jax.random.split(key, 10)
    x = jax.random.normal(ks[0], (N, D), dtype=jnp.float32)
    edge_index = jax.random.randint(ks[1], (2, E), 0, N, dtype=jnp.int32)
    W_in = jax.random.normal(ks[2], (D, H), dtype=jnp.float32) * (1.0 / np.sqrt(D))
    b_in = jnp.zeros((H,), dtype=jnp.float32)
    Wg = jax.random.normal(ks[3], (L, H, H), dtype=jnp.float32) * (1.0 / np.sqrt(H))
    srelu_b = jnp.full((L, H), BIAS_SRELU, dtype=jnp.float32)
    W_out = jax.random.normal(ks[4], (H, C), dtype=jnp.float32) * (1.0 / np.sqrt(H))
    b_out = jnp.zeros((C,), dtype=jnp.float32)
    return {"x": x, "edge_index": edge_index, "W_in": W_in, "b_in": b_in,
            "Wg": Wg, "srelu_b": srelu_b, "W_out": W_out, "b_out": b_out}


def reference(x, edge_index, W_in, b_in, Wg, srelu_b, W_out, b_out):
    # eval mode: all dropouts are identity
    num_nodes = x.shape[0]
    row, col, norm = gcn_norm(edge_index, num_nodes)
    h = x @ W_in + b_in
    h = jax.nn.relu(h)
    x0 = h
    residual_weight = C_MIN - ALPHA
    coeff = 1.0 - residual_weight - ALPHA
    for i in range(L):
        # propagate: A_hat @ h via gather + scatter-add
        msgs = norm[:, None] * h[row]
        agg = jnp.zeros_like(h).at[col].add(msgs)
        h = coeff * agg + residual_weight * h + ALPHA * x0
        h = h @ Wg[i]
        b = srelu_b[i]
        h = jax.nn.relu(h - b) + b  # SReLU
    out = h @ W_out + b_out
    return out

if __name__ == "__main__":
    import jax
    _d = setup_inputs()
    print(jax.jit(kernel)(*tuple(_d.values())))

</pallas_src>

<mosaic_0001>
#map = affine_map<(d0, d1) -> (0, 0, 0, 0)>
#map1 = affine_map<(d0, d1) -> (0, 0, 0)>
module attributes {stable_mosaic.version = 14 : i64} {
  func.func @_sc_degree(%arg0: i32, %arg1: i32, %arg2: memref<2x16x158x128xi32, #tpu.memory_space<hbm>>, %arg3: memref<2x5120x128xf32, #tpu.memory_space<hbm>>, %arg4: memref<158x128xi32, #tpu.memory_space<vmem>>, %arg5: memref<128x128xf32, #tpu.memory_space<vmem>>, %arg6: memref<128x128xf32, #tpu.memory_space<vmem>>, %arg7: memref<5248x128xf32, #tpu.memory_space<vmem_shared>>) attributes {dimension_semantics = [#tpu.dimension_semantics<core_parallel>, #tpu.dimension_semantics<subcore_parallel>], iteration_bounds = array<i64: 2, 16>, scalar_prefetch = 0 : i64, scratch_operands = 4 : i64, tpu.core_type = #tpu.core_type<sc_vector_subcore>, window_params = [{transform_indices = #map}, {transform_indices = #map1}]} {
    "tpu.region"() ({
      %run_scoped3A = tpu.sem_alloc : memref<!tpu.dma_semaphore, #tpu.memory_space<semaphore_mem>>
      %dma_start3A = arith.constant 0 : i32
      %dma_start3A_37 = arith.constant 0 : i32
      %dma_start3A_38 = tpu.memref_slice %arg2[%arg0, %arg1, %dma_start3A, %dma_start3A_37] : memref<2x16x158x128xi32, #tpu.memory_space<hbm>> -> memref<1x1x158x128xi32, #tpu.memory_space<hbm>>
      %dma_start3A_39 = tpu.memref_squeeze %dma_start3A_38 : memref<1x1x158x128xi32, #tpu.memory_space<hbm>> -> memref<158x128xi32, #tpu.memory_space<hbm>>
      %dma_start3A_40 = arith.constant 0 : i32
      %dma_start3A_41 = arith.constant 0 : i32
      %dma_start3A_42 = tpu.memref_slice %arg2[%arg0, %arg1, %dma_start3A_40, %dma_start3A_41] : memref<2x16x158x128xi32, #tpu.memory_space<hbm>> -> memref<1x1x158x128xi32, #tpu.memory_space<hbm>>
      %dma_start3A_43 = tpu.memref_squeeze %dma_start3A_42 : memref<1x1x158x128xi32, #tpu.memory_space<hbm>> -> memref<158x128xi32, #tpu.memory_space<hbm>>
      tpu.enqueue_dma source(%dma_start3A_43 : memref<158x128xi32, #tpu.memory_space<hbm>>) target(%arg4 : memref<158x128xi32, #tpu.memory_space<vmem>>) target_semaphore(%run_scoped3A : memref<!tpu.dma_semaphore, #tpu.memory_space<semaphore_mem>>)
      %dma_wait3A = arith.constant 0 : i32
      %dma_wait3A_44 = arith.constant 0 : i32
      %dma_wait3A_45 = tpu.memref_slice %arg2[%arg0, %arg1, %dma_wait3A, %dma_wait3A_44] : memref<2x16x158x128xi32, #tpu.memory_space<hbm>> -> memref<1x1x158x128xi32, #tpu.memory_space<hbm>>
      %dma_wait3A_46 = tpu.memref_squeeze %dma_wait3A_45 : memref<1x1x158x128xi32, #tpu.memory_space<hbm>> -> memref<158x128xi32, #tpu.memory_space<hbm>>
      %dma_wait3A_47 = arith.constant 0 : i32
      %dma_wait3A_48 = arith.constant 0 : i32
      %dma_wait3A_49 = tpu.memref_slice %arg2[%arg0, %arg1, %dma_wait3A_47, %dma_wait3A_48] : memref<2x16x158x128xi32, #tpu.memory_space<hbm>> -> memref<1x1x158x128xi32, #tpu.memory_space<hbm>>
      %dma_wait3A_50 = tpu.memref_squeeze %dma_wait3A_49 : memref<1x1x158x128xi32, #tpu.memory_space<hbm>> -> memref<158x128xi32, #tpu.memory_space<hbm>>
      tpu.wait_dma2 semaphore(%run_scoped3A : memref<!tpu.dma_semaphore, #tpu.memory_space<semaphore_mem>>) src(%dma_wait3A_50 : memref<158x128xi32, #tpu.memory_space<hbm>>) dst(%arg4 : memref<158x128xi32, #tpu.memory_space<vmem>>)
      tpu.yield
    }) : () -> ()
    %broadcast_in_dim3A = arith.constant 1.000000e+00 : f32
    %broadcast_in_dim3A_0 = vector.broadcast %broadcast_in_dim3A : f32 to vector<16xf32>
    %broadcast_in_dim3A_1 = arith.constant 0.000000e+00 : f32
    %broadcast_in_dim3A_2 = vector.broadcast %broadcast_in_dim3A_1 : f32 to vector<16xf32>
    %scan3A = arith.constant 0 : i32
    %scan3A_3 = arith.constant 0 : i32
    %scan3A_4 = arith.constant 128 : i32
    %scan3A_5 = arith.addi %scan3A_3, %scan3A_4 : i32
    %scan3A_6 = arith.constant 1 : i32
    %scan3A_7 = scf.for %scan3A_37 = %scan3A_3 to %scan3A_5 step %scan3A_6 iter_args(%scan3A_38 = %scan3A) -> (i32)  : i32 {
      %swap3A = arith.index_cast %scan3A_37 : i32 to index
      %swap3A_39 = arith.constant 0 : index
      %swap3A_40 = tpu.vector_load %arg5[%swap3A, %swap3A_39] {strides = array<i32>} : memref<128x128xf32, #tpu.memory_space<vmem>>, vector<1x16xf32>,
      %swap3A_41 = vector.shape_cast %swap3A_40 : vector<1x16xf32> to vector<16xf32>
      %swap3A_42 = vector.shape_cast %broadcast_in_dim3A_0 : vector<16xf32> to vector<1x16xf32>
      tpu.vector_store %arg5[%swap3A, %swap3A_39], %swap3A_42 {strides = array<i32>} : memref<128x128xf32, #tpu.memory_space<vmem>>, vector<1x16xf32>,
      %swap3A_43 = arith.index_cast %scan3A_37 : i32 to index
      %swap3A_44 = arith.constant 0 : index
      %swap3A_45 = tpu.vector_load %arg6[%swap3A_43, %swap3A_44] {strides = array<i32>} : memref<128x128xf32, #tpu.memory_space<vmem>>, vector<1x16xf32>,
      %swap3A_46 = vector.shape_cast %swap3A_45 : vector<1x16xf32> to vector<16xf32>
      %swap3A_47 = vector.shape_cast %broadcast_in_dim3A_2 : vector<16xf32> to vector<1x16xf32>
      tpu.vector_store %arg6[%swap3A_43, %swap3A_44], %swap3A_47 {strides = array<i32>} : memref<128x128xf32, #tpu.memory_space<vmem>>, vector<1x16xf32>,
      %swap3A_48 = arith.index_cast %scan3A_37 : i32 to index
      %swap3A_49 = arith.constant 16 : index
      %swap3A_50 = tpu.vector_load %arg5[%swap3A_48, %swap3A_49] {strides = array<i32>} : memref<128x128xf32, #tpu.memory_space<vmem>>, vector<1x16xf32>,
      %swap3A_51 = vector.shape_cast %swap3A_50 : vector<1x16xf32> to vector<16xf32>
      %swap3A_52 = vector.shape_cast %broadcast_in_dim3A_0 : vector<16xf32> to vector<1x16xf32>
      tpu.vector_store %arg5[%swap3A_48, %swap3A_49], %swap3A_52 {strides = array<i32>} : memref<128x128xf32, #tpu.memory_space<vmem>>, vector<1x16xf32>,
      %swap3A_53 = arith.index_cast %scan3A_37 : i32 to index
      %swap3A_54 = arith.constant 16 : index
      %swap3A_55 = tpu.vector_load %arg6[%swap3A_53, %swap3A_54] {strides = array<i32>} : memref<128x128xf32, #tpu.memory_space<vmem>>, vector<1x16xf32>,
      %swap3A_56 = vector.shape_cast %swap3A_55 : vector<1x16xf32> to vector<16xf32>
      %swap3A_57 = vector.shape_cast %broadcast_in_dim3A_2 : vector<16xf32> to vector<1x16xf32>
      tpu.vector_store %arg6[%swap3A_53, %swap3A_54], %swap3A_57 {strides = array<i32>} : memref<128x128xf32, #tpu.memory_space<vmem>>, vector<1x16xf32>,
      %swap3A_58 = arith.index_cast %scan3A_37 : i32 to index
      %swap3A_59 = arith.constant 32 : index
      %swap3A_60 = tpu.vector_load %arg5[%swap3A_58, %swap3A_59] {strides = array<i32>} : memref<128x128xf32, #tpu.memory_space<vmem>>, vector<1x16xf32>,
      %swap3A_61 = vector.shape_cast %swap3A_60 : vector<1x16xf32> to vector<16xf32>
      %swap3A_62 = vector.shape_cast %broadcast_in_dim3A_0 : vector<16xf32> to vector<1x16xf32>
      tpu.vector_store %arg5[%swap3A_58, %swap3A_59], %swap3A_62 {strides = array<i32>} : memref<128x128xf32, #tpu.memory_space<vmem>>, vector<1x16xf32>,
      %swap3A_63 = arith.index_cast %scan3A_37 : i32 to index
      %swap3A_64 = arith.constant 32 : index
      %swap3A_65 = tpu.vector_load %arg6[%swap3A_63, %swap3A_64] {strides = array<i32>} : memref<128x128xf32, #tpu.memory_space<vmem>>, vector<1x16xf32>,
      %swap3A_66 = vector.shape_cast %swap3A_65 : vector<1x16xf32> to vector<16xf32>
      %swap3A_67 = vector.shape_cast %broadcast_in_dim3A_2 : vector<16xf32> to vector<1x16xf32>
      tpu.vector_store %arg6[%swap3A_63, %swap3A_64], %swap3A_67 {strides = array<i32>} : memref<128x128xf32, #tpu.memory_space<vmem>>, vector<1x16xf32>,
      %swap3A_68 = arith.index_cast %scan3A_37 : i32 to index
      %swap3A_69 = arith.constant 48 : index
      %swap3A_70 = tpu.vector_load %arg5[%swap3A_68, %swap3A_69] {strides = array<i32>} : memref<128x128xf32, #tpu.memory_space<vmem>>, vector<1x16xf32>,
      %swap3A_71 = vector.shape_cast %swap3A_70 : vector<1x16xf32> to vector<16xf32>
      %swap3A_72 = vector.shape_cast %broadcast_in_dim3A_0 : vector<16xf32> to vector<1x16xf32>
      tpu.vector_store %arg5[%swap3A_68, %swap3A_69], %swap3A_72 {strides = array<i32>} : memref<128x128xf32, #tpu.memory_space<vmem>>, vector<1x16xf32>,
      %swap3A_73 = arith.index_cast %scan3A_37 : i32 to index
      %swap3A_74 = arith.constant 48 : index
      %swap3A_75 = tpu.vector_load %arg6[%swap3A_73, %swap3A_74] {strides = array<i32>} : memref<128x128xf32, #tpu.memory_space<vmem>>, vector<1x16xf32>,
      %swap3A_76 = vector.shape_cast %swap3A_75 : vector<1x16xf32> to vector<16xf32>
      %swap3A_77 = vector.shape_cast %broadcast_in_dim3A_2 : vector<16xf32> to vector<1x16xf32>
      tpu.vector_store %arg6[%swap3A_73, %swap3A_74], %swap3A_77 {strides = array<i32>} : memref<128x128xf32, #tpu.memory_space<vmem>>, vector<1x16xf32>,
      %swap3A_78 = arith.index_cast %scan3A_37 : i32 to index
      %swap3A_79 = arith.constant 64 : index
      %swap3A_80 = tpu.vector_load %arg5[%swap3A_78, %swap3A_79] {strides = array<i32>} : memref<128x128xf32, #tpu.memory_space<vmem>>, vector<1x16xf32>,
      %swap3A_81 = vector.shape_cast %swap3A_80 : vector<1x16xf32> to vector<16xf32>
      %swap3A_82 = vector.shape_cast %broadcast_in_dim3A_0 : vector<16xf32> to vector<1x16xf32>
      tpu.vector_store %arg5[%swap3A_78, %swap3A_79], %swap3A_82 {strides = array<i32>} : memref<128x128xf32, #tpu.memory_space<vmem>>, vector<1x16xf32>,
      %swap3A_83 = arith.index_cast %scan3A_37 : i32 to index
      %swap3A_84 = arith.constant 64 : index
      %swap3A_85 = tpu.vector_load %arg6[%swap3A_83, %swap3A_84] {strides = array<i32>} : memref<128x128xf32, #tpu.memory_space<vmem>>, vector<1x16xf32>,
      %swap3A_86 = vector.shape_cast %swap3A_85 : vector<1x16xf32> to vector<16xf32>
      %swap3A_87 = vector.shape_cast %broadcast_in_dim3A_2 : vector<16xf32> to vector<1x16xf32>
      tpu.vector_store %arg6[%swap3A_83, %swap3A_84], %swap3A_87 {strides = array<i32>} : memref<128x128xf32, #tpu.memory_space<vmem>>, vector<1x16xf32>,
      %swap3A_88 = arith.index_cast %scan3A_37 : i32 to index
      %swap3A_89 = arith.constant 80 : index
      %swap3A_90 = tpu.vector_load %arg5[%swap3A_88, %swap3A_89] {strides = array<i32>} : memref<128x128xf32, #tpu.memory_space<vmem>>, vector<1x16xf32>,
      %swap3A_91 = vector.shape_cast %swap3A_90 : vector<1x16xf32> to vector<16xf32>
      %swap3A_92 = vector.shape_cast %broadcast_in_dim3A_0 : vector<16xf32> to vector<1x16xf32>
      tpu.vector_store %arg5[%swap3A_88, %swap3A_89], %swap3A_92 {strides = array<i32>} : memref<128x128xf32, #tpu.memory_space<vmem>>, vector<1x16xf32>,
      %swap3A_93 = arith.index_cast %scan3A_37 : i32 to index
      %swap3A_94 = arith.constant 80 : index
      %swap3A_95 = tpu.vector_load %arg6[%swap3A_93, %swap3A_94] {strides = array<i32>} : memref<128x128xf32, #tpu.memory_space<vmem>>, vector<1x16xf32>,
      %swap3A_96 = vector.shape_cast %swap3A_95 : vector<1x16xf32> to vector<16xf32>
      %swap3A_97 = vector.shape_cast %broadcast_in_dim3A_2 : vector<16xf32> to vector<1x16xf32>
      tpu.vector_store %arg6[%swap3A_93, %swap3A_94], %swap3A_97 {strides = array<i32>} : memref<128x128xf32, #tpu.memory_space<vmem>>, vector<1x16xf32>,
      %swap3A_98 = arith.index_cast %scan3A_37 : i32 to index
      %swap3A_99 = arith.constant 96 : index
      %swap3A_100 = tpu.vector_load %arg5[%swap3A_98, %swap3A_99] {strides = array<i32>} : memref<128x128xf32, #tpu.memory_space<vmem>>, vector<1x16xf32>,
      %swap3A_101 = vector.shape_cast %swap3A_100 : vector<1x16xf32> to vector<16xf32>
      %swap3A_102 = vector.shape_cast %broadcast_in_dim3A_0 : vector<16xf32> to vector<1x16xf32>
      tpu.vector_store %arg5[%swap3A_98, %swap3A_99], %swap3A_102 {strides = array<i32>} : memref<128x128xf32, #tpu.memory_space<vmem>>, vector<1x16xf32>,
      %swap3A_103 = arith.index_cast %scan3A_37 : i32 to index
      %swap3A_104 = arith.constant 96 : index
      %swap3A_105 = tpu.vector_load %arg6[%swap3A_103, %swap3A_104] {strides = array<i32>} : memref<128x128xf32, #tpu.memory_space<vmem>>, vector<1x16xf32>,
      %swap3A_106 = vector.shape_cast %swap3A_105 : vector<1x16xf32> to vector<16xf32>
      %swap3A_107 = vector.shape_cast %broadcast_in_dim3A_2 : vector<16xf32> to vector<1x16xf32>
      tpu.vector_store %arg6[%swap3A_103, %swap3A_104], %swap3A_107 {strides = array<i32>} : memref<128x128xf32, #tpu.memory_space<vmem>>, vector<1x16xf32>,
      %swap3A_108 = arith.index_cast %scan3A_37 : i32 to index
      %swap3A_109 = arith.constant 112 : index
      %swap3A_110 = tpu.vector_load %arg5[%swap3A_108, %swap3A_109] {strides = array<i32>} : memref<128x128xf32, #tpu.memory_space<vmem>>, vector<1x16xf32>,
      %swap3A_111 = vector.shape_cast %swap3A_110 : vector<1x16xf32> to vector<16xf32>
      %swap3A_112 = vector.shape_cast %broadcast_in_dim3A_0 : vector<16xf32> to vector<1x16xf32>
      tpu.vector_store %arg5[%swap3A_108, %swap3A_109], %swap3A_112 {strides = array<i32>} : memref<128x128xf32, #tpu.memory_space<vmem>>, vector<1x16xf32>,
      %swap3A_113 = arith.index_cast %scan3A_37 : i32 to index
      %swap3A_114 = arith.constant 112 : index
      %swap3A_115 = tpu.vector_load %arg6[%swap3A_113, %swap3A_114] {strides = array<i32>} : memref<128x128xf32, #tpu.memory_space<vmem>>, vector<1x16xf32>,
      %swap3A_116 = vector.shape_cast %swap3A_115 : vector<1x16xf32> to vector<16xf32>
      %swap3A_117 = vector.shape_cast %broadcast_in_dim3A_2 : vector<16xf32> to vector<1x16xf32>
      tpu.vector_store %arg6[%swap3A_113, %swap3A_114], %swap3A_117 {strides = array<i32>} : memref<128x128xf32, #tpu.memory_space<vmem>>, vector<1x16xf32>,
      %scan3A_118 = arith.constant 0 : i32
      scf.yield %scan3A_118 : i32
    }
    %scan3A_8 = arith.constant 128 : i32
    %mul3A = arith.constant 328 : i32
    %mul3A_9 = arith.muli %arg1, %mul3A : i32
    %add3A = arith.constant 0 : i32
    %add3A_10 = arith.addi %mul3A_9, %add3A : i32
    "tpu.region"() ({
      %run_scoped3A = tpu.sem_alloc : memref<!tpu.dma_semaphore, #tpu.memory_space<semaphore_mem>>
      %dma_start3A = arith.constant 0 : i32
      %dma_start3A_37 = arith.constant 0 : i32
      %dma_start3A_38 = tpu.memref_slice %arg6[%dma_start3A, %dma_start3A_37] : memref<128x128xf32, #tpu.memory_space<vmem>> -> memref<128x128xf32, #tpu.memory_space<vmem>>
      %dma_start3A_39 = arith.constant 0 : i32
      %dma_start3A_40 = tpu.memref_slice %arg7[%add3A_10, %dma_start3A_39] : memref<5248x128xf32, #tpu.memory_space<vmem_shared>> -> memref<128x128xf32, #tpu.memory_space<vmem_shared>>
      %dma_start3A_41 = arith.constant 0 : i32
      %dma_start3A_42 = tpu.memref_slice %arg7[%add3A_10, %dma_start3A_41] : memref<5248x128xf32, #tpu.memory_space<vmem_shared>> -> memref<128x128xf32, #tpu.memory_space<vmem_shared>>
      %dma_start3A_43 = arith.constant 0 : i32
      %dma_start3A_44 = arith.constant 0 : i32
      %dma_start3A_45 = tpu.memref_slice %arg6[%dma_start3A_43, %dma_start3A_44] : memref<128x128xf32, #tpu.memory_space<vmem>> -> memref<128x128xf32, #tpu.memory_space<vmem>>
      tpu.enqueue_dma source(%dma_start3A_45 : memref<128x128xf32, #tpu.memory_space<vmem>>) target(%dma_start3A_42 : memref<128x128xf32, #tpu.memory_space<vmem_shared>>) target_semaphore(%run_scoped3A : memref<!tpu.dma_semaphore, #tpu.memory_space<semaphore_mem>>)
      %dma_wait3A = arith.constant 0 : i32
      %dma_wait3A_46 = arith.constant 0 : i32
      %dma_wait3A_47 = tpu.memref_slice %arg6[%dma_wait3A, %dma_wait3A_46] : memref<128x128xf32, #tpu.memory_space<vmem>> -> memref<128x128xf32, #tpu.memory_space<vmem>>
      %dma_wait3A_48 = arith.constant 0 : i32
      %dma_wait3A_49 = tpu.memref_slice %arg7[%add3A_10, %dma_wait3A_48] : memref<5248x128xf32, #tpu.memory_space<vmem_shared>> -> memref<128x128xf32, #tpu.memory_space<vmem_shared>>
      %dma_wait3A_50 = arith.constant 0 : i32
      %dma_wait3A_51 = tpu.memref_slice %arg7[%add3A_10, %dma_wait3A_50] : memref<5248x128xf32, #tpu.memory_space<vmem_shared>> -> memref<128x128xf32, #tpu.memory_space<vmem_shared>>
      %dma_wait3A_52 = arith.constant 0 : i32
      %dma_wait3A_53 = arith.constant 0 : i32
      %dma_wait3A_54 = tpu.memref_slice %arg6[%dma_wait3A_52, %dma_wait3A_53] : memref<128x128xf32, #tpu.memory_space<vmem>> -> memref<128x128xf32, #tpu.memory_space<vmem>>
      tpu.wait_dma2 semaphore(%run_scoped3A : memref<!tpu.dma_semaphore, #tpu.memory_space<semaphore_mem>>) src(%dma_wait3A_54 : memref<128x128xf32, #tpu.memory_space<vmem>>) dst(%dma_wait3A_51 : memref<128x128xf32, #tpu.memory_space<vmem_shared>>)
      tpu.yield
    }) : () -> ()
    %add3A_11 = arith.constant 128 : i32
    %add3A_12 = arith.addi %mul3A_9, %add3A_11 : i32
    "tpu.region"() ({
      %run_scoped3A = tpu.sem_alloc : memref<!tpu.dma_semaphore, #tpu.memory_space<semaphore_mem>>
      %dma_start3A = arith.constant 0 : i32
      %dma_start3A_37 = arith.constant 0 : i32
      %dma_start3A_38 = tpu.memref_slice %arg6[%dma_start3A, %dma_start3A_37] : memref<128x128xf32, #tpu.memory_space<vmem>> -> memref<128x128xf32, #tpu.memory_space<vmem>>
      %dma_start3A_39 = arith.constant 0 : i32
      %dma_start3A_40 = tpu.memref_slice %arg7[%add3A_12, %dma_start3A_39] : memref<5248x128xf32, #tpu.memory_space<vmem_shared>> -> memref<128x128xf32, #tpu.memory_space<vmem_shared>>
      %dma_start3A_41 = arith.constant 0 : i32
      %dma_start3A_42 = tpu.memref_slice %arg7[%add3A_12, %dma_start3A_41] : memref<5248x128xf32, #tpu.memory_space<vmem_shared>> -> memref<128x128xf32, #tpu.memory_space<vmem_shared>>
      %dma_start3A_43 = arith.constant 0 : i32
      %dma_start3A_44 = arith.constant 0 : i32
      %dma_start3A_45 = tpu.memref_slice %arg6[%dma_start3A_43, %dma_start3A_44] : memref<128x128xf32, #tpu.memory_space<vmem>> -> memref<128x128xf32, #tpu.memory_space<vmem>>
      tpu.enqueue_dma source(%dma_start3A_45 : memref<128x128xf32, #tpu.memory_space<vmem>>) target(%dma_start3A_42 : memref<128x128xf32, #tpu.memory_space<vmem_shared>>) target_semaphore(%run_scoped3A : memref<!tpu.dma_semaphore, #tpu.memory_space<semaphore_mem>>)
      %dma_wait3A = arith.constant 0 : i32
      %dma_wait3A_46 = arith.constant 0 : i32
      %dma_wait3A_47 = tpu.memref_slice %arg6[%dma_wait3A, %dma_wait3A_46] : memref<128x128xf32, #tpu.memory_space<vmem>> -> memref<128x128xf32, #tpu.memory_space<vmem>>
      %dma_wait3A_48 = arith.constant 0 : i32
      %dma_wait3A_49 = tpu.memref_slice %arg7[%add3A_12, %dma_wait3A_48] : memref<5248x128xf32, #tpu.memory_space<vmem_shared>> -> memref<128x128xf32, #tpu.memory_space<vmem_shared>>
      %dma_wait3A_50 = arith.constant 0 : i32
      %dma_wait3A_51 = tpu.memref_slice %arg7[%add3A_12, %dma_wait3A_50] : memref<5248x128xf32, #tpu.memory_space<vmem_shared>> -> memref<128x128xf32, #tpu.memory_space<vmem_shared>>
      %dma_wait3A_52 = arith.constant 0 : i32
      %dma_wait3A_53 = arith.constant 0 : i32
      %dma_wait3A_54 = tpu.memref_slice %arg6[%dma_wait3A_52, %dma_wait3A_53] : memref<128x128xf32, #tpu.memory_space<vmem>> -> memref<128x128xf32, #tpu.memory_space<vmem>>
      tpu.wait_dma2 semaphore(%run_scoped3A : memref<!tpu.dma_semaphore, #tpu.memory_space<semaphore_mem>>) src(%dma_wait3A_54 : memref<128x128xf32, #tpu.memory_space<vmem>>) dst(%dma_wait3A_51 : memref<128x128xf32, #tpu.memory_space<vmem_shared>>)
      tpu.yield
    }) : () -> ()
    %add3A_13 = arith.constant 256 : i32
    %add3A_14 = arith.addi %mul3A_9, %add3A_13 : i32
    "tpu.region"() ({
      %run_scoped3A = tpu.sem_alloc : memref<!tpu.dma_semaphore, #tpu.memory_space<semaphore_mem>>
      %dma_start3A = arith.constant 0 : i32
      %dma_start3A_37 = arith.constant 0 : i32
      %dma_start3A_38 = tpu.memref_slice %arg6[%dma_start3A, %dma_start3A_37] : memref<128x128xf32, #tpu.memory_space<vmem>> -> memref<72x128xf32, #tpu.memory_space<vmem>>
      %dma_start3A_39 = arith.constant 0 : i32
      %dma_start3A_40 = tpu.memref_slice %arg7[%add3A_14, %dma_start3A_39] : memref<5248x128xf32, #tpu.memory_space<vmem_shared>> -> memref<72x128xf32, #tpu.memory_space<vmem_shared>>
      %dma_start3A_41 = arith.constant 0 : i32
      %dma_start3A_42 = tpu.memref_slice %arg7[%add3A_14, %dma_start3A_41] : memref<5248x128xf32, #tpu.memory_space<vmem_shared>> -> memref<72x128xf32, #tpu.memory_space<vmem_shared>>
      %dma_start3A_43 = arith.constant 0 : i32
      %dma_start3A_44 = arith.constant 0 : i32
      %dma_start3A_45 = tpu.memref_slice %arg6[%dma_start3A_43, %dma_start3A_44] : memref<128x128xf32, #tpu.memory_space<vmem>> -> memref<72x128xf32, #tpu.memory_space<vmem>>
      tpu.enqueue_dma source(%dma_start3A_45 : memref<72x128xf32, #tpu.memory_space<vmem>>) target(%dma_start3A_42 : memref<72x128xf32, #tpu.memory_space<vmem_shared>>) target_semaphore(%run_scoped3A : memref<!tpu.dma_semaphore, #tpu.memory_space<semaphore_mem>>)
      %dma_wait3A = arith.constant 0 : i32
      %dma_wait3A_46 = arith.constant 0 : i32
      %dma_wait3A_47 = tpu.memref_slice %arg6[%dma_wait3A, %dma_wait3A_46] : memref<128x128xf32, #tpu.memory_space<vmem>> -> memref<72x128xf32, #tpu.memory_space<vmem>>
      %dma_wait3A_48 = arith.constant 0 : i32
      %dma_wait3A_49 = tpu.memref_slice %arg7[%add3A_14, %dma_wait3A_48] : memref<5248x128xf32, #tpu.memory_space<vmem_shared>> -> memref<72x128xf32, #tpu.memory_space<vmem_shared>>
      %dma_wait3A_50 = arith.constant 0 : i32
      %dma_wait3A_51 = tpu.memref_slice %arg7[%add3A_14, %dma_wait3A_50] : memref<5248x128xf32, #tpu.memory_space<vmem_shared>> -> memref<72x128xf32, #tpu.memory_space<vmem_shared>>
      %dma_wait3A_52 = arith.constant 0 : i32
      %dma_wait3A_53 = arith.constant 0 : i32
      %dma_wait3A_54 = tpu.memref_slice %arg6[%dma_wait3A_52, %dma_wait3A_53] : memref<128x128xf32, #tpu.memory_space<vmem>> -> memref<72x128xf32, #tpu.memory_space<vmem>>
      tpu.wait_dma2 semaphore(%run_scoped3A : memref<!tpu.dma_semaphore, #tpu.memory_space<semaphore_mem>>) src(%dma_wait3A_54 : memref<72x128xf32, #tpu.memory_space<vmem>>) dst(%dma_wait3A_51 : memref<72x128xf32, #tpu.memory_space<vmem_shared>>)
      tpu.yield
    }) : () -> ()
    %barrier3A = arith.constant 0 : index
    tpu.barrier barrier_id(%barrier3A)
    %scan3A_15 = arith.constant 0 : i32
    %scan3A_16 = arith.constant 0 : i32
    %scan3A_17 = arith.constant 158 : i32
    %scan3A_18 = arith.addi %scan3A_16, %scan3A_17 : i32
    %scan3A_19 = arith.constant 1 : i32
    %scan3A_20 = scf.for %scan3A_37 = %scan3A_16 to %scan3A_18 step %scan3A_19 iter_args(%scan3A_38 = %scan3A_15) -> (i32)  : i32 {
      "tpu.region"() ({
        %run_scoped3A = tpu.sem_alloc : memref<!tpu.dma_semaphore, #tpu.memory_space<semaphore_mem>>
        %dma_start3A = arith.constant 0 : i32
        %dma_start3A_40 = tpu.memref_slice %arg4[%scan3A_37, %dma_start3A] : memref<158x128xi32, #tpu.memory_space<vmem>> -> memref<1x128xi32, #tpu.memory_space<vmem>>
        %dma_start3A_41 = tpu.memref_squeeze %dma_start3A_40 : memref<1x128xi32, #tpu.memory_space<vmem>> -> memref<128xi32, #tpu.memory_space<vmem>>
        %dma_start3A_42 = arith.constant 0 : i32
        %dma_start3A_43 = arith.constant 0 : i32
        %dma_start3A_44 = tpu.memref_slice %arg7[%dma_start3A_42, %dma_start3A_43] : memref<5248x128xf32, #tpu.memory_space<vmem_shared>> -> memref<5248x128xf32, #tpu.memory_space<vmem_shared>>
        tpu.enqueue_indirect_dma source(%arg5 : memref<128x128xf32, #tpu.memory_space<vmem>>) target(%dma_start3A_44 : memref<5248x128xf32, #tpu.memory_space<vmem_shared>>) offsets(%dma_start3A_41 : memref<128xi32, #tpu.memory_space<vmem>>) semaphore(%run_scoped3A : memref<!tpu.dma_semaphore, #tpu.memory_space<semaphore_mem>>) {add = true}
        %dma_wait3A = arith.constant 0 : i32
        %dma_wait3A_45 = tpu.memref_slice %arg4[%scan3A_37, %dma_wait3A] : memref<158x128xi32, #tpu.memory_space<vmem>> -> memref<1x128xi32, #tpu.memory_space<vmem>>
        %dma_wait3A_46 = tpu.memref_squeeze %dma_wait3A_45 : memref<1x128xi32, #tpu.memory_space<vmem>> -> memref<128xi32, #tpu.memory_space<vmem>>
        %dma_wait3A_47 = arith.constant 0 : i32
        %dma_wait3A_48 = arith.constant 0 : i32
        %dma_wait3A_49 = tpu.memref_slice %arg7[%dma_wait3A_47, %dma_wait3A_48] : memref<5248x128xf32, #tpu.memory_space<vmem_shared>> -> memref<5248x128xf32, #tpu.memory_space<vmem_shared>>
        tpu.wait_indirect_dma semaphore(%run_scoped3A : memref<!tpu.dma_semaphore, #tpu.memory_space<semaphore_mem>>) src(%arg5 : memref<128x128xf32, #tpu.memory_space<vmem>>) dst(%dma_wait3A_49 : memref<5248x128xf32, #tpu.memory_space<vmem_shared>>)
        tpu.yield
      }) : () -> ()
      %scan3A_39 = arith.constant 0 : i32
      scf.yield %scan3A_39 : i32
    }
    %scan3A_21 = arith.constant 158 : i32
    %barrier3A_22 = arith.constant 0 : index
    tpu.barrier barrier_id(%barrier3A_22)
    %mul3A_23 = arith.constant 320 : i32
    %mul3A_24 = arith.muli %arg1, %mul3A_23 : i32
    %add3A_25 = arith.constant 0 : i32
    %add3A_26 = arith.addi %mul3A_24, %add3A_25 : i32
    "tpu.region"() ({
      %run_scoped3A = tpu.sem_alloc : memref<!tpu.dma_semaphore, #tpu.memory_space<semaphore_mem>>
      %dma_start3A = arith.constant 0 : i32
      %dma_start3A_37 = arith.constant 0 : i32
      %dma_start3A_38 = tpu.memref_slice %arg6[%dma_start3A, %dma_start3A_37] : memref<128x128xf32, #tpu.memory_space<vmem>> -> memref<128x128xf32, #tpu.memory_space<vmem>>
      %dma_start3A_39 = arith.constant 0 : i32
      %dma_start3A_40 = tpu.memref_slice %arg7[%add3A_26, %dma_start3A_39] : memref<5248x128xf32, #tpu.memory_space<vmem_shared>> -> memref<128x128xf32, #tpu.memory_space<vmem_shared>>
      %dma_start3A_41 = arith.constant 0 : i32
      %dma_start3A_42 = arith.constant 0 : i32
      %dma_start3A_43 = tpu.memref_slice %arg6[%dma_start3A_41, %dma_start3A_42] : memref<128x128xf32, #tpu.memory_space<vmem>> -> memref<128x128xf32, #tpu.memory_space<vmem>>
      %dma_start3A_44 = arith.constant 0 : i32
      %dma_start3A_45 = tpu.memref_slice %arg7[%add3A_26, %dma_start3A_44] : memref<5248x128xf32, #tpu.memory_space<vmem_shared>> -> memref<128x128xf32, #tpu.memory_space<vmem_shared>>
      tpu.enqueue_dma source(%dma_start3A_45 : memref<128x128xf32, #tpu.memory_space<vmem_shared>>) target(%dma_start3A_43 : memref<128x128xf32, #tpu.memory_space<vmem>>) target_semaphore(%run_scoped3A : memref<!tpu.dma_semaphore, #tpu.memory_space<semaphore_mem>>)
      %dma_wait3A = arith.constant 0 : i32
      %dma_wait3A_46 = arith.constant 0 : i32
      %dma_wait3A_47 = tpu.memref_slice %arg6[%dma_wait3A, %dma_wait3A_46] : memref<128x128xf32, #tpu.memory_space<vmem>> -> memref<128x128xf32, #tpu.memory_space<vmem>>
      %dma_wait3A_48 = arith.constant 0 : i32
      %dma_wait3A_49 = tpu.memref_slice %arg7[%add3A_26, %dma_wait3A_48] : memref<5248x128xf32, #tpu.memory_space<vmem_shared>> -> memref<128x128xf32, #tpu.memory_space<vmem_shared>>
      %dma_wait3A_50 = arith.constant 0 : i32
      %dma_wait3A_51 = arith.constant 0 : i32
      %dma_wait3A_52 = tpu.memref_slice %arg6[%dma_wait3A_50, %dma_wait3A_51] : memref<128x128xf32, #tpu.memory_space<vmem>> -> memref<128x128xf32, #tpu.memory_space<vmem>>
      %dma_wait3A_53 = arith.constant 0 : i32
      %dma_wait3A_54 = tpu.memref_slice %arg7[%add3A_26, %dma_wait3A_53] : memref<5248x128xf32, #tpu.memory_space<vmem_shared>> -> memref<128x128xf32, #tpu.memory_space<vmem_shared>>
      tpu.wait_dma2 semaphore(%run_scoped3A : memref<!tpu.dma_semaphore, #tpu.memory_space<semaphore_mem>>) src(%dma_wait3A_54 : memref<128x128xf32, #tpu.memory_space<vmem_shared>>) dst(%dma_wait3A_52 : memref<128x128xf32, #tpu.memory_space<vmem>>)
      tpu.yield
    }) : () -> ()
    %add3A_27 = arith.constant 0 : i32
    %add3A_28 = arith.addi %mul3A_24, %add3A_27 : i32
    "tpu.region"() ({
      %run_scoped3A = tpu.sem_alloc : memref<!tpu.dma_semaphore, #tpu.memory_space<semaphore_mem>>
      %dma_start3A = arith.constant 0 : i32
      %dma_start3A_37 = arith.constant 0 : i32
      %dma_start3A_38 = tpu.memref_slice %arg6[%dma_start3A, %dma_start3A_37] : memref<128x128xf32, #tpu.memory_space<vmem>> -> memref<128x128xf32, #tpu.memory_space<vmem>>
      %dma_start3A_39 = arith.constant 0 : i32
      %dma_start3A_40 = tpu.memref_slice %arg3[%arg0, %add3A_28, %dma_start3A_39] : memref<2x5120x128xf32, #tpu.memory_space<hbm>> -> memref<1x128x128xf32, #tpu.memory_space<hbm>>
      %dma_start3A_41 = tpu.memref_squeeze %dma_start3A_40 : memref<1x128x128xf32, #tpu.memory_space<hbm>> -> memref<128x128xf32, #tpu.memory_space<hbm>>
      %dma_start3A_42 = arith.constant 0 : i32
      %dma_start3A_43 = tpu.memref_slice %arg3[%arg0, %add3A_28, %dma_start3A_42] : memref<2x5120x128xf32, #tpu.memory_space<hbm>> -> memref<1x128x128xf32, #tpu.memory_space<hbm>>
      %dma_start3A_44 = tpu.memref_squeeze %dma_start3A_43 : memref<1x128x128xf32, #tpu.memory_space<hbm>> -> memref<128x128xf32, #tpu.memory_space<hbm>>
      %dma_start3A_45 = arith.constant 0 : i32
      %dma_start3A_46 = arith.constant 0 : i32
      %dma_start3A_47 = tpu.memref_slice %arg6[%dma_start3A_45, %dma_start3A_46] : memref<128x128xf32, #tpu.memory_space<vmem>> -> memref<128x128xf32, #tpu.memory_space<vmem>>
      tpu.enqueue_dma source(%dma_start3A_47 : memref<128x128xf32, #tpu.memory_space<vmem>>) target(%dma_start3A_44 : memref<128x128xf32, #tpu.memory_space<hbm>>) target_semaphore(%run_scoped3A : memref<!tpu.dma_semaphore, #tpu.memory_space<semaphore_mem>>)
      %dma_wait3A = arith.constant 0 : i32
      %dma_wait3A_48 = arith.constant 0 : i32
      %dma_wait3A_49 = tpu.memref_slice %arg6[%dma_wait3A, %dma_wait3A_48] : memref<128x128xf32, #tpu.memory_space<vmem>> -> memref<128x128xf32, #tpu.memory_space<vmem>>
      %dma_wait3A_50 = arith.constant 0 : i32
      %dma_wait3A_51 = tpu.memref_slice %arg3[%arg0, %add3A_28, %dma_wait3A_50] : memref<2x5120x128xf32, #tpu.memory_space<hbm>> -> memref<1x128x128xf32, #tpu.memory_space<hbm>>
      %dma_wait3A_52 = tpu.memref_squeeze %dma_wait3A_51 : memref<1x128x128xf32, #tpu.memory_space<hbm>> -> memref<128x128xf32, #tpu.memory_space<hbm>>
      %dma_wait3A_53 = arith.constant 0 : i32
      %dma_wait3A_54 = tpu.memref_slice %arg3[%arg0, %add3A_28, %dma_wait3A_53] : memref<2x5120x128xf32, #tpu.memory_space<hbm>> -> memref<1x128x128xf32, #tpu.memory_space<hbm>>
      %dma_wait3A_55 = tpu.memref_squeeze %dma_wait3A_54 : memref<1x128x128xf32, #tpu.memory_space<hbm>> -> memref<128x128xf32, #tpu.memory_space<hbm>>
      %dma_wait3A_56 = arith.constant 0 : i32
      %dma_wait3A_57 = arith.constant 0 : i32
      %dma_wait3A_58 = tpu.memref_slice %arg6[%dma_wait3A_56, %dma_wait3A_57] : memref<128x128xf32, #tpu.memory_space<vmem>> -> memref<128x128xf32, #tpu.memory_space<vmem>>
      tpu.wait_dma2 semaphore(%run_scoped3A : memref<!tpu.dma_semaphore, #tpu.memory_space<semaphore_mem>>) src(%dma_wait3A_58 : memref<128x128xf32, #tpu.memory_space<vmem>>) dst(%dma_wait3A_55 : memref<128x128xf32, #tpu.memory_space<hbm>>)
      tpu.yield
    }) : () -> ()
    %add3A_29 = arith.constant 128 : i32
    %add3A_30 = arith.addi %mul3A_24, %add3A_29 : i32
    "tpu.region"() ({
      %run_scoped3A = tpu.sem_alloc : memref<!tpu.dma_semaphore, #tpu.memory_space<semaphore_mem>>
      %dma_start3A = arith.constant 0 : i32
      %dma_start3A_37 = arith.constant 0 : i32
      %dma_start3A_38 = tpu.memref_slice %arg6[%dma_start3A, %dma_start3A_37] : memref<128x128xf32, #tpu.memory_space<vmem>> -> memref<128x128xf32, #tpu.memory_space<vmem>>
      %dma_start3A_39 = arith.constant 0 : i32
      %dma_start3A_40 = tpu.memref_slice %arg7[%add3A_30, %dma_start3A_39] : memref<5248x128xf32, #tpu.memory_space<vmem_shared>> -> memref<128x128xf32, #tpu.memory_space<vmem_shared>>
      %dma_start3A_41 = arith.constant 0 : i32
      %dma_start3A_42 = arith.constant 0 : i32
      %dma_start3A_43 = tpu.memref_slice %arg6[%dma_start3A_41, %dma_start3A_42] : memref<128x128xf32, #tpu.memory_space<vmem>> -> memref<128x128xf32, #tpu.memory_space<vmem>>
      %dma_start3A_44 = arith.constant 0 : i32
      %dma_start3A_45 = tpu.memref_slice %arg7[%add3A_30, %dma_start3A_44] : memref<5248x128xf32, #tpu.memory_space<vmem_shared>> -> memref<128x128xf32, #tpu.memory_space<vmem_shared>>
      tpu.enqueue_dma source(%dma_start3A_45 : memref<128x128xf32, #tpu.memory_space<vmem_shared>>) target(%dma_start3A_43 : memref<128x128xf32, #tpu.memory_space<vmem>>) target_semaphore(%run_scoped3A : memref<!tpu.dma_semaphore, #tpu.memory_space<semaphore_mem>>)
      %dma_wait3A = arith.constant 0 : i32
      %dma_wait3A_46 = arith.constant 0 : i32
      %dma_wait3A_47 = tpu.memref_slice %arg6[%dma_wait3A, %dma_wait3A_46] : memref<128x128xf32, #tpu.memory_space<vmem>> -> memref<128x128xf32, #tpu.memory_space<vmem>>
      %dma_wait3A_48 = arith.constant 0 : i32
      %dma_wait3A_49 = tpu.memref_slice %arg7[%add3A_30, %dma_wait3A_48] : memref<5248x128xf32, #tpu.memory_space<vmem_shared>> -> memref<128x128xf32, #tpu.memory_space<vmem_shared>>
      %dma_wait3A_50 = arith.constant 0 : i32
      %dma_wait3A_51 = arith.constant 0 : i32
      %dma_wait3A_52 = tpu.memref_slice %arg6[%dma_wait3A_50, %dma_wait3A_51] : memref<128x128xf32, #tpu.memory_space<vmem>> -> memref<128x128xf32, #tpu.memory_space<vmem>>
      %dma_wait3A_53 = arith.constant 0 : i32
      %dma_wait3A_54 = tpu.memref_slice %arg7[%add3A_30, %dma_wait3A_53] : memref<5248x128xf32, #tpu.memory_space<vmem_shared>> -> memref<128x128xf32, #tpu.memory_space<vmem_shared>>
      tpu.wait_dma2 semaphore(%run_scoped3A : memref<!tpu.dma_semaphore, #tpu.memory_space<semaphore_mem>>) src(%dma_wait3A_54 : memref<128x128xf32, #tpu.memory_space<vmem_shared>>) dst(%dma_wait3A_52 : memref<128x128xf32, #tpu.memory_space<vmem>>)
      tpu.yield
    }) : () -> ()
    %add3A_31 = arith.constant 128 : i32
    %add3A_32 = arith.addi %mul3A_24, %add3A_31 : i32
    "tpu.region"() ({
      %run_scoped3A = tpu.sem_alloc : memref<!tpu.dma_semaphore, #tpu.memory_space<semaphore_mem>>
      %dma_start3A = arith.constant 0 : i32
      %dma_start3A_37 = arith.constant 0 : i32
      %dma_start3A_38 = tpu.memref_slice %arg6[%dma_start3A, %dma_start3A_37] : memref<128x128xf32, #tpu.memory_space<vmem>> -> memref<128x128xf32, #tpu.memory_space<vmem>>
      %dma_start3A_39 = arith.constant 0 : i32
      %dma_start3A_40 = tpu.memref_slice %arg3[%arg0, %add3A_32, %dma_start3A_39] : memref<2x5120x128xf32, #tpu.memory_space<hbm>> -> memref<1x128x128xf32, #tpu.memory_space<hbm>>
      %dma_start3A_41 = tpu.memref_squeeze %dma_start3A_40 : memref<1x128x128xf32, #tpu.memory_space<hbm>> -> memref<128x128xf32, #tpu.memory_space<hbm>>
      %dma_start3A_42 = arith.constant 0 : i32
      %dma_start3A_43 = tpu.memref_slice %arg3[%arg0, %add3A_32, %dma_start3A_42] : memref<2x5120x128xf32, #tpu.memory_space<hbm>> -> memref<1x128x128xf32, #tpu.memory_space<hbm>>
      %dma_start3A_44 = tpu.memref_squeeze %dma_start3A_43 : memref<1x128x128xf32, #tpu.memory_space<hbm>> -> memref<128x128xf32, #tpu.memory_space<hbm>>
      %dma_start3A_45 = arith.constant 0 : i32
      %dma_start3A_46 = arith.constant 0 : i32
      %dma_start3A_47 = tpu.memref_slice %arg6[%dma_start3A_45, %dma_start3A_46] : memref<128x128xf32, #tpu.memory_space<vmem>> -> memref<128x128xf32, #tpu.memory_space<vmem>>
      tpu.enqueue_dma source(%dma_start3A_47 : memref<128x128xf32, #tpu.memory_space<vmem>>) target(%dma_start3A_44 : memref<128x128xf32, #tpu.memory_space<hbm>>) target_semaphore(%run_scoped3A : memref<!tpu.dma_semaphore, #tpu.memory_space<semaphore_mem>>)
      %dma_wait3A = arith.constant 0 : i32
      %dma_wait3A_48 = arith.constant 0 : i32
      %dma_wait3A_49 = tpu.memref_slice %arg6[%dma_wait3A, %dma_wait3A_48] : memref<128x128xf32, #tpu.memory_space<vmem>> -> memref<128x128xf32, #tpu.memory_space<vmem>>
      %dma_wait3A_50 = arith.constant 0 : i32
      %dma_wait3A_51 = tpu.memref_slice %arg3[%arg0, %add3A_32, %dma_wait3A_50] : memref<2x5120x128xf32, #tpu.memory_space<hbm>> -> memref<1x128x128xf32, #tpu.memory_space<hbm>>
      %dma_wait3A_52 = tpu.memref_squeeze %dma_wait3A_51 : memref<1x128x128xf32, #tpu.memory_space<hbm>> -> memref<128x128xf32, #tpu.memory_space<hbm>>
      %dma_wait3A_53 = arith.constant 0 : i32
      %dma_wait3A_54 = tpu.memref_slice %arg3[%arg0, %add3A_32, %dma_wait3A_53] : memref<2x5120x128xf32, #tpu.memory_space<hbm>> -> memref<1x128x128xf32, #tpu.memory_space<hbm>>
      %dma_wait3A_55 = tpu.memref_squeeze %dma_wait3A_54 : memref<1x128x128xf32, #tpu.memory_space<hbm>> -> memref<128x128xf32, #tpu.memory_space<hbm>>
      %dma_wait3A_56 = arith.constant 0 : i32
      %dma_wait3A_57 = arith.constant 0 : i32
      %dma_wait3A_58 = tpu.memref_slice %arg6[%dma_wait3A_56, %dma_wait3A_57] : memref<128x128xf32, #tpu.memory_space<vmem>> -> memref<128x128xf32, #tpu.memory_space<vmem>>
      tpu.wait_dma2 semaphore(%run_scoped3A : memref<!tpu.dma_semaphore, #tpu.memory_space<semaphore_mem>>) src(%dma_wait3A_58 : memref<128x128xf32, #tpu.memory_space<vmem>>) dst(%dma_wait3A_55 : memref<128x128xf32, #tpu.memory_space<hbm>>)
      tpu.yield
    }) : () -> ()
    %add3A_33 = arith.constant 256 : i32
    %add3A_34 = arith.addi %mul3A_24, %add3A_33 : i32
    "tpu.region"() ({
      %run_scoped3A = tpu.sem_alloc : memref<!tpu.dma_semaphore, #tpu.memory_space<semaphore_mem>>
      %dma_start3A = arith.constant 0 : i32
      %dma_start3A_37 = arith.constant 0 : i32
      %dma_start3A_38 = tpu.memref_slice %arg6[%dma_start3A, %dma_start3A_37] : memref<128x128xf32, #tpu.memory_space<vmem>> -> memref<64x128xf32, #tpu.memory_space<vmem>>
      %dma_start3A_39 = arith.constant 0 : i32
      %dma_start3A_40 = tpu.memref_slice %arg7[%add3A_34, %dma_start3A_39] : memref<5248x128xf32, #tpu.memory_space<vmem_shared>> -> memref<64x128xf32, #tpu.memory_space<vmem_shared>>
      %dma_start3A_41 = arith.constant 0 : i32
      %dma_start3A_42 = arith.constant 0 : i32
      %dma_start3A_43 = tpu.memref_slice %arg6[%dma_start3A_41, %dma_start3A_42] : memref<128x128xf32, #tpu.memory_space<vmem>> -> memref<64x128xf32, #tpu.memory_space<vmem>>
      %dma_start3A_44 = arith.constant 0 : i32
      %dma_start3A_45 = tpu.memref_slice %arg7[%add3A_34, %dma_start3A_44] : memref<5248x128xf32, #tpu.memory_space<vmem_shared>> -> memref<64x128xf32, #tpu.memory_space<vmem_shared>>
      tpu.enqueue_dma source(%dma_start3A_45 : memref<64x128xf32, #tpu.memory_space<vmem_shared>>) target(%dma_start3A_43 : memref<64x128xf32, #tpu.memory_space<vmem>>) target_semaphore(%run_scoped3A : memref<!tpu.dma_semaphore, #tpu.memory_space<semaphore_mem>>)
      %dma_wait3A = arith.constant 0 : i32
      %dma_wait3A_46 = arith.constant 0 : i32
      %dma_wait3A_47 = tpu.memref_slice %arg6[%dma_wait3A, %dma_wait3A_46] : memref<128x128xf32, #tpu.memory_space<vmem>> -> memref<64x128xf32, #tpu.memory_space<vmem>>
      %dma_wait3A_48 = arith.constant 0 : i32
      %dma_wait3A_49 = tpu.memref_slice %arg7[%add3A_34, %dma_wait3A_48] : memref<5248x128xf32, #tpu.memory_space<vmem_shared>> -> memref<64x128xf32, #tpu.memory_space<vmem_shared>>
      %dma_wait3A_50 = arith.constant 0 : i32
      %dma_wait3A_51 = arith.constant 0 : i32
      %dma_wait3A_52 = tpu.memref_slice %arg6[%dma_wait3A_50, %dma_wait3A_51] : memref<128x128xf32, #tpu.memory_space<vmem>> -> memref<64x128xf32, #tpu.memory_space<vmem>>
      %dma_wait3A_53 = arith.constant 0 : i32
      %dma_wait3A_54 = tpu.memref_slice %arg7[%add3A_34, %dma_wait3A_53] : memref<5248x128xf32, #tpu.memory_space<vmem_shared>> -> memref<64x128xf32, #tpu.memory_space<vmem_shared>>
      tpu.wait_dma2 semaphore(%run_scoped3A : memref<!tpu.dma_semaphore, #tpu.memory_space<semaphore_mem>>) src(%dma_wait3A_54 : memref<64x128xf32, #tpu.memory_space<vmem_shared>>) dst(%dma_wait3A_52 : memref<64x128xf32, #tpu.memory_space<vmem>>)
      tpu.yield
    }) : () -> ()
    %add3A_35 = arith.constant 256 : i32
    %add3A_36 = arith.addi %mul3A_24, %add3A_35 : i32
    "tpu.region"() ({
      %run_scoped3A = tpu.sem_alloc : memref<!tpu.dma_semaphore, #tpu.memory_space<semaphore_mem>>
      %dma_start3A = arith.constant 0 : i32
      %dma_start3A_37 = arith.constant 0 : i32
      %dma_start3A_38 = tpu.memref_slice %arg6[%dma_start3A, %dma_start3A_37] : memref<128x128xf32, #tpu.memory_space<vmem>> -> memref<64x128xf32, #tpu.memory_space<vmem>>
      %dma_start3A_39 = arith.constant 0 : i32
      %dma_start3A_40 = tpu.memref_slice %arg3[%arg0, %add3A_36, %dma_start3A_39] : memref<2x5120x128xf32, #tpu.memory_space<hbm>> -> memref<1x64x128xf32, #tpu.memory_space<hbm>>
      %dma_start3A_41 = tpu.memref_squeeze %dma_start3A_40 : memref<1x64x128xf32, #tpu.memory_space<hbm>> -> memref<64x128xf32, #tpu.memory_space<hbm>>
      %dma_start3A_42 = arith.constant 0 : i32
      %dma_start3A_43 = tpu.memref_slice %arg3[%arg0, %add3A_36, %dma_start3A_42] : memref<2x5120x128xf32, #tpu.memory_space<hbm>> -> memref<1x64x128xf32, #tpu.memory_space<hbm>>
      %dma_start3A_44 = tpu.memref_squeeze %dma_start3A_43 : memref<1x64x128xf32, #tpu.memory_space<hbm>> -> memref<64x128xf32, #tpu.memory_space<hbm>>
      %dma_start3A_45 = arith.constant 0 : i32
      %dma_start3A_46 = arith.constant 0 : i32
      %dma_start3A_47 = tpu.memref_slice %arg6[%dma_start3A_45, %dma_start3A_46] : memref<128x128xf32, #tpu.memory_space<vmem>> -> memref<64x128xf32, #tpu.memory_space<vmem>>
      tpu.enqueue_dma source(%dma_start3A_47 : memref<64x128xf32, #tpu.memory_space<vmem>>) target(%dma_start3A_44 : memref<64x128xf32, #tpu.memory_space<hbm>>) target_semaphore(%run_scoped3A : memref<!tpu.dma_semaphore, #tpu.memory_space<semaphore_mem>>)
      %dma_wait3A = arith.constant 0 : i32
      %dma_wait3A_48 = arith.constant 0 : i32
      %dma_wait3A_49 = tpu.memref_slice %arg6[%dma_wait3A, %dma_wait3A_48] : memref<128x128xf32, #tpu.memory_space<vmem>> -> memref<64x128xf32, #tpu.memory_space<vmem>>
      %dma_wait3A_50 = arith.constant 0 : i32
      %dma_wait3A_51 = tpu.memref_slice %arg3[%arg0, %add3A_36, %dma_wait3A_50] : memref<2x5120x128xf32, #tpu.memory_space<hbm>> -> memref<1x64x128xf32, #tpu.memory_space<hbm>>
      %dma_wait3A_52 = tpu.memref_squeeze %dma_wait3A_51 : memref<1x64x128xf32, #tpu.memory_space<hbm>> -> memref<64x128xf32, #tpu.memory_space<hbm>>
      %dma_wait3A_53 = arith.constant 0 : i32
      %dma_wait3A_54 = tpu.memref_slice %arg3[%arg0, %add3A_36, %dma_wait3A_53] : memref<2x5120x128xf32, #tpu.memory_space<hbm>> -> memref<1x64x128xf32, #tpu.memory_space<hbm>>
      %dma_wait3A_55 = tpu.memref_squeeze %dma_wait3A_54 : memref<1x64x128xf32, #tpu.memory_space<hbm>> -> memref<64x128xf32, #tpu.memory_space<hbm>>
      %dma_wait3A_56 = arith.constant 0 : i32
      %dma_wait3A_57 = arith.constant 0 : i32
      %dma_wait3A_58 = tpu.memref_slice %arg6[%dma_wait3A_56, %dma_wait3A_57] : memref<128x128xf32, #tpu.memory_space<vmem>> -> memref<64x128xf32, #tpu.memory_space<vmem>>
      tpu.wait_dma2 semaphore(%run_scoped3A : memref<!tpu.dma_semaphore, #tpu.memory_space<semaphore_mem>>) src(%dma_wait3A_58 : memref<64x128xf32, #tpu.memory_space<vmem>>) dst(%dma_wait3A_55 : memref<64x128xf32, #tpu.memory_space<hbm>>)
      tpu.yield
    }) : () -> ()
    return
  }
}

#map = affine_map<(d0, d1) -> (0, 0)>
#map1 = affine_map<(d0, d1) -> (0, 0, 0)>
#map2 = affine_map<(d0, d1) -> (0, 0, 0, 0)>
module attributes {stable_mosaic.version = 14 : i64} {
  func.func @_sc_gather_scatter(%arg0: i32, %arg1: i32, %arg2: memref<10240x128xf32, #tpu.memory_space<hbm>>, %arg3: memref<16x158x128xi32, #tpu.memory_space<hbm>>, %arg4: memref<2x16x158x128xi32, #tpu.memory_space<hbm>>, %arg5: memref<2x5120x128xf32, #tpu.memory_space<hbm>>, %arg6: memref<158x128xi32, #tpu.memory_space<vmem>>, %arg7: memref<158x128xi32, #tpu.memory_space<vmem>>, %arg8: memref<128x128xf32, #tpu.memory_space<vmem>>, %arg9: memref<128x128xf32, #tpu.memory_space<vmem>>, %arg10: memref<5248x128xf32, #tpu.memory_space<vmem_shared>>, %arg11: memref<!tpu.dma_semaphore, #tpu.memory_space<semaphore_mem>>, %arg12: memref<!tpu.dma_semaphore, #tpu.memory_space<semaphore_mem>>) attributes {dimension_semantics = [#tpu.dimension_semantics<core_parallel>, #tpu.dimension_semantics<subcore_parallel>], iteration_bounds = array<i64: 2, 16>, scalar_prefetch = 0 : i64, scratch_operands = 7 : i64, tpu.core_type = #tpu.core_type<sc_vector_subcore>, window_params = [{transform_indices = #map}, {transform_indices = #map1}, {transform_indices = #map2}, {transform_indices = #map1}]} {
    "tpu.region"() ({
      %run_scoped3A = tpu.sem_alloc : memref<!tpu.dma_semaphore, #tpu.memory_space<semaphore_mem>>
      %dma_start3A_48 = arith.constant 0 : i32
      %dma_start3A_49 = arith.constant 0 : i32
      %dma_start3A_50 = tpu.memref_slice %arg3[%arg1, %dma_start3A_48, %dma_start3A_49] : memref<16x158x128xi32, #tpu.memory_space<hbm>> -> memref<1x158x128xi32, #tpu.memory_space<hbm>>
      %dma_start3A_51 = tpu.memref_squeeze %dma_start3A_50 : memref<1x158x128xi32, #tpu.memory_space<hbm>> -> memref<158x128xi32, #tpu.memory_space<hbm>>
      %dma_start3A_52 = arith.constant 0 : i32
      %dma_start3A_53 = arith.constant 0 : i32
      %dma_start3A_54 = tpu.memref_slice %arg3[%arg1, %dma_start3A_52, %dma_start3A_53] : memref<16x158x128xi32, #tpu.memory_space<hbm>> -> memref<1x158x128xi32, #tpu.memory_space<hbm>>
      %dma_start3A_55 = tpu.memref_squeeze %dma_start3A_54 : memref<1x158x128xi32, #tpu.memory_space<hbm>> -> memref<158x128xi32, #tpu.memory_space<hbm>>
      tpu.enqueue_dma source(%dma_start3A_55 : memref<158x128xi32, #tpu.memory_space<hbm>>) target(%arg6 : memref<158x128xi32, #tpu.memory_space<vmem>>) target_semaphore(%run_scoped3A : memref<!tpu.dma_semaphore, #tpu.memory_space<semaphore_mem>>)
      %dma_wait3A = arith.constant 0 : i32
      %dma_wait3A_56 = arith.constant 0 : i32
      %dma_wait3A_57 = tpu.memref_slice %arg3[%arg1, %dma_wait3A, %dma_wait3A_56] : memref<16x158x128xi32, #tpu.memory_space<hbm>> -> memref<1x158x128xi32, #tpu.memory_space<hbm>>
      %dma_wait3A_58 = tpu.memref_squeeze %dma_wait3A_57 : memref<1x158x128xi32, #tpu.memory_space<hbm>> -> memref<158x128xi32, #tpu.memory_space<hbm>>
      %dma_wait3A_59 = arith.constant 0 : i32
      %dma_wait3A_60 = arith.constant 0 : i32
      %dma_wait3A_61 = tpu.memref_slice %arg3[%arg1, %dma_wait3A_59, %dma_wait3A_60] : memref<16x158x128xi32, #tpu.memory_space<hbm>> -> memref<1x158x128xi32, #tpu.memory_space<hbm>>
      %dma_wait3A_62 = tpu.memref_squeeze %dma_wait3A_61 : memref<1x158x128xi32, #tpu.memory_space<hbm>> -> memref<158x128xi32, #tpu.memory_space<hbm>>
      tpu.wait_dma2 semaphore(%run_scoped3A : memref<!tpu.dma_semaphore, #tpu.memory_space<semaphore_mem>>) src(%dma_wait3A_62 : memref<158x128xi32, #tpu.memory_space<hbm>>) dst(%arg6 : memref<158x128xi32, #tpu.memory_space<vmem>>)
      tpu.yield
    }) : () -> ()
    "tpu.region"() ({
      %run_scoped3A = tpu.sem_alloc : memref<!tpu.dma_semaphore, #tpu.memory_space<semaphore_mem>>
      %dma_start3A_48 = arith.constant 0 : i32
      %dma_start3A_49 = arith.constant 0 : i32
      %dma_start3A_50 = tpu.memref_slice %arg4[%arg0, %arg1, %dma_start3A_48, %dma_start3A_49] : memref<2x16x158x128xi32, #tpu.memory_space<hbm>> -> memref<1x1x158x128xi32, #tpu.memory_space<hbm>>
      %dma_start3A_51 = tpu.memref_squeeze %dma_start3A_50 : memref<1x1x158x128xi32, #tpu.memory_space<hbm>> -> memref<158x128xi32, #tpu.memory_space<hbm>>
      %dma_start3A_52 = arith.constant 0 : i32
      %dma_start3A_53 = arith.constant 0 : i32
      %dma_start3A_54 = tpu.memref_slice %arg4[%arg0, %arg1, %dma_start3A_52, %dma_start3A_53] : memref<2x16x158x128xi32, #tpu.memory_space<hbm>> -> memref<1x1x158x128xi32, #tpu.memory_space<hbm>>
      %dma_start3A_55 = tpu.memref_squeeze %dma_start3A_54 : memref<1x1x158x128xi32, #tpu.memory_space<hbm>> -> memref<158x128xi32, #tpu.memory_space<hbm>>
      tpu.enqueue_dma source(%dma_start3A_55 : memref<158x128xi32, #tpu.memory_space<hbm>>) target(%arg7 : memref<158x128xi32, #tpu.memory_space<vmem>>) target_semaphore(%run_scoped3A : memref<!tpu.dma_semaphore, #tpu.memory_space<semaphore_mem>>)
      %dma_wait3A = arith.constant 0 : i32
      %dma_wait3A_56 = arith.constant 0 : i32
      %dma_wait3A_57 = tpu.memref_slice %arg4[%arg0, %arg1, %dma_wait3A, %dma_wait3A_56] : memref<2x16x158x128xi32, #tpu.memory_space<hbm>> -> memref<1x1x158x128xi32, #tpu.memory_space<hbm>>
      %dma_wait3A_58 = tpu.memref_squeeze %dma_wait3A_57 : memref<1x1x158x128xi32, #tpu.memory_space<hbm>> -> memref<158x128xi32, #tpu.memory_space<hbm>>
      %dma_wait3A_59 = arith.constant 0 : i32
      %dma_wait3A_60 = arith.constant 0 : i32
      %dma_wait3A_61 = tpu.memref_slice %arg4[%arg0, %arg1, %dma_wait3A_59, %dma_wait3A_60] : memref<2x16x158x128xi32, #tpu.memory_space<hbm>> -> memref<1x1x158x128xi32, #tpu.memory_space<hbm>>
      %dma_wait3A_62 = tpu.memref_squeeze %dma_wait3A_61 : memref<1x1x158x128xi32, #tpu.memory_space<hbm>> -> memref<158x128xi32, #tpu.memory_space<hbm>>
      tpu.wait_dma2 semaphore(%run_scoped3A : memref<!tpu.dma_semaphore, #tpu.memory_space<semaphore_mem>>) src(%dma_wait3A_62 : memref<158x128xi32, #tpu.memory_space<hbm>>) dst(%arg7 : memref<158x128xi32, #tpu.memory_space<vmem>>)
      tpu.yield
    }) : () -> ()
    %broadcast_in_dim3A = arith.constant 0.000000e+00 : f32
    %broadcast_in_dim3A_0 = vector.broadcast %broadcast_in_dim3A : f32 to vector<16xf32>
    %scan3A = arith.constant 0 : i32
    %scan3A_1 = arith.constant 0 : i32
    %scan3A_2 = arith.constant 128 : i32
    %scan3A_3 = arith.addi %scan3A_1, %scan3A_2 : i32
    %scan3A_4 = arith.constant 1 : i32
    %scan3A_5 = scf.for %scan3A_48 = %scan3A_1 to %scan3A_3 step %scan3A_4 iter_args(%scan3A_49 = %scan3A) -> (i32)  : i32 {
      %swap3A = arith.index_cast %scan3A_48 : i32 to index
      %swap3A_50 = arith.constant 0 : index
      %swap3A_51 = tpu.vector_load %arg8[%swap3A, %swap3A_50] {strides = array<i32>} : memref<128x128xf32, #tpu.memory_space<vmem>>, vector<1x16xf32>,
      %swap3A_52 = vector.shape_cast %swap3A_51 : vector<1x16xf32> to vector<16xf32>
      %swap3A_53 = vector.shape_cast %broadcast_in_dim3A_0 : vector<16xf32> to vector<1x16xf32>
      tpu.vector_store %arg8[%swap3A, %swap3A_50], %swap3A_53 {strides = array<i32>} : memref<128x128xf32, #tpu.memory_space<vmem>>, vector<1x16xf32>,
      %swap3A_54 = arith.index_cast %scan3A_48 : i32 to index
      %swap3A_55 = arith.constant 16 : index
      %swap3A_56 = tpu.vector_load %arg8[%swap3A_54, %swap3A_55] {strides = array<i32>} : memref<128x128xf32, #tpu.memory_space<vmem>>, vector<1x16xf32>,
      %swap3A_57 = vector.shape_cast %swap3A_56 : vector<1x16xf32> to vector<16xf32>
      %swap3A_58 = vector.shape_cast %broadcast_in_dim3A_0 : vector<16xf32> to vector<1x16xf32>
      tpu.vector_store %arg8[%swap3A_54, %swap3A_55], %swap3A_58 {strides = array<i32>} : memref<128x128xf32, #tpu.memory_space<vmem>>, vector<1x16xf32>,
      %swap3A_59 = arith.index_cast %scan3A_48 : i32 to index
      %swap3A_60 = arith.constant 32 : index
      %swap3A_61 = tpu.vector_load %arg8[%swap3A_59, %swap3A_60] {strides = array<i32>} : memref<128x128xf32, #tpu.memory_space<vmem>>, vector<1x16xf32>,
      %swap3A_62 = vector.shape_cast %swap3A_61 : vector<1x16xf32> to vector<16xf32>
      %swap3A_63 = vector.shape_cast %broadcast_in_dim3A_0 : vector<16xf32> to vector<1x16xf32>
      tpu.vector_store %arg8[%swap3A_59, %swap3A_60], %swap3A_63 {strides = array<i32>} : memref<128x128xf32, #tpu.memory_space<vmem>>, vector<1x16xf32>,
      %swap3A_64 = arith.index_cast %scan3A_48 : i32 to index
      %swap3A_65 = arith.constant 48 : index
      %swap3A_66 = tpu.vector_load %arg8[%swap3A_64, %swap3A_65] {strides = array<i32>} : memref<128x128xf32, #tpu.memory_space<vmem>>, vector<1x16xf32>,
      %swap3A_67 = vector.shape_cast %swap3A_66 : vector<1x16xf32> to vector<16xf32>
      %swap3A_68 = vector.shape_cast %broadcast_in_dim3A_0 : vector<16xf32> to vector<1x16xf32>
      tpu.vector_store %arg8[%swap3A_64, %swap3A_65], %swap3A_68 {strides = array<i32>} : memref<128x128xf32, #tpu.memory_space<vmem>>, vector<1x16xf32>,
      %swap3A_69 = arith.index_cast %scan3A_48 : i32 to index
      %swap3A_70 = arith.constant 64 : index
      %swap3A_71 = tpu.vector_load %arg8[%swap3A_69, %swap3A_70] {strides = array<i32>} : memref<128x128xf32, #tpu.memory_space<vmem>>, vector<1x16xf32>,
      %swap3A_72 = vector.shape_cast %swap3A_71 : vector<1x16xf32> to vector<16xf32>
      %swap3A_73 = vector.shape_cast %broadcast_in_dim3A_0 : vector<16xf32> to vector<1x16xf32>
      tpu.vector_store %arg8[%swap3A_69, %swap3A_70], %swap3A_73 {strides = array<i32>} : memref<128x128xf32, #tpu.memory_space<vmem>>, vector<1x16xf32>,
      %swap3A_74 = arith.index_cast %scan3A_48 : i32 to index
      %swap3A_75 = arith.constant 80 : index
      %swap3A_76 = tpu.vector_load %arg8[%swap3A_74, %swap3A_75] {strides = array<i32>} : memref<128x128xf32, #tpu.memory_space<vmem>>, vector<1x16xf32>,
      %swap3A_77 = vector.shape_cast %swap3A_76 : vector<1x16xf32> to vector<16xf32>
      %swap3A_78 = vector.shape_cast %broadcast_in_dim3A_0 : vector<16xf32> to vector<1x16xf32>
      tpu.vector_store %arg8[%swap3A_74, %swap3A_75], %swap3A_78 {strides = array<i32>} : memref<128x128xf32, #tpu.memory_space<vmem>>, vector<1x16xf32>,
      %swap3A_79 = arith.index_cast %scan3A_48 : i32 to index
      %swap3A_80 = arith.constant 96 : index
      %swap3A_81 = tpu.vector_load %arg8[%swap3A_79, %swap3A_80] {strides = array<i32>} : memref<128x128xf32, #tpu.memory_space<vmem>>, vector<1x16xf32>,
      %swap3A_82 = vector.shape_cast %swap3A_81 : vector<1x16xf32> to vector<16xf32>
      %swap3A_83 = vector.shape_cast %broadcast_in_dim3A_0 : vector<16xf32> to vector<1x16xf32>
      tpu.vector_store %arg8[%swap3A_79, %swap3A_80], %swap3A_83 {strides = array<i32>} : memref<128x128xf32, #tpu.memory_space<vmem>>, vector<1x16xf32>,
      %swap3A_84 = arith.index_cast %scan3A_48 : i32 to index
      %swap3A_85 = arith.constant 112 : index
      %swap3A_86 = tpu.vector_load %arg8[%swap3A_84, %swap3A_85] {strides = array<i32>} : memref<128x128xf32, #tpu.memory_space<vmem>>, vector<1x16xf32>,
      %swap3A_87 = vector.shape_cast %swap3A_86 : vector<1x16xf32> to vector<16xf32>
      %swap3A_88 = vector.shape_cast %broadcast_in_dim3A_0 : vector<16xf32> to vector<1x16xf32>
      tpu.vector_store %arg8[%swap3A_84, %swap3A_85], %swap3A_88 {strides = array<i32>} : memref<128x128xf32, #tpu.memory_space<vmem>>, vector<1x16xf32>,
      %scan3A_89 = arith.constant 0 : i32
      scf.yield %scan3A_89 : i32
    }
    %scan3A_6 = arith.constant 128 : i32
    %mul3A = arith.constant 328 : i32
    %mul3A_7 = arith.muli %arg1, %mul3A : i32
    %add3A = arith.constant 0 : i32
    %add3A_8 = arith.addi %mul3A_7, %add3A : i32
    "tpu.region"() ({
      %run_scoped3A = tpu.sem_alloc : memref<!tpu.dma_semaphore, #tpu.memory_space<semaphore_mem>>
      %dma_start3A_48 = arith.constant 0 : i32
      %dma_start3A_49 = arith.constant 0 : i32
      %dma_start3A_50 = tpu.memref_slice %arg8[%dma_start3A_48, %dma_start3A_49] : memref<128x128xf32, #tpu.memory_space<vmem>> -> memref<128x128xf32, #tpu.memory_space<vmem>>
      %dma_start3A_51 = arith.constant 0 : i32
      %dma_start3A_52 = tpu.memref_slice %arg10[%add3A_8, %dma_start3A_51] : memref<5248x128xf32, #tpu.memory_space<vmem_shared>> -> memref<128x128xf32, #tpu.memory_space<vmem_shared>>
      %dma_start3A_53 = arith.constant 0 : i32
      %dma_start3A_54 = tpu.memref_slice %arg10[%add3A_8, %dma_start3A_53] : memref<5248x128xf32, #tpu.memory_space<vmem_shared>> -> memref<128x128xf32, #tpu.memory_space<vmem_shared>>
      %dma_start3A_55 = arith.constant 0 : i32
      %dma_start3A_56 = arith.constant 0 : i32
      %dma_start3A_57 = tpu.memref_slice %arg8[%dma_start3A_55, %dma_start3A_56] : memref<128x128xf32, #tpu.memory_space<vmem>> -> memref<128x128xf32, #tpu.memory_space<vmem>>
      tpu.enqueue_dma source(%dma_start3A_57 : memref<128x128xf32, #tpu.memory_space<vmem>>) target(%dma_start3A_54 : memref<128x128xf32, #tpu.memory_space<vmem_shared>>) target_semaphore(%run_scoped3A : memref<!tpu.dma_semaphore, #tpu.memory_space<semaphore_mem>>)
      %dma_wait3A = arith.constant 0 : i32
      %dma_wait3A_58 = arith.constant 0 : i32
      %dma_wait3A_59 = tpu.memref_slice %arg8[%dma_wait3A, %dma_wait3A_58] : memref<128x128xf32, #tpu.memory_space<vmem>> -> memref<128x128xf32, #tpu.memory_space<vmem>>
      %dma_wait3A_60 = arith.constant 0 : i32
      %dma_wait3A_61 = tpu.memref_slice %arg10[%add3A_8, %dma_wait3A_60] : memref<5248x128xf32, #tpu.memory_space<vmem_shared>> -> memref<128x128xf32, #tpu.memory_space<vmem_shared>>
      %dma_wait3A_62 = arith.constant 0 : i32
      %dma_wait3A_63 = tpu.memref_slice %arg10[%add3A_8, %dma_wait3A_62] : memref<5248x128xf32, #tpu.memory_space<vmem_shared>> -> memref<128x128xf32, #tpu.memory_space<vmem_shared>>
      %dma_wait3A_64 = arith.constant 0 : i32
      %dma_wait3A_65 = arith.constant 0 : i32
      %dma_wait3A_66 = tpu.memref_slice %arg8[%dma_wait3A_64, %dma_wait3A_65] : memref<128x128xf32, #tpu.memory_space<vmem>> -> memref<128x128xf32, #tpu.memory_space<vmem>>
      tpu.wait_dma2 semaphore(%run_scoped3A : memref<!tpu.dma_semaphore, #tpu.memory_space<semaphore_mem>>) src(%dma_wait3A_66 : memref<128x128xf32, #tpu.memory_space<vmem>>) dst(%dma_wait3A_63 : memref<128x128xf32, #tpu.memory_space<vmem_shared>>)
      tpu.yield
    }) : () -> ()
    %add3A_9 = arith.constant 128 : i32
    %add3A_10 = arith.addi %mul3A_7, %add3A_9 : i32
    "tpu.region"() ({
      %run_scoped3A = tpu.sem_alloc : memref<!tpu.dma_semaphore, #tpu.memory_space<semaphore_mem>>
      %dma_start3A_48 = arith.constant 0 : i32
      %dma_start3A_49 = arith.constant 0 : i32
      %dma_start3A_50 = tpu.memref_slice %arg8[%dma_start3A_48, %dma_start3A_49] : memref<128x128xf32, #tpu.memory_space<vmem>> -> memref<128x128xf32, #tpu.memory_space<vmem>>
      %dma_start3A_51 = arith.constant 0 : i32
      %dma_start3A_52 = tpu.memref_slice %arg10[%add3A_10, %dma_start3A_51] : memref<5248x128xf32, #tpu.memory_space<vmem_shared>> -> memref<128x128xf32, #tpu.memory_space<vmem_shared>>
      %dma_start3A_53 = arith.constant 0 : i32
      %dma_start3A_54 = tpu.memref_slice %arg10[%add3A_10, %dma_start3A_53] : memref<5248x128xf32, #tpu.memory_space<vmem_shared>> -> memref<128x128xf32, #tpu.memory_space<vmem_shared>>
      %dma_start3A_55 = arith.constant 0 : i32
      %dma_start3A_56 = arith.constant 0 : i32
      %dma_start3A_57 = tpu.memref_slice %arg8[%dma_start3A_55, %dma_start3A_56] : memref<128x128xf32, #tpu.memory_space<vmem>> -> memref<128x128xf32, #tpu.memory_space<vmem>>
      tpu.enqueue_dma source(%dma_start3A_57 : memref<128x128xf32, #tpu.memory_space<vmem>>) target(%dma_start3A_54 : memref<128x128xf32, #tpu.memory_space<vmem_shared>>) target_semaphore(%run_scoped3A : memref<!tpu.dma_semaphore, #tpu.memory_space<semaphore_mem>>)
      %dma_wait3A = arith.constant 0 : i32
      %dma_wait3A_58 = arith.constant 0 : i32
      %dma_wait3A_59 = tpu.memref_slice %arg8[%dma_wait3A, %dma_wait3A_58] : memref<128x128xf32, #tpu.memory_space<vmem>> -> memref<128x128xf32, #tpu.memory_space<vmem>>
      %dma_wait3A_60 = arith.constant 0 : i32
      %dma_wait3A_61 = tpu.memref_slice %arg10[%add3A_10, %dma_wait3A_60] : memref<5248x128xf32, #tpu.memory_space<vmem_shared>> -> memref<128x128xf32, #tpu.memory_space<vmem_shared>>
      %dma_wait3A_62 = arith.constant 0 : i32
      %dma_wait3A_63 = tpu.memref_slice %arg10[%add3A_10, %dma_wait3A_62] : memref<5248x128xf32, #tpu.memory_space<vmem_shared>> -> memref<128x128xf32, #tpu.memory_space<vmem_shared>>
      %dma_wait3A_64 = arith.constant 0 : i32
      %dma_wait3A_65 = arith.constant 0 : i32
      %dma_wait3A_66 = tpu.memref_slice %arg8[%dma_wait3A_64, %dma_wait3A_65] : memref<128x128xf32, #tpu.memory_space<vmem>> -> memref<128x128xf32, #tpu.memory_space<vmem>>
      tpu.wait_dma2 semaphore(%run_scoped3A : memref<!tpu.dma_semaphore, #tpu.memory_space<semaphore_mem>>) src(%dma_wait3A_66 : memref<128x128xf32, #tpu.memory_space<vmem>>) dst(%dma_wait3A_63 : memref<128x128xf32, #tpu.memory_space<vmem_shared>>)
      tpu.yield
    }) : () -> ()
    %add3A_11 = arith.constant 256 : i32
    %add3A_12 = arith.addi %mul3A_7, %add3A_11 : i32
    "tpu.region"() ({
      %run_scoped3A = tpu.sem_alloc : memref<!tpu.dma_semaphore, #tpu.memory_space<semaphore_mem>>
      %dma_start3A_48 = arith.constant 0 : i32
      %dma_start3A_49 = arith.constant 0 : i32
      %dma_start3A_50 = tpu.memref_slice %arg8[%dma_start3A_48, %dma_start3A_49] : memref<128x128xf32, #tpu.memory_space<vmem>> -> memref<72x128xf32, #tpu.memory_space<vmem>>
      %dma_start3A_51 = arith.constant 0 : i32
      %dma_start3A_52 = tpu.memref_slice %arg10[%add3A_12, %dma_start3A_51] : memref<5248x128xf32, #tpu.memory_space<vmem_shared>> -> memref<72x128xf32, #tpu.memory_space<vmem_shared>>
      %dma_start3A_53 = arith.constant 0 : i32
      %dma_start3A_54 = tpu.memref_slice %arg10[%add3A_12, %dma_start3A_53] : memref<5248x128xf32, #tpu.memory_space<vmem_shared>> -> memref<72x128xf32, #tpu.memory_space<vmem_shared>>
      %dma_start3A_55 = arith.constant 0 : i32
      %dma_start3A_56 = arith.constant 0 : i32
      %dma_start3A_57 = tpu.memref_slice %arg8[%dma_start3A_55, %dma_start3A_56] : memref<128x128xf32, #tpu.memory_space<vmem>> -> memref<72x128xf32, #tpu.memory_space<vmem>>
      tpu.enqueue_dma source(%dma_start3A_57 : memref<72x128xf32, #tpu.memory_space<vmem>>) target(%dma_start3A_54 : memref<72x128xf32, #tpu.memory_space<vmem_shared>>) target_semaphore(%run_scoped3A : memref<!tpu.dma_semaphore, #tpu.memory_space<semaphore_mem>>)
      %dma_wait3A = arith.constant 0 : i32
      %dma_wait3A_58 = arith.constant 0 : i32
      %dma_wait3A_59 = tpu.memref_slice %arg8[%dma_wait3A, %dma_wait3A_58] : memref<128x128xf32, #tpu.memory_space<vmem>> -> memref<72x128xf32, #tpu.memory_space<vmem>>
      %dma_wait3A_60 = arith.constant 0 : i32
      %dma_wait3A_61 = tpu.memref_slice %arg10[%add3A_12, %dma_wait3A_60] : memref<5248x128xf32, #tpu.memory_space<vmem_shared>> -> memref<72x128xf32, #tpu.memory_space<vmem_shared>>
      %dma_wait3A_62 = arith.constant 0 : i32
      %dma_wait3A_63 = tpu.memref_slice %arg10[%add3A_12, %dma_wait3A_62] : memref<5248x128xf32, #tpu.memory_space<vmem_shared>> -> memref<72x128xf32, #tpu.memory_space<vmem_shared>>
      %dma_wait3A_64 = arith.constant 0 : i32
      %dma_wait3A_65 = arith.constant 0 : i32
      %dma_wait3A_66 = tpu.memref_slice %arg8[%dma_wait3A_64, %dma_wait3A_65] : memref<128x128xf32, #tpu.memory_space<vmem>> -> memref<72x128xf32, #tpu.memory_space<vmem>>
      tpu.wait_dma2 semaphore(%run_scoped3A : memref<!tpu.dma_semaphore, #tpu.memory_space<semaphore_mem>>) src(%dma_wait3A_66 : memref<72x128xf32, #tpu.memory_space<vmem>>) dst(%dma_wait3A_63 : memref<72x128xf32, #tpu.memory_space<vmem_shared>>)
      tpu.yield
    }) : () -> ()
    %barrier3A = arith.constant 0 : index
    tpu.barrier barrier_id(%barrier3A)
    %dma_start3A = arith.constant 0 : i32
    %dma_start3A_13 = arith.constant 0 : i32
    %dma_start3A_14 = tpu.memref_slice %arg6[%dma_start3A, %dma_start3A_13] : memref<158x128xi32, #tpu.memory_space<vmem>> -> memref<1x128xi32, #tpu.memory_space<vmem>>
    %dma_start3A_15 = tpu.memref_squeeze %dma_start3A_14 : memref<1x128xi32, #tpu.memory_space<vmem>> -> memref<128xi32, #tpu.memory_space<vmem>>
    %dma_start3A_16 = arith.constant 0 : i32
    %dma_start3A_17 = arith.constant 0 : i32
    %dma_start3A_18 = tpu.memref_slice %arg2[%dma_start3A_16, %dma_start3A_17] : memref<10240x128xf32, #tpu.memory_space<hbm>> -> memref<10240x128xf32, #tpu.memory_space<hbm>>
    tpu.enqueue_indirect_dma source(%dma_start3A_18 : memref<10240x128xf32, #tpu.memory_space<hbm>>) target(%arg8 : memref<128x128xf32, #tpu.memory_space<vmem>>) offsets(%dma_start3A_15 : memref<128xi32, #tpu.memory_space<vmem>>) semaphore(%arg11 : memref<!tpu.dma_semaphore, #tpu.memory_space<semaphore_mem>>)
    %dma_start3A_19 = arith.constant 1 : i32
    %dma_start3A_20 = arith.constant 0 : i32
    %dma_start3A_21 = tpu.memref_slice %arg6[%dma_start3A_19, %dma_start3A_20] : memref<158x128xi32, #tpu.memory_space<vmem>> -> memref<1x128xi32, #tpu.memory_space<vmem>>
    %dma_start3A_22 = tpu.memref_squeeze %dma_start3A_21 : memref<1x128xi32, #tpu.memory_space<vmem>> -> memref<128xi32, #tpu.memory_space<vmem>>
    %dma_start3A_23 = arith.constant 0 : i32
    %dma_start3A_24 = arith.constant 0 : i32
    %dma_start3A_25 = tpu.memref_slice %arg2[%dma_start3A_23, %dma_start3A_24] : memref<10240x128xf32, #tpu.memory_space<hbm>> -> memref<10240x128xf32, #tpu.memory_space<hbm>>
    tpu.enqueue_indirect_dma source(%dma_start3A_25 : memref<10240x128xf32, #tpu.memory_space<hbm>>) target(%arg9 : memref<128x128xf32, #tpu.memory_space<vmem>>) offsets(%dma_start3A_22 : memref<128xi32, #tpu.memory_space<vmem>>) semaphore(%arg12 : memref<!tpu.dma_semaphore, #tpu.memory_space<semaphore_mem>>)
    %scan3A_26 = arith.constant 0 : i32
    %scan3A_27 = arith.constant 0 : i32
    %scan3A_28 = arith.constant 79 : i32
    %scan3A_29 = arith.addi %scan3A_27, %scan3A_28 : i32
    %scan3A_30 = arith.constant 1 : i32
    %scan3A_31 = scf.for %scan3A_48 = %scan3A_27 to %scan3A_29 step %scan3A_30 iter_args(%scan3A_49 = %scan3A_26) -> (i32)  : i32 {
      %mul3A_50 = arith.constant 2 : i32
      %mul3A_51 = arith.muli %scan3A_48, %mul3A_50 : i32
      %add3A_52 = arith.constant 0 : i32
      %add3A_53 = arith.addi %mul3A_51, %add3A_52 : i32
      %dma_wait3A = arith.constant 0 : i32
      %dma_wait3A_54 = tpu.memref_slice %arg6[%add3A_53, %dma_wait3A] : memref<158x128xi32, #tpu.memory_space<vmem>> -> memref<1x128xi32, #tpu.memory_space<vmem>>
      %dma_wait3A_55 = tpu.memref_squeeze %dma_wait3A_54 : memref<1x128xi32, #tpu.memory_space<vmem>> -> memref<128xi32, #tpu.memory_space<vmem>>
      %dma_wait3A_56 = arith.constant 0 : i32
      %dma_wait3A_57 = arith.constant 0 : i32
      %dma_wait3A_58 = tpu.memref_slice %arg2[%dma_wait3A_56, %dma_wait3A_57] : memref<10240x128xf32, #tpu.memory_space<hbm>> -> memref<10240x128xf32, #tpu.memory_space<hbm>>
      tpu.wait_indirect_dma semaphore(%arg11 : memref<!tpu.dma_semaphore, #tpu.memory_space<semaphore_mem>>) src(%dma_wait3A_58 : memref<10240x128xf32, #tpu.memory_space<hbm>>) dst(%arg8 : memref<128x128xf32, #tpu.memory_space<vmem>>)
      "tpu.region"() ({
        %run_scoped3A = tpu.sem_alloc : memref<!tpu.dma_semaphore, #tpu.memory_space<semaphore_mem>>
        %dma_start3A_81 = arith.constant 0 : i32
        %dma_start3A_82 = tpu.memref_slice %arg7[%add3A_53, %dma_start3A_81] : memref<158x128xi32, #tpu.memory_space<vmem>> -> memref<1x128xi32, #tpu.memory_space<vmem>>
        %dma_start3A_83 = tpu.memref_squeeze %dma_start3A_82 : memref<1x128xi32, #tpu.memory_space<vmem>> -> memref<128xi32, #tpu.memory_space<vmem>>
        %dma_start3A_84 = arith.constant 0 : i32
        %dma_start3A_85 = arith.constant 0 : i32
        %dma_start3A_86 = tpu.memref_slice %arg10[%dma_start3A_84, %dma_start3A_85] : memref<5248x128xf32, #tpu.memory_space<vmem_shared>> -> memref<5248x128xf32, #tpu.memory_space<vmem_shared>>
        tpu.enqueue_indirect_dma source(%arg8 : memref<128x128xf32, #tpu.memory_space<vmem>>) target(%dma_start3A_86 : memref<5248x128xf32, #tpu.memory_space<vmem_shared>>) offsets(%dma_start3A_83 : memref<128xi32, #tpu.memory_space<vmem>>) semaphore(%run_scoped3A : memref<!tpu.dma_semaphore, #tpu.memory_space<semaphore_mem>>) {add = true}
        %dma_wait3A_87 = arith.constant 0 : i32
        %dma_wait3A_88 = tpu.memref_slice %arg7[%add3A_53, %dma_wait3A_87] : memref<158x128xi32, #tpu.memory_space<vmem>> -> memref<1x128xi32, #tpu.memory_space<vmem>>
        %dma_wait3A_89 = tpu.memref_squeeze %dma_wait3A_88 : memref<1x128xi32, #tpu.memory_space<vmem>> -> memref<128xi32, #tpu.memory_space<vmem>>
        %dma_wait3A_90 = arith.constant 0 : i32
        %dma_wait3A_91 = arith.constant 0 : i32
        %dma_wait3A_92 = tpu.memref_slice %arg10[%dma_wait3A_90, %dma_wait3A_91] : memref<5248x128xf32, #tpu.memory_space<vmem_shared>> -> memref<5248x128xf32, #tpu.memory_space<vmem_shared>>
        tpu.wait_indirect_dma semaphore(%run_scoped3A : memref<!tpu.dma_semaphore, #tpu.memory_space<semaphore_mem>>) src(%arg8 : memref<128x128xf32, #tpu.memory_space<vmem>>) dst(%dma_wait3A_92 : memref<5248x128xf32, #tpu.memory_space<vmem_shared>>)
        tpu.yield
      }) : () -> ()
      %add3A_59 = arith.constant 2 : i32
      %add3A_60 = arith.addi %add3A_53, %add3A_59 : i32
      %lt3A = arith.constant 158 : i32
      %lt3A_61 = arith.cmpi slt, %add3A_60, %lt3A : i32
      %convert_element_type3A = arith.extui %lt3A_61 : i1 to i32
      %cond3A = arith.constant 0 : i32
      %cond3A_62 = arith.cmpi ne, %convert_element_type3A, %cond3A : i32
      scf.if %cond3A_62 {
        %add3A_81 = arith.constant 2 : i32
        %add3A_82 = arith.addi %add3A_53, %add3A_81 : i32
        %dma_start3A_83 = arith.constant 0 : i32
        %dma_start3A_84 = tpu.memref_slice %arg6[%add3A_82, %dma_start3A_83] : memref<158x128xi32, #tpu.memory_space<vmem>> -> memref<1x128xi32, #tpu.memory_space<vmem>>
        %dma_start3A_85 = tpu.memref_squeeze %dma_start3A_84 : memref<1x128xi32, #tpu.memory_space<vmem>> -> memref<128xi32, #tpu.memory_space<vmem>>
        %dma_start3A_86 = arith.constant 0 : i32
        %dma_start3A_87 = arith.constant 0 : i32
        %dma_start3A_88 = tpu.memref_slice %arg2[%dma_start3A_86, %dma_start3A_87] : memref<10240x128xf32, #tpu.memory_space<hbm>> -> memref<10240x128xf32, #tpu.memory_space<hbm>>
        tpu.enqueue_indirect_dma source(%dma_start3A_88 : memref<10240x128xf32, #tpu.memory_space<hbm>>) target(%arg8 : memref<128x128xf32, #tpu.memory_space<vmem>>) offsets(%dma_start3A_85 : memref<128xi32, #tpu.memory_space<vmem>>) semaphore(%arg11 : memref<!tpu.dma_semaphore, #tpu.memory_space<semaphore_mem>>)
      } else {
      }
      %mul3A_63 = arith.constant 2 : i32
      %mul3A_64 = arith.muli %scan3A_48, %mul3A_63 : i32
      %add3A_65 = arith.constant 1 : i32
      %add3A_66 = arith.addi %mul3A_64, %add3A_65 : i32
      %dma_wait3A_67 = arith.constant 0 : i32
      %dma_wait3A_68 = tpu.memref_slice %arg6[%add3A_66, %dma_wait3A_67] : memref<158x128xi32, #tpu.memory_space<vmem>> -> memref<1x128xi32, #tpu.memory_space<vmem>>
      %dma_wait3A_69 = tpu.memref_squeeze %dma_wait3A_68 : memref<1x128xi32, #tpu.memory_space<vmem>> -> memref<128xi32, #tpu.memory_space<vmem>>
      %dma_wait3A_70 = arith.constant 0 : i32
      %dma_wait3A_71 = arith.constant 0 : i32
      %dma_wait3A_72 = tpu.memref_slice %arg2[%dma_wait3A_70, %dma_wait3A_71] : memref<10240x128xf32, #tpu.memory_space<hbm>> -> memref<10240x128xf32, #tpu.memory_space<hbm>>
      tpu.wait_indirect_dma semaphore(%arg12 : memref<!tpu.dma_semaphore, #tpu.memory_space<semaphore_mem>>) src(%dma_wait3A_72 : memref<10240x128xf32, #tpu.memory_space<hbm>>) dst(%arg9 : memref<128x128xf32, #tpu.memory_space<vmem>>)
      "tpu.region"() ({
        %run_scoped3A = tpu.sem_alloc : memref<!tpu.dma_semaphore, #tpu.memory_space<semaphore_mem>>
        %dma_start3A_81 = arith.constant 0 : i32
        %dma_start3A_82 = tpu.memref_slice %arg7[%add3A_66, %dma_start3A_81] : memref<158x128xi32, #tpu.memory_space<vmem>> -> memref<1x128xi32, #tpu.memory_space<vmem>>
        %dma_start3A_83 = tpu.memref_squeeze %dma_start3A_82 : memref<1x128xi32, #tpu.memory_space<vmem>> -> memref<128xi32, #tpu.memory_space<vmem>>
        %dma_start3A_84 = arith.constant 0 : i32
        %dma_start3A_85 = arith.constant 0 : i32
        %dma_start3A_86 = tpu.memref_slice %arg10[%dma_start3A_84, %dma_start3A_85] : memref<5248x128xf32, #tpu.memory_space<vmem_shared>> -> memref<5248x128xf32, #tpu.memory_space<vmem_shared>>
        tpu.enqueue_indirect_dma source(%arg9 : memref<128x128xf32, #tpu.memory_space<vmem>>) target(%dma_start3A_86 : memref<5248x128xf32, #tpu.memory_space<vmem_shared>>) offsets(%dma_start3A_83 : memref<128xi32, #tpu.memory_space<vmem>>) semaphore(%run_scoped3A : memref<!tpu.dma_semaphore, #tpu.memory_space<semaphore_mem>>) {add = true}
        %dma_wait3A_87 = arith.constant 0 : i32
        %dma_wait3A_88 = tpu.memref_slice %arg7[%add3A_66, %dma_wait3A_87] : memref<158x128xi32, #tpu.memory_space<vmem>> -> memref<1x128xi32, #tpu.memory_space<vmem>>
        %dma_wait3A_89 = tpu.memref_squeeze %dma_wait3A_88 : memref<1x128xi32, #tpu.memory_space<vmem>> -> memref<128xi32, #tpu.memory_space<vmem>>
        %dma_wait3A_90 = arith.constant 0 : i32
        %dma_wait3A_91 = arith.constant 0 : i32
        %dma_wait3A_92 = tpu.memref_slice %arg10[%dma_wait3A_90, %dma_wait3A_91] : memref<5248x128xf32, #tpu.memory_space<vmem_shared>> -> memref<5248x128xf32, #tpu.memory_space<vmem_shared>>
        tpu.wait_indirect_dma semaphore(%run_scoped3A : memref<!tpu.dma_semaphore, #tpu.memory_space<semaphore_mem>>) src(%arg9 : memref<128x128xf32, #tpu.memory_space<vmem>>) dst(%dma_wait3A_92 : memref<5248x128xf32, #tpu.memory_space<vmem_shared>>)
        tpu.yield
      }) : () -> ()
      %add3A_73 = arith.constant 2 : i32
      %add3A_74 = arith.addi %add3A_66, %add3A_73 : i32
      %lt3A_75 = arith.constant 158 : i32
      %lt3A_76 = arith.cmpi slt, %add3A_74, %lt3A_75 : i32
      %convert_element_type3A_77 = arith.extui %lt3A_76 : i1 to i32
      %cond3A_78 = arith.constant 0 : i32
      %cond3A_79 = arith.cmpi ne, %convert_element_type3A_77, %cond3A_78 : i32
      scf.if %cond3A_79 {
        %add3A_81 = arith.constant 2 : i32
        %add3A_82 = arith.addi %add3A_66, %add3A_81 : i32
        %dma_start3A_83 = arith.constant 0 : i32
        %dma_start3A_84 = tpu.memref_slice %arg6[%add3A_82, %dma_start3A_83] : memref<158x128xi32, #tpu.memory_space<vmem>> -> memref<1x128xi32, #tpu.memory_space<vmem>>
        %dma_start3A_85 = tpu.memref_squeeze %dma_start3A_84 : memref<1x128xi32, #tpu.memory_space<vmem>> -> memref<128xi32, #tpu.memory_space<vmem>>
        %dma_start3A_86 = arith.constant 0 : i32
        %dma_start3A_87 = arith.constant 0 : i32
        %dma_start3A_88 = tpu.memref_slice %arg2[%dma_start3A_86, %dma_start3A_87] : memref<10240x128xf32, #tpu.memory_space<hbm>> -> memref<10240x128xf32, #tpu.memory_space<hbm>>
        tpu.enqueue_indirect_dma source(%dma_start3A_88 : memref<10240x128xf32, #tpu.memory_space<hbm>>) target(%arg9 : memref<128x128xf32, #tpu.memory_space<vmem>>) offsets(%dma_start3A_85 : memref<128xi32, #tpu.memory_space<vmem>>) semaphore(%arg12 : memref<!tpu.dma_semaphore, #tpu.memory_space<semaphore_mem>>)
      } else {
      }
      %scan3A_80 = arith.constant 0 : i32
      scf.yield %scan3A_80 : i32
    }
    %scan3A_32 = arith.constant 79 : i32
    %barrier3A_33 = arith.constant 0 : index
    tpu.barrier barrier_id(%barrier3A_33)
    %mul3A_34 = arith.constant 320 : i32
    %mul3A_35 = arith.muli %arg1, %mul3A_34 : i32
    %add3A_36 = arith.constant 0 : i32
    %add3A_37 = arith.addi %mul3A_35, %add3A_36 : i32
    "tpu.region"() ({
      %run_scoped3A = tpu.sem_alloc : memref<!tpu.dma_semaphore, #tpu.memory_space<semaphore_mem>>
      %dma_start3A_48 = arith.constant 0 : i32
      %dma_start3A_49 = arith.constant 0 : i32
      %dma_start3A_50 = tpu.memref_slice %arg8[%dma_start3A_48, %dma_start3A_49] : memref<128x128xf32, #tpu.memory_space<vmem>> -> memref<128x128xf32, #tpu.memory_space<vmem>>
      %dma_start3A_51 = arith.constant 0 : i32
      %dma_start3A_52 = tpu.memref_slice %arg10[%add3A_37, %dma_start3A_51] : memref<5248x128xf32, #tpu.memory_space<vmem_shared>> -> memref<128x128xf32, #tpu.memory_space<vmem_shared>>
      %dma_start3A_53 = arith.constant 0 : i32
      %dma_start3A_54 = arith.constant 0 : i32
      %dma_start3A_55 = tpu.memref_slice %arg8[%dma_start3A_53, %dma_start3A_54] : memref<128x128xf32, #tpu.memory_space<vmem>> -> memref<128x128xf32, #tpu.memory_space<vmem>>
      %dma_start3A_56 = arith.constant 0 : i32
      %dma_start3A_57 = tpu.memref_slice %arg10[%add3A_37, %dma_start3A_56] : memref<5248x128xf32, #tpu.memory_space<vmem_shared>> -> memref<128x128xf32, #tpu.memory_space<vmem_shared>>
      tpu.enqueue_dma source(%dma_start3A_57 : memref<128x128xf32, #tpu.memory_space<vmem_shared>>) target(%dma_start3A_55 : memref<128x128xf32, #tpu.memory_space<vmem>>) target_semaphore(%run_scoped3A : memref<!tpu.dma_semaphore, #tpu.memory_space<semaphore_mem>>)
      %dma_wait3A = arith.constant 0 : i32
      %dma_wait3A_58 = arith.constant 0 : i32
      %dma_wait3A_59 = tpu.memref_slice %arg8[%dma_wait3A, %dma_wait3A_58] : memref<128x128xf32, #tpu.memory_space<vmem>> -> memref<128x128xf32, #tpu.memory_space<vmem>>
      %dma_wait3A_60 = arith.constant 0 : i32
      %dma_wait3A_61 = tpu.memref_slice %arg10[%add3A_37, %dma_wait3A_60] : memref<5248x128xf32, #tpu.memory_space<vmem_shared>> -> memref<128x128xf32, #tpu.memory_space<vmem_shared>>
      %dma_wait3A_62 = arith.constant 0 : i32
      %dma_wait3A_63 = arith.constant 0 : i32
      %dma_wait3A_64 = tpu.memref_slice %arg8[%dma_wait3A_62, %dma_wait3A_63] : memref<128x128xf32, #tpu.memory_space<vmem>> -> memref<128x128xf32, #tpu.memory_space<vmem>>
      %dma_wait3A_65 = arith.constant 0 : i32
      %dma_wait3A_66 = tpu.memref_slice %arg10[%add3A_37, %dma_wait3A_65] : memref<5248x128xf32, #tpu.memory_space<vmem_shared>> -> memref<128x128xf32, #tpu.memory_space<vmem_shared>>
      tpu.wait_dma2 semaphore(%run_scoped3A : memref<!tpu.dma_semaphore, #tpu.memory_space<semaphore_mem>>) src(%dma_wait3A_66 : memref<128x128xf32, #tpu.memory_space<vmem_shared>>) dst(%dma_wait3A_64 : memref<128x128xf32, #tpu.memory_space<vmem>>)
      tpu.yield
    }) : () -> ()
    %add3A_38 = arith.constant 0 : i32
    %add3A_39 = arith.addi %mul3A_35, %add3A_38 : i32
    "tpu.region"() ({
      %run_scoped3A = tpu.sem_alloc : memref<!tpu.dma_semaphore, #tpu.memory_space<semaphore_mem>>
      %dma_start3A_48 = arith.constant 0 : i32
      %dma_start3A_49 = arith.constant 0 : i32
      %dma_start3A_50 = tpu.memref_slice %arg8[%dma_start3A_48, %dma_start3A_49] : memref<128x128xf32, #tpu.memory_space<vmem>> -> memref<128x128xf32, #tpu.memory_space<vmem>>
      %dma_start3A_51 = arith.constant 0 : i32
      %dma_start3A_52 = tpu.memref_slice %arg5[%arg0, %add3A_39, %dma_start3A_51] : memref<2x5120x128xf32, #tpu.memory_space<hbm>> -> memref<1x128x128xf32, #tpu.memory_space<hbm>>
      %dma_start3A_53 = tpu.memref_squeeze %dma_start3A_52 : memref<1x128x128xf32, #tpu.memory_space<hbm>> -> memref<128x128xf32, #tpu.memory_space<hbm>>
      %dma_start3A_54 = arith.constant 0 : i32
      %dma_start3A_55 = tpu.memref_slice %arg5[%arg0, %add3A_39, %dma_start3A_54] : memref<2x5120x128xf32, #tpu.memory_space<hbm>> -> memref<1x128x128xf32, #tpu.memory_space<hbm>>
      %dma_start3A_56 = tpu.memref_squeeze %dma_start3A_55 : memref<1x128x128xf32, #tpu.memory_space<hbm>> -> memref<128x128xf32, #tpu.memory_space<hbm>>
      %dma_start3A_57 = arith.constant 0 : i32
      %dma_start3A_58 = arith.constant 0 : i32
      %dma_start3A_59 = tpu.memref_slice %arg8[%dma_start3A_57, %dma_start3A_58] : memref<128x128xf32, #tpu.memory_space<vmem>> -> memref<128x128xf32, #tpu.memory_space<vmem>>
      tpu.enqueue_dma source(%dma_start3A_59 : memref<128x128xf32, #tpu.memory_space<vmem>>) target(%dma_start3A_56 : memref<128x128xf32, #tpu.memory_space<hbm>>) target_semaphore(%run_scoped3A : memref<!tpu.dma_semaphore, #tpu.memory_space<semaphore_mem>>)
      %dma_wait3A = arith.constant 0 : i32
      %dma_wait3A_60 = arith.constant 0 : i32
      %dma_wait3A_61 = tpu.memref_slice %arg8[%dma_wait3A, %dma_wait3A_60] : memref<128x128xf32, #tpu.memory_space<vmem>> -> memref<128x128xf32, #tpu.memory_space<vmem>>
      %dma_wait3A_62 = arith.constant 0 : i32
      %dma_wait3A_63 = tpu.memref_slice %arg5[%arg0, %add3A_39, %dma_wait3A_62] : memref<2x5120x128xf32, #tpu.memory_space<hbm>> -> memref<1x128x128xf32, #tpu.memory_space<hbm>>
      %dma_wait3A_64 = tpu.memref_squeeze %dma_wait3A_63 : memref<1x128x128xf32, #tpu.memory_space<hbm>> -> memref<128x128xf32, #tpu.memory_space<hbm>>
      %dma_wait3A_65 = arith.constant 0 : i32
      %dma_wait3A_66 = tpu.memref_slice %arg5[%arg0, %add3A_39, %dma_wait3A_65] : memref<2x5120x128xf32, #tpu.memory_space<hbm>> -> memref<1x128x128xf32, #tpu.memory_space<hbm>>
      %dma_wait3A_67 = tpu.memref_squeeze %dma_wait3A_66 : memref<1x128x128xf32, #tpu.memory_space<hbm>> -> memref<128x128xf32, #tpu.memory_space<hbm>>
      %dma_wait3A_68 = arith.constant 0 : i32
      %dma_wait3A_69 = arith.constant 0 : i32
      %dma_wait3A_70 = tpu.memref_slice %arg8[%dma_wait3A_68, %dma_wait3A_69] : memref<128x128xf32, #tpu.memory_space<vmem>> -> memref<128x128xf32, #tpu.memory_space<vmem>>
      tpu.wait_dma2 semaphore(%run_scoped3A : memref<!tpu.dma_semaphore, #tpu.memory_space<semaphore_mem>>) src(%dma_wait3A_70 : memref<128x128xf32, #tpu.memory_space<vmem>>) dst(%dma_wait3A_67 : memref<128x128xf32, #tpu.memory_space<hbm>>)
      tpu.yield
    }) : () -> ()
    %add3A_40 = arith.constant 128 : i32
    %add3A_41 = arith.addi %mul3A_35, %add3A_40 : i32
    "tpu.region"() ({
      %run_scoped3A = tpu.sem_alloc : memref<!tpu.dma_semaphore, #tpu.memory_space<semaphore_mem>>
      %dma_start3A_48 = arith.constant 0 : i32
      %dma_start3A_49 = arith.constant 0 : i32
      %dma_start3A_50 = tpu.memref_slice %arg8[%dma_start3A_48, %dma_start3A_49] : memref<128x128xf32, #tpu.memory_space<vmem>> -> memref<128x128xf32, #tpu.memory_space<vmem>>
      %dma_start3A_51 = arith.constant 0 : i32
      %dma_start3A_52 = tpu.memref_slice %arg10[%add3A_41, %dma_start3A_51] : memref<5248x128xf32, #tpu.memory_space<vmem_shared>> -> memref<128x128xf32, #tpu.memory_space<vmem_shared>>
      %dma_start3A_53 = arith.constant 0 : i32
      %dma_start3A_54 = arith.constant 0 : i32
      %dma_start3A_55 = tpu.memref_slice %arg8[%dma_start3A_53, %dma_start3A_54] : memref<128x128xf32, #tpu.memory_space<vmem>> -> memref<128x128xf32, #tpu.memory_space<vmem>>
      %dma_start3A_56 = arith.constant 0 : i32
      %dma_start3A_57 = tpu.memref_slice %arg10[%add3A_41, %dma_start3A_56] : memref<5248x128xf32, #tpu.memory_space<vmem_shared>> -> memref<128x128xf32, #tpu.memory_space<vmem_shared>>
      tpu.enqueue_dma source(%dma_start3A_57 : memref<128x128xf32, #tpu.memory_space<vmem_shared>>) target(%dma_start3A_55 : memref<128x128xf32, #tpu.memory_space<vmem>>) target_semaphore(%run_scoped3A : memref<!tpu.dma_semaphore, #tpu.memory_space<semaphore_mem>>)
      %dma_wait3A = arith.constant 0 : i32
      %dma_wait3A_58 = arith.constant 0 : i32
      %dma_wait3A_59 = tpu.memref_slice %arg8[%dma_wait3A, %dma_wait3A_58] : memref<128x128xf32, #tpu.memory_space<vmem>> -> memref<128x128xf32, #tpu.memory_space<vmem>>
      %dma_wait3A_60 = arith.constant 0 : i32
      %dma_wait3A_61 = tpu.memref_slice %arg10[%add3A_41, %dma_wait3A_60] : memref<5248x128xf32, #tpu.memory_space<vmem_shared>> -> memref<128x128xf32, #tpu.memory_space<vmem_shared>>
      %dma_wait3A_62 = arith.constant 0 : i32
      %dma_wait3A_63 = arith.constant 0 : i32
      %dma_wait3A_64 = tpu.memref_slice %arg8[%dma_wait3A_62, %dma_wait3A_63] : memref<128x128xf32, #tpu.memory_space<vmem>> -> memref<128x128xf32, #tpu.memory_space<vmem>>
      %dma_wait3A_65 = arith.constant 0 : i32
      %dma_wait3A_66 = tpu.memref_slice %arg10[%add3A_41, %dma_wait3A_65] : memref<5248x128xf32, #tpu.memory_space<vmem_shared>> -> memref<128x128xf32, #tpu.memory_space<vmem_shared>>
      tpu.wait_dma2 semaphore(%run_scoped3A : memref<!tpu.dma_semaphore, #tpu.memory_space<semaphore_mem>>) src(%dma_wait3A_66 : memref<128x128xf32, #tpu.memory_space<vmem_shared>>) dst(%dma_wait3A_64 : memref<128x128xf32, #tpu.memory_space<vmem>>)
      tpu.yield
    }) : () -> ()
    %add3A_42 = arith.constant 128 : i32
    %add3A_43 = arith.addi %mul3A_35, %add3A_42 : i32
    "tpu.region"() ({
      %run_scoped3A = tpu.sem_alloc : memref<!tpu.dma_semaphore, #tpu.memory_space<semaphore_mem>>
      %dma_start3A_48 = arith.constant 0 : i32
      %dma_start3A_49 = arith.constant 0 : i32
      %dma_start3A_50 = tpu.memref_slice %arg8[%dma_start3A_48, %dma_start3A_49] : memref<128x128xf32, #tpu.memory_space<vmem>> -> memref<128x128xf32, #tpu.memory_space<vmem>>
      %dma_start3A_51 = arith.constant 0 : i32
      %dma_start3A_52 = tpu.memref_slice %arg5[%arg0, %add3A_43, %dma_start3A_51] : memref<2x5120x128xf32, #tpu.memory_space<hbm>> -> memref<1x128x128xf32, #tpu.memory_space<hbm>>
      %dma_start3A_53 = tpu.memref_squeeze %dma_start3A_52 : memref<1x128x128xf32, #tpu.memory_space<hbm>> -> memref<128x128xf32, #tpu.memory_space<hbm>>
      %dma_start3A_54 = arith.constant 0 : i32
      %dma_start3A_55 = tpu.memref_slice %arg5[%arg0, %add3A_43, %dma_start3A_54] : memref<2x5120x128xf32, #tpu.memory_space<hbm>> -> memref<1x128x128xf32, #tpu.memory_space<hbm>>
      %dma_start3A_56 = tpu.memref_squeeze %dma_start3A_55 : memref<1x128x128xf32, #tpu.memory_space<hbm>> -> memref<128x128xf32, #tpu.memory_space<hbm>>
      %dma_start3A_57 = arith.constant 0 : i32
      %dma_start3A_58 = arith.constant 0 : i32
      %dma_start3A_59 = tpu.memref_slice %arg8[%dma_start3A_57, %dma_start3A_58] : memref<128x128xf32, #tpu.memory_space<vmem>> -> memref<128x128xf32, #tpu.memory_space<vmem>>
      tpu.enqueue_dma source(%dma_start3A_59 : memref<128x128xf32, #tpu.memory_space<vmem>>) target(%dma_start3A_56 : memref<128x128xf32, #tpu.memory_space<hbm>>) target_semaphore(%run_scoped3A : memref<!tpu.dma_semaphore, #tpu.memory_space<semaphore_mem>>)
      %dma_wait3A = arith.constant 0 : i32
      %dma_wait3A_60 = arith.constant 0 : i32
      %dma_wait3A_61 = tpu.memref_slice %arg8[%dma_wait3A, %dma_wait3A_60] : memref<128x128xf32, #tpu.memory_space<vmem>> -> memref<128x128xf32, #tpu.memory_space<vmem>>
      %dma_wait3A_62 = arith.constant 0 : i32
      %dma_wait3A_63 = tpu.memref_slice %arg5[%arg0, %add3A_43, %dma_wait3A_62] : memref<2x5120x128xf32, #tpu.memory_space<hbm>> -> memref<1x128x128xf32, #tpu.memory_space<hbm>>
      %dma_wait3A_64 = tpu.memref_squeeze %dma_wait3A_63 : memref<1x128x128xf32, #tpu.memory_space<hbm>> -> memref<128x128xf32, #tpu.memory_space<hbm>>
      %dma_wait3A_65 = arith.constant 0 : i32
      %dma_wait3A_66 = tpu.memref_slice %arg5[%arg0, %add3A_43, %dma_wait3A_65] : memref<2x5120x128xf32, #tpu.memory_space<hbm>> -> memref<1x128x128xf32, #tpu.memory_space<hbm>>
      %dma_wait3A_67 = tpu.memref_squeeze %dma_wait3A_66 : memref<1x128x128xf32, #tpu.memory_space<hbm>> -> memref<128x128xf32, #tpu.memory_space<hbm>>
      %dma_wait3A_68 = arith.constant 0 : i32
      %dma_wait3A_69 = arith.constant 0 : i32
      %dma_wait3A_70 = tpu.memref_slice %arg8[%dma_wait3A_68, %dma_wait3A_69] : memref<128x128xf32, #tpu.memory_space<vmem>> -> memref<128x128xf32, #tpu.memory_space<vmem>>
      tpu.wait_dma2 semaphore(%run_scoped3A : memref<!tpu.dma_semaphore, #tpu.memory_space<semaphore_mem>>) src(%dma_wait3A_70 : memref<128x128xf32, #tpu.memory_space<vmem>>) dst(%dma_wait3A_67 : memref<128x128xf32, #tpu.memory_space<hbm>>)
      tpu.yield
    }) : () -> ()
    %add3A_44 = arith.constant 256 : i32
    %add3A_45 = arith.addi %mul3A_35, %add3A_44 : i32
    "tpu.region"() ({
      %run_scoped3A = tpu.sem_alloc : memref<!tpu.dma_semaphore, #tpu.memory_space<semaphore_mem>>
      %dma_start3A_48 = arith.constant 0 : i32
      %dma_start3A_49 = arith.constant 0 : i32
      %dma_start3A_50 = tpu.memref_slice %arg8[%dma_start3A_48, %dma_start3A_49] : memref<128x128xf32, #tpu.memory_space<vmem>> -> memref<64x128xf32, #tpu.memory_space<vmem>>
      %dma_start3A_51 = arith.constant 0 : i32
      %dma_start3A_52 = tpu.memref_slice %arg10[%add3A_45, %dma_start3A_51] : memref<5248x128xf32, #tpu.memory_space<vmem_shared>> -> memref<64x128xf32, #tpu.memory_space<vmem_shared>>
      %dma_start3A_53 = arith.constant 0 : i32
      %dma_start3A_54 = arith.constant 0 : i32
      %dma_start3A_55 = tpu.memref_slice %arg8[%dma_start3A_53, %dma_start3A_54] : memref<128x128xf32, #tpu.memory_space<vmem>> -> memref<64x128xf32, #tpu.memory_space<vmem>>
      %dma_start3A_56 = arith.constant 0 : i32
      %dma_start3A_57 = tpu.memref_slice %arg10[%add3A_45, %dma_start3A_56] : memref<5248x128xf32, #tpu.memory_space<vmem_shared>> -> memref<64x128xf32, #tpu.memory_space<vmem_shared>>
      tpu.enqueue_dma source(%dma_start3A_57 : memref<64x128xf32, #tpu.memory_space<vmem_shared>>) target(%dma_start3A_55 : memref<64x128xf32, #tpu.memory_space<vmem>>) target_semaphore(%run_scoped3A : memref<!tpu.dma_semaphore, #tpu.memory_space<semaphore_mem>>)
      %dma_wait3A = arith.constant 0 : i32
      %dma_wait3A_58 = arith.constant 0 : i32
      %dma_wait3A_59 = tpu.memref_slice %arg8[%dma_wait3A, %dma_wait3A_58] : memref<128x128xf32, #tpu.memory_space<vmem>> -> memref<64x128xf32, #tpu.memory_space<vmem>>
      %dma_wait3A_60 = arith.constant 0 : i32
      %dma_wait3A_61 = tpu.memref_slice %arg10[%add3A_45, %dma_wait3A_60] : memref<5248x128xf32, #tpu.memory_space<vmem_shared>> -> memref<64x128xf32, #tpu.memory_space<vmem_shared>>
      %dma_wait3A_62 = arith.constant 0 : i32
      %dma_wait3A_63 = arith.constant 0 : i32
      %dma_wait3A_64 = tpu.memref_slice %arg8[%dma_wait3A_62, %dma_wait3A_63] : memref<128x128xf32, #tpu.memory_space<vmem>> -> memref<64x128xf32, #tpu.memory_space<vmem>>
      %dma_wait3A_65 = arith.constant 0 : i32
      %dma_wait3A_66 = tpu.memref_slice %arg10[%add3A_45, %dma_wait3A_65] : memref<5248x128xf32, #tpu.memory_space<vmem_shared>> -> memref<64x128xf32, #tpu.memory_space<vmem_shared>>
      tpu.wait_dma2 semaphore(%run_scoped3A : memref<!tpu.dma_semaphore, #tpu.memory_space<semaphore_mem>>) src(%dma_wait3A_66 : memref<64x128xf32, #tpu.memory_space<vmem_shared>>) dst(%dma_wait3A_64 : memref<64x128xf32, #tpu.memory_space<vmem>>)
      tpu.yield
    }) : () -> ()
    %add3A_46 = arith.constant 256 : i32
    %add3A_47 = arith.addi %mul3A_35, %add3A_46 : i32
    "tpu.region"() ({
      %run_scoped3A = tpu.sem_alloc : memref<!tpu.dma_semaphore, #tpu.memory_space<semaphore_mem>>
      %dma_start3A_48 = arith.constant 0 : i32
      %dma_start3A_49 = arith.constant 0 : i32
      %dma_start3A_50 = tpu.memref_slice %arg8[%dma_start3A_48, %dma_start3A_49] : memref<128x128xf32, #tpu.memory_space<vmem>> -> memref<64x128xf32, #tpu.memory_space<vmem>>
      %dma_start3A_51 = arith.constant 0 : i32
      %dma_start3A_52 = tpu.memref_slice %arg5[%arg0, %add3A_47, %dma_start3A_51] : memref<2x5120x128xf32, #tpu.memory_space<hbm>> -> memref<1x64x128xf32, #tpu.memory_space<hbm>>
      %dma_start3A_53 = tpu.memref_squeeze %dma_start3A_52 : memref<1x64x128xf32, #tpu.memory_space<hbm>> -> memref<64x128xf32, #tpu.memory_space<hbm>>
      %dma_start3A_54 = arith.constant 0 : i32
      %dma_start3A_55 = tpu.memref_slice %arg5[%arg0, %add3A_47, %dma_start3A_54] : memref<2x5120x128xf32, #tpu.memory_space<hbm>> -> memref<1x64x128xf32, #tpu.memory_space<hbm>>
      %dma_start3A_56 = tpu.memref_squeeze %dma_start3A_55 : memref<1x64x128xf32, #tpu.memory_space<hbm>> -> memref<64x128xf32, #tpu.memory_space<hbm>>
      %dma_start3A_57 = arith.constant 0 : i32
      %dma_start3A_58 = arith.constant 0 : i32
      %dma_start3A_59 = tpu.memref_slice %arg8[%dma_start3A_57, %dma_start3A_58] : memref<128x128xf32, #tpu.memory_space<vmem>> -> memref<64x128xf32, #tpu.memory_space<vmem>>
      tpu.enqueue_dma source(%dma_start3A_59 : memref<64x128xf32, #tpu.memory_space<vmem>>) target(%dma_start3A_56 : memref<64x128xf32, #tpu.memory_space<hbm>>) target_semaphore(%run_scoped3A : memref<!tpu.dma_semaphore, #tpu.memory_space<semaphore_mem>>)
      %dma_wait3A = arith.constant 0 : i32
      %dma_wait3A_60 = arith.constant 0 : i32
      %dma_wait3A_61 = tpu.memref_slice %arg8[%dma_wait3A, %dma_wait3A_60] : memref<128x128xf32, #tpu.memory_space<vmem>> -> memref<64x128xf32, #tpu.memory_space<vmem>>
      %dma_wait3A_62 = arith.constant 0 : i32
      %dma_wait3A_63 = tpu.memref_slice %arg5[%arg0, %add3A_47, %dma_wait3A_62] : memref<2x5120x128xf32, #tpu.memory_space<hbm>> -> memref<1x64x128xf32, #tpu.memory_space<hbm>>
      %dma_wait3A_64 = tpu.memref_squeeze %dma_wait3A_63 : memref<1x64x128xf32, #tpu.memory_space<hbm>> -> memref<64x128xf32, #tpu.memory_space<hbm>>
      %dma_wait3A_65 = arith.constant 0 : i32
      %dma_wait3A_66 = tpu.memref_slice %arg5[%arg0, %add3A_47, %dma_wait3A_65] : memref<2x5120x128xf32, #tpu.memory_space<hbm>> -> memref<1x64x128xf32, #tpu.memory_space<hbm>>
      %dma_wait3A_67 = tpu.memref_squeeze %dma_wait3A_66 : memref<1x64x128xf32, #tpu.memory_space<hbm>> -> memref<64x128xf32, #tpu.memory_space<hbm>>
      %dma_wait3A_68 = arith.constant 0 : i32
      %dma_wait3A_69 = arith.constant 0 : i32
      %dma_wait3A_70 = tpu.memref_slice %arg8[%dma_wait3A_68, %dma_wait3A_69] : memref<128x128xf32, #tpu.memory_space<vmem>> -> memref<64x128xf32, #tpu.memory_space<vmem>>
      tpu.wait_dma2 semaphore(%run_scoped3A : memref<!tpu.dma_semaphore, #tpu.memory_space<semaphore_mem>>) src(%dma_wait3A_70 : memref<64x128xf32, #tpu.memory_space<vmem>>) dst(%dma_wait3A_67 : memref<64x128xf32, #tpu.memory_space<hbm>>)
      tpu.yield
    }) : () -> ()
    return
  }
}

#map = affine_map<(d0, d1) -> (0, 0)>
#map1 = affine_map<(d0, d1) -> (0, 0, 0)>
#map2 = affine_map<(d0, d1) -> (0, 0, 0, 0)>
module attributes {stable_mosaic.version = 14 : i64} {
  func.func @_sc_gather_scatter(%arg0: i32, %arg1: i32, %arg2: memref<10240x128xf32, #tpu.memory_space<hbm>>, %arg3: memref<16x158x128xi32, #tpu.memory_space<hbm>>, %arg4: memref<2x16x158x128xi32, #tpu.memory_space<hbm>>, %arg5: memref<2x5120x128xf32, #tpu.memory_space<hbm>>, %arg6: memref<158x128xi32, #tpu.memory_space<vmem>>, %arg7: memref<158x128xi32, #tpu.memory_space<vmem>>, %arg8: memref<128x128xf32, #tpu.memory_space<vmem>>, %arg9: memref<128x128xf32, #tpu.memory_space<vmem>>, %arg10: memref<5248x128xf32, #tpu.memory_space<vmem_shared>>, %arg11: memref<!tpu.dma_semaphore, #tpu.memory_space<semaphore_mem>>, %arg12: memref<!tpu.dma_semaphore, #tpu.memory_space<semaphore_mem>>) attributes {dimension_semantics = [#tpu.dimension_semantics<core_parallel>, #tpu.dimension_semantics<subcore_parallel>], iteration_bounds = array<i64: 2, 16>, scalar_prefetch = 0 : i64, scratch_operands = 7 : i64, tpu.core_type = #tpu.core_type<sc_vector_subcore>, window_params = [{transform_indices = #map}, {transform_indices = #map1}, {transform_indices = #map2}, {transform_indices = #map1}]} {
    "tpu.region"() ({
      %run_scoped3A = tpu.sem_alloc : memref<!tpu.dma_semaphore, #tpu.memory_space<semaphore_mem>>
      %dma_start3A_48 = arith.constant 0 : i32
      %dma_start3A_49 = arith.constant 0 : i32
      %dma_start3A_50 = tpu.memref_slice %arg3[%arg1, %dma_start3A_48, %dma_start3A_49] : memref<16x158x128xi32, #tpu.memory_space<hbm>> -> memref<1x158x128xi32, #tpu.memory_space<hbm>>
      %dma_start3A_51 = tpu.memref_squeeze %dma_start3A_50 : memref<1x158x128xi32, #tpu.memory_space<hbm>> -> memref<158x128xi32, #tpu.memory_space<hbm>>
      %dma_start3A_52 = arith.constant 0 : i32
      %dma_start3A_53 = arith.constant 0 : i32
      %dma_start3A_54 = tpu.memref_slice %arg3[%arg1, %dma_start3A_52, %dma_start3A_53] : memref<16x158x128xi32, #tpu.memory_space<hbm>> -> memref<1x158x128xi32, #tpu.memory_space<hbm>>
      %dma_start3A_55 = tpu.memref_squeeze %dma_start3A_54 : memref<1x158x128xi32, #tpu.memory_space<hbm>> -> memref<158x128xi32, #tpu.memory_space<hbm>>
      tpu.enqueue_dma source(%dma_start3A_55 : memref<158x128xi32, #tpu.memory_space<hbm>>) target(%arg6 : memref<158x128xi32, #tpu.memory_space<vmem>>) target_semaphore(%run_scoped3A : memref<!tpu.dma_semaphore, #tpu.memory_space<semaphore_mem>>)
      %dma_wait3A = arith.constant 0 : i32
      %dma_wait3A_56 = arith.constant 0 : i32
      %dma_wait3A_57 = tpu.memref_slice %arg3[%arg1, %dma_wait3A, %dma_wait3A_56] : memref<16x158x128xi32, #tpu.memory_space<hbm>> -> memref<1x158x128xi32, #tpu.memory_space<hbm>>
      %dma_wait3A_58 = tpu.memref_squeeze %dma_wait3A_57 : memref<1x158x128xi32, #tpu.memory_space<hbm>> -> memref<158x128xi32, #tpu.memory_space<hbm>>
      %dma_wait3A_59 = arith.constant 0 : i32
      %dma_wait3A_60 = arith.constant 0 : i32
      %dma_wait3A_61 = tpu.memref_slice %arg3[%arg1, %dma_wait3A_59, %dma_wait3A_60] : memref<16x158x128xi32, #tpu.memory_space<hbm>> -> memref<1x158x128xi32, #tpu.memory_space<hbm>>
      %dma_wait3A_62 = tpu.memref_squeeze %dma_wait3A_61 : memref<1x158x128xi32, #tpu.memory_space<hbm>> -> memref<158x128xi32, #tpu.memory_space<hbm>>
      tpu.wait_dma2 semaphore(%run_scoped3A : memref<!tpu.dma_semaphore, #tpu.memory_space<semaphore_mem>>) src(%dma_wait3A_62 : memref<158x128xi32, #tpu.memory_space<hbm>>) dst(%arg6 : memref<158x128xi32, #tpu.memory_space<vmem>>)
      tpu.yield
    }) : () -> ()
    "tpu.region"() ({
      %run_scoped3A = tpu.sem_alloc : memref<!tpu.dma_semaphore, #tpu.memory_space<semaphore_mem>>
      %dma_start3A_48 = arith.constant 0 : i32
      %dma_start3A_49 = arith.constant 0 : i32
      %dma_start3A_50 = tpu.memref_slice %arg4[%arg0, %arg1, %dma_start3A_48, %dma_start3A_49] : memref<2x16x158x128xi32, #tpu.memory_space<hbm>> -> memref<1x1x158x128xi32, #tpu.memory_space<hbm>>
      %dma_start3A_51 = tpu.memref_squeeze %dma_start3A_50 : memref<1x1x158x128xi32, #tpu.memory_space<hbm>> -> memref<158x128xi32, #tpu.memory_space<hbm>>
      %dma_start3A_52 = arith.constant 0 : i32
      %dma_start3A_53 = arith.constant 0 : i32
      %dma_start3A_54 = tpu.memref_slice %arg4[%arg0, %arg1, %dma_start3A_52, %dma_start3A_53] : memref<2x16x158x128xi32, #tpu.memory_space<hbm>> -> memref<1x1x158x128xi32, #tpu.memory_space<hbm>>
      %dma_start3A_55 = tpu.memref_squeeze %dma_start3A_54 : memref<1x1x158x128xi32, #tpu.memory_space<hbm>> -> memref<158x128xi32, #tpu.memory_space<hbm>>
      tpu.enqueue_dma source(%dma_start3A_55 : memref<158x128xi32, #tpu.memory_space<hbm>>) target(%arg7 : memref<158x128xi32, #tpu.memory_space<vmem>>) target_semaphore(%run_scoped3A : memref<!tpu.dma_semaphore, #tpu.memory_space<semaphore_mem>>)
      %dma_wait3A = arith.constant 0 : i32
      %dma_wait3A_56 = arith.constant 0 : i32
      %dma_wait3A_57 = tpu.memref_slice %arg4[%arg0, %arg1, %dma_wait3A, %dma_wait3A_56] : memref<2x16x158x128xi32, #tpu.memory_space<hbm>> -> memref<1x1x158x128xi32, #tpu.memory_space<hbm>>
      %dma_wait3A_58 = tpu.memref_squeeze %dma_wait3A_57 : memref<1x1x158x128xi32, #tpu.memory_space<hbm>> -> memref<158x128xi32, #tpu.memory_space<hbm>>
      %dma_wait3A_59 = arith.constant 0 : i32
      %dma_wait3A_60 = arith.constant 0 : i32
      %dma_wait3A_61 = tpu.memref_slice %arg4[%arg0, %arg1, %dma_wait3A_59, %dma_wait3A_60] : memref<2x16x158x128xi32, #tpu.memory_space<hbm>> -> memref<1x1x158x128xi32, #tpu.memory_space<hbm>>
      %dma_wait3A_62 = tpu.memref_squeeze %dma_wait3A_61 : memref<1x1x158x128xi32, #tpu.memory_space<hbm>> -> memref<158x128xi32, #tpu.memory_space<hbm>>
      tpu.wait_dma2 semaphore(%run_scoped3A : memref<!tpu.dma_semaphore, #tpu.memory_space<semaphore_mem>>) src(%dma_wait3A_62 : memref<158x128xi32, #tpu.memory_space<hbm>>) dst(%arg7 : memref<158x128xi32, #tpu.memory_space<vmem>>)
      tpu.yield
    }) : () -> ()
    %broadcast_in_dim3A = arith.constant 0.000000e+00 : f32
    %broadcast_in_dim3A_0 = vector.broadcast %broadcast_in_dim3A : f32 to vector<16xf32>
    %scan3A = arith.constant 0 : i32
    %scan3A_1 = arith.constant 0 : i32
    %scan3A_2 = arith.constant 128 : i32
    %scan3A_3 = arith.addi %scan3A_1, %scan3A_2 : i32
    %scan3A_4 = arith.constant 1 : i32
    %scan3A_5 = scf.for %scan3A_48 = %scan3A_1 to %scan3A_3 step %scan3A_4 iter_args(%scan3A_49 = %scan3A) -> (i32)  : i32 {
      %swap3A = arith.index_cast %scan3A_48 : i32 to index
      %swap3A_50 = arith.constant 0 : index
      %swap3A_51 = tpu.vector_load %arg8[%swap3A, %swap3A_50] {strides = array<i32>} : memref<128x128xf32, #tpu.memory_space<vmem>>, vector<1x16xf32>,
      %swap3A_52 = vector.shape_cast %swap3A_51 : vector<1x16xf32> to vector<16xf32>
      %swap3A_53 = vector.shape_cast %broadcast_in_dim3A_0 : vector<16xf32> to vector<1x16xf32>
      tpu.vector_store %arg8[%swap3A, %swap3A_50], %swap3A_53 {strides = array<i32>} : memref<128x128xf32, #tpu.memory_space<vmem>>, vector<1x16xf32>,
      %swap3A_54 = arith.index_cast %scan3A_48 : i32 to index
      %swap3A_55 = arith.constant 16 : index
      %swap3A_56 = tpu.vector_load %arg8[%swap3A_54, %swap3A_55] {strides = array<i32>} : memref<128x128xf32, #tpu.memory_space<vmem>>, vector<1x16xf32>,
      %swap3A_57 = vector.shape_cast %swap3A_56 : vector<1x16xf32> to vector<16xf32>
      %swap3A_58 = vector.shape_cast %broadcast_in_dim3A_0 : vector<16xf32> to vector<1x16xf32>
      tpu.vector_store %arg8[%swap3A_54, %swap3A_55], %swap3A_58 {strides = array<i32>} : memref<128x128xf32, #tpu.memory_space<vmem>>, vector<1x16xf32>,
      %swap3A_59 = arith.index_cast %scan3A_48 : i32 to index
      %swap3A_60 = arith.constant 32 : index
      %swap3A_61 = tpu.vector_load %arg8[%swap3A_59, %swap3A_60] {strides = array<i32>} : memref<128x128xf32, #tpu.memory_space<vmem>>, vector<1x16xf32>,
      %swap3A_62 = vector.shape_cast %swap3A_61 : vector<1x16xf32> to vector<16xf32>
      %swap3A_63 = vector.shape_cast %broadcast_in_dim3A_0 : vector<16xf32> to vector<1x16xf32>
      tpu.vector_store %arg8[%swap3A_59, %swap3A_60], %swap3A_63 {strides = array<i32>} : memref<128x128xf32, #tpu.memory_space<vmem>>, vector<1x16xf32>,
      %swap3A_64 = arith.index_cast %scan3A_48 : i32 to index
      %swap3A_65 = arith.constant 48 : index
      %swap3A_66 = tpu.vector_load %arg8[%swap3A_64, %swap3A_65] {strides = array<i32>} : memref<128x128xf32, #tpu.memory_space<vmem>>, vector<1x16xf32>,
      %swap3A_67 = vector.shape_cast %swap3A_66 : vector<1x16xf32> to vector<16xf32>
      %swap3A_68 = vector.shape_cast %broadcast_in_dim3A_0 : vector<16xf32> to vector<1x16xf32>
      tpu.vector_store %arg8[%swap3A_64, %swap3A_65], %swap3A_68 {strides = array<i32>} : memref<128x128xf32, #tpu.memory_space<vmem>>, vector<1x16xf32>,
      %swap3A_69 = arith.index_cast %scan3A_48 : i32 to index
      %swap3A_70 = arith.constant 64 : index
      %swap3A_71 = tpu.vector_load %arg8[%swap3A_69, %swap3A_70] {strides = array<i32>} : memref<128x128xf32, #tpu.memory_space<vmem>>, vector<1x16xf32>,
      %swap3A_72 = vector.shape_cast %swap3A_71 : vector<1x16xf32> to vector<16xf32>
      %swap3A_73 = vector.shape_cast %broadcast_in_dim3A_0 : vector<16xf32> to vector<1x16xf32>
      tpu.vector_store %arg8[%swap3A_69, %swap3A_70], %swap3A_73 {strides = array<i32>} : memref<128x128xf32, #tpu.memory_space<vmem>>, vector<1x16xf32>,
      %swap3A_74 = arith.index_cast %scan3A_48 : i32 to index
      %swap3A_75 = arith.constant 80 : index
      %swap3A_76 = tpu.vector_load %arg8[%swap3A_74, %swap3A_75] {strides = array<i32>} : memref<128x128xf32, #tpu.memory_space<vmem>>, vector<1x16xf32>,
      %swap3A_77 = vector.shape_cast %swap3A_76 : vector<1x16xf32> to vector<16xf32>
      %swap3A_78 = vector.shape_cast %broadcast_in_dim3A_0 : vector<16xf32> to vector<1x16xf32>
      tpu.vector_store %arg8[%swap3A_74, %swap3A_75], %swap3A_78 {strides = array<i32>} : memref<128x128xf32, #tpu.memory_space<vmem>>, vector<1x16xf32>,
      %swap3A_79 = arith.index_cast %scan3A_48 : i32 to index
      %swap3A_80 = arith.constant 96 : index
      %swap3A_81 = tpu.vector_load %arg8[%swap3A_79, %swap3A_80] {strides = array<i32>} : memref<128x128xf32, #tpu.memory_space<vmem>>, vector<1x16xf32>,
      %swap3A_82 = vector.shape_cast %swap3A_81 : vector<1x16xf32> to vector<16xf32>
      %swap3A_83 = vector.shape_cast %broadcast_in_dim3A_0 : vector<16xf32> to vector<1x16xf32>
      tpu.vector_store %arg8[%swap3A_79, %swap3A_80], %swap3A_83 {strides = array<i32>} : memref<128x128xf32, #tpu.memory_space<vmem>>, vector<1x16xf32>,
      %swap3A_84 = arith.index_cast %scan3A_48 : i32 to index
      %swap3A_85 = arith.constant 112 : index
      %swap3A_86 = tpu.vector_load %arg8[%swap3A_84, %swap3A_85] {strides = array<i32>} : memref<128x128xf32, #tpu.memory_space<vmem>>, vector<1x16xf32>,
      %swap3A_87 = vector.shape_cast %swap3A_86 : vector<1x16xf32> to vector<16xf32>
      %swap3A_88 = vector.shape_cast %broadcast_in_dim3A_0 : vector<16xf32> to vector<1x16xf32>
      tpu.vector_store %arg8[%swap3A_84, %swap3A_85], %swap3A_88 {strides = array<i32>} : memref<128x128xf32, #tpu.memory_space<vmem>>, vector<1x16xf32>,
      %scan3A_89 = arith.constant 0 : i32
      scf.yield %scan3A_89 : i32
    }
    %scan3A_6 = arith.constant 128 : i32
    %mul3A = arith.constant 328 : i32
    %mul3A_7 = arith.muli %arg1, %mul3A : i32
    %add3A = arith.constant 0 : i32
    %add3A_8 = arith.addi %mul3A_7, %add3A : i32
    "tpu.region"() ({
      %run_scoped3A = tpu.sem_alloc : memref<!tpu.dma_semaphore, #tpu.memory_space<semaphore_mem>>
      %dma_start3A_48 = arith.constant 0 : i32
      %dma_start3A_49 = arith.constant 0 : i32
      %dma_start3A_50 = tpu.memref_slice %arg8[%dma_start3A_48, %dma_start3A_49] : memref<128x128xf32, #tpu.memory_space<vmem>> -> memref<128x128xf32, #tpu.memory_space<vmem>>
      %dma_start3A_51 = arith.constant 0 : i32
      %dma_start3A_52 = tpu.memref_slice %arg10[%add3A_8, %dma_start3A_51] : memref<5248x128xf32, #tpu.memory_space<vmem_shared>> -> memref<128x128xf32, #tpu.memory_space<vmem_shared>>
      %dma_start3A_53 = arith.constant 0 : i32
      %dma_start3A_54 = tpu.memref_slice %arg10[%add3A_8, %dma_start3A_53] : memref<5248x128xf32, #tpu.memory_space<vmem_shared>> -> memref<128x128xf32, #tpu.memory_space<vmem_shared>>
      %dma_start3A_55 = arith.constant 0 : i32
      %dma_start3A_56 = arith.constant 0 : i32
      %dma_start3A_57 = tpu.memref_slice %arg8[%dma_start3A_55, %dma_start3A_56] : memref<128x128xf32, #tpu.memory_space<vmem>> -> memref<128x128xf32, #tpu.memory_space<vmem>>
      tpu.enqueue_dma source(%dma_start3A_57 : memref<128x128xf32, #tpu.memory_space<vmem>>) target(%dma_start3A_54 : memref<128x128xf32, #tpu.memory_space<vmem_shared>>) target_semaphore(%run_scoped3A : memref<!tpu.dma_semaphore, #tpu.memory_space<semaphore_mem>>)
      %dma_wait3A = arith.constant 0 : i32
      %dma_wait3A_58 = arith.constant 0 : i32
      %dma_wait3A_59 = tpu.memref_slice %arg8[%dma_wait3A, %dma_wait3A_58] : memref<128x128xf32, #tpu.memory_space<vmem>> -> memref<128x128xf32, #tpu.memory_space<vmem>>
      %dma_wait3A_60 = arith.constant 0 : i32
      %dma_wait3A_61 = tpu.memref_slice %arg10[%add3A_8, %dma_wait3A_60] : memref<5248x128xf32, #tpu.memory_space<vmem_shared>> -> memref<128x128xf32, #tpu.memory_space<vmem_shared>>
      %dma_wait3A_62 = arith.constant 0 : i32
      %dma_wait3A_63 = tpu.memref_slice %arg10[%add3A_8, %dma_wait3A_62] : memref<5248x128xf32, #tpu.memory_space<vmem_shared>> -> memref<128x128xf32, #tpu.memory_space<vmem_shared>>
      %dma_wait3A_64 = arith.constant 0 : i32
      %dma_wait3A_65 = arith.constant 0 : i32
      %dma_wait3A_66 = tpu.memref_slice %arg8[%dma_wait3A_64, %dma_wait3A_65] : memref<128x128xf32, #tpu.memory_space<vmem>> -> memref<128x128xf32, #tpu.memory_space<vmem>>
      tpu.wait_dma2 semaphore(%run_scoped3A : memref<!tpu.dma_semaphore, #tpu.memory_space<semaphore_mem>>) src(%dma_wait3A_66 : memref<128x128xf32, #tpu.memory_space<vmem>>) dst(%dma_wait3A_63 : memref<128x128xf32, #tpu.memory_space<vmem_shared>>)
      tpu.yield
    }) : () -> ()
    %add3A_9 = arith.constant 128 : i32
    %add3A_10 = arith.addi %mul3A_7, %add3A_9 : i32
    "tpu.region"() ({
      %run_scoped3A = tpu.sem_alloc : memref<!tpu.dma_semaphore, #tpu.memory_space<semaphore_mem>>
      %dma_start3A_48 = arith.constant 0 : i32
      %dma_start3A_49 = arith.constant 0 : i32
      %dma_start3A_50 = tpu.memref_slice %arg8[%dma_start3A_48, %dma_start3A_49] : memref<128x128xf32, #tpu.memory_space<vmem>> -> memref<128x128xf32, #tpu.memory_space<vmem>>
      %dma_start3A_51 = arith.constant 0 : i32
      %dma_start3A_52 = tpu.memref_slice %arg10[%add3A_10, %dma_start3A_51] : memref<5248x128xf32, #tpu.memory_space<vmem_shared>> -> memref<128x128xf32, #tpu.memory_space<vmem_shared>>
      %dma_start3A_53 = arith.constant 0 : i32
      %dma_start3A_54 = tpu.memref_slice %arg10[%add3A_10, %dma_start3A_53] : memref<5248x128xf32, #tpu.memory_space<vmem_shared>> -> memref<128x128xf32, #tpu.memory_space<vmem_shared>>
      %dma_start3A_55 = arith.constant 0 : i32
      %dma_start3A_56 = arith.constant 0 : i32
      %dma_start3A_57 = tpu.memref_slice %arg8[%dma_start3A_55, %dma_start3A_56] : memref<128x128xf32, #tpu.memory_space<vmem>> -> memref<128x128xf32, #tpu.memory_space<vmem>>
      tpu.enqueue_dma source(%dma_start3A_57 : memref<128x128xf32, #tpu.memory_space<vmem>>) target(%dma_start3A_54 : memref<128x128xf32, #tpu.memory_space<vmem_shared>>) target_semaphore(%run_scoped3A : memref<!tpu.dma_semaphore, #tpu.memory_space<semaphore_mem>>)
      %dma_wait3A = arith.constant 0 : i32
      %dma_wait3A_58 = arith.constant 0 : i32
      %dma_wait3A_59 = tpu.memref_slice %arg8[%dma_wait3A, %dma_wait3A_58] : memref<128x128xf32, #tpu.memory_space<vmem>> -> memref<128x128xf32, #tpu.memory_space<vmem>>
      %dma_wait3A_60 = arith.constant 0 : i32
      %dma_wait3A_61 = tpu.memref_slice %arg10[%add3A_10, %dma_wait3A_60] : memref<5248x128xf32, #tpu.memory_space<vmem_shared>> -> memref<128x128xf32, #tpu.memory_space<vmem_shared>>
      %dma_wait3A_62 = arith.constant 0 : i32
      %dma_wait3A_63 = tpu.memref_slice %arg10[%add3A_10, %dma_wait3A_62] : memref<5248x128xf32, #tpu.memory_space<vmem_shared>> -> memref<128x128xf32, #tpu.memory_space<vmem_shared>>
      %dma_wait3A_64 = arith.constant 0 : i32
      %dma_wait3A_65 = arith.constant 0 : i32
      %dma_wait3A_66 = tpu.memref_slice %arg8[%dma_wait3A_64, %dma_wait3A_65] : memref<128x128xf32, #tpu.memory_space<vmem>> -> memref<128x128xf32, #tpu.memory_space<vmem>>
      tpu.wait_dma2 semaphore(%run_scoped3A : memref<!tpu.dma_semaphore, #tpu.memory_space<semaphore_mem>>) src(%dma_wait3A_66 : memref<128x128xf32, #tpu.memory_space<vmem>>) dst(%dma_wait3A_63 : memref<128x128xf32, #tpu.memory_space<vmem_shared>>)
      tpu.yield
    }) : () -> ()
    %add3A_11 = arith.constant 256 : i32
    %add3A_12 = arith.addi %mul3A_7, %add3A_11 : i32
    "tpu.region"() ({
      %run_scoped3A = tpu.sem_alloc : memref<!tpu.dma_semaphore, #tpu.memory_space<semaphore_mem>>
      %dma_start3A_48 = arith.constant 0 : i32
      %dma_start3A_49 = arith.constant 0 : i32
      %dma_start3A_50 = tpu.memref_slice %arg8[%dma_start3A_48, %dma_start3A_49] : memref<128x128xf32, #tpu.memory_space<vmem>> -> memref<72x128xf32, #tpu.memory_space<vmem>>
      %dma_start3A_51 = arith.constant 0 : i32
      %dma_start3A_52 = tpu.memref_slice %arg10[%add3A_12, %dma_start3A_51] : memref<5248x128xf32, #tpu.memory_space<vmem_shared>> -> memref<72x128xf32, #tpu.memory_space<vmem_shared>>
      %dma_start3A_53 = arith.constant 0 : i32
      %dma_start3A_54 = tpu.memref_slice %arg10[%add3A_12, %dma_start3A_53] : memref<5248x128xf32, #tpu.memory_space<vmem_shared>> -> memref<72x128xf32, #tpu.memory_space<vmem_shared>>
      %dma_start3A_55 = arith.constant 0 : i32
      %dma_start3A_56 = arith.constant 0 : i32
      %dma_start3A_57 = tpu.memref_slice %arg8[%dma_start3A_55, %dma_start3A_56] : memref<128x128xf32, #tpu.memory_space<vmem>> -> memref<72x128xf32, #tpu.memory_space<vmem>>
      tpu.enqueue_dma source(%dma_start3A_57 : memref<72x128xf32, #tpu.memory_space<vmem>>) target(%dma_start3A_54 : memref<72x128xf32, #tpu.memory_space<vmem_shared>>) target_semaphore(%run_scoped3A : memref<!tpu.dma_semaphore, #tpu.memory_space<semaphore_mem>>)
      %dma_wait3A = arith.constant 0 : i32
      %dma_wait3A_58 = arith.constant 0 : i32
      %dma_wait3A_59 = tpu.memref_slice %arg8[%dma_wait3A, %dma_wait3A_58] : memref<128x128xf32, #tpu.memory_space<vmem>> -> memref<72x128xf32, #tpu.memory_space<vmem>>
      %dma_wait3A_60 = arith.constant 0 : i32
      %dma_wait3A_61 = tpu.memref_slice %arg10[%add3A_12, %dma_wait3A_60] : memref<5248x128xf32, #tpu.memory_space<vmem_shared>> -> memref<72x128xf32, #tpu.memory_space<vmem_shared>>
      %dma_wait3A_62 = arith.constant 0 : i32
      %dma_wait3A_63 = tpu.memref_slice %arg10[%add3A_12, %dma_wait3A_62] : memref<5248x128xf32, #tpu.memory_space<vmem_shared>> -> memref<72x128xf32, #tpu.memory_space<vmem_shared>>
      %dma_wait3A_64 = arith.constant 0 : i32
      %dma_wait3A_65 = arith.constant 0 : i32
      %dma_wait3A_66 = tpu.memref_slice %arg8[%dma_wait3A_64, %dma_wait3A_65] : memref<128x128xf32, #tpu.memory_space<vmem>> -> memref<72x128xf32, #tpu.memory_space<vmem>>
      tpu.wait_dma2 semaphore(%run_scoped3A : memref<!tpu.dma_semaphore, #tpu.memory_space<semaphore_mem>>) src(%dma_wait3A_66 : memref<72x128xf32, #tpu.memory_space<vmem>>) dst(%dma_wait3A_63 : memref<72x128xf32, #tpu.memory_space<vmem_shared>>)
      tpu.yield
    }) : () -> ()
    %barrier3A = arith.constant 0 : index
    tpu.barrier barrier_id(%barrier3A)
    %dma_start3A = arith.constant 0 : i32
    %dma_start3A_13 = arith.constant 0 : i32
    %dma_start3A_14 = tpu.memref_slice %arg6[%dma_start3A, %dma_start3A_13] : memref<158x128xi32, #tpu.memory_space<vmem>> -> memref<1x128xi32, #tpu.memory_space<vmem>>
    %dma_start3A_15 = tpu.memref_squeeze %dma_start3A_14 : memref<1x128xi32, #tpu.memory_space<vmem>> -> memref<128xi32, #tpu.memory_space<vmem>>
    %dma_start3A_16 = arith.constant 0 : i32
    %dma_start3A_17 = arith.constant 0 : i32
    %dma_start3A_18 = tpu.memref_slice %arg2[%dma_start3A_16, %dma_start3A_17] : memref<10240x128xf32, #tpu.memory_space<hbm>> -> memref<10240x128xf32, #tpu.memory_space<hbm>>
    tpu.enqueue_indirect_dma source(%dma_start3A_18 : memref<10240x128xf32, #tpu.memory_space<hbm>>) target(%arg8 : memref<128x128xf32, #tpu.memory_space<vmem>>) offsets(%dma_start3A_15 : memref<128xi32, #tpu.memory_space<vmem>>) semaphore(%arg11 : memref<!tpu.dma_semaphore, #tpu.memory_space<semaphore_mem>>)
    %dma_start3A_19 = arith.constant 1 : i32
    %dma_start3A_20 = arith.constant 0 : i32
    %dma_start3A_21 = tpu.memref_slice %arg6[%dma_start3A_19, %dma_start3A_20] : memref<158x128xi32, #tpu.memory_space<vmem>> -> memref<1x128xi32, #tpu.memory_space<vmem>>
    %dma_start3A_22 = tpu.memref_squeeze %dma_start3A_21 : memref<1x128xi32, #tpu.memory_space<vmem>> -> memref<128xi32, #tpu.memory_space<vmem>>
    %dma_start3A_23 = arith.constant 0 : i32
    %dma_start3A_24 = arith.constant 0 : i32
    %dma_start3A_25 = tpu.memref_slice %arg2[%dma_start3A_23, %dma_start3A_24] : memref<10240x128xf32, #tpu.memory_space<hbm>> -> memref<10240x128xf32, #tpu.memory_space<hbm>>
    tpu.enqueue_indirect_dma source(%dma_start3A_25 : memref<10240x128xf32, #tpu.memory_space<hbm>>) target(%arg9 : memref<128x128xf32, #tpu.memory_space<vmem>>) offsets(%dma_start3A_22 : memref<128xi32, #tpu.memory_space<vmem>>) semaphore(%arg12 : memref<!tpu.dma_semaphore, #tpu.memory_space<semaphore_mem>>)
    %scan3A_26 = arith.constant 0 : i32
    %scan3A_27 = arith.constant 0 : i32
    %scan3A_28 = arith.constant 79 : i32
    %scan3A_29 = arith.addi %scan3A_27, %scan3A_28 : i32
    %scan3A_30 = arith.constant 1 : i32
    %scan3A_31 = scf.for %scan3A_48 = %scan3A_27 to %scan3A_29 step %scan3A_30 iter_args(%scan3A_49 = %scan3A_26) -> (i32)  : i32 {
      %mul3A_50 = arith.constant 2 : i32
      %mul3A_51 = arith.muli %scan3A_48, %mul3A_50 : i32
      %add3A_52 = arith.constant 0 : i32
      %add3A_53 = arith.addi %mul3A_51, %add3A_52 : i32
      %dma_wait3A = arith.constant 0 : i32
      %dma_wait3A_54 = tpu.memref_slice %arg6[%add3A_53, %dma_wait3A] : memref<158x128xi32, #tpu.memory_space<vmem>> -> memref<1x128xi32, #tpu.memory_space<vmem>>
      %dma_wait3A_55 = tpu.memref_squeeze %dma_wait3A_54 : memref<1x128xi32, #tpu.memory_space<vmem>> -> memref<128xi32, #tpu.memory_space<vmem>>
      %dma_wait3A_56 = arith.constant 0 : i32
      %dma_wait3A_57 = arith.constant 0 : i32
      %dma_wait3A_58 = tpu.memref_slice %arg2[%dma_wait3A_56, %dma_wait3A_57] : memref<10240x128xf32, #tpu.memory_space<hbm>> -> memref<10240x128xf32, #tpu.memory_space<hbm>>
      tpu.wait_indirect_dma semaphore(%arg11 : memref<!tpu.dma_semaphore, #tpu.memory_space<semaphore_mem>>) src(%dma_wait3A_58 : memref<10240x128xf32, #tpu.memory_space<hbm>>) dst(%arg8 : memref<128x128xf32, #tpu.memory_space<vmem>>)
      "tpu.region"() ({
        %run_scoped3A = tpu.sem_alloc : memref<!tpu.dma_semaphore, #tpu.memory_space<semaphore_mem>>
        %dma_start3A_81 = arith.constant 0 : i32
        %dma_start3A_82 = tpu.memref_slice %arg7[%add3A_53, %dma_start3A_81] : memref<158x128xi32, #tpu.memory_space<vmem>> -> memref<1x128xi32, #tpu.memory_space<vmem>>
        %dma_start3A_83 = tpu.memref_squeeze %dma_start3A_82 : memref<1x128xi32, #tpu.memory_space<vmem>> -> memref<128xi32, #tpu.memory_space<vmem>>
        %dma_start3A_84 = arith.constant 0 : i32
        %dma_start3A_85 = arith.constant 0 : i32
        %dma_start3A_86 = tpu.memref_slice %arg10[%dma_start3A_84, %dma_start3A_85] : memref<5248x128xf32, #tpu.memory_space<vmem_shared>> -> memref<5248x128xf32, #tpu.memory_space<vmem_shared>>
        tpu.enqueue_indirect_dma source(%arg8 : memref<128x128xf32, #tpu.memory_space<vmem>>) target(%dma_start3A_86 : memref<5248x128xf32, #tpu.memory_space<vmem_shared>>) offsets(%dma_start3A_83 : memref<128xi32, #tpu.memory_space<vmem>>) semaphore(%run_scoped3A : memref<!tpu.dma_semaphore, #tpu.memory_space<semaphore_mem>>) {add = true}
        %dma_wait3A_87 = arith.constant 0 : i32
        %dma_wait3A_88 = tpu.memref_slice %arg7[%add3A_53, %dma_wait3A_87] : memref<158x128xi32, #tpu.memory_space<vmem>> -> memref<1x128xi32, #tpu.memory_space<vmem>>
        %dma_wait3A_89 = tpu.memref_squeeze %dma_wait3A_88 : memref<1x128xi32, #tpu.memory_space<vmem>> -> memref<128xi32, #tpu.memory_space<vmem>>
        %dma_wait3A_90 = arith.constant 0 : i32
        %dma_wait3A_91 = arith.constant 0 : i32
        %dma_wait3A_92 = tpu.memref_slice %arg10[%dma_wait3A_90, %dma_wait3A_91] : memref<5248x128xf32, #tpu.memory_space<vmem_shared>> -> memref<5248x128xf32, #tpu.memory_space<vmem_shared>>
        tpu.wait_indirect_dma semaphore(%run_scoped3A : memref<!tpu.dma_semaphore, #tpu.memory_space<semaphore_mem>>) src(%arg8 : memref<128x128xf32, #tpu.memory_space<vmem>>) dst(%dma_wait3A_92 : memref<5248x128xf32, #tpu.memory_space<vmem_shared>>)
        tpu.yield
      }) : () -> ()
      %add3A_59 = arith.constant 2 : i32
      %add3A_60 = arith.addi %add3A_53, %add3A_59 : i32
      %lt3A = arith.constant 158 : i32
      %lt3A_61 = arith.cmpi slt, %add3A_60, %lt3A : i32
      %convert_element_type3A = arith.extui %lt3A_61 : i1 to i32
      %cond3A = arith.constant 0 : i32
      %cond3A_62 = arith.cmpi ne, %convert_element_type3A, %cond3A : i32
      scf.if %cond3A_62 {
        %add3A_81 = arith.constant 2 : i32
        %add3A_82 = arith.addi %add3A_53, %add3A_81 : i32
        %dma_start3A_83 = arith.constant 0 : i32
        %dma_start3A_84 = tpu.memref_slice %arg6[%add3A_82, %dma_start3A_83] : memref<158x128xi32, #tpu.memory_space<vmem>> -> memref<1x128xi32, #tpu.memory_space<vmem>>
        %dma_start3A_85 = tpu.memref_squeeze %dma_start3A_84 : memref<1x128xi32, #tpu.memory_space<vmem>> -> memref<128xi32, #tpu.memory_space<vmem>>
        %dma_start3A_86 = arith.constant 0 : i32
        %dma_start3A_87 = arith.constant 0 : i32
        %dma_start3A_88 = tpu.memref_slice %arg2[%dma_start3A_86, %dma_start3A_87] : memref<10240x128xf32, #tpu.memory_space<hbm>> -> memref<10240x128xf32, #tpu.memory_space<hbm>>
        tpu.enqueue_indirect_dma source(%dma_start3A_88 : memref<10240x128xf32, #tpu.memory_space<hbm>>) target(%arg8 : memref<128x128xf32, #tpu.memory_space<vmem>>) offsets(%dma_start3A_85 : memref<128xi32, #tpu.memory_space<vmem>>) semaphore(%arg11 : memref<!tpu.dma_semaphore, #tpu.memory_space<semaphore_mem>>)
      } else {
      }
      %mul3A_63 = arith.constant 2 : i32
      %mul3A_64 = arith.muli %scan3A_48, %mul3A_63 : i32
      %add3A_65 = arith.constant 1 : i32
      %add3A_66 = arith.addi %mul3A_64, %add3A_65 : i32
      %dma_wait3A_67 = arith.constant 0 : i32
      %dma_wait3A_68 = tpu.memref_slice %arg6[%add3A_66, %dma_wait3A_67] : memref<158x128xi32, #tpu.memory_space<vmem>> -> memref<1x128xi32, #tpu.memory_space<vmem>>
      %dma_wait3A_69 = tpu.memref_squeeze %dma_wait3A_68 : memref<1x128xi32, #tpu.memory_space<vmem>> -> memref<128xi32, #tpu.memory_space<vmem>>
      %dma_wait3A_70 = arith.constant 0 : i32
      %dma_wait3A_71 = arith.constant 0 : i32
      %dma_wait3A_72 = tpu.memref_slice %arg2[%dma_wait3A_70, %dma_wait3A_71] : memref<10240x128xf32, #tpu.memory_space<hbm>> -> memref<10240x128xf32, #tpu.memory_space<hbm>>
      tpu.wait_indirect_dma semaphore(%arg12 : memref<!tpu.dma_semaphore, #tpu.memory_space<semaphore_mem>>) src(%dma_wait3A_72 : memref<10240x128xf32, #tpu.memory_space<hbm>>) dst(%arg9 : memref<128x128xf32, #tpu.memory_space<vmem>>)
      "tpu.region"() ({
        %run_scoped3A = tpu.sem_alloc : memref<!tpu.dma_semaphore, #tpu.memory_space<semaphore_mem>>
        %dma_start3A_81 = arith.constant 0 : i32
        %dma_start3A_82 = tpu.memref_slice %arg7[%add3A_66, %dma_start3A_81] : memref<158x128xi32, #tpu.memory_space<vmem>> -> memref<1x128xi32, #tpu.memory_space<vmem>>
        %dma_start3A_83 = tpu.memref_squeeze %dma_start3A_82 : memref<1x128xi32, #tpu.memory_space<vmem>> -> memref<128xi32, #tpu.memory_space<vmem>>
        %dma_start3A_84 = arith.constant 0 : i32
        %dma_start3A_85 = arith.constant 0 : i32
        %dma_start3A_86 = tpu.memref_slice %arg10[%dma_start3A_84, %dma_start3A_85] : memref<5248x128xf32, #tpu.memory_space<vmem_shared>> -> memref<5248x128xf32, #tpu.memory_space<vmem_shared>>
        tpu.enqueue_indirect_dma source(%arg9 : memref<128x128xf32, #tpu.memory_space<vmem>>) target(%dma_start3A_86 : memref<5248x128xf32, #tpu.memory_space<vmem_shared>>) offsets(%dma_start3A_83 : memref<128xi32, #tpu.memory_space<vmem>>) semaphore(%run_scoped3A : memref<!tpu.dma_semaphore, #tpu.memory_space<semaphore_mem>>) {add = true}
        %dma_wait3A_87 = arith.constant 0 : i32
        %dma_wait3A_88 = tpu.memref_slice %arg7[%add3A_66, %dma_wait3A_87] : memref<158x128xi32, #tpu.memory_space<vmem>> -> memref<1x128xi32, #tpu.memory_space<vmem>>
        %dma_wait3A_89 = tpu.memref_squeeze %dma_wait3A_88 : memref<1x128xi32, #tpu.memory_space<vmem>> -> memref<128xi32, #tpu.memory_space<vmem>>
        %dma_wait3A_90 = arith.constant 0 : i32
        %dma_wait3A_91 = arith.constant 0 : i32
        %dma_wait3A_92 = tpu.memref_slice %arg10[%dma_wait3A_90, %dma_wait3A_91] : memref<5248x128xf32, #tpu.memory_space<vmem_shared>> -> memref<5248x128xf32, #tpu.memory_space<vmem_shared>>
        tpu.wait_indirect_dma semaphore(%run_scoped3A : memref<!tpu.dma_semaphore, #tpu.memory_space<semaphore_mem>>) src(%arg9 : memref<128x128xf32, #tpu.memory_space<vmem>>) dst(%dma_wait3A_92 : memref<5248x128xf32, #tpu.memory_space<vmem_shared>>)
        tpu.yield
      }) : () -> ()
      %add3A_73 = arith.constant 2 : i32
      %add3A_74 = arith.addi %add3A_66, %add3A_73 : i32
      %lt3A_75 = arith.constant 158 : i32
      %lt3A_76 = arith.cmpi slt, %add3A_74, %lt3A_75 : i32
      %convert_element_type3A_77 = arith.extui %lt3A_76 : i1 to i32
      %cond3A_78 = arith.constant 0 : i32
      %cond3A_79 = arith.cmpi ne, %convert_element_type3A_77, %cond3A_78 : i32
      scf.if %cond3A_79 {
        %add3A_81 = arith.constant 2 : i32
        %add3A_82 = arith.addi %add3A_66, %add3A_81 : i32
        %dma_start3A_83 = arith.constant 0 : i32
        %dma_start3A_84 = tpu.memref_slice %arg6[%add3A_82, %dma_start3A_83] : memref<158x128xi32, #tpu.memory_space<vmem>> -> memref<1x128xi32, #tpu.memory_space<vmem>>
        %dma_start3A_85 = tpu.memref_squeeze %dma_start3A_84 : memref<1x128xi32, #tpu.memory_space<vmem>> -> memref<128xi32, #tpu.memory_space<vmem>>
        %dma_start3A_86 = arith.constant 0 : i32
        %dma_start3A_87 = arith.constant 0 : i32
        %dma_start3A_88 = tpu.memref_slice %arg2[%dma_start3A_86, %dma_start3A_87] : memref<10240x128xf32, #tpu.memory_space<hbm>> -> memref<10240x128xf32, #tpu.memory_space<hbm>>
        tpu.enqueue_indirect_dma source(%dma_start3A_88 : memref<10240x128xf32, #tpu.memory_space<hbm>>) target(%arg9 : memref<128x128xf32, #tpu.memory_space<vmem>>) offsets(%dma_start3A_85 : memref<128xi32, #tpu.memory_space<vmem>>) semaphore(%arg12 : memref<!tpu.dma_semaphore, #tpu.memory_space<semaphore_mem>>)
      } else {
      }
      %scan3A_80 = arith.constant 0 : i32
      scf.yield %scan3A_80 : i32
    }
    %scan3A_32 = arith.constant 79 : i32
    %barrier3A_33 = arith.constant 0 : index
    tpu.barrier barrier_id(%barrier3A_33)
    %mul3A_34 = arith.constant 320 : i32
    %mul3A_35 = arith.muli %arg1, %mul3A_34 : i32
    %add3A_36 = arith.constant 0 : i32
    %add3A_37 = arith.addi %mul3A_35, %add3A_36 : i32
    "tpu.region"() ({
      %run_scoped3A = tpu.sem_alloc : memref<!tpu.dma_semaphore, #tpu.memory_space<semaphore_mem>>
      %dma_start3A_48 = arith.constant 0 : i32
      %dma_start3A_49 = arith.constant 0 : i32
      %dma_start3A_50 = tpu.memref_slice %arg8[%dma_start3A_48, %dma_start3A_49] : memref<128x128xf32, #tpu.memory_space<vmem>> -> memref<128x128xf32, #tpu.memory_space<vmem>>
      %dma_start3A_51 = arith.constant 0 : i32
      %dma_start3A_52 = tpu.memref_slice %arg10[%add3A_37, %dma_start3A_51] : memref<5248x128xf32, #tpu.memory_space<vmem_shared>> -> memref<128x128xf32, #tpu.memory_space<vmem_shared>>
      %dma_start3A_53 = arith.constant 0 : i32
      %dma_start3A_54 = arith.constant 0 : i32
      %dma_start3A_55 = tpu.memref_slice %arg8[%dma_start3A_53, %dma_start3A_54] : memref<128x128xf32, #tpu.memory_space<vmem>> -> memref<128x128xf32, #tpu.memory_space<vmem>>
      %dma_start3A_56 = arith.constant 0 : i32
      %dma_start3A_57 = tpu.memref_slice %arg10[%add3A_37, %dma_start3A_56] : memref<5248x128xf32, #tpu.memory_space<vmem_shared>> -> memref<128x128xf32, #tpu.memory_space<vmem_shared>>
      tpu.enqueue_dma source(%dma_start3A_57 : memref<128x128xf32, #tpu.memory_space<vmem_shared>>) target(%dma_start3A_55 : memref<128x128xf32, #tpu.memory_space<vmem>>) target_semaphore(%run_scoped3A : memref<!tpu.dma_semaphore, #tpu.memory_space<semaphore_mem>>)
      %dma_wait3A = arith.constant 0 : i32
      %dma_wait3A_58 = arith.constant 0 : i32
      %dma_wait3A_59 = tpu.memref_slice %arg8[%dma_wait3A, %dma_wait3A_58] : memref<128x128xf32, #tpu.memory_space<vmem>> -> memref<128x128xf32, #tpu.memory_space<vmem>>
      %dma_wait3A_60 = arith.constant 0 : i32
      %dma_wait3A_61 = tpu.memref_slice %arg10[%add3A_37, %dma_wait3A_60] : memref<5248x128xf32, #tpu.memory_space<vmem_shared>> -> memref<128x128xf32, #tpu.memory_space<vmem_shared>>
      %dma_wait3A_62 = arith.constant 0 : i32
      %dma_wait3A_63 = arith.constant 0 : i32
      %dma_wait3A_64 = tpu.memref_slice %arg8[%dma_wait3A_62, %dma_wait3A_63] : memref<128x128xf32, #tpu.memory_space<vmem>> -> memref<128x128xf32, #tpu.memory_space<vmem>>
      %dma_wait3A_65 = arith.constant 0 : i32
      %dma_wait3A_66 = tpu.memref_slice %arg10[%add3A_37, %dma_wait3A_65] : memref<5248x128xf32, #tpu.memory_space<vmem_shared>> -> memref<128x128xf32, #tpu.memory_space<vmem_shared>>
      tpu.wait_dma2 semaphore(%run_scoped3A : memref<!tpu.dma_semaphore, #tpu.memory_space<semaphore_mem>>) src(%dma_wait3A_66 : memref<128x128xf32, #tpu.memory_space<vmem_shared>>) dst(%dma_wait3A_64 : memref<128x128xf32, #tpu.memory_space<vmem>>)
      tpu.yield
    }) : () -> ()
    %add3A_38 = arith.constant 0 : i32
    %add3A_39 = arith.addi %mul3A_35, %add3A_38 : i32
    "tpu.region"() ({
      %run_scoped3A = tpu.sem_alloc : memref<!tpu.dma_semaphore, #tpu.memory_space<semaphore_mem>>
      %dma_start3A_48 = arith.constant 0 : i32
      %dma_start3A_49 = arith.constant 0 : i32
      %dma_start3A_50 = tpu.memref_slice %arg8[%dma_start3A_48, %dma_start3A_49] : memref<128x128xf32, #tpu.memory_space<vmem>> -> memref<128x128xf32, #tpu.memory_space<vmem>>
      %dma_start3A_51 = arith.constant 0 : i32
      %dma_start3A_52 = tpu.memref_slice %arg5[%arg0, %add3A_39, %dma_start3A_51] : memref<2x5120x128xf32, #tpu.memory_space<hbm>> -> memref<1x128x128xf32, #tpu.memory_space<hbm>>
      %dma_start3A_53 = tpu.memref_squeeze %dma_start3A_52 : memref<1x128x128xf32, #tpu.memory_space<hbm>> -> memref<128x128xf32, #tpu.memory_space<hbm>>
      %dma_start3A_54 = arith.constant 0 : i32
      %dma_start3A_55 = tpu.memref_slice %arg5[%arg0, %add3A_39, %dma_start3A_54] : memref<2x5120x128xf32, #tpu.memory_space<hbm>> -> memref<1x128x128xf32, #tpu.memory_space<hbm>>
      %dma_start3A_56 = tpu.memref_squeeze %dma_start3A_55 : memref<1x128x128xf32, #tpu.memory_space<hbm>> -> memref<128x128xf32, #tpu.memory_space<hbm>>
      %dma_start3A_57 = arith.constant 0 : i32
      %dma_start3A_58 = arith.constant 0 : i32
      %dma_start3A_59 = tpu.memref_slice %arg8[%dma_start3A_57, %dma_start3A_58] : memref<128x128xf32, #tpu.memory_space<vmem>> -> memref<128x128xf32, #tpu.memory_space<vmem>>
      tpu.enqueue_dma source(%dma_start3A_59 : memref<128x128xf32, #tpu.memory_space<vmem>>) target(%dma_start3A_56 : memref<128x128xf32, #tpu.memory_space<hbm>>) target_semaphore(%run_scoped3A : memref<!tpu.dma_semaphore, #tpu.memory_space<semaphore_mem>>)
      %dma_wait3A = arith.constant 0 : i32
      %dma_wait3A_60 = arith.constant 0 : i32
      %dma_wait3A_61 = tpu.memref_slice %arg8[%dma_wait3A, %dma_wait3A_60] : memref<128x128xf32, #tpu.memory_space<vmem>> -> memref<128x128xf32, #tpu.memory_space<vmem>>
      %dma_wait3A_62 = arith.constant 0 : i32
      %dma_wait3A_63 = tpu.memref_slice %arg5[%arg0, %add3A_39, %dma_wait3A_62] : memref<2x5120x128xf32, #tpu.memory_space<hbm>> -> memref<1x128x128xf32, #tpu.memory_space<hbm>>
      %dma_wait3A_64 = tpu.memref_squeeze %dma_wait3A_63 : memref<1x128x128xf32, #tpu.memory_space<hbm>> -> memref<128x128xf32, #tpu.memory_space<hbm>>
      %dma_wait3A_65 = arith.constant 0 : i32
      %dma_wait3A_66 = tpu.memref_slice %arg5[%arg0, %add3A_39, %dma_wait3A_65] : memref<2x5120x128xf32, #tpu.memory_space<hbm>> -> memref<1x128x128xf32, #tpu.memory_space<hbm>>
      %dma_wait3A_67 = tpu.memref_squeeze %dma_wait3A_66 : memref<1x128x128xf32, #tpu.memory_space<hbm>> -> memref<128x128xf32, #tpu.memory_space<hbm>>
      %dma_wait3A_68 = arith.constant 0 : i32
      %dma_wait3A_69 = arith.constant 0 : i32
      %dma_wait3A_70 = tpu.memref_slice %arg8[%dma_wait3A_68, %dma_wait3A_69] : memref<128x128xf32, #tpu.memory_space<vmem>> -> memref<128x128xf32, #tpu.memory_space<vmem>>
      tpu.wait_dma2 semaphore(%run_scoped3A : memref<!tpu.dma_semaphore, #tpu.memory_space<semaphore_mem>>) src(%dma_wait3A_70 : memref<128x128xf32, #tpu.memory_space<vmem>>) dst(%dma_wait3A_67 : memref<128x128xf32, #tpu.memory_space<hbm>>)
      tpu.yield
    }) : () -> ()
    %add3A_40 = arith.constant 128 : i32
    %add3A_41 = arith.addi %mul3A_35, %add3A_40 : i32
    "tpu.region"() ({
      %run_scoped3A = tpu.sem_alloc : memref<!tpu.dma_semaphore, #tpu.memory_space<semaphore_mem>>
      %dma_start3A_48 = arith.constant 0 : i32
      %dma_start3A_49 = arith.constant 0 : i32
      %dma_start3A_50 = tpu.memref_slice %arg8[%dma_start3A_48, %dma_start3A_49] : memref<128x128xf32, #tpu.memory_space<vmem>> -> memref<128x128xf32, #tpu.memory_space<vmem>>
      %dma_start3A_51 = arith.constant 0 : i32
      %dma_start3A_52 = tpu.memref_slice %arg10[%add3A_41, %dma_start3A_51] : memref<5248x128xf32, #tpu.memory_space<vmem_shared>> -> memref<128x128xf32, #tpu.memory_space<vmem_shared>>
      %dma_start3A_53 = arith.constant 0 : i32
      %dma_start3A_54 = arith.constant 0 : i32
      %dma_start3A_55 = tpu.memref_slice %arg8[%dma_start3A_53, %dma_start3A_54] : memref<128x128xf32, #tpu.memory_space<vmem>> -> memref<128x128xf32, #tpu.memory_space<vmem>>
      %dma_start3A_56 = arith.constant 0 : i32
      %dma_start3A_57 = tpu.memref_slice %arg10[%add3A_41, %dma_start3A_56] : memref<5248x128xf32, #tpu.memory_space<vmem_shared>> -> memref<128x128xf32, #tpu.memory_space<vmem_shared>>
      tpu.enqueue_dma source(%dma_start3A_57 : memref<128x128xf32, #tpu.memory_space<vmem_shared>>) target(%dma_start3A_55 : memref<128x128xf32, #tpu.memory_space<vmem>>) target_semaphore(%run_scoped3A : memref<!tpu.dma_semaphore, #tpu.memory_space<semaphore_mem>>)
      %dma_wait3A = arith.constant 0 : i32
      %dma_wait3A_58 = arith.constant 0 : i32
      %dma_wait3A_59 = tpu.memref_slice %arg8[%dma_wait3A, %dma_wait3A_58] : memref<128x128xf32, #tpu.memory_space<vmem>> -> memref<128x128xf32, #tpu.memory_space<vmem>>
      %dma_wait3A_60 = arith.constant 0 : i32
      %dma_wait3A_61 = tpu.memref_slice %arg10[%add3A_41, %dma_wait3A_60] : memref<5248x128xf32, #tpu.memory_space<vmem_shared>> -> memref<128x128xf32, #tpu.memory_space<vmem_shared>>
      %dma_wait3A_62 = arith.constant 0 : i32
      %dma_wait3A_63 = arith.constant 0 : i32
      %dma_wait3A_64 = tpu.memref_slice %arg8[%dma_wait3A_62, %dma_wait3A_63] : memref<128x128xf32, #tpu.memory_space<vmem>> -> memref<128x128xf32, #tpu.memory_space<vmem>>
      %dma_wait3A_65 = arith.constant 0 : i32
      %dma_wait3A_66 = tpu.memref_slice %arg10[%add3A_41, %dma_wait3A_65] : memref<5248x128xf32, #tpu.memory_space<vmem_shared>> -> memref<128x128xf32, #tpu.memory_space<vmem_shared>>
      tpu.wait_dma2 semaphore(%run_scoped3A : memref<!tpu.dma_semaphore, #tpu.memory_space<semaphore_mem>>) src(%dma_wait3A_66 : memref<128x128xf32, #tpu.memory_space<vmem_shared>>) dst(%dma_wait3A_64 : memref<128x128xf32, #tpu.memory_space<vmem>>)
      tpu.yield
    }) : () -> ()
    %add3A_42 = arith.constant 128 : i32
    %add3A_43 = arith.addi %mul3A_35, %add3A_42 : i32
    "tpu.region"() ({
      %run_scoped3A = tpu.sem_alloc : memref<!tpu.dma_semaphore, #tpu.memory_space<semaphore_mem>>
      %dma_start3A_48 = arith.constant 0 : i32
      %dma_start3A_49 = arith.constant 0 : i32
      %dma_start3A_50 = tpu.memref_slice %arg8[%dma_start3A_48, %dma_start3A_49] : memref<128x128xf32, #tpu.memory_space<vmem>> -> memref<128x128xf32, #tpu.memory_space<vmem>>
      %dma_start3A_51 = arith.constant 0 : i32
      %dma_start3A_52 = tpu.memref_slice %arg5[%arg0, %add3A_43, %dma_start3A_51] : memref<2x5120x128xf32, #tpu.memory_space<hbm>> -> memref<1x128x128xf32, #tpu.memory_space<hbm>>
      %dma_start3A_53 = tpu.memref_squeeze %dma_start3A_52 : memref<1x128x128xf32, #tpu.memory_space<hbm>> -> memref<128x128xf32, #tpu.memory_space<hbm>>
      %dma_start3A_54 = arith.constant 0 : i32
      %dma_start3A_55 = tpu.memref_slice %arg5[%arg0, %add3A_43, %dma_start3A_54] : memref<2x5120x128xf32, #tpu.memory_space<hbm>> -> memref<1x128x128xf32, #tpu.memory_space<hbm>>
      %dma_start3A_56 = tpu.memref_squeeze %dma_start3A_55 : memref<1x128x128xf32, #tpu.memory_space<hbm>> -> memref<128x128xf32, #tpu.memory_space<hbm>>
      %dma_start3A_57 = arith.constant 0 : i32
      %dma_start3A_58 = arith.constant 0 : i32
      %dma_start3A_59 = tpu.memref_slice %arg8[%dma_start3A_57, %dma_start3A_58] : memref<128x128xf32, #tpu.memory_space<vmem>> -> memref<128x128xf32, #tpu.memory_space<vmem>>
      tpu.enqueue_dma source(%dma_start3A_59 : memref<128x128xf32, #tpu.memory_space<vmem>>) target(%dma_start3A_56 : memref<128x128xf32, #tpu.memory_space<hbm>>) target_semaphore(%run_scoped3A : memref<!tpu.dma_semaphore, #tpu.memory_space<semaphore_mem>>)
      %dma_wait3A = arith.constant 0 : i32
      %dma_wait3A_60 = arith.constant 0 : i32
      %dma_wait3A_61 = tpu.memref_slice %arg8[%dma_wait3A, %dma_wait3A_60] : memref<128x128xf32, #tpu.memory_space<vmem>> -> memref<128x128xf32, #tpu.memory_space<vmem>>
      %dma_wait3A_62 = arith.constant 0 : i32
      %dma_wait3A_63 = tpu.memref_slice %arg5[%arg0, %add3A_43, %dma_wait3A_62] : memref<2x5120x128xf32, #tpu.memory_space<hbm>> -> memref<1x128x128xf32, #tpu.memory_space<hbm>>
      %dma_wait3A_64 = tpu.memref_squeeze %dma_wait3A_63 : memref<1x128x128xf32, #tpu.memory_space<hbm>> -> memref<128x128xf32, #tpu.memory_space<hbm>>
      %dma_wait3A_65 = arith.constant 0 : i32
      %dma_wait3A_66 = tpu.memref_slice %arg5[%arg0, %add3A_43, %dma_wait3A_65] : memref<2x5120x128xf32, #tpu.memory_space<hbm>> -> memref<1x128x128xf32, #tpu.memory_space<hbm>>
      %dma_wait3A_67 = tpu.memref_squeeze %dma_wait3A_66 : memref<1x128x128xf32, #tpu.memory_space<hbm>> -> memref<128x128xf32, #tpu.memory_space<hbm>>
      %dma_wait3A_68 = arith.constant 0 : i32
      %dma_wait3A_69 = arith.constant 0 : i32
      %dma_wait3A_70 = tpu.memref_slice %arg8[%dma_wait3A_68, %dma_wait3A_69] : memref<128x128xf32, #tpu.memory_space<vmem>> -> memref<128x128xf32, #tpu.memory_space<vmem>>
      tpu.wait_dma2 semaphore(%run_scoped3A : memref<!tpu.dma_semaphore, #tpu.memory_space<semaphore_mem>>) src(%dma_wait3A_70 : memref<128x128xf32, #tpu.memory_space<vmem>>) dst(%dma_wait3A_67 : memref<128x128xf32, #tpu.memory_space<hbm>>)
      tpu.yield
    }) : () -> ()
    %add3A_44 = arith.constant 256 : i32
    %add3A_45 = arith.addi %mul3A_35, %add3A_44 : i32
    "tpu.region"() ({
      %run_scoped3A = tpu.sem_alloc : memref<!tpu.dma_semaphore, #tpu.memory_space<semaphore_mem>>
      %dma_start3A_48 = arith.constant 0 : i32
      %dma_start3A_49 = arith.constant 0 : i32
      %dma_start3A_50 = tpu.memref_slice %arg8[%dma_start3A_48, %dma_start3A_49] : memref<128x128xf32, #tpu.memory_space<vmem>> -> memref<64x128xf32, #tpu.memory_space<vmem>>
      %dma_start3A_51 = arith.constant 0 : i32
      %dma_start3A_52 = tpu.memref_slice %arg10[%add3A_45, %dma_start3A_51] : memref<5248x128xf32, #tpu.memory_space<vmem_shared>> -> memref<64x128xf32, #tpu.memory_space<vmem_shared>>
      %dma_start3A_53 = arith.constant 0 : i32
      %dma_start3A_54 = arith.constant 0 : i32
      %dma_start3A_55 = tpu.memref_slice %arg8[%dma_start3A_53, %dma_start3A_54] : memref<128x128xf32, #tpu.memory_space<vmem>> -> memref<64x128xf32, #tpu.memory_space<vmem>>
      %dma_start3A_56 = arith.constant 0 : i32
      %dma_start3A_57 = tpu.memref_slice %arg10[%add3A_45, %dma_start3A_56] : memref<5248x128xf32, #tpu.memory_space<vmem_shared>> -> memref<64x128xf32, #tpu.memory_space<vmem_shared>>
      tpu.enqueue_dma source(%dma_start3A_57 : memref<64x128xf32, #tpu.memory_space<vmem_shared>>) target(%dma_start3A_55 : memref<64x128xf32, #tpu.memory_space<vmem>>) target_semaphore(%run_scoped3A : memref<!tpu.dma_semaphore, #tpu.memory_space<semaphore_mem>>)
      %dma_wait3A = arith.constant 0 : i32
      %dma_wait3A_58 = arith.constant 0 : i32
      %dma_wait3A_59 = tpu.memref_slice %arg8[%dma_wait3A, %dma_wait3A_58] : memref<128x128xf32, #tpu.memory_space<vmem>> -> memref<64x128xf32, #tpu.memory_space<vmem>>
      %dma_wait3A_60 = arith.constant 0 : i32
      %dma_wait3A_61 = tpu.memref_slice %arg10[%add3A_45, %dma_wait3A_60] : memref<5248x128xf32, #tpu.memory_space<vmem_shared>> -> memref<64x128xf32, #tpu.memory_space<vmem_shared>>
      %dma_wait3A_62 = arith.constant 0 : i32
      %dma_wait3A_63 = arith.constant 0 : i32
      %dma_wait3A_64 = tpu.memref_slice %arg8[%dma_wait3A_62, %dma_wait3A_63] : memref<128x128xf32, #tpu.memory_space<vmem>> -> memref<64x128xf32, #tpu.memory_space<vmem>>
      %dma_wait3A_65 = arith.constant 0 : i32
      %dma_wait3A_66 = tpu.memref_slice %arg10[%add3A_45, %dma_wait3A_65] : memref<5248x128xf32, #tpu.memory_space<vmem_shared>> -> memref<64x128xf32, #tpu.memory_space<vmem_shared>>
      tpu.wait_dma2 semaphore(%run_scoped3A : memref<!tpu.dma_semaphore, #tpu.memory_space<semaphore_mem>>) src(%dma_wait3A_66 : memref<64x128xf32, #tpu.memory_space<vmem_shared>>) dst(%dma_wait3A_64 : memref<64x128xf32, #tpu.memory_space<vmem>>)
      tpu.yield
    }) : () -> ()
    %add3A_46 = arith.constant 256 : i32
    %add3A_47 = arith.addi %mul3A_35, %add3A_46 : i32
    "tpu.region"() ({
      %run_scoped3A = tpu.sem_alloc : memref<!tpu.dma_semaphore, #tpu.memory_space<semaphore_mem>>
      %dma_start3A_48 = arith.constant 0 : i32
      %dma_start3A_49 = arith.constant 0 : i32
      %dma_start3A_50 = tpu.memref_slice %arg8[%dma_start3A_48, %dma_start3A_49] : memref<128x128xf32, #tpu.memory_space<vmem>> -> memref<64x128xf32, #tpu.memory_space<vmem>>
      %dma_start3A_51 = arith.constant 0 : i32
      %dma_start3A_52 = tpu.memref_slice %arg5[%arg0, %add3A_47, %dma_start3A_51] : memref<2x5120x128xf32, #tpu.memory_space<hbm>> -> memref<1x64x128xf32, #tpu.memory_space<hbm>>
      %dma_start3A_53 = tpu.memref_squeeze %dma_start3A_52 : memref<1x64x128xf32, #tpu.memory_space<hbm>> -> memref<64x128xf32, #tpu.memory_space<hbm>>
      %dma_start3A_54 = arith.constant 0 : i32
      %dma_start3A_55 = tpu.memref_slice %arg5[%arg0, %add3A_47, %dma_start3A_54] : memref<2x5120x128xf32, #tpu.memory_space<hbm>> -> memref<1x64x128xf32, #tpu.memory_space<hbm>>
      %dma_start3A_56 = tpu.memref_squeeze %dma_start3A_55 : memref<1x64x128xf32, #tpu.memory_space<hbm>> -> memref<64x128xf32, #tpu.memory_space<hbm>>
      %dma_start3A_57 = arith.constant 0 : i32
      %dma_start3A_58 = arith.constant 0 : i32
      %dma_start3A_59 = tpu.memref_slice %arg8[%dma_start3A_57, %dma_start3A_58] : memref<128x128xf32, #tpu.memory_space<vmem>> -> memref<64x128xf32, #tpu.memory_space<vmem>>
      tpu.enqueue_dma source(%dma_start3A_59 : memref<64x128xf32, #tpu.memory_space<vmem>>) target(%dma_start3A_56 : memref<64x128xf32, #tpu.memory_space<hbm>>) target_semaphore(%run_scoped3A : memref<!tpu.dma_semaphore, #tpu.memory_space<semaphore_mem>>)
      %dma_wait3A = arith.constant 0 : i32
      %dma_wait3A_60 = arith.constant 0 : i32
      %dma_wait3A_61 = tpu.memref_slice %arg8[%dma_wait3A, %dma_wait3A_60] : memref<128x128xf32, #tpu.memory_space<vmem>> -> memref<64x128xf32, #tpu.memory_space<vmem>>
      %dma_wait3A_62 = arith.constant 0 : i32
      %dma_wait3A_63 = tpu.memref_slice %arg5[%arg0, %add3A_47, %dma_wait3A_62] : memref<2x5120x128xf32, #tpu.memory_space<hbm>> -> memref<1x64x128xf32, #tpu.memory_space<hbm>>
      %dma_wait3A_64 = tpu.memref_squeeze %dma_wait3A_63 : memref<1x64x128xf32, #tpu.memory_space<hbm>> -> memref<64x128xf32, #tpu.memory_space<hbm>>
      %dma_wait3A_65 = arith.constant 0 : i32
      %dma_wait3A_66 = tpu.memref_slice %arg5[%arg0, %add3A_47, %dma_wait3A_65] : memref<2x5120x128xf32, #tpu.memory_space<hbm>> -> memref<1x64x128xf32, #tpu.memory_space<hbm>>
      %dma_wait3A_67 = tpu.memref_squeeze %dma_wait3A_66 : memref<1x64x128xf32, #tpu.memory_space<hbm>> -> memref<64x128xf32, #tpu.memory_space<hbm>>
      %dma_wait3A_68 = arith.constant 0 : i32
      %dma_wait3A_69 = arith.constant 0 : i32
      %dma_wait3A_70 = tpu.memref_slice %arg8[%dma_wait3A_68, %dma_wait3A_69] : memref<128x128xf32, #tpu.memory_space<vmem>> -> memref<64x128xf32, #tpu.memory_space<vmem>>
      tpu.wait_dma2 semaphore(%run_scoped3A : memref<!tpu.dma_semaphore, #tpu.memory_space<semaphore_mem>>) src(%dma_wait3A_70 : memref<64x128xf32, #tpu.memory_space<vmem>>) dst(%dma_wait3A_67 : memref<64x128xf32, #tpu.memory_space<hbm>>)
      tpu.yield
    }) : () -> ()
    return
  }
}

#map = affine_map<(d0, d1) -> (0, 0)>
#map1 = affine_map<(d0, d1) -> (0, 0, 0)>
#map2 = affine_map<(d0, d1) -> (0, 0, 0, 0)>
module attributes {stable_mosaic.version = 14 : i64} {
  func.func @_sc_gather_scatter(%arg0: i32, %arg1: i32, %arg2: memref<10240x128xf32, #tpu.memory_space<hbm>>, %arg3: memref<16x158x128xi32, #tpu.memory_space<hbm>>, %arg4: memref<2x16x158x128xi32, #tpu.memory_space<hbm>>, %arg5: memref<2x5120x128xf32, #tpu.memory_space<hbm>>, %arg6: memref<158x128xi32, #tpu.memory_space<vmem>>, %arg7: memref<158x128xi32, #tpu.memory_space<vmem>>, %arg8: memref<128x128xf32, #tpu.memory_space<vmem>>, %arg9: memref<128x128xf32, #tpu.memory_space<vmem>>, %arg10: memref<5248x128xf32, #tpu.memory_space<vmem_shared>>, %arg11: memref<!tpu.dma_semaphore, #tpu.memory_space<semaphore_mem>>, %arg12: memref<!tpu.dma_semaphore, #tpu.memory_space<semaphore_mem>>) attributes {dimension_semantics = [#tpu.dimension_semantics<core_parallel>, #tpu.dimension_semantics<subcore_parallel>], iteration_bounds = array<i64: 2, 16>, scalar_prefetch = 0 : i64, scratch_operands = 7 : i64, tpu.core_type = #tpu.core_type<sc_vector_subcore>, window_params = [{transform_indices = #map}, {transform_indices = #map1}, {transform_indices = #map2}, {transform_indices = #map1}]} {
    "tpu.region"() ({
      %run_scoped3A = tpu.sem_alloc : memref<!tpu.dma_semaphore, #tpu.memory_space<semaphore_mem>>
      %dma_start3A_48 = arith.constant 0 : i32
      %dma_start3A_49 = arith.constant 0 : i32
      %dma_start3A_50 = tpu.memref_slice %arg3[%arg1, %dma_start3A_48, %dma_start3A_49] : memref<16x158x128xi32, #tpu.memory_space<hbm>> -> memref<1x158x128xi32, #tpu.memory_space<hbm>>
      %dma_start3A_51 = tpu.memref_squeeze %dma_start3A_50 : memref<1x158x128xi32, #tpu.memory_space<hbm>> -> memref<158x128xi32, #tpu.memory_space<hbm>>
      %dma_start3A_52 = arith.constant 0 : i32
      %dma_start3A_53 = arith.constant 0 : i32
      %dma_start3A_54 = tpu.memref_slice %arg3[%arg1, %dma_start3A_52, %dma_start3A_53] : memref<16x158x128xi32, #tpu.memory_space<hbm>> -> memref<1x158x128xi32, #tpu.memory_space<hbm>>
      %dma_start3A_55 = tpu.memref_squeeze %dma_start3A_54 : memref<1x158x128xi32, #tpu.memory_space<hbm>> -> memref<158x128xi32, #tpu.memory_space<hbm>>
      tpu.enqueue_dma source(%dma_start3A_55 : memref<158x128xi32, #tpu.memory_space<hbm>>) target(%arg6 : memref<158x128xi32, #tpu.memory_space<vmem>>) target_semaphore(%run_scoped3A : memref<!tpu.dma_semaphore, #tpu.memory_space<semaphore_mem>>)
      %dma_wait3A = arith.constant 0 : i32
      %dma_wait3A_56 = arith.constant 0 : i32
      %dma_wait3A_57 = tpu.memref_slice %arg3[%arg1, %dma_wait3A, %dma_wait3A_56] : memref<16x158x128xi32, #tpu.memory_space<hbm>> -> memref<1x158x128xi32, #tpu.memory_space<hbm>>
      %dma_wait3A_58 = tpu.memref_squeeze %dma_wait3A_57 : memref<1x158x128xi32, #tpu.memory_space<hbm>> -> memref<158x128xi32, #tpu.memory_space<hbm>>
      %dma_wait3A_59 = arith.constant 0 : i32
      %dma_wait3A_60 = arith.constant 0 : i32
      %dma_wait3A_61 = tpu.memref_slice %arg3[%arg1, %dma_wait3A_59, %dma_wait3A_60] : memref<16x158x128xi32, #tpu.memory_space<hbm>> -> memref<1x158x128xi32, #tpu.memory_space<hbm>>
      %dma_wait3A_62 = tpu.memref_squeeze %dma_wait3A_61 : memref<1x158x128xi32, #tpu.memory_space<hbm>> -> memref<158x128xi32, #tpu.memory_space<hbm>>
      tpu.wait_dma2 semaphore(%run_scoped3A : memref<!tpu.dma_semaphore, #tpu.memory_space<semaphore_mem>>) src(%dma_wait3A_62 : memref<158x128xi32, #tpu.memory_space<hbm>>) dst(%arg6 : memref<158x128xi32, #tpu.memory_space<vmem>>)
      tpu.yield
    }) : () -> ()
    "tpu.region"() ({
      %run_scoped3A = tpu.sem_alloc : memref<!tpu.dma_semaphore, #tpu.memory_space<semaphore_mem>>
      %dma_start3A_48 = arith.constant 0 : i32
      %dma_start3A_49 = arith.constant 0 : i32
      %dma_start3A_50 = tpu.memref_slice %arg4[%arg0, %arg1, %dma_start3A_48, %dma_start3A_49] : memref<2x16x158x128xi32, #tpu.memory_space<hbm>> -> memref<1x1x158x128xi32, #tpu.memory_space<hbm>>
      %dma_start3A_51 = tpu.memref_squeeze %dma_start3A_50 : memref<1x1x158x128xi32, #tpu.memory_space<hbm>> -> memref<158x128xi32, #tpu.memory_space<hbm>>
      %dma_start3A_52 = arith.constant 0 : i32
      %dma_start3A_53 = arith.constant 0 : i32
      %dma_start3A_54 = tpu.memref_slice %arg4[%arg0, %arg1, %dma_start3A_52, %dma_start3A_53] : memref<2x16x158x128xi32, #tpu.memory_space<hbm>> -> memref<1x1x158x128xi32, #tpu.memory_space<hbm>>
      %dma_start3A_55 = tpu.memref_squeeze %dma_start3A_54 : memref<1x1x158x128xi32, #tpu.memory_space<hbm>> -> memref<158x128xi32, #tpu.memory_space<hbm>>
      tpu.enqueue_dma source(%dma_start3A_55 : memref<158x128xi32, #tpu.memory_space<hbm>>) target(%arg7 : memref<158x128xi32, #tpu.memory_space<vmem>>) target_semaphore(%run_scoped3A : memref<!tpu.dma_semaphore, #tpu.memory_space<semaphore_mem>>)
      %dma_wait3A = arith.constant 0 : i32
      %dma_wait3A_56 = arith.constant 0 : i32
      %dma_wait3A_57 = tpu.memref_slice %arg4[%arg0, %arg1, %dma_wait3A, %dma_wait3A_56] : memref<2x16x158x128xi32, #tpu.memory_space<hbm>> -> memref<1x1x158x128xi32, #tpu.memory_space<hbm>>
      %dma_wait3A_58 = tpu.memref_squeeze %dma_wait3A_57 : memref<1x1x158x128xi32, #tpu.memory_space<hbm>> -> memref<158x128xi32, #tpu.memory_space<hbm>>
      %dma_wait3A_59 = arith.constant 0 : i32
      %dma_wait3A_60 = arith.constant 0 : i32
      %dma_wait3A_61 = tpu.memref_slice %arg4[%arg0, %arg1, %dma_wait3A_59, %dma_wait3A_60] : memref<2x16x158x128xi32, #tpu.memory_space<hbm>> -> memref<1x1x158x128xi32, #tpu.memory_space<hbm>>
      %dma_wait3A_62 = tpu.memref_squeeze %dma_wait3A_61 : memref<1x1x158x128xi32, #tpu.memory_space<hbm>> -> memref<158x128xi32, #tpu.memory_space<hbm>>
      tpu.wait_dma2 semaphore(%run_scoped3A : memref<!tpu.dma_semaphore, #tpu.memory_space<semaphore_mem>>) src(%dma_wait3A_62 : memref<158x128xi32, #tpu.memory_space<hbm>>) dst(%arg7 : memref<158x128xi32, #tpu.memory_space<vmem>>)
      tpu.yield
    }) : () -> ()
    %broadcast_in_dim3A = arith.constant 0.000000e+00 : f32
    %broadcast_in_dim3A_0 = vector.broadcast %broadcast_in_dim3A : f32 to vector<16xf32>
    %scan3A = arith.constant 0 : i32
    %scan3A_1 = arith.constant 0 : i32
    %scan3A_2 = arith.constant 128 : i32
    %scan3A_3 = arith.addi %scan3A_1, %scan3A_2 : i32
    %scan3A_4 = arith.constant 1 : i32
    %scan3A_5 = scf.for %scan3A_48 = %scan3A_1 to %scan3A_3 step %scan3A_4 iter_args(%scan3A_49 = %scan3A) -> (i32)  : i32 {
      %swap3A = arith.index_cast %scan3A_48 : i32 to index
      %swap3A_50 = arith.constant 0 : index
      %swap3A_51 = tpu.vector_load %arg8[%swap3A, %swap3A_50] {strides = array<i32>} : memref<128x128xf32, #tpu.memory_space<vmem>>, vector<1x16xf32>,
      %swap3A_52 = vector.shape_cast %swap3A_51 : vector<1x16xf32> to vector<16xf32>
      %swap3A_53 = vector.shape_cast %broadcast_in_dim3A_0 : vector<16xf32> to vector<1x16xf32>
      tpu.vector_store %arg8[%swap3A, %swap3A_50], %swap3A_53 {strides = array<i32>} : memref<128x128xf32, #tpu.memory_space<vmem>>, vector<1x16xf32>,
      %swap3A_54 = arith.index_cast %scan3A_48 : i32 to index
      %swap3A_55 = arith.constant 16 : index
      %swap3A_56 = tpu.vector_load %arg8[%swap3A_54, %swap3A_55] {strides = array<i32>} : memref<128x128xf32, #tpu.memory_space<vmem>>, vector<1x16xf32>,
      %swap3A_57 = vector.shape_cast %swap3A_56 : vector<1x16xf32> to vector<16xf32>
      %swap3A_58 = vector.shape_cast %broadcast_in_dim3A_0 : vector<16xf32> to vector<1x16xf32>
      tpu.vector_store %arg8[%swap3A_54, %swap3A_55], %swap3A_58 {strides = array<i32>} : memref<128x128xf32, #tpu.memory_space<vmem>>, vector<1x16xf32>,
      %swap3A_59 = arith.index_cast %scan3A_48 : i32 to index
      %swap3A_60 = arith.constant 32 : index
      %swap3A_61 = tpu.vector_load %arg8[%swap3A_59, %swap3A_60] {strides = array<i32>} : memref<128x128xf32, #tpu.memory_space<vmem>>, vector<1x16xf32>,
      %swap3A_62 = vector.shape_cast %swap3A_61 : vector<1x16xf32> to vector<16xf32>
      %swap3A_63 = vector.shape_cast %broadcast_in_dim3A_0 : vector<16xf32> to vector<1x16xf32>
      tpu.vector_store %arg8[%swap3A_59, %swap3A_60], %swap3A_63 {strides = array<i32>} : memref<128x128xf32, #tpu.memory_space<vmem>>, vector<1x16xf32>,
      %swap3A_64 = arith.index_cast %scan3A_48 : i32 to index
      %swap3A_65 = arith.constant 48 : index
      %swap3A_66 = tpu.vector_load %arg8[%swap3A_64, %swap3A_65] {strides = array<i32>} : memref<128x128xf32, #tpu.memory_space<vmem>>, vector<1x16xf32>,
      %swap3A_67 = vector.shape_cast %swap3A_66 : vector<1x16xf32> to vector<16xf32>
      %swap3A_68 = vector.shape_cast %broadcast_in_dim3A_0 : vector<16xf32> to vector<1x16xf32>
      tpu.vector_store %arg8[%swap3A_64, %swap3A_65], %swap3A_68 {strides = array<i32>} : memref<128x128xf32, #tpu.memory_space<vmem>>, vector<1x16xf32>,
      %swap3A_69 = arith.index_cast %scan3A_48 : i32 to index
      %swap3A_70 = arith.constant 64 : index
      %swap3A_71 = tpu.vector_load %arg8[%swap3A_69, %swap3A_70] {strides = array<i32>} : memref<128x128xf32, #tpu.memory_space<vmem>>, vector<1x16xf32>,
      %swap3A_72 = vector.shape_cast %swap3A_71 : vector<1x16xf32> to vector<16xf32>
      %swap3A_73 = vector.shape_cast %broadcast_in_dim3A_0 : vector<16xf32> to vector<1x16xf32>
      tpu.vector_store %arg8[%swap3A_69, %swap3A_70], %swap3A_73 {strides = array<i32>} : memref<128x128xf32, #tpu.memory_space<vmem>>, vector<1x16xf32>,
      %swap3A_74 = arith.index_cast %scan3A_48 : i32 to index
      %swap3A_75 = arith.constant 80 : index
      %swap3A_76 = tpu.vector_load %arg8[%swap3A_74, %swap3A_75] {strides = array<i32>} : memref<128x128xf32, #tpu.memory_space<vmem>>, vector<1x16xf32>,
      %swap3A_77 = vector.shape_cast %swap3A_76 : vector<1x16xf32> to vector<16xf32>
      %swap3A_78 = vector.shape_cast %broadcast_in_dim3A_0 : vector<16xf32> to vector<1x16xf32>
      tpu.vector_store %arg8[%swap3A_74, %swap3A_75], %swap3A_78 {strides = array<i32>} : memref<128x128xf32, #tpu.memory_space<vmem>>, vector<1x16xf32>,
      %swap3A_79 = arith.index_cast %scan3A_48 : i32 to index
      %swap3A_80 = arith.constant 96 : index
      %swap3A_81 = tpu.vector_load %arg8[%swap3A_79, %swap3A_80] {strides = array<i32>} : memref<128x128xf32, #tpu.memory_space<vmem>>, vector<1x16xf32>,
      %swap3A_82 = vector.shape_cast %swap3A_81 : vector<1x16xf32> to vector<16xf32>
      %swap3A_83 = vector.shape_cast %broadcast_in_dim3A_0 : vector<16xf32> to vector<1x16xf32>
      tpu.vector_store %arg8[%swap3A_79, %swap3A_80], %swap3A_83 {strides = array<i32>} : memref<128x128xf32, #tpu.memory_space<vmem>>, vector<1x16xf32>,
      %swap3A_84 = arith.index_cast %scan3A_48 : i32 to index
      %swap3A_85 = arith.constant 112 : index
      %swap3A_86 = tpu.vector_load %arg8[%swap3A_84, %swap3A_85] {strides = array<i32>} : memref<128x128xf32, #tpu.memory_space<vmem>>, vector<1x16xf32>,
      %swap3A_87 = vector.shape_cast %swap3A_86 : vector<1x16xf32> to vector<16xf32>
      %swap3A_88 = vector.shape_cast %broadcast_in_dim3A_0 : vector<16xf32> to vector<1x16xf32>
      tpu.vector_store %arg8[%swap3A_84, %swap3A_85], %swap3A_88 {strides = array<i32>} : memref<128x128xf32, #tpu.memory_space<vmem>>, vector<1x16xf32>,
      %scan3A_89 = arith.constant 0 : i32
      scf.yield %scan3A_89 : i32
    }
    %scan3A_6 = arith.constant 128 : i32
    %mul3A = arith.constant 328 : i32
    %mul3A_7 = arith.muli %arg1, %mul3A : i32
    %add3A = arith.constant 0 : i32
    %add3A_8 = arith.addi %mul3A_7, %add3A : i32
    "tpu.region"() ({
      %run_scoped3A = tpu.sem_alloc : memref<!tpu.dma_semaphore, #tpu.memory_space<semaphore_mem>>
      %dma_start3A_48 = arith.constant 0 : i32
      %dma_start3A_49 = arith.constant 0 : i32
      %dma_start3A_50 = tpu.memref_slice %arg8[%dma_start3A_48, %dma_start3A_49] : memref<128x128xf32, #tpu.memory_space<vmem>> -> memref<128x128xf32, #tpu.memory_space<vmem>>
      %dma_start3A_51 = arith.constant 0 : i32
      %dma_start3A_52 = tpu.memref_slice %arg10[%add3A_8, %dma_start3A_51] : memref<5248x128xf32, #tpu.memory_space<vmem_shared>> -> memref<128x128xf32, #tpu.memory_space<vmem_shared>>
      %dma_start3A_53 = arith.constant 0 : i32
      %dma_start3A_54 = tpu.memref_slice %arg10[%add3A_8, %dma_start3A_53] : memref<5248x128xf32, #tpu.memory_space<vmem_shared>> -> memref<128x128xf32, #tpu.memory_space<vmem_shared>>
      %dma_start3A_55 = arith.constant 0 : i32
      %dma_start3A_56 = arith.constant 0 : i32
      %dma_start3A_57 = tpu.memref_slice %arg8[%dma_start3A_55, %dma_start3A_56] : memref<128x128xf32, #tpu.memory_space<vmem>> -> memref<128x128xf32, #tpu.memory_space<vmem>>
      tpu.enqueue_dma source(%dma_start3A_57 : memref<128x128xf32, #tpu.memory_space<vmem>>) target(%dma_start3A_54 : memref<128x128xf32, #tpu.memory_space<vmem_shared>>) target_semaphore(%run_scoped3A : memref<!tpu.dma_semaphore, #tpu.memory_space<semaphore_mem>>)
      %dma_wait3A = arith.constant 0 : i32
      %dma_wait3A_58 = arith.constant 0 : i32
      %dma_wait3A_59 = tpu.memref_slice %arg8[%dma_wait3A, %dma_wait3A_58] : memref<128x128xf32, #tpu.memory_space<vmem>> -> memref<128x128xf32, #tpu.memory_space<vmem>>
      %dma_wait3A_60 = arith.constant 0 : i32
      %dma_wait3A_61 = tpu.memref_slice %arg10[%add3A_8, %dma_wait3A_60] : memref<5248x128xf32, #tpu.memory_space<vmem_shared>> -> memref<128x128xf32, #tpu.memory_space<vmem_shared>>
      %dma_wait3A_62 = arith.constant 0 : i32
      %dma_wait3A_63 = tpu.memref_slice %arg10[%add3A_8, %dma_wait3A_62] : memref<5248x128xf32, #tpu.memory_space<vmem_shared>> -> memref<128x128xf32, #tpu.memory_space<vmem_shared>>
      %dma_wait3A_64 = arith.constant 0 : i32
      %dma_wait3A_65 = arith.constant 0 : i32
      %dma_wait3A_66 = tpu.memref_slice %arg8[%dma_wait3A_64, %dma_wait3A_65] : memref<128x128xf32, #tpu.memory_space<vmem>> -> memref<128x128xf32, #tpu.memory_space<vmem>>
      tpu.wait_dma2 semaphore(%run_scoped3A : memref<!tpu.dma_semaphore, #tpu.memory_space<semaphore_mem>>) src(%dma_wait3A_66 : memref<128x128xf32, #tpu.memory_space<vmem>>) dst(%dma_wait3A_63 : memref<128x128xf32, #tpu.memory_space<vmem_shared>>)
      tpu.yield
    }) : () -> ()
    %add3A_9 = arith.constant 128 : i32
    %add3A_10 = arith.addi %mul3A_7, %add3A_9 : i32
    "tpu.region"() ({
      %run_scoped3A = tpu.sem_alloc : memref<!tpu.dma_semaphore, #tpu.memory_space<semaphore_mem>>
      %dma_start3A_48 = arith.constant 0 : i32
      %dma_start3A_49 = arith.constant 0 : i32
      %dma_start3A_50 = tpu.memref_slice %arg8[%dma_start3A_48, %dma_start3A_49] : memref<128x128xf32, #tpu.memory_space<vmem>> -> memref<128x128xf32, #tpu.memory_space<vmem>>
      %dma_start3A_51 = arith.constant 0 : i32
      %dma_start3A_52 = tpu.memref_slice %arg10[%add3A_10, %dma_start3A_51] : memref<5248x128xf32, #tpu.memory_space<vmem_shared>> -> memref<128x128xf32, #tpu.memory_space<vmem_shared>>
      %dma_start3A_53 = arith.constant 0 : i32
      %dma_start3A_54 = tpu.memref_slice %arg10[%add3A_10, %dma_start3A_53] : memref<5248x128xf32, #tpu.memory_space<vmem_shared>> -> memref<128x128xf32, #tpu.memory_space<vmem_shared>>
      %dma_start3A_55 = arith.constant 0 : i32
      %dma_start3A_56 = arith.constant 0 : i32
      %dma_start3A_57 = tpu.memref_slice %arg8[%dma_start3A_55, %dma_start3A_56] : memref<128x128xf32, #tpu.memory_space<vmem>> -> memref<128x128xf32, #tpu.memory_space<vmem>>
      tpu.enqueue_dma source(%dma_start3A_57 : memref<128x128xf32, #tpu.memory_space<vmem>>) target(%dma_start3A_54 : memref<128x128xf32, #tpu.memory_space<vmem_shared>>) target_semaphore(%run_scoped3A : memref<!tpu.dma_semaphore, #tpu.memory_space<semaphore_mem>>)
      %dma_wait3A = arith.constant 0 : i32
      %dma_wait3A_58 = arith.constant 0 : i32
      %dma_wait3A_59 = tpu.memref_slice %arg8[%dma_wait3A, %dma_wait3A_58] : memref<128x128xf32, #tpu.memory_space<vmem>> -> memref<128x128xf32, #tpu.memory_space<vmem>>
      %dma_wait3A_60 = arith.constant 0 : i32
      %dma_wait3A_61 = tpu.memref_slice %arg10[%add3A_10, %dma_wait3A_60] : memref<5248x128xf32, #tpu.memory_space<vmem_shared>> -> memref<128x128xf32, #tpu.memory_space<vmem_shared>>
      %dma_wait3A_62 = arith.constant 0 : i32
      %dma_wait3A_63 = tpu.memref_slice %arg10[%add3A_10, %dma_wait3A_62] : memref<5248x128xf32, #tpu.memory_space<vmem_shared>> -> memref<128x128xf32, #tpu.memory_space<vmem_shared>>
      %dma_wait3A_64 = arith.constant 0 : i32
      %dma_wait3A_65 = arith.constant 0 : i32
      %dma_wait3A_66 = tpu.memref_slice %arg8[%dma_wait3A_64, %dma_wait3A_65] : memref<128x128xf32, #tpu.memory_space<vmem>> -> memref<128x128xf32, #tpu.memory_space<vmem>>
      tpu.wait_dma2 semaphore(%run_scoped3A : memref<!tpu.dma_semaphore, #tpu.memory_space<semaphore_mem>>) src(%dma_wait3A_66 : memref<128x128xf32, #tpu.memory_space<vmem>>) dst(%dma_wait3A_63 : memref<128x128xf32, #tpu.memory_space<vmem_shared>>)
      tpu.yield
    }) : () -> ()
    %add3A_11 = arith.constant 256 : i32
    %add3A_12 = arith.addi %mul3A_7, %add3A_11 : i32
    "tpu.region"() ({
      %run_scoped3A = tpu.sem_alloc : memref<!tpu.dma_semaphore, #tpu.memory_space<semaphore_mem>>
      %dma_start3A_48 = arith.constant 0 : i32
      %dma_start3A_49 = arith.constant 0 : i32
      %dma_start3A_50 = tpu.memref_slice %arg8[%dma_start3A_48, %dma_start3A_49] : memref<128x128xf32, #tpu.memory_space<vmem>> -> memref<72x128xf32, #tpu.memory_space<vmem>>
      %dma_start3A_51 = arith.constant 0 : i32
      %dma_start3A_52 = tpu.memref_slice %arg10[%add3A_12, %dma_start3A_51] : memref<5248x128xf32, #tpu.memory_space<vmem_shared>> -> memref<72x128xf32, #tpu.memory_space<vmem_shared>>
      %dma_start3A_53 = arith.constant 0 : i32
      %dma_start3A_54 = tpu.memref_slice %arg10[%add3A_12, %dma_start3A_53] : memref<5248x128xf32, #tpu.memory_space<vmem_shared>> -> memref<72x128xf32, #tpu.memory_space<vmem_shared>>
      %dma_start3A_55 = arith.constant 0 : i32
      %dma_start3A_56 = arith.constant 0 : i32
      %dma_start3A_57 = tpu.memref_slice %arg8[%dma_start3A_55, %dma_start3A_56] : memref<128x128xf32, #tpu.memory_space<vmem>> -> memref<72x128xf32, #tpu.memory_space<vmem>>
      tpu.enqueue_dma source(%dma_start3A_57 : memref<72x128xf32, #tpu.memory_space<vmem>>) target(%dma_start3A_54 : memref<72x128xf32, #tpu.memory_space<vmem_shared>>) target_semaphore(%run_scoped3A : memref<!tpu.dma_semaphore, #tpu.memory_space<semaphore_mem>>)
      %dma_wait3A = arith.constant 0 : i32
      %dma_wait3A_58 = arith.constant 0 : i32
      %dma_wait3A_59 = tpu.memref_slice %arg8[%dma_wait3A, %dma_wait3A_58] : memref<128x128xf32, #tpu.memory_space<vmem>> -> memref<72x128xf32, #tpu.memory_space<vmem>>
      %dma_wait3A_60 = arith.constant 0 : i32
      %dma_wait3A_61 = tpu.memref_slice %arg10[%add3A_12, %dma_wait3A_60] : memref<5248x128xf32, #tpu.memory_space<vmem_shared>> -> memref<72x128xf32, #tpu.memory_space<vmem_shared>>
      %dma_wait3A_62 = arith.constant 0 : i32
      %dma_wait3A_63 = tpu.memref_slice %arg10[%add3A_12, %dma_wait3A_62] : memref<5248x128xf32, #tpu.memory_space<vmem_shared>> -> memref<72x128xf32, #tpu.memory_space<vmem_shared>>
      %dma_wait3A_64 = arith.constant 0 : i32
      %dma_wait3A_65 = arith.constant 0 : i32
      %dma_wait3A_66 = tpu.memref_slice %arg8[%dma_wait3A_64, %dma_wait3A_65] : memref<128x128xf32, #tpu.memory_space<vmem>> -> memref<72x128xf32, #tpu.memory_space<vmem>>
      tpu.wait_dma2 semaphore(%run_scoped3A : memref<!tpu.dma_semaphore, #tpu.memory_space<semaphore_mem>>) src(%dma_wait3A_66 : memref<72x128xf32, #tpu.memory_space<vmem>>) dst(%dma_wait3A_63 : memref<72x128xf32, #tpu.memory_space<vmem_shared>>)
      tpu.yield
    }) : () -> ()
    %barrier3A = arith.constant 0 : index
    tpu.barrier barrier_id(%barrier3A)
    %dma_start3A = arith.constant 0 : i32
    %dma_start3A_13 = arith.constant 0 : i32
    %dma_start3A_14 = tpu.memref_slice %arg6[%dma_start3A, %dma_start3A_13] : memref<158x128xi32, #tpu.memory_space<vmem>> -> memref<1x128xi32, #tpu.memory_space<vmem>>
    %dma_start3A_15 = tpu.memref_squeeze %dma_start3A_14 : memref<1x128xi32, #tpu.memory_space<vmem>> -> memref<128xi32, #tpu.memory_space<vmem>>
    %dma_start3A_16 = arith.constant 0 : i32
    %dma_start3A_17 = arith.constant 0 : i32
    %dma_start3A_18 = tpu.memref_slice %arg2[%dma_start3A_16, %dma_start3A_17] : memref<10240x128xf32, #tpu.memory_space<hbm>> -> memref<10240x128xf32, #tpu.memory_space<hbm>>
    tpu.enqueue_indirect_dma source(%dma_start3A_18 : memref<10240x128xf32, #tpu.memory_space<hbm>>) target(%arg8 : memref<128x128xf32, #tpu.memory_space<vmem>>) offsets(%dma_start3A_15 : memref<128xi32, #tpu.memory_space<vmem>>) semaphore(%arg11 : memref<!tpu.dma_semaphore, #tpu.memory_space<semaphore_mem>>)
    %dma_start3A_19 = arith.constant 1 : i32
    %dma_start3A_20 = arith.constant 0 : i32
    %dma_start3A_21 = tpu.memref_slice %arg6[%dma_start3A_19, %dma_start3A_20] : memref<158x128xi32, #tpu.memory_space<vmem>> -> memref<1x128xi32, #tpu.memory_space<vmem>>
    %dma_start3A_22 = tpu.memref_squeeze %dma_start3A_21 : memref<1x128xi32, #tpu.memory_space<vmem>> -> memref<128xi32, #tpu.memory_space<vmem>>
    %dma_start3A_23 = arith.constant 0 : i32
    %dma_start3A_24 = arith.constant 0 : i32
    %dma_start3A_25 = tpu.memref_slice %arg2[%dma_start3A_23, %dma_start3A_24] : memref<10240x128xf32, #tpu.memory_space<hbm>> -> memref<10240x128xf32, #tpu.memory_space<hbm>>
    tpu.enqueue_indirect_dma source(%dma_start3A_25 : memref<10240x128xf32, #tpu.memory_space<hbm>>) target(%arg9 : memref<128x128xf32, #tpu.memory_space<vmem>>) offsets(%dma_start3A_22 : memref<128xi32, #tpu.memory_space<vmem>>) semaphore(%arg12 : memref<!tpu.dma_semaphore, #tpu.memory_space<semaphore_mem>>)
    %scan3A_26 = arith.constant 0 : i32
    %scan3A_27 = arith.constant 0 : i32
    %scan3A_28 = arith.constant 79 : i32
    %scan3A_29 = arith.addi %scan3A_27, %scan3A_28 : i32
    %scan3A_30 = arith.constant 1 : i32
    %scan3A_31 = scf.for %scan3A_48 = %scan3A_27 to %scan3A_29 step %scan3A_30 iter_args(%scan3A_49 = %scan3A_26) -> (i32)  : i32 {
      %mul3A_50 = arith.constant 2 : i32
      %mul3A_51 = arith.muli %scan3A_48, %mul3A_50 : i32
      %add3A_52 = arith.constant 0 : i32
      %add3A_53 = arith.addi %mul3A_51, %add3A_52 : i32
      %dma_wait3A = arith.constant 0 : i32
      %dma_wait3A_54 = tpu.memref_slice %arg6[%add3A_53, %dma_wait3A] : memref<158x128xi32, #tpu.memory_space<vmem>> -> memref<1x128xi32, #tpu.memory_space<vmem>>
      %dma_wait3A_55 = tpu.memref_squeeze %dma_wait3A_54 : memref<1x128xi32, #tpu.memory_space<vmem>> -> memref<128xi32, #tpu.memory_space<vmem>>
      %dma_wait3A_56 = arith.constant 0 : i32
      %dma_wait3A_57 = arith.constant 0 : i32
      %dma_wait3A_58 = tpu.memref_slice %arg2[%dma_wait3A_56, %dma_wait3A_57] : memref<10240x128xf32, #tpu.memory_space<hbm>> -> memref<10240x128xf32, #tpu.memory_space<hbm>>
      tpu.wait_indirect_dma semaphore(%arg11 : memref<!tpu.dma_semaphore, #tpu.memory_space<semaphore_mem>>) src(%dma_wait3A_58 : memref<10240x128xf32, #tpu.memory_space<hbm>>) dst(%arg8 : memref<128x128xf32, #tpu.memory_space<vmem>>)
      "tpu.region"() ({
        %run_scoped3A = tpu.sem_alloc : memref<!tpu.dma_semaphore, #tpu.memory_space<semaphore_mem>>
        %dma_start3A_81 = arith.constant 0 : i32
        %dma_start3A_82 = tpu.memref_slice %arg7[%add3A_53, %dma_start3A_81] : memref<158x128xi32, #tpu.memory_space<vmem>> -> memref<1x128xi32, #tpu.memory_space<vmem>>
        %dma_start3A_83 = tpu.memref_squeeze %dma_start3A_82 : memref<1x128xi32, #tpu.memory_space<vmem>> -> memref<128xi32, #tpu.memory_space<vmem>>
        %dma_start3A_84 = arith.constant 0 : i32
        %dma_start3A_85 = arith.constant 0 : i32
        %dma_start3A_86 = tpu.memref_slice %arg10[%dma_start3A_84, %dma_start3A_85] : memref<5248x128xf32, #tpu.memory_space<vmem_shared>> -> memref<5248x128xf32, #tpu.memory_space<vmem_shared>>
        tpu.enqueue_indirect_dma source(%arg8 : memref<128x128xf32, #tpu.memory_space<vmem>>) target(%dma_start3A_86 : memref<5248x128xf32, #tpu.memory_space<vmem_shared>>) offsets(%dma_start3A_83 : memref<128xi32, #tpu.memory_space<vmem>>) semaphore(%run_scoped3A : memref<!tpu.dma_semaphore, #tpu.memory_space<semaphore_mem>>) {add = true}
        %dma_wait3A_87 = arith.constant 0 : i32
        %dma_wait3A_88 = tpu.memref_slice %arg7[%add3A_53, %dma_wait3A_87] : memref<158x128xi32, #tpu.memory_space<vmem>> -> memref<1x128xi32, #tpu.memory_space<vmem>>
        %dma_wait3A_89 = tpu.memref_squeeze %dma_wait3A_88 : memref<1x128xi32, #tpu.memory_space<vmem>> -> memref<128xi32, #tpu.memory_space<vmem>>
        %dma_wait3A_90 = arith.constant 0 : i32
        %dma_wait3A_91 = arith.constant 0 : i32
        %dma_wait3A_92 = tpu.memref_slice %arg10[%dma_wait3A_90, %dma_wait3A_91] : memref<5248x128xf32, #tpu.memory_space<vmem_shared>> -> memref<5248x128xf32, #tpu.memory_space<vmem_shared>>
        tpu.wait_indirect_dma semaphore(%run_scoped3A : memref<!tpu.dma_semaphore, #tpu.memory_space<semaphore_mem>>) src(%arg8 : memref<128x128xf32, #tpu.memory_space<vmem>>) dst(%dma_wait3A_92 : memref<5248x128xf32, #tpu.memory_space<vmem_shared>>)
        tpu.yield
      }) : () -> ()
      %add3A_59 = arith.constant 2 : i32
      %add3A_60 = arith.addi %add3A_53, %add3A_59 : i32
      %lt3A = arith.constant 158 : i32
      %lt3A_61 = arith.cmpi slt, %add3A_60, %lt3A : i32
      %convert_element_type3A = arith.extui %lt3A_61 : i1 to i32
      %cond3A = arith.constant 0 : i32
      %cond3A_62 = arith.cmpi ne, %convert_element_type3A, %cond3A : i32
      scf.if %cond3A_62 {
        %add3A_81 = arith.constant 2 : i32
        %add3A_82 = arith.addi %add3A_53, %add3A_81 : i32
        %dma_start3A_83 = arith.constant 0 : i32
        %dma_start3A_84 = tpu.memref_slice %arg6[%add3A_82, %dma_start3A_83] : memref<158x128xi32, #tpu.memory_space<vmem>> -> memref<1x128xi32, #tpu.memory_space<vmem>>
        %dma_start3A_85 = tpu.memref_squeeze %dma_start3A_84 : memref<1x128xi32, #tpu.memory_space<vmem>> -> memref<128xi32, #tpu.memory_space<vmem>>
        %dma_start3A_86 = arith.constant 0 : i32
        %dma_start3A_87 = arith.constant 0 : i32
        %dma_start3A_88 = tpu.memref_slice %arg2[%dma_start3A_86, %dma_start3A_87] : memref<10240x128xf32, #tpu.memory_space<hbm>> -> memref<10240x128xf32, #tpu.memory_space<hbm>>
        tpu.enqueue_indirect_dma source(%dma_start3A_88 : memref<10240x128xf32, #tpu.memory_space<hbm>>) target(%arg8 : memref<128x128xf32, #tpu.memory_space<vmem>>) offsets(%dma_start3A_85 : memref<128xi32, #tpu.memory_space<vmem>>) semaphore(%arg11 : memref<!tpu.dma_semaphore, #tpu.memory_space<semaphore_mem>>)
      } else {
      }
      %mul3A_63 = arith.constant 2 : i32
      %mul3A_64 = arith.muli %scan3A_48, %mul3A_63 : i32
      %add3A_65 = arith.constant 1 : i32
      %add3A_66 = arith.addi %mul3A_64, %add3A_65 : i32
      %dma_wait3A_67 = arith.constant 0 : i32
      %dma_wait3A_68 = tpu.memref_slice %arg6[%add3A_66, %dma_wait3A_67] : memref<158x128xi32, #tpu.memory_space<vmem>> -> memref<1x128xi32, #tpu.memory_space<vmem>>
      %dma_wait3A_69 = tpu.memref_squeeze %dma_wait3A_68 : memref<1x128xi32, #tpu.memory_space<vmem>> -> memref<128xi32, #tpu.memory_space<vmem>>
      %dma_wait3A_70 = arith.constant 0 : i32
      %dma_wait3A_71 = arith.constant 0 : i32
      %dma_wait3A_72 = tpu.memref_slice %arg2[%dma_wait3A_70, %dma_wait3A_71] : memref<10240x128xf32, #tpu.memory_space<hbm>> -> memref<10240x128xf32, #tpu.memory_space<hbm>>
      tpu.wait_indirect_dma semaphore(%arg12 : memref<!tpu.dma_semaphore, #tpu.memory_space<semaphore_mem>>) src(%dma_wait3A_72 : memref<10240x128xf32, #tpu.memory_space<hbm>>) dst(%arg9 : memref<128x128xf32, #tpu.memory_space<vmem>>)
      "tpu.region"() ({
        %run_scoped3A = tpu.sem_alloc : memref<!tpu.dma_semaphore, #tpu.memory_space<semaphore_mem>>
        %dma_start3A_81 = arith.constant 0 : i32
        %dma_start3A_82 = tpu.memref_slice %arg7[%add3A_66, %dma_start3A_81] : memref<158x128xi32, #tpu.memory_space<vmem>> -> memref<1x128xi32, #tpu.memory_space<vmem>>
        %dma_start3A_83 = tpu.memref_squeeze %dma_start3A_82 : memref<1x128xi32, #tpu.memory_space<vmem>> -> memref<128xi32, #tpu.memory_space<vmem>>
        %dma_start3A_84 = arith.constant 0 : i32
        %dma_start3A_85 = arith.constant 0 : i32
        %dma_start3A_86 = tpu.memref_slice %arg10[%dma_start3A_84, %dma_start3A_85] : memref<5248x128xf32, #tpu.memory_space<vmem_shared>> -> memref<5248x128xf32, #tpu.memory_space<vmem_shared>>
        tpu.enqueue_indirect_dma source(%arg9 : memref<128x128xf32, #tpu.memory_space<vmem>>) target(%dma_start3A_86 : memref<5248x128xf32, #tpu.memory_space<vmem_shared>>) offsets(%dma_start3A_83 : memref<128xi32, #tpu.memory_space<vmem>>) semaphore(%run_scoped3A : memref<!tpu.dma_semaphore, #tpu.memory_space<semaphore_mem>>) {add = true}
        %dma_wait3A_87 = arith.constant 0 : i32
        %dma_wait3A_88 = tpu.memref_slice %arg7[%add3A_66, %dma_wait3A_87] : memref<158x128xi32, #tpu.memory_space<vmem>> -> memref<1x128xi32, #tpu.memory_space<vmem>>
        %dma_wait3A_89 = tpu.memref_squeeze %dma_wait3A_88 : memref<1x128xi32, #tpu.memory_space<vmem>> -> memref<128xi32, #tpu.memory_space<vmem>>
        %dma_wait3A_90 = arith.constant 0 : i32
        %dma_wait3A_91 = arith.constant 0 : i32
        %dma_wait3A_92 = tpu.memref_slice %arg10[%dma_wait3A_90, %dma_wait3A_91] : memref<5248x128xf32, #tpu.memory_space<vmem_shared>> -> memref<5248x128xf32, #tpu.memory_space<vmem_shared>>
        tpu.wait_indirect_dma semaphore(%run_scoped3A : memref<!tpu.dma_semaphore, #tpu.memory_space<semaphore_mem>>) src(%arg9 : memref<128x128xf32, #tpu.memory_space<vmem>>) dst(%dma_wait3A_92 : memref<5248x128xf32, #tpu.memory_space<vmem_shared>>)
        tpu.yield
      }) : () -> ()
      %add3A_73 = arith.constant 2 : i32
      %add3A_74 = arith.addi %add3A_66, %add3A_73 : i32
      %lt3A_75 = arith.constant 158 : i32
      %lt3A_76 = arith.cmpi slt, %add3A_74, %lt3A_75 : i32
      %convert_element_type3A_77 = arith.extui %lt3A_76 : i1 to i32
      %cond3A_78 = arith.constant 0 : i32
      %cond3A_79 = arith.cmpi ne, %convert_element_type3A_77, %cond3A_78 : i32
      scf.if %cond3A_79 {
        %add3A_81 = arith.constant 2 : i32
        %add3A_82 = arith.addi %add3A_66, %add3A_81 : i32
        %dma_start3A_83 = arith.constant 0 : i32
        %dma_start3A_84 = tpu.memref_slice %arg6[%add3A_82, %dma_start3A_83] : memref<158x128xi32, #tpu.memory_space<vmem>> -> memref<1x128xi32, #tpu.memory_space<vmem>>
        %dma_start3A_85 = tpu.memref_squeeze %dma_start3A_84 : memref<1x128xi32, #tpu.memory_space<vmem>> -> memref<128xi32, #tpu.memory_space<vmem>>
        %dma_start3A_86 = arith.constant 0 : i32
        %dma_start3A_87 = arith.constant 0 : i32
        %dma_start3A_88 = tpu.memref_slice %arg2[%dma_start3A_86, %dma_start3A_87] : memref<10240x128xf32, #tpu.memory_space<hbm>> -> memref<10240x128xf32, #tpu.memory_space<hbm>>
        tpu.enqueue_indirect_dma source(%dma_start3A_88 : memref<10240x128xf32, #tpu.memory_space<hbm>>) target(%arg9 : memref<128x128xf32, #tpu.memory_space<vmem>>) offsets(%dma_start3A_85 : memref<128xi32, #tpu.memory_space<vmem>>) semaphore(%arg12 : memref<!tpu.dma_semaphore, #tpu.memory_space<semaphore_mem>>)
      } else {
      }
      %scan3A_80 = arith.constant 0 : i32
      scf.yield %scan3A_80 : i32
    }
    %scan3A_32 = arith.constant 79 : i32
    %barrier3A_33 = arith.constant 0 : index
    tpu.barrier barrier_id(%barrier3A_33)
    %mul3A_34 = arith.constant 320 : i32
    %mul3A_35 = arith.muli %arg1, %mul3A_34 : i32
    %add3A_36 = arith.constant 0 : i32
    %add3A_37 = arith.addi %mul3A_35, %add3A_36 : i32
    "tpu.region"() ({
      %run_scoped3A = tpu.sem_alloc : memref<!tpu.dma_semaphore, #tpu.memory_space<semaphore_mem>>
      %dma_start3A_48 = arith.constant 0 : i32
      %dma_start3A_49 = arith.constant 0 : i32
      %dma_start3A_50 = tpu.memref_slice %arg8[%dma_start3A_48, %dma_start3A_49] : memref<128x128xf32, #tpu.memory_space<vmem>> -> memref<128x128xf32, #tpu.memory_space<vmem>>
      %dma_start3A_51 = arith.constant 0 : i32
      %dma_start3A_52 = tpu.memref_slice %arg10[%add3A_37, %dma_start3A_51] : memref<5248x128xf32, #tpu.memory_space<vmem_shared>> -> memref<128x128xf32, #tpu.memory_space<vmem_shared>>
      %dma_start3A_53 = arith.constant 0 : i32
      %dma_start3A_54 = arith.constant 0 : i32
      %dma_start3A_55 = tpu.memref_slice %arg8[%dma_start3A_53, %dma_start3A_54] : memref<128x128xf32, #tpu.memory_space<vmem>> -> memref<128x128xf32, #tpu.memory_space<vmem>>
      %dma_start3A_56 = arith.constant 0 : i32
      %dma_start3A_57 = tpu.memref_slice %arg10[%add3A_37, %dma_start3A_56] : memref<5248x128xf32, #tpu.memory_space<vmem_shared>> -> memref<128x128xf32, #tpu.memory_space<vmem_shared>>
      tpu.enqueue_dma source(%dma_start3A_57 : memref<128x128xf32, #tpu.memory_space<vmem_shared>>) target(%dma_start3A_55 : memref<128x128xf32, #tpu.memory_space<vmem>>) target_semaphore(%run_scoped3A : memref<!tpu.dma_semaphore, #tpu.memory_space<semaphore_mem>>)
      %dma_wait3A = arith.constant 0 : i32
      %dma_wait3A_58 = arith.constant 0 : i32
      %dma_wait3A_59 = tpu.memref_slice %arg8[%dma_wait3A, %dma_wait3A_58] : memref<128x128xf32, #tpu.memory_space<vmem>> -> memref<128x128xf32, #tpu.memory_space<vmem>>
      %dma_wait3A_60 = arith.constant 0 : i32
      %dma_wait3A_61 = tpu.memref_slice %arg10[%add3A_37, %dma_wait3A_60] : memref<5248x128xf32, #tpu.memory_space<vmem_shared>> -> memref<128x128xf32, #tpu.memory_space<vmem_shared>>
      %dma_wait3A_62 = arith.constant 0 : i32
      %dma_wait3A_63 = arith.constant 0 : i32
      %dma_wait3A_64 = tpu.memref_slice %arg8[%dma_wait3A_62, %dma_wait3A_63] : memref<128x128xf32, #tpu.memory_space<vmem>> -> memref<128x128xf32, #tpu.memory_space<vmem>>
      %dma_wait3A_65 = arith.constant 0 : i32
      %dma_wait3A_66 = tpu.memref_slice %arg10[%add3A_37, %dma_wait3A_65] : memref<5248x128xf32, #tpu.memory_space<vmem_shared>> -> memref<128x128xf32, #tpu.memory_space<vmem_shared>>
      tpu.wait_dma2 semaphore(%run_scoped3A : memref<!tpu.dma_semaphore, #tpu.memory_space<semaphore_mem>>) src(%dma_wait3A_66 : memref<128x128xf32, #tpu.memory_space<vmem_shared>>) dst(%dma_wait3A_64 : memref<128x128xf32, #tpu.memory_space<vmem>>)
      tpu.yield
    }) : () -> ()
    %add3A_38 = arith.constant 0 : i32
    %add3A_39 = arith.addi %mul3A_35, %add3A_38 : i32
    "tpu.region"() ({
      %run_scoped3A = tpu.sem_alloc : memref<!tpu.dma_semaphore, #tpu.memory_space<semaphore_mem>>
      %dma_start3A_48 = arith.constant 0 : i32
      %dma_start3A_49 = arith.constant 0 : i32
      %dma_start3A_50 = tpu.memref_slice %arg8[%dma_start3A_48, %dma_start3A_49] : memref<128x128xf32, #tpu.memory_space<vmem>> -> memref<128x128xf32, #tpu.memory_space<vmem>>
      %dma_start3A_51 = arith.constant 0 : i32
      %dma_start3A_52 = tpu.memref_slice %arg5[%arg0, %add3A_39, %dma_start3A_51] : memref<2x5120x128xf32, #tpu.memory_space<hbm>> -> memref<1x128x128xf32, #tpu.memory_space<hbm>>
      %dma_start3A_53 = tpu.memref_squeeze %dma_start3A_52 : memref<1x128x128xf32, #tpu.memory_space<hbm>> -> memref<128x128xf32, #tpu.memory_space<hbm>>
      %dma_start3A_54 = arith.constant 0 : i32
      %dma_start3A_55 = tpu.memref_slice %arg5[%arg0, %add3A_39, %dma_start3A_54] : memref<2x5120x128xf32, #tpu.memory_space<hbm>> -> memref<1x128x128xf32, #tpu.memory_space<hbm>>
      %dma_start3A_56 = tpu.memref_squeeze %dma_start3A_55 : memref<1x128x128xf32, #tpu.memory_space<hbm>> -> memref<128x128xf32, #tpu.memory_space<hbm>>
      %dma_start3A_57 = arith.constant 0 : i32
      %dma_start3A_58 = arith.constant 0 : i32
      %dma_start3A_59 = tpu.memref_slice %arg8[%dma_start3A_57, %dma_start3A_58] : memref<128x128xf32, #tpu.memory_space<vmem>> -> memref<128x128xf32, #tpu.memory_space<vmem>>
      tpu.enqueue_dma source(%dma_start3A_59 : memref<128x128xf32, #tpu.memory_space<vmem>>) target(%dma_start3A_56 : memref<128x128xf32, #tpu.memory_space<hbm>>) target_semaphore(%run_scoped3A : memref<!tpu.dma_semaphore, #tpu.memory_space<semaphore_mem>>)
      %dma_wait3A = arith.constant 0 : i32
      %dma_wait3A_60 = arith.constant 0 : i32
      %dma_wait3A_61 = tpu.memref_slice %arg8[%dma_wait3A, %dma_wait3A_60] : memref<128x128xf32, #tpu.memory_space<vmem>> -> memref<128x128xf32, #tpu.memory_space<vmem>>
      %dma_wait3A_62 = arith.constant 0 : i32
      %dma_wait3A_63 = tpu.memref_slice %arg5[%arg0, %add3A_39, %dma_wait3A_62] : memref<2x5120x128xf32, #tpu.memory_space<hbm>> -> memref<1x128x128xf32, #tpu.memory_space<hbm>>
      %dma_wait3A_64 = tpu.memref_squeeze %dma_wait3A_63 : memref<1x128x128xf32, #tpu.memory_space<hbm>> -> memref<128x128xf32, #tpu.memory_space<hbm>>
      %dma_wait3A_65 = arith.constant 0 : i32
      %dma_wait3A_66 = tpu.memref_slice %arg5[%arg0, %add3A_39, %dma_wait3A_65] : memref<2x5120x128xf32, #tpu.memory_space<hbm>> -> memref<1x128x128xf32, #tpu.memory_space<hbm>>
      %dma_wait3A_67 = tpu.memref_squeeze %dma_wait3A_66 : memref<1x128x128xf32, #tpu.memory_space<hbm>> -> memref<128x128xf32, #tpu.memory_space<hbm>>
      %dma_wait3A_68 = arith.constant 0 : i32
      %dma_wait3A_69 = arith.constant 0 : i32
      %dma_wait3A_70 = tpu.memref_slice %arg8[%dma_wait3A_68, %dma_wait3A_69] : memref<128x128xf32, #tpu.memory_space<vmem>> -> memref<128x128xf32, #tpu.memory_space<vmem>>
      tpu.wait_dma2 semaphore(%run_scoped3A : memref<!tpu.dma_semaphore, #tpu.memory_space<semaphore_mem>>) src(%dma_wait3A_70 : memref<128x128xf32, #tpu.memory_space<vmem>>) dst(%dma_wait3A_67 : memref<128x128xf32, #tpu.memory_space<hbm>>)
      tpu.yield
    }) : () -> ()
    %add3A_40 = arith.constant 128 : i32
    %add3A_41 = arith.addi %mul3A_35, %add3A_40 : i32
    "tpu.region"() ({
      %run_scoped3A = tpu.sem_alloc : memref<!tpu.dma_semaphore, #tpu.memory_space<semaphore_mem>>
      %dma_start3A_48 = arith.constant 0 : i32
      %dma_start3A_49 = arith.constant 0 : i32
      %dma_start3A_50 = tpu.memref_slice %arg8[%dma_start3A_48, %dma_start3A_49] : memref<128x128xf32, #tpu.memory_space<vmem>> -> memref<128x128xf32, #tpu.memory_space<vmem>>
      %dma_start3A_51 = arith.constant 0 : i32
      %dma_start3A_52 = tpu.memref_slice %arg10[%add3A_41, %dma_start3A_51] : memref<5248x128xf32, #tpu.memory_space<vmem_shared>> -> memref<128x128xf32, #tpu.memory_space<vmem_shared>>
      %dma_start3A_53 = arith.constant 0 : i32
      %dma_start3A_54 = arith.constant 0 : i32
      %dma_start3A_55 = tpu.memref_slice %arg8[%dma_start3A_53, %dma_start3A_54] : memref<128x128xf32, #tpu.memory_space<vmem>> -> memref<128x128xf32, #tpu.memory_space<vmem>>
      %dma_start3A_56 = arith.constant 0 : i32
      %dma_start3A_57 = tpu.memref_slice %arg10[%add3A_41, %dma_start3A_56] : memref<5248x128xf32, #tpu.memory_space<vmem_shared>> -> memref<128x128xf32, #tpu.memory_space<vmem_shared>>
      tpu.enqueue_dma source(%dma_start3A_57 : memref<128x128xf32, #tpu.memory_space<vmem_shared>>) target(%dma_start3A_55 : memref<128x128xf32, #tpu.memory_space<vmem>>) target_semaphore(%run_scoped3A : memref<!tpu.dma_semaphore, #tpu.memory_space<semaphore_mem>>)
      %dma_wait3A = arith.constant 0 : i32
      %dma_wait3A_58 = arith.constant 0 : i32
      %dma_wait3A_59 = tpu.memref_slice %arg8[%dma_wait3A, %dma_wait3A_58] : memref<128x128xf32, #tpu.memory_space<vmem>> -> memref<128x128xf32, #tpu.memory_space<vmem>>
      %dma_wait3A_60 = arith.constant 0 : i32
      %dma_wait3A_61 = tpu.memref_slice %arg10[%add3A_41, %dma_wait3A_60] : memref<5248x128xf32, #tpu.memory_space<vmem_shared>> -> memref<128x128xf32, #tpu.memory_space<vmem_shared>>
      %dma_wait3A_62 = arith.constant 0 : i32
      %dma_wait3A_63 = arith.constant 0 : i32
      %dma_wait3A_64 = tpu.memref_slice %arg8[%dma_wait3A_62, %dma_wait3A_63] : memref<128x128xf32, #tpu.memory_space<vmem>> -> memref<128x128xf32, #tpu.memory_space<vmem>>
      %dma_wait3A_65 = arith.constant 0 : i32
      %dma_wait3A_66 = tpu.memref_slice %arg10[%add3A_41, %dma_wait3A_65] : memref<5248x128xf32, #tpu.memory_space<vmem_shared>> -> memref<128x128xf32, #tpu.memory_space<vmem_shared>>
      tpu.wait_dma2 semaphore(%run_scoped3A : memref<!tpu.dma_semaphore, #tpu.memory_space<semaphore_mem>>) src(%dma_wait3A_66 : memref<128x128xf32, #tpu.memory_space<vmem_shared>>) dst(%dma_wait3A_64 : memref<128x128xf32, #tpu.memory_space<vmem>>)
      tpu.yield
    }) : () -> ()
    %add3A_42 = arith.constant 128 : i32
    %add3A_43 = arith.addi %mul3A_35, %add3A_42 : i32
    "tpu.region"() ({
      %run_scoped3A = tpu.sem_alloc : memref<!tpu.dma_semaphore, #tpu.memory_space<semaphore_mem>>
      %dma_start3A_48 = arith.constant 0 : i32
      %dma_start3A_49 = arith.constant 0 : i32
      %dma_start3A_50 = tpu.memref_slice %arg8[%dma_start3A_48, %dma_start3A_49] : memref<128x128xf32, #tpu.memory_space<vmem>> -> memref<128x128xf32, #tpu.memory_space<vmem>>
      %dma_start3A_51 = arith.constant 0 : i32
      %dma_start3A_52 = tpu.memref_slice %arg5[%arg0, %add3A_43, %dma_start3A_51] : memref<2x5120x128xf32, #tpu.memory_space<hbm>> -> memref<1x128x128xf32, #tpu.memory_space<hbm>>
      %dma_start3A_53 = tpu.memref_squeeze %dma_start3A_52 : memref<1x128x128xf32, #tpu.memory_space<hbm>> -> memref<128x128xf32, #tpu.memory_space<hbm>>
      %dma_start3A_54 = arith.constant 0 : i32
      %dma_start3A_55 = tpu.memref_slice %arg5[%arg0, %add3A_43, %dma_start3A_54] : memref<2x5120x128xf32, #tpu.memory_space<hbm>> -> memref<1x128x128xf32, #tpu.memory_space<hbm>>
      %dma_start3A_56 = tpu.memref_squeeze %dma_start3A_55 : memref<1x128x128xf32, #tpu.memory_space<hbm>> -> memref<128x128xf32, #tpu.memory_space<hbm>>
      %dma_start3A_57 = arith.constant 0 : i32
      %dma_start3A_58 = arith.constant 0 : i32
      %dma_start3A_59 = tpu.memref_slice %arg8[%dma_start3A_57, %dma_start3A_58] : memref<128x128xf32, #tpu.memory_space<vmem>> -> memref<128x128xf32, #tpu.memory_space<vmem>>
      tpu.enqueue_dma source(%dma_start3A_59 : memref<128x128xf32, #tpu.memory_space<vmem>>) target(%dma_start3A_56 : memref<128x128xf32, #tpu.memory_space<hbm>>) target_semaphore(%run_scoped3A : memref<!tpu.dma_semaphore, #tpu.memory_space<semaphore_mem>>)
      %dma_wait3A = arith.constant 0 : i32
      %dma_wait3A_60 = arith.constant 0 : i32
      %dma_wait3A_61 = tpu.memref_slice %arg8[%dma_wait3A, %dma_wait3A_60] : memref<128x128xf32, #tpu.memory_space<vmem>> -> memref<128x128xf32, #tpu.memory_space<vmem>>
      %dma_wait3A_62 = arith.constant 0 : i32
      %dma_wait3A_63 = tpu.memref_slice %arg5[%arg0, %add3A_43, %dma_wait3A_62] : memref<2x5120x128xf32, #tpu.memory_space<hbm>> -> memref<1x128x128xf32, #tpu.memory_space<hbm>>
      %dma_wait3A_64 = tpu.memref_squeeze %dma_wait3A_63 : memref<1x128x128xf32, #tpu.memory_space<hbm>> -> memref<128x128xf32, #tpu.memory_space<hbm>>
      %dma_wait3A_65 = arith.constant 0 : i32
      %dma_wait3A_66 = tpu.memref_slice %arg5[%arg0, %add3A_43, %dma_wait3A_65] : memref<2x5120x128xf32, #tpu.memory_space<hbm>> -> memref<1x128x128xf32, #tpu.memory_space<hbm>>
      %dma_wait3A_67 = tpu.memref_squeeze %dma_wait3A_66 : memref<1x128x128xf32, #tpu.memory_space<hbm>> -> memref<128x128xf32, #tpu.memory_space<hbm>>
      %dma_wait3A_68 = arith.constant 0 : i32
      %dma_wait3A_69 = arith.constant 0 : i32
      %dma_wait3A_70 = tpu.memref_slice %arg8[%dma_wait3A_68, %dma_wait3A_69] : memref<128x128xf32, #tpu.memory_space<vmem>> -> memref<128x128xf32, #tpu.memory_space<vmem>>
      tpu.wait_dma2 semaphore(%run_scoped3A : memref<!tpu.dma_semaphore, #tpu.memory_space<semaphore_mem>>) src(%dma_wait3A_70 : memref<128x128xf32, #tpu.memory_space<vmem>>) dst(%dma_wait3A_67 : memref<128x128xf32, #tpu.memory_space<hbm>>)
      tpu.yield
    }) : () -> ()
    %add3A_44 = arith.constant 256 : i32
    %add3A_45 = arith.addi %mul3A_35, %add3A_44 : i32
    "tpu.region"() ({
      %run_scoped3A = tpu.sem_alloc : memref<!tpu.dma_semaphore, #tpu.memory_space<semaphore_mem>>
      %dma_start3A_48 = arith.constant 0 : i32
      %dma_start3A_49 = arith.constant 0 : i32
      %dma_start3A_50 = tpu.memref_slice %arg8[%dma_start3A_48, %dma_start3A_49] : memref<128x128xf32, #tpu.memory_space<vmem>> -> memref<64x128xf32, #tpu.memory_space<vmem>>
      %dma_start3A_51 = arith.constant 0 : i32
      %dma_start3A_52 = tpu.memref_slice %arg10[%add3A_45, %dma_start3A_51] : memref<5248x128xf32, #tpu.memory_space<vmem_shared>> -> memref<64x128xf32, #tpu.memory_space<vmem_shared>>
      %dma_start3A_53 = arith.constant 0 : i32
      %dma_start3A_54 = arith.constant 0 : i32
      %dma_start3A_55 = tpu.memref_slice %arg8[%dma_start3A_53, %dma_start3A_54] : memref<128x128xf32, #tpu.memory_space<vmem>> -> memref<64x128xf32, #tpu.memory_space<vmem>>
      %dma_start3A_56 = arith.constant 0 : i32
      %dma_start3A_57 = tpu.memref_slice %arg10[%add3A_45, %dma_start3A_56] : memref<5248x128xf32, #tpu.memory_space<vmem_shared>> -> memref<64x128xf32, #tpu.memory_space<vmem_shared>>
      tpu.enqueue_dma source(%dma_start3A_57 : memref<64x128xf32, #tpu.memory_space<vmem_shared>>) target(%dma_start3A_55 : memref<64x128xf32, #tpu.memory_space<vmem>>) target_semaphore(%run_scoped3A : memref<!tpu.dma_semaphore, #tpu.memory_space<semaphore_mem>>)
      %dma_wait3A = arith.constant 0 : i32
      %dma_wait3A_58 = arith.constant 0 : i32
      %dma_wait3A_59 = tpu.memref_slice %arg8[%dma_wait3A, %dma_wait3A_58] : memref<128x128xf32, #tpu.memory_space<vmem>> -> memref<64x128xf32, #tpu.memory_space<vmem>>
      %dma_wait3A_60 = arith.constant 0 : i32
      %dma_wait3A_61 = tpu.memref_slice %arg10[%add3A_45, %dma_wait3A_60] : memref<5248x128xf32, #tpu.memory_space<vmem_shared>> -> memref<64x128xf32, #tpu.memory_space<vmem_shared>>
      %dma_wait3A_62 = arith.constant 0 : i32
      %dma_wait3A_63 = arith.constant 0 : i32
      %dma_wait3A_64 = tpu.memref_slice %arg8[%dma_wait3A_62, %dma_wait3A_63] : memref<128x128xf32, #tpu.memory_space<vmem>> -> memref<64x128xf32, #tpu.memory_space<vmem>>
      %dma_wait3A_65 = arith.constant 0 : i32
      %dma_wait3A_66 = tpu.memref_slice %arg10[%add3A_45, %dma_wait3A_65] : memref<5248x128xf32, #tpu.memory_space<vmem_shared>> -> memref<64x128xf32, #tpu.memory_space<vmem_shared>>
      tpu.wait_dma2 semaphore(%run_scoped3A : memref<!tpu.dma_semaphore, #tpu.memory_space<semaphore_mem>>) src(%dma_wait3A_66 : memref<64x128xf32, #tpu.memory_space<vmem_shared>>) dst(%dma_wait3A_64 : memref<64x128xf32, #tpu.memory_space<vmem>>)
      tpu.yield
    }) : () -> ()
    %add3A_46 = arith.constant 256 : i32
    %add3A_47 = arith.addi %mul3A_35, %add3A_46 : i32
    "tpu.region"() ({
      %run_scoped3A = tpu.sem_alloc : memref<!tpu.dma_semaphore, #tpu.memory_space<semaphore_mem>>
      %dma_start3A_48 = arith.constant 0 : i32
      %dma_start3A_49 = arith.constant 0 : i32
      %dma_start3A_50 = tpu.memref_slice %arg8[%dma_start3A_48, %dma_start3A_49] : memref<128x128xf32, #tpu.memory_space<vmem>> -> memref<64x128xf32, #tpu.memory_space<vmem>>
      %dma_start3A_51 = arith.constant 0 : i32
      %dma_start3A_52 = tpu.memref_slice %arg5[%arg0, %add3A_47, %dma_start3A_51] : memref<2x5120x128xf32, #tpu.memory_space<hbm>> -> memref<1x64x128xf32, #tpu.memory_space<hbm>>
      %dma_start3A_53 = tpu.memref_squeeze %dma_start3A_52 : memref<1x64x128xf32, #tpu.memory_space<hbm>> -> memref<64x128xf32, #tpu.memory_space<hbm>>
      %dma_start3A_54 = arith.constant 0 : i32
      %dma_start3A_55 = tpu.memref_slice %arg5[%arg0, %add3A_47, %dma_start3A_54] : memref<2x5120x128xf32, #tpu.memory_space<hbm>> -> memref<1x64x128xf32, #tpu.memory_space<hbm>>
      %dma_start3A_56 = tpu.memref_squeeze %dma_start3A_55 : memref<1x64x128xf32, #tpu.memory_space<hbm>> -> memref<64x128xf32, #tpu.memory_space<hbm>>
      %dma_start3A_57 = arith.constant 0 : i32
      %dma_start3A_58 = arith.constant 0 : i32
      %dma_start3A_59 = tpu.memref_slice %arg8[%dma_start3A_57, %dma_start3A_58] : memref<128x128xf32, #tpu.memory_space<vmem>> -> memref<64x128xf32, #tpu.memory_space<vmem>>
      tpu.enqueue_dma source(%dma_start3A_59 : memref<64x128xf32, #tpu.memory_space<vmem>>) target(%dma_start3A_56 : memref<64x128xf32, #tpu.memory_space<hbm>>) target_semaphore(%run_scoped3A : memref<!tpu.dma_semaphore, #tpu.memory_space<semaphore_mem>>)
      %dma_wait3A = arith.constant 0 : i32
      %dma_wait3A_60 = arith.constant 0 : i32
      %dma_wait3A_61 = tpu.memref_slice %arg8[%dma_wait3A, %dma_wait3A_60] : memref<128x128xf32, #tpu.memory_space<vmem>> -> memref<64x128xf32, #tpu.memory_space<vmem>>
      %dma_wait3A_62 = arith.constant 0 : i32
      %dma_wait3A_63 = tpu.memref_slice %arg5[%arg0, %add3A_47, %dma_wait3A_62] : memref<2x5120x128xf32, #tpu.memory_space<hbm>> -> memref<1x64x128xf32, #tpu.memory_space<hbm>>
      %dma_wait3A_64 = tpu.memref_squeeze %dma_wait3A_63 : memref<1x64x128xf32, #tpu.memory_space<hbm>> -> memref<64x128xf32, #tpu.memory_space<hbm>>
      %dma_wait3A_65 = arith.constant 0 : i32
      %dma_wait3A_66 = tpu.memref_slice %arg5[%arg0, %add3A_47, %dma_wait3A_65] : memref<2x5120x128xf32, #tpu.memory_space<hbm>> -> memref<1x64x128xf32, #tpu.memory_space<hbm>>
      %dma_wait3A_67 = tpu.memref_squeeze %dma_wait3A_66 : memref<1x64x128xf32, #tpu.memory_space<hbm>> -> memref<64x128xf32, #tpu.memory_space<hbm>>
      %dma_wait3A_68 = arith.constant 0 : i32
      %dma_wait3A_69 = arith.constant 0 : i32
      %dma_wait3A_70 = tpu.memref_slice %arg8[%dma_wait3A_68, %dma_wait3A_69] : memref<128x128xf32, #tpu.memory_space<vmem>> -> memref<64x128xf32, #tpu.memory_space<vmem>>
      tpu.wait_dma2 semaphore(%run_scoped3A : memref<!tpu.dma_semaphore, #tpu.memory_space<semaphore_mem>>) src(%dma_wait3A_70 : memref<64x128xf32, #tpu.memory_space<vmem>>) dst(%dma_wait3A_67 : memref<64x128xf32, #tpu.memory_space<hbm>>)
      tpu.yield
    }) : () -> ()
    return
  }
}

#map = affine_map<(d0, d1) -> (0, 0)>
#map1 = affine_map<(d0, d1) -> (0, 0, 0)>
#map2 = affine_map<(d0, d1) -> (0, 0, 0, 0)>
module attributes {stable_mosaic.version = 14 : i64} {
  func.func @_sc_gather_scatter(%arg0: i32, %arg1: i32, %arg2: memref<10240x128xf32, #tpu.memory_space<hbm>>, %arg3: memref<16x158x128xi32, #tpu.memory_space<hbm>>, %arg4: memref<2x16x158x128xi32, #tpu.memory_space<hbm>>, %arg5: memref<2x5120x128xf32, #tpu.memory_space<hbm>>, %arg6: memref<158x128xi32, #tpu.memory_space<vmem>>, %arg7: memref<158x128xi32, #tpu.memory_space<vmem>>, %arg8: memref<128x128xf32, #tpu.memory_space<vmem>>, %arg9: memref<128x128xf32, #tpu.memory_space<vmem>>, %arg10: memref<5248x128xf32, #tpu.memory_space<vmem_shared>>, %arg11: memref<!tpu.dma_semaphore, #tpu.memory_space<semaphore_mem>>, %arg12: memref<!tpu.dma_semaphore, #tpu.memory_space<semaphore_mem>>) attributes {dimension_semantics = [#tpu.dimension_semantics<core_parallel>, #tpu.dimension_semantics<subcore_parallel>], iteration_bounds = array<i64: 2, 16>, scalar_prefetch = 0 : i64, scratch_operands = 7 : i64, tpu.core_type = #tpu.core_type<sc_vector_subcore>, window_params = [{transform_indices = #map}, {transform_indices = #map1}, {transform_indices = #map2}, {transform_indices = #map1}]} {
    "tpu.region"() ({
      %run_scoped3A = tpu.sem_alloc : memref<!tpu.dma_semaphore, #tpu.memory_space<semaphore_mem>>
      %dma_start3A_48 = arith.constant 0 : i32
      %dma_start3A_49 = arith.constant 0 : i32
      %dma_start3A_50 = tpu.memref_slice %arg3[%arg1, %dma_start3A_48, %dma_start3A_49] : memref<16x158x128xi32, #tpu.memory_space<hbm>> -> memref<1x158x128xi32, #tpu.memory_space<hbm>>
      %dma_start3A_51 = tpu.memref_squeeze %dma_start3A_50 : memref<1x158x128xi32, #tpu.memory_space<hbm>> -> memref<158x128xi32, #tpu.memory_space<hbm>>
      %dma_start3A_52 = arith.constant 0 : i32
      %dma_start3A_53 = arith.constant 0 : i32
      %dma_start3A_54 = tpu.memref_slice %arg3[%arg1, %dma_start3A_52, %dma_start3A_53] : memref<16x158x128xi32, #tpu.memory_space<hbm>> -> memref<1x158x128xi32, #tpu.memory_space<hbm>>
      %dma_start3A_55 = tpu.memref_squeeze %dma_start3A_54 : memref<1x158x128xi32, #tpu.memory_space<hbm>> -> memref<158x128xi32, #tpu.memory_space<hbm>>
      tpu.enqueue_dma source(%dma_start3A_55 : memref<158x128xi32, #tpu.memory_space<hbm>>) target(%arg6 : memref<158x128xi32, #tpu.memory_space<vmem>>) target_semaphore(%run_scoped3A : memref<!tpu.dma_semaphore, #tpu.memory_space<semaphore_mem>>)
      %dma_wait3A = arith.constant 0 : i32
      %dma_wait3A_56 = arith.constant 0 : i32
      %dma_wait3A_57 = tpu.memref_slice %arg3[%arg1, %dma_wait3A, %dma_wait3A_56] : memref<16x158x128xi32, #tpu.memory_space<hbm>> -> memref<1x158x128xi32, #tpu.memory_space<hbm>>
      %dma_wait3A_58 = tpu.memref_squeeze %dma_wait3A_57 : memref<1x158x128xi32, #tpu.memory_space<hbm>> -> memref<158x128xi32, #tpu.memory_space<hbm>>
      %dma_wait3A_59 = arith.constant 0 : i32
      %dma_wait3A_60 = arith.constant 0 : i32
      %dma_wait3A_61 = tpu.memref_slice %arg3[%arg1, %dma_wait3A_59, %dma_wait3A_60] : memref<16x158x128xi32, #tpu.memory_space<hbm>> -> memref<1x158x128xi32, #tpu.memory_space<hbm>>
      %dma_wait3A_62 = tpu.memref_squeeze %dma_wait3A_61 : memref<1x158x128xi32, #tpu.memory_space<hbm>> -> memref<158x128xi32, #tpu.memory_space<hbm>>
      tpu.wait_dma2 semaphore(%run_scoped3A : memref<!tpu.dma_semaphore, #tpu.memory_space<semaphore_mem>>) src(%dma_wait3A_62 : memref<158x128xi32, #tpu.memory_space<hbm>>) dst(%arg6 : memref<158x128xi32, #tpu.memory_space<vmem>>)
      tpu.yield
    }) : () -> ()
    "tpu.region"() ({
      %run_scoped3A = tpu.sem_alloc : memref<!tpu.dma_semaphore, #tpu.memory_space<semaphore_mem>>
      %dma_start3A_48 = arith.constant 0 : i32
      %dma_start3A_49 = arith.constant 0 : i32
      %dma_start3A_50 = tpu.memref_slice %arg4[%arg0, %arg1, %dma_start3A_48, %dma_start3A_49] : memref<2x16x158x128xi32, #tpu.memory_space<hbm>> -> memref<1x1x158x128xi32, #tpu.memory_space<hbm>>
      %dma_start3A_51 = tpu.memref_squeeze %dma_start3A_50 : memref<1x1x158x128xi32, #tpu.memory_space<hbm>> -> memref<158x128xi32, #tpu.memory_space<hbm>>
      %dma_start3A_52 = arith.constant 0 : i32
      %dma_start3A_53 = arith.constant 0 : i32
      %dma_start3A_54 = tpu.memref_slice %arg4[%arg0, %arg1, %dma_start3A_52, %dma_start3A_53] : memref<2x16x158x128xi32, #tpu.memory_space<hbm>> -> memref<1x1x158x128xi32, #tpu.memory_space<hbm>>
      %dma_start3A_55 = tpu.memref_squeeze %dma_start3A_54 : memref<1x1x158x128xi32, #tpu.memory_space<hbm>> -> memref<158x128xi32, #tpu.memory_space<hbm>>
      tpu.enqueue_dma source(%dma_start3A_55 : memref<158x128xi32, #tpu.memory_space<hbm>>) target(%arg7 : memref<158x128xi32, #tpu.memory_space<vmem>>) target_semaphore(%run_scoped3A : memref<!tpu.dma_semaphore, #tpu.memory_space<semaphore_mem>>)
      %dma_wait3A = arith.constant 0 : i32
      %dma_wait3A_56 = arith.constant 0 : i32
      %dma_wait3A_57 = tpu.memref_slice %arg4[%arg0, %arg1, %dma_wait3A, %dma_wait3A_56] : memref<2x16x158x128xi32, #tpu.memory_space<hbm>> -> memref<1x1x158x128xi32, #tpu.memory_space<hbm>>
      %dma_wait3A_58 = tpu.memref_squeeze %dma_wait3A_57 : memref<1x1x158x128xi32, #tpu.memory_space<hbm>> -> memref<158x128xi32, #tpu.memory_space<hbm>>
      %dma_wait3A_59 = arith.constant 0 : i32
      %dma_wait3A_60 = arith.constant 0 : i32
      %dma_wait3A_61 = tpu.memref_slice %arg4[%arg0, %arg1, %dma_wait3A_59, %dma_wait3A_60] : memref<2x16x158x128xi32, #tpu.memory_space<hbm>> -> memref<1x1x158x128xi32, #tpu.memory_space<hbm>>
      %dma_wait3A_62 = tpu.memref_squeeze %dma_wait3A_61 : memref<1x1x158x128xi32, #tpu.memory_space<hbm>> -> memref<158x128xi32, #tpu.memory_space<hbm>>
      tpu.wait_dma2 semaphore(%run_scoped3A : memref<!tpu.dma_semaphore, #tpu.memory_space<semaphore_mem>>) src(%dma_wait3A_62 : memref<158x128xi32, #tpu.memory_space<hbm>>) dst(%arg7 : memref<158x128xi32, #tpu.memory_space<vmem>>)
      tpu.yield
    }) : () -> ()
    %broadcast_in_dim3A = arith.constant 0.000000e+00 : f32
    %broadcast_in_dim3A_0 = vector.broadcast %broadcast_in_dim3A : f32 to vector<16xf32>
    %scan3A = arith.constant 0 : i32
    %scan3A_1 = arith.constant 0 : i32
    %scan3A_2 = arith.constant 128 : i32
    %scan3A_3 = arith.addi %scan3A_1, %scan3A_2 : i32
    %scan3A_4 = arith.constant 1 : i32
    %scan3A_5 = scf.for %scan3A_48 = %scan3A_1 to %scan3A_3 step %scan3A_4 iter_args(%scan3A_49 = %scan3A) -> (i32)  : i32 {
      %swap3A = arith.index_cast %scan3A_48 : i32 to index
      %swap3A_50 = arith.constant 0 : index
      %swap3A_51 = tpu.vector_load %arg8[%swap3A, %swap3A_50] {strides = array<i32>} : memref<128x128xf32, #tpu.memory_space<vmem>>, vector<1x16xf32>,
      %swap3A_52 = vector.shape_cast %swap3A_51 : vector<1x16xf32> to vector<16xf32>
      %swap3A_53 = vector.shape_cast %broadcast_in_dim3A_0 : vector<16xf32> to vector<1x16xf32>
      tpu.vector_store %arg8[%swap3A, %swap3A_50], %swap3A_53 {strides = array<i32>} : memref<128x128xf32, #tpu.memory_space<vmem>>, vector<1x16xf32>,
      %swap3A_54 = arith.index_cast %scan3A_48 : i32 to index
      %swap3A_55 = arith.constant 16 : index
      %swap3A_56 = tpu.vector_load %arg8[%swap3A_54, %swap3A_55] {strides = array<i32>} : memref<128x128xf32, #tpu.memory_space<vmem>>, vector<1x16xf32>,
      %swap3A_57 = vector.shape_cast %swap3A_56 : vector<1x16xf32> to vector<16xf32>
      %swap3A_58 = vector.shape_cast %broadcast_in_dim3A_0 : vector<16xf32> to vector<1x16xf32>
      tpu.vector_store %arg8[%swap3A_54, %swap3A_55], %swap3A_58 {strides = array<i32>} : memref<128x128xf32, #tpu.memory_space<vmem>>, vector<1x16xf32>,
      %swap3A_59 = arith.index_cast %scan3A_48 : i32 to index
      %swap3A_60 = arith.constant 32 : index
      %swap3A_61 = tpu.vector_load %arg8[%swap3A_59, %swap3A_60] {strides = array<i32>} : memref<128x128xf32, #tpu.memory_space<vmem>>, vector<1x16xf32>,
      %swap3A_62 = vector.shape_cast %swap3A_61 : vector<1x16xf32> to vector<16xf32>
      %swap3A_63 = vector.shape_cast %broadcast_in_dim3A_0 : vector<16xf32> to vector<1x16xf32>
      tpu.vector_store %arg8[%swap3A_59, %swap3A_60], %swap3A_63 {strides = array<i32>} : memref<128x128xf32, #tpu.memory_space<vmem>>, vector<1x16xf32>,
      %swap3A_64 = arith.index_cast %scan3A_48 : i32 to index
      %swap3A_65 = arith.constant 48 : index
      %swap3A_66 = tpu.vector_load %arg8[%swap3A_64, %swap3A_65] {strides = array<i32>} : memref<128x128xf32, #tpu.memory_space<vmem>>, vector<1x16xf32>,
      %swap3A_67 = vector.shape_cast %swap3A_66 : vector<1x16xf32> to vector<16xf32>
      %swap3A_68 = vector.shape_cast %broadcast_in_dim3A_0 : vector<16xf32> to vector<1x16xf32>
      tpu.vector_store %arg8[%swap3A_64, %swap3A_65], %swap3A_68 {strides = array<i32>} : memref<128x128xf32, #tpu.memory_space<vmem>>, vector<1x16xf32>,
      %swap3A_69 = arith.index_cast %scan3A_48 : i32 to index
      %swap3A_70 = arith.constant 64 : index
      %swap3A_71 = tpu.vector_load %arg8[%swap3A_69, %swap3A_70] {strides = array<i32>} : memref<128x128xf32, #tpu.memory_space<vmem>>, vector<1x16xf32>,
      %swap3A_72 = vector.shape_cast %swap3A_71 : vector<1x16xf32> to vector<16xf32>
      %swap3A_73 = vector.shape_cast %broadcast_in_dim3A_0 : vector<16xf32> to vector<1x16xf32>
      tpu.vector_store %arg8[%swap3A_69, %swap3A_70], %swap3A_73 {strides = array<i32>} : memref<128x128xf32, #tpu.memory_space<vmem>>, vector<1x16xf32>,
      %swap3A_74 = arith.index_cast %scan3A_48 : i32 to index
      %swap3A_75 = arith.constant 80 : index
      %swap3A_76 = tpu.vector_load %arg8[%swap3A_74, %swap3A_75] {strides = array<i32>} : memref<128x128xf32, #tpu.memory_space<vmem>>, vector<1x16xf32>,
      %swap3A_77 = vector.shape_cast %swap3A_76 : vector<1x16xf32> to vector<16xf32>
      %swap3A_78 = vector.shape_cast %broadcast_in_dim3A_0 : vector<16xf32> to vector<1x16xf32>
      tpu.vector_store %arg8[%swap3A_74, %swap3A_75], %swap3A_78 {strides = array<i32>} : memref<128x128xf32, #tpu.memory_space<vmem>>, vector<1x16xf32>,
      %swap3A_79 = arith.index_cast %scan3A_48 : i32 to index
      %swap3A_80 = arith.constant 96 : index
      %swap3A_81 = tpu.vector_load %arg8[%swap3A_79, %swap3A_80] {strides = array<i32>} : memref<128x128xf32, #tpu.memory_space<vmem>>, vector<1x16xf32>,
      %swap3A_82 = vector.shape_cast %swap3A_81 : vector<1x16xf32> to vector<16xf32>
      %swap3A_83 = vector.shape_cast %broadcast_in_dim3A_0 : vector<16xf32> to vector<1x16xf32>
      tpu.vector_store %arg8[%swap3A_79, %swap3A_80], %swap3A_83 {strides = array<i32>} : memref<128x128xf32, #tpu.memory_space<vmem>>, vector<1x16xf32>,
      %swap3A_84 = arith.index_cast %scan3A_48 : i32 to index
      %swap3A_85 = arith.constant 112 : index
      %swap3A_86 = tpu.vector_load %arg8[%swap3A_84, %swap3A_85] {strides = array<i32>} : memref<128x128xf32, #tpu.memory_space<vmem>>, vector<1x16xf32>,
      %swap3A_87 = vector.shape_cast %swap3A_86 : vector<1x16xf32> to vector<16xf32>
      %swap3A_88 = vector.shape_cast %broadcast_in_dim3A_0 : vector<16xf32> to vector<1x16xf32>
      tpu.vector_store %arg8[%swap3A_84, %swap3A_85], %swap3A_88 {strides = array<i32>} : memref<128x128xf32, #tpu.memory_space<vmem>>, vector<1x16xf32>,
      %scan3A_89 = arith.constant 0 : i32
      scf.yield %scan3A_89 : i32
    }
    %scan3A_6 = arith.constant 128 : i32
    %mul3A = arith.constant 328 : i32
    %mul3A_7 = arith.muli %arg1, %mul3A : i32
    %add3A = arith.constant 0 : i32
    %add3A_8 = arith.addi %mul3A_7, %add3A : i32
    "tpu.region"() ({
      %run_scoped3A = tpu.sem_alloc : memref<!tpu.dma_semaphore, #tpu.memory_space<semaphore_mem>>
      %dma_start3A_48 = arith.constant 0 : i32
      %dma_start3A_49 = arith.constant 0 : i32
      %dma_start3A_50 = tpu.memref_slice %arg8[%dma_start3A_48, %dma_start3A_49] : memref<128x128xf32, #tpu.memory_space<vmem>> -> memref<128x128xf32, #tpu.memory_space<vmem>>
      %dma_start3A_51 = arith.constant 0 : i32
      %dma_start3A_52 = tpu.memref_slice %arg10[%add3A_8, %dma_start3A_51] : memref<5248x128xf32, #tpu.memory_space<vmem_shared>> -> memref<128x128xf32, #tpu.memory_space<vmem_shared>>
      %dma_start3A_53 = arith.constant 0 : i32
      %dma_start3A_54 = tpu.memref_slice %arg10[%add3A_8, %dma_start3A_53] : memref<5248x128xf32, #tpu.memory_space<vmem_shared>> -> memref<128x128xf32, #tpu.memory_space<vmem_shared>>
      %dma_start3A_55 = arith.constant 0 : i32
      %dma_start3A_56 = arith.constant 0 : i32
      %dma_start3A_57 = tpu.memref_slice %arg8[%dma_start3A_55, %dma_start3A_56] : memref<128x128xf32, #tpu.memory_space<vmem>> -> memref<128x128xf32, #tpu.memory_space<vmem>>
      tpu.enqueue_dma source(%dma_start3A_57 : memref<128x128xf32, #tpu.memory_space<vmem>>) target(%dma_start3A_54 : memref<128x128xf32, #tpu.memory_space<vmem_shared>>) target_semaphore(%run_scoped3A : memref<!tpu.dma_semaphore, #tpu.memory_space<semaphore_mem>>)
      %dma_wait3A = arith.constant 0 : i32
      %dma_wait3A_58 = arith.constant 0 : i32
      %dma_wait3A_59 = tpu.memref_slice %arg8[%dma_wait3A, %dma_wait3A_58] : memref<128x128xf32, #tpu.memory_space<vmem>> -> memref<128x128xf32, #tpu.memory_space<vmem>>
      %dma_wait3A_60 = arith.constant 0 : i32
      %dma_wait3A_61 = tpu.memref_slice %arg10[%add3A_8, %dma_wait3A_60] : memref<5248x128xf32, #tpu.memory_space<vmem_shared>> -> memref<128x128xf32, #tpu.memory_space<vmem_shared>>
      %dma_wait3A_62 = arith.constant 0 : i32
      %dma_wait3A_63 = tpu.memref_slice %arg10[%add3A_8, %dma_wait3A_62] : memref<5248x128xf32, #tpu.memory_space<vmem_shared>> -> memref<128x128xf32, #tpu.memory_space<vmem_shared>>
      %dma_wait3A_64 = arith.constant 0 : i32
      %dma_wait3A_65 = arith.constant 0 : i32
      %dma_wait3A_66 = tpu.memref_slice %arg8[%dma_wait3A_64, %dma_wait3A_65] : memref<128x128xf32, #tpu.memory_space<vmem>> -> memref<128x128xf32, #tpu.memory_space<vmem>>
      tpu.wait_dma2 semaphore(%run_scoped3A : memref<!tpu.dma_semaphore, #tpu.memory_space<semaphore_mem>>) src(%dma_wait3A_66 : memref<128x128xf32, #tpu.memory_space<vmem>>) dst(%dma_wait3A_63 : memref<128x128xf32, #tpu.memory_space<vmem_shared>>)
      tpu.yield
    }) : () -> ()
    %add3A_9 = arith.constant 128 : i32
    %add3A_10 = arith.addi %mul3A_7, %add3A_9 : i32
    "tpu.region"() ({
      %run_scoped3A = tpu.sem_alloc : memref<!tpu.dma_semaphore, #tpu.memory_space<semaphore_mem>>
      %dma_start3A_48 = arith.constant 0 : i32
      %dma_start3A_49 = arith.constant 0 : i32
      %dma_start3A_50 = tpu.memref_slice %arg8[%dma_start3A_48, %dma_start3A_49] : memref<128x128xf32, #tpu.memory_space<vmem>> -> memref<128x128xf32, #tpu.memory_space<vmem>>
      %dma_start3A_51 = arith.constant 0 : i32
      %dma_start3A_52 = tpu.memref_slice %arg10[%add3A_10, %dma_start3A_51] : memref<5248x128xf32, #tpu.memory_space<vmem_shared>> -> memref<128x128xf32, #tpu.memory_space<vmem_shared>>
      %dma_start3A_53 = arith.constant 0 : i32
      %dma_start3A_54 = tpu.memref_slice %arg10[%add3A_10, %dma_start3A_53] : memref<5248x128xf32, #tpu.memory_space<vmem_shared>> -> memref<128x128xf32, #tpu.memory_space<vmem_shared>>
      %dma_start3A_55 = arith.constant 0 : i32
      %dma_start3A_56 = arith.constant 0 : i32
      %dma_start3A_57 = tpu.memref_slice %arg8[%dma_start3A_55, %dma_start3A_56] : memref<128x128xf32, #tpu.memory_space<vmem>> -> memref<128x128xf32, #tpu.memory_space<vmem>>
      tpu.enqueue_dma source(%dma_start3A_57 : memref<128x128xf32, #tpu.memory_space<vmem>>) target(%dma_start3A_54 : memref<128x128xf32, #tpu.memory_space<vmem_shared>>) target_semaphore(%run_scoped3A : memref<!tpu.dma_semaphore, #tpu.memory_space<semaphore_mem>>)
      %dma_wait3A = arith.constant 0 : i32
      %dma_wait3A_58 = arith.constant 0 : i32
      %dma_wait3A_59 = tpu.memref_slice %arg8[%dma_wait3A, %dma_wait3A_58] : memref<128x128xf32, #tpu.memory_space<vmem>> -> memref<128x128xf32, #tpu.memory_space<vmem>>
      %dma_wait3A_60 = arith.constant 0 : i32
      %dma_wait3A_61 = tpu.memref_slice %arg10[%add3A_10, %dma_wait3A_60] : memref<5248x128xf32, #tpu.memory_space<vmem_shared>> -> memref<128x128xf32, #tpu.memory_space<vmem_shared>>
      %dma_wait3A_62 = arith.constant 0 : i32
      %dma_wait3A_63 = tpu.memref_slice %arg10[%add3A_10, %dma_wait3A_62] : memref<5248x128xf32, #tpu.memory_space<vmem_shared>> -> memref<128x128xf32, #tpu.memory_space<vmem_shared>>
      %dma_wait3A_64 = arith.constant 0 : i32
      %dma_wait3A_65 = arith.constant 0 : i32
      %dma_wait3A_66 = tpu.memref_slice %arg8[%dma_wait3A_64, %dma_wait3A_65] : memref<128x128xf32, #tpu.memory_space<vmem>> -> memref<128x128xf32, #tpu.memory_space<vmem>>
      tpu.wait_dma2 semaphore(%run_scoped3A : memref<!tpu.dma_semaphore, #tpu.memory_space<semaphore_mem>>) src(%dma_wait3A_66 : memref<128x128xf32, #tpu.memory_space<vmem>>) dst(%dma_wait3A_63 : memref<128x128xf32, #tpu.memory_space<vmem_shared>>)
      tpu.yield
    }) : () -> ()
    %add3A_11 = arith.constant 256 : i32
    %add3A_12 = arith.addi %mul3A_7, %add3A_11 : i32
    "tpu.region"() ({
      %run_scoped3A = tpu.sem_alloc : memref<!tpu.dma_semaphore, #tpu.memory_space<semaphore_mem>>
      %dma_start3A_48 = arith.constant 0 : i32
      %dma_start3A_49 = arith.constant 0 : i32
      %dma_start3A_50 = tpu.memref_slice %arg8[%dma_start3A_48, %dma_start3A_49] : memref<128x128xf32, #tpu.memory_space<vmem>> -> memref<72x128xf32, #tpu.memory_space<vmem>>
      %dma_start3A_51 = arith.constant 0 : i32
      %dma_start3A_52 = tpu.memref_slice %arg10[%add3A_12, %dma_start3A_51] : memref<5248x128xf32, #tpu.memory_space<vmem_shared>> -> memref<72x128xf32, #tpu.memory_space<vmem_shared>>
      %dma_start3A_53 = arith.constant 0 : i32
      %dma_start3A_54 = tpu.memref_slice %arg10[%add3A_12, %dma_start3A_53] : memref<5248x128xf32, #tpu.memory_space<vmem_shared>> -> memref<72x128xf32, #tpu.memory_space<vmem_shared>>
      %dma_start3A_55 = arith.constant 0 : i32
      %dma_start3A_56 = arith.constant 0 : i32
      %dma_start3A_57 = tpu.memref_slice %arg8[%dma_start3A_55, %dma_start3A_56] : memref<128x128xf32, #tpu.memory_space<vmem>> -> memref<72x128xf32, #tpu.memory_space<vmem>>
      tpu.enqueue_dma source(%dma_start3A_57 : memref<72x128xf32, #tpu.memory_space<vmem>>) target(%dma_start3A_54 : memref<72x128xf32, #tpu.memory_space<vmem_shared>>) target_semaphore(%run_scoped3A : memref<!tpu.dma_semaphore, #tpu.memory_space<semaphore_mem>>)
      %dma_wait3A = arith.constant 0 : i32
      %dma_wait3A_58 = arith.constant 0 : i32
      %dma_wait3A_59 = tpu.memref_slice %arg8[%dma_wait3A, %dma_wait3A_58] : memref<128x128xf32, #tpu.memory_space<vmem>> -> memref<72x128xf32, #tpu.memory_space<vmem>>
      %dma_wait3A_60 = arith.constant 0 : i32
      %dma_wait3A_61 = tpu.memref_slice %arg10[%add3A_12, %dma_wait3A_60] : memref<5248x128xf32, #tpu.memory_space<vmem_shared>> -> memref<72x128xf32, #tpu.memory_space<vmem_shared>>
      %dma_wait3A_62 = arith.constant 0 : i32
      %dma_wait3A_63 = tpu.memref_slice %arg10[%add3A_12, %dma_wait3A_62] : memref<5248x128xf32, #tpu.memory_space<vmem_shared>> -> memref<72x128xf32, #tpu.memory_space<vmem_shared>>
      %dma_wait3A_64 = arith.constant 0 : i32
      %dma_wait3A_65 = arith.constant 0 : i32
      %dma_wait3A_66 = tpu.memref_slice %arg8[%dma_wait3A_64, %dma_wait3A_65] : memref<128x128xf32, #tpu.memory_space<vmem>> -> memref<72x128xf32, #tpu.memory_space<vmem>>
      tpu.wait_dma2 semaphore(%run_scoped3A : memref<!tpu.dma_semaphore, #tpu.memory_space<semaphore_mem>>) src(%dma_wait3A_66 : memref<72x128xf32, #tpu.memory_space<vmem>>) dst(%dma_wait3A_63 : memref<72x128xf32, #tpu.memory_space<vmem_shared>>)
      tpu.yield
    }) : () -> ()
    %barrier3A = arith.constant 0 : index
    tpu.barrier barrier_id(%barrier3A)
    %dma_start3A = arith.constant 0 : i32
    %dma_start3A_13 = arith.constant 0 : i32
    %dma_start3A_14 = tpu.memref_slice %arg6[%dma_start3A, %dma_start3A_13] : memref<158x128xi32, #tpu.memory_space<vmem>> -> memref<1x128xi32, #tpu.memory_space<vmem>>
    %dma_start3A_15 = tpu.memref_squeeze %dma_start3A_14 : memref<1x128xi32, #tpu.memory_space<vmem>> -> memref<128xi32, #tpu.memory_space<vmem>>
    %dma_start3A_16 = arith.constant 0 : i32
    %dma_start3A_17 = arith.constant 0 : i32
    %dma_start3A_18 = tpu.memref_slice %arg2[%dma_start3A_16, %dma_start3A_17] : memref<10240x128xf32, #tpu.memory_space<hbm>> -> memref<10240x128xf32, #tpu.memory_space<hbm>>
    tpu.enqueue_indirect_dma source(%dma_start3A_18 : memref<10240x128xf32, #tpu.memory_space<hbm>>) target(%arg8 : memref<128x128xf32, #tpu.memory_space<vmem>>) offsets(%dma_start3A_15 : memref<128xi32, #tpu.memory_space<vmem>>) semaphore(%arg11 : memref<!tpu.dma_semaphore, #tpu.memory_space<semaphore_mem>>)
    %dma_start3A_19 = arith.constant 1 : i32
    %dma_start3A_20 = arith.constant 0 : i32
    %dma_start3A_21 = tpu.memref_slice %arg6[%dma_start3A_19, %dma_start3A_20] : memref<158x128xi32, #tpu.memory_space<vmem>> -> memref<1x128xi32, #tpu.memory_space<vmem>>
    %dma_start3A_22 = tpu.memref_squeeze %dma_start3A_21 : memref<1x128xi32, #tpu.memory_space<vmem>> -> memref<128xi32, #tpu.memory_space<vmem>>
    %dma_start3A_23 = arith.constant 0 : i32
    %dma_start3A_24 = arith.constant 0 : i32
    %dma_start3A_25 = tpu.memref_slice %arg2[%dma_start3A_23, %dma_start3A_24] : memref<10240x128xf32, #tpu.memory_space<hbm>> -> memref<10240x128xf32, #tpu.memory_space<hbm>>
    tpu.enqueue_indirect_dma source(%dma_start3A_25 : memref<10240x128xf32, #tpu.memory_space<hbm>>) target(%arg9 : memref<128x128xf32, #tpu.memory_space<vmem>>) offsets(%dma_start3A_22 : memref<128xi32, #tpu.memory_space<vmem>>) semaphore(%arg12 : memref<!tpu.dma_semaphore, #tpu.memory_space<semaphore_mem>>)
    %scan3A_26 = arith.constant 0 : i32
    %scan3A_27 = arith.constant 0 : i32
    %scan3A_28 = arith.constant 79 : i32
    %scan3A_29 = arith.addi %scan3A_27, %scan3A_28 : i32
    %scan3A_30 = arith.constant 1 : i32
    %scan3A_31 = scf.for %scan3A_48 = %scan3A_27 to %scan3A_29 step %scan3A_30 iter_args(%scan3A_49 = %scan3A_26) -> (i32)  : i32 {
      %mul3A_50 = arith.constant 2 : i32
      %mul3A_51 = arith.muli %scan3A_48, %mul3A_50 : i32
      %add3A_52 = arith.constant 0 : i32
      %add3A_53 = arith.addi %mul3A_51, %add3A_52 : i32
      %dma_wait3A = arith.constant 0 : i32
      %dma_wait3A_54 = tpu.memref_slice %arg6[%add3A_53, %dma_wait3A] : memref<158x128xi32, #tpu.memory_space<vmem>> -> memref<1x128xi32, #tpu.memory_space<vmem>>
      %dma_wait3A_55 = tpu.memref_squeeze %dma_wait3A_54 : memref<1x128xi32, #tpu.memory_space<vmem>> -> memref<128xi32, #tpu.memory_space<vmem>>
      %dma_wait3A_56 = arith.constant 0 : i32
      %dma_wait3A_57 = arith.constant 0 : i32
      %dma_wait3A_58 = tpu.memref_slice %arg2[%dma_wait3A_56, %dma_wait3A_57] : memref<10240x128xf32, #tpu.memory_space<hbm>> -> memref<10240x128xf32, #tpu.memory_space<hbm>>
      tpu.wait_indirect_dma semaphore(%arg11 : memref<!tpu.dma_semaphore, #tpu.memory_space<semaphore_mem>>) src(%dma_wait3A_58 : memref<10240x128xf32, #tpu.memory_space<hbm>>) dst(%arg8 : memref<128x128xf32, #tpu.memory_space<vmem>>)
      "tpu.region"() ({
        %run_scoped3A = tpu.sem_alloc : memref<!tpu.dma_semaphore, #tpu.memory_space<semaphore_mem>>
        %dma_start3A_81 = arith.constant 0 : i32
        %dma_start3A_82 = tpu.memref_slice %arg7[%add3A_53, %dma_start3A_81] : memref<158x128xi32, #tpu.memory_space<vmem>> -> memref<1x128xi32, #tpu.memory_space<vmem>>
        %dma_start3A_83 = tpu.memref_squeeze %dma_start3A_82 : memref<1x128xi32, #tpu.memory_space<vmem>> -> memref<128xi32, #tpu.memory_space<vmem>>
        %dma_start3A_84 = arith.constant 0 : i32
        %dma_start3A_85 = arith.constant 0 : i32
        %dma_start3A_86 = tpu.memref_slice %arg10[%dma_start3A_84, %dma_start3A_85] : memref<5248x128xf32, #tpu.memory_space<vmem_shared>> -> memref<5248x128xf32, #tpu.memory_space<vmem_shared>>
        tpu.enqueue_indirect_dma source(%arg8 : memref<128x128xf32, #tpu.memory_space<vmem>>) target(%dma_start3A_86 : memref<5248x128xf32, #tpu.memory_space<vmem_shared>>) offsets(%dma_start3A_83 : memref<128xi32, #tpu.memory_space<vmem>>) semaphore(%run_scoped3A : memref<!tpu.dma_semaphore, #tpu.memory_space<semaphore_mem>>) {add = true}
        %dma_wait3A_87 = arith.constant 0 : i32
        %dma_wait3A_88 = tpu.memref_slice %arg7[%add3A_53, %dma_wait3A_87] : memref<158x128xi32, #tpu.memory_space<vmem>> -> memref<1x128xi32, #tpu.memory_space<vmem>>
        %dma_wait3A_89 = tpu.memref_squeeze %dma_wait3A_88 : memref<1x128xi32, #tpu.memory_space<vmem>> -> memref<128xi32, #tpu.memory_space<vmem>>
        %dma_wait3A_90 = arith.constant 0 : i32
        %dma_wait3A_91 = arith.constant 0 : i32
        %dma_wait3A_92 = tpu.memref_slice %arg10[%dma_wait3A_90, %dma_wait3A_91] : memref<5248x128xf32, #tpu.memory_space<vmem_shared>> -> memref<5248x128xf32, #tpu.memory_space<vmem_shared>>
        tpu.wait_indirect_dma semaphore(%run_scoped3A : memref<!tpu.dma_semaphore, #tpu.memory_space<semaphore_mem>>) src(%arg8 : memref<128x128xf32, #tpu.memory_space<vmem>>) dst(%dma_wait3A_92 : memref<5248x128xf32, #tpu.memory_space<vmem_shared>>)
        tpu.yield
      }) : () -> ()
      %add3A_59 = arith.constant 2 : i32
      %add3A_60 = arith.addi %add3A_53, %add3A_59 : i32
      %lt3A = arith.constant 158 : i32
      %lt3A_61 = arith.cmpi slt, %add3A_60, %lt3A : i32
      %convert_element_type3A = arith.extui %lt3A_61 : i1 to i32
      %cond3A = arith.constant 0 : i32
      %cond3A_62 = arith.cmpi ne, %convert_element_type3A, %cond3A : i32
      scf.if %cond3A_62 {
        %add3A_81 = arith.constant 2 : i32
        %add3A_82 = arith.addi %add3A_53, %add3A_81 : i32
        %dma_start3A_83 = arith.constant 0 : i32
        %dma_start3A_84 = tpu.memref_slice %arg6[%add3A_82, %dma_start3A_83] : memref<158x128xi32, #tpu.memory_space<vmem>> -> memref<1x128xi32, #tpu.memory_space<vmem>>
        %dma_start3A_85 = tpu.memref_squeeze %dma_start3A_84 : memref<1x128xi32, #tpu.memory_space<vmem>> -> memref<128xi32, #tpu.memory_space<vmem>>
        %dma_start3A_86 = arith.constant 0 : i32
        %dma_start3A_87 = arith.constant 0 : i32
        %dma_start3A_88 = tpu.memref_slice %arg2[%dma_start3A_86, %dma_start3A_87] : memref<10240x128xf32, #tpu.memory_space<hbm>> -> memref<10240x128xf32, #tpu.memory_space<hbm>>
        tpu.enqueue_indirect_dma source(%dma_start3A_88 : memref<10240x128xf32, #tpu.memory_space<hbm>>) target(%arg8 : memref<128x128xf32, #tpu.memory_space<vmem>>) offsets(%dma_start3A_85 : memref<128xi32, #tpu.memory_space<vmem>>) semaphore(%arg11 : memref<!tpu.dma_semaphore, #tpu.memory_space<semaphore_mem>>)
      } else {
      }
      %mul3A_63 = arith.constant 2 : i32
      %mul3A_64 = arith.muli %scan3A_48, %mul3A_63 : i32
      %add3A_65 = arith.constant 1 : i32
      %add3A_66 = arith.addi %mul3A_64, %add3A_65 : i32
      %dma_wait3A_67 = arith.constant 0 : i32
      %dma_wait3A_68 = tpu.memref_slice %arg6[%add3A_66, %dma_wait3A_67] : memref<158x128xi32, #tpu.memory_space<vmem>> -> memref<1x128xi32, #tpu.memory_space<vmem>>
      %dma_wait3A_69 = tpu.memref_squeeze %dma_wait3A_68 : memref<1x128xi32, #tpu.memory_space<vmem>> -> memref<128xi32, #tpu.memory_space<vmem>>
      %dma_wait3A_70 = arith.constant 0 : i32
      %dma_wait3A_71 = arith.constant 0 : i32
      %dma_wait3A_72 = tpu.memref_slice %arg2[%dma_wait3A_70, %dma_wait3A_71] : memref<10240x128xf32, #tpu.memory_space<hbm>> -> memref<10240x128xf32, #tpu.memory_space<hbm>>
      tpu.wait_indirect_dma semaphore(%arg12 : memref<!tpu.dma_semaphore, #tpu.memory_space<semaphore_mem>>) src(%dma_wait3A_72 : memref<10240x128xf32, #tpu.memory_space<hbm>>) dst(%arg9 : memref<128x128xf32, #tpu.memory_space<vmem>>)
      "tpu.region"() ({
        %run_scoped3A = tpu.sem_alloc : memref<!tpu.dma_semaphore, #tpu.memory_space<semaphore_mem>>
        %dma_start3A_81 = arith.constant 0 : i32
        %dma_start3A_82 = tpu.memref_slice %arg7[%add3A_66, %dma_start3A_81] : memref<158x128xi32, #tpu.memory_space<vmem>> -> memref<1x128xi32, #tpu.memory_space<vmem>>
        %dma_start3A_83 = tpu.memref_squeeze %dma_start3A_82 : memref<1x128xi32, #tpu.memory_space<vmem>> -> memref<128xi32, #tpu.memory_space<vmem>>
        %dma_start3A_84 = arith.constant 0 : i32
        %dma_start3A_85 = arith.constant 0 : i32
        %dma_start3A_86 = tpu.memref_slice %arg10[%dma_start3A_84, %dma_start3A_85] : memref<5248x128xf32, #tpu.memory_space<vmem_shared>> -> memref<5248x128xf32, #tpu.memory_space<vmem_shared>>
        tpu.enqueue_indirect_dma source(%arg9 : memref<128x128xf32, #tpu.memory_space<vmem>>) target(%dma_start3A_86 : memref<5248x128xf32, #tpu.memory_space<vmem_shared>>) offsets(%dma_start3A_83 : memref<128xi32, #tpu.memory_space<vmem>>) semaphore(%run_scoped3A : memref<!tpu.dma_semaphore, #tpu.memory_space<semaphore_mem>>) {add = true}
        %dma_wait3A_87 = arith.constant 0 : i32
        %dma_wait3A_88 = tpu.memref_slice %arg7[%add3A_66, %dma_wait3A_87] : memref<158x128xi32, #tpu.memory_space<vmem>> -> memref<1x128xi32, #tpu.memory_space<vmem>>
        %dma_wait3A_89 = tpu.memref_squeeze %dma_wait3A_88 : memref<1x128xi32, #tpu.memory_space<vmem>> -> memref<128xi32, #tpu.memory_space<vmem>>
        %dma_wait3A_90 = arith.constant 0 : i32
        %dma_wait3A_91 = arith.constant 0 : i32
        %dma_wait3A_92 = tpu.memref_slice %arg10[%dma_wait3A_90, %dma_wait3A_91] : memref<5248x128xf32, #tpu.memory_space<vmem_shared>> -> memref<5248x128xf32, #tpu.memory_space<vmem_shared>>
        tpu.wait_indirect_dma semaphore(%run_scoped3A : memref<!tpu.dma_semaphore, #tpu.memory_space<semaphore_mem>>) src(%arg9 : memref<128x128xf32, #tpu.memory_space<vmem>>) dst(%dma_wait3A_92 : memref<5248x128xf32, #tpu.memory_space<vmem_shared>>)
        tpu.yield
      }) : () -> ()
      %add3A_73 = arith.constant 2 : i32
      %add3A_74 = arith.addi %add3A_66, %add3A_73 : i32
      %lt3A_75 = arith.constant 158 : i32
      %lt3A_76 = arith.cmpi slt, %add3A_74, %lt3A_75 : i32
      %convert_element_type3A_77 = arith.extui %lt3A_76 : i1 to i32
      %cond3A_78 = arith.constant 0 : i32
      %cond3A_79 = arith.cmpi ne, %convert_element_type3A_77, %cond3A_78 : i32
      scf.if %cond3A_79 {
        %add3A_81 = arith.constant 2 : i32
        %add3A_82 = arith.addi %add3A_66, %add3A_81 : i32
        %dma_start3A_83 = arith.constant 0 : i32
        %dma_start3A_84 = tpu.memref_slice %arg6[%add3A_82, %dma_start3A_83] : memref<158x128xi32, #tpu.memory_space<vmem>> -> memref<1x128xi32, #tpu.memory_space<vmem>>
        %dma_start3A_85 = tpu.memref_squeeze %dma_start3A_84 : memref<1x128xi32, #tpu.memory_space<vmem>> -> memref<128xi32, #tpu.memory_space<vmem>>
        %dma_start3A_86 = arith.constant 0 : i32
        %dma_start3A_87 = arith.constant 0 : i32
        %dma_start3A_88 = tpu.memref_slice %arg2[%dma_start3A_86, %dma_start3A_87] : memref<10240x128xf32, #tpu.memory_space<hbm>> -> memref<10240x128xf32, #tpu.memory_space<hbm>>
        tpu.enqueue_indirect_dma source(%dma_start3A_88 : memref<10240x128xf32, #tpu.memory_space<hbm>>) target(%arg9 : memref<128x128xf32, #tpu.memory_space<vmem>>) offsets(%dma_start3A_85 : memref<128xi32, #tpu.memory_space<vmem>>) semaphore(%arg12 : memref<!tpu.dma_semaphore, #tpu.memory_space<semaphore_mem>>)
      } else {
      }
      %scan3A_80 = arith.constant 0 : i32
      scf.yield %scan3A_80 : i32
    }
    %scan3A_32 = arith.constant 79 : i32
    %barrier3A_33 = arith.constant 0 : index
    tpu.barrier barrier_id(%barrier3A_33)
    %mul3A_34 = arith.constant 320 : i32
    %mul3A_35 = arith.muli %arg1, %mul3A_34 : i32
    %add3A_36 = arith.constant 0 : i32
    %add3A_37 = arith.addi %mul3A_35, %add3A_36 : i32
    "tpu.region"() ({
      %run_scoped3A = tpu.sem_alloc : memref<!tpu.dma_semaphore, #tpu.memory_space<semaphore_mem>>
      %dma_start3A_48 = arith.constant 0 : i32
      %dma_start3A_49 = arith.constant 0 : i32
      %dma_start3A_50 = tpu.memref_slice %arg8[%dma_start3A_48, %dma_start3A_49] : memref<128x128xf32, #tpu.memory_space<vmem>> -> memref<128x128xf32, #tpu.memory_space<vmem>>
      %dma_start3A_51 = arith.constant 0 : i32
      %dma_start3A_52 = tpu.memref_slice %arg10[%add3A_37, %dma_start3A_51] : memref<5248x128xf32, #tpu.memory_space<vmem_shared>> -> memref<128x128xf32, #tpu.memory_space<vmem_shared>>
      %dma_start3A_53 = arith.constant 0 : i32
      %dma_start3A_54 = arith.constant 0 : i32
      %dma_start3A_55 = tpu.memref_slice %arg8[%dma_start3A_53, %dma_start3A_54] : memref<128x128xf32, #tpu.memory_space<vmem>> -> memref<128x128xf32, #tpu.memory_space<vmem>>
      %dma_start3A_56 = arith.constant 0 : i32
      %dma_start3A_57 = tpu.memref_slice %arg10[%add3A_37, %dma_start3A_56] : memref<5248x128xf32, #tpu.memory_space<vmem_shared>> -> memref<128x128xf32, #tpu.memory_space<vmem_shared>>
      tpu.enqueue_dma source(%dma_start3A_57 : memref<128x128xf32, #tpu.memory_space<vmem_shared>>) target(%dma_start3A_55 : memref<128x128xf32, #tpu.memory_space<vmem>>) target_semaphore(%run_scoped3A : memref<!tpu.dma_semaphore, #tpu.memory_space<semaphore_mem>>)
      %dma_wait3A = arith.constant 0 : i32
      %dma_wait3A_58 = arith.constant 0 : i32
      %dma_wait3A_59 = tpu.memref_slice %arg8[%dma_wait3A, %dma_wait3A_58] : memref<128x128xf32, #tpu.memory_space<vmem>> -> memref<128x128xf32, #tpu.memory_space<vmem>>
      %dma_wait3A_60 = arith.constant 0 : i32
      %dma_wait3A_61 = tpu.memref_slice %arg10[%add3A_37, %dma_wait3A_60] : memref<5248x128xf32, #tpu.memory_space<vmem_shared>> -> memref<128x128xf32, #tpu.memory_space<vmem_shared>>
      %dma_wait3A_62 = arith.constant 0 : i32
      %dma_wait3A_63 = arith.constant 0 : i32
      %dma_wait3A_64 = tpu.memref_slice %arg8[%dma_wait3A_62, %dma_wait3A_63] : memref<128x128xf32, #tpu.memory_space<vmem>> -> memref<128x128xf32, #tpu.memory_space<vmem>>
      %dma_wait3A_65 = arith.constant 0 : i32
      %dma_wait3A_66 = tpu.memref_slice %arg10[%add3A_37, %dma_wait3A_65] : memref<5248x128xf32, #tpu.memory_space<vmem_shared>> -> memref<128x128xf32, #tpu.memory_space<vmem_shared>>
      tpu.wait_dma2 semaphore(%run_scoped3A : memref<!tpu.dma_semaphore, #tpu.memory_space<semaphore_mem>>) src(%dma_wait3A_66 : memref<128x128xf32, #tpu.memory_space<vmem_shared>>) dst(%dma_wait3A_64 : memref<128x128xf32, #tpu.memory_space<vmem>>)
      tpu.yield
    }) : () -> ()
    %add3A_38 = arith.constant 0 : i32
    %add3A_39 = arith.addi %mul3A_35, %add3A_38 : i32
    "tpu.region"() ({
      %run_scoped3A = tpu.sem_alloc : memref<!tpu.dma_semaphore, #tpu.memory_space<semaphore_mem>>
      %dma_start3A_48 = arith.constant 0 : i32
      %dma_start3A_49 = arith.constant 0 : i32
      %dma_start3A_50 = tpu.memref_slice %arg8[%dma_start3A_48, %dma_start3A_49] : memref<128x128xf32, #tpu.memory_space<vmem>> -> memref<128x128xf32, #tpu.memory_space<vmem>>
      %dma_start3A_51 = arith.constant 0 : i32
      %dma_start3A_52 = tpu.memref_slice %arg5[%arg0, %add3A_39, %dma_start3A_51] : memref<2x5120x128xf32, #tpu.memory_space<hbm>> -> memref<1x128x128xf32, #tpu.memory_space<hbm>>
      %dma_start3A_53 = tpu.memref_squeeze %dma_start3A_52 : memref<1x128x128xf32, #tpu.memory_space<hbm>> -> memref<128x128xf32, #tpu.memory_space<hbm>>
      %dma_start3A_54 = arith.constant 0 : i32
      %dma_start3A_55 = tpu.memref_slice %arg5[%arg0, %add3A_39, %dma_start3A_54] : memref<2x5120x128xf32, #tpu.memory_space<hbm>> -> memref<1x128x128xf32, #tpu.memory_space<hbm>>
      %dma_start3A_56 = tpu.memref_squeeze %dma_start3A_55 : memref<1x128x128xf32, #tpu.memory_space<hbm>> -> memref<128x128xf32, #tpu.memory_space<hbm>>
      %dma_start3A_57 = arith.constant 0 : i32
      %dma_start3A_58 = arith.constant 0 : i32
      %dma_start3A_59 = tpu.memref_slice %arg8[%dma_start3A_57, %dma_start3A_58] : memref<128x128xf32, #tpu.memory_space<vmem>> -> memref<128x128xf32, #tpu.memory_space<vmem>>
      tpu.enqueue_dma source(%dma_start3A_59 : memref<128x128xf32, #tpu.memory_space<vmem>>) target(%dma_start3A_56 : memref<128x128xf32, #tpu.memory_space<hbm>>) target_semaphore(%run_scoped3A : memref<!tpu.dma_semaphore, #tpu.memory_space<semaphore_mem>>)
      %dma_wait3A = arith.constant 0 : i32
      %dma_wait3A_60 = arith.constant 0 : i32
      %dma_wait3A_61 = tpu.memref_slice %arg8[%dma_wait3A, %dma_wait3A_60] : memref<128x128xf32, #tpu.memory_space<vmem>> -> memref<128x128xf32, #tpu.memory_space<vmem>>
      %dma_wait3A_62 = arith.constant 0 : i32
      %dma_wait3A_63 = tpu.memref_slice %arg5[%arg0, %add3A_39, %dma_wait3A_62] : memref<2x5120x128xf32, #tpu.memory_space<hbm>> -> memref<1x128x128xf32, #tpu.memory_space<hbm>>
      %dma_wait3A_64 = tpu.memref_squeeze %dma_wait3A_63 : memref<1x128x128xf32, #tpu.memory_space<hbm>> -> memref<128x128xf32, #tpu.memory_space<hbm>>
      %dma_wait3A_65 = arith.constant 0 : i32
      %dma_wait3A_66 = tpu.memref_slice %arg5[%arg0, %add3A_39, %dma_wait3A_65] : memref<2x5120x128xf32, #tpu.memory_space<hbm>> -> memref<1x128x128xf32, #tpu.memory_space<hbm>>
      %dma_wait3A_67 = tpu.memref_squeeze %dma_wait3A_66 : memref<1x128x128xf32, #tpu.memory_space<hbm>> -> memref<128x128xf32, #tpu.memory_space<hbm>>
      %dma_wait3A_68 = arith.constant 0 : i32
      %dma_wait3A_69 = arith.constant 0 : i32
      %dma_wait3A_70 = tpu.memref_slice %arg8[%dma_wait3A_68, %dma_wait3A_69] : memref<128x128xf32, #tpu.memory_space<vmem>> -> memref<128x128xf32, #tpu.memory_space<vmem>>
      tpu.wait_dma2 semaphore(%run_scoped3A : memref<!tpu.dma_semaphore, #tpu.memory_space<semaphore_mem>>) src(%dma_wait3A_70 : memref<128x128xf32, #tpu.memory_space<vmem>>) dst(%dma_wait3A_67 : memref<128x128xf32, #tpu.memory_space<hbm>>)
      tpu.yield
    }) : () -> ()
    %add3A_40 = arith.constant 128 : i32
    %add3A_41 = arith.addi %mul3A_35, %add3A_40 : i32
    "tpu.region"() ({
      %run_scoped3A = tpu.sem_alloc : memref<!tpu.dma_semaphore, #tpu.memory_space<semaphore_mem>>
      %dma_start3A_48 = arith.constant 0 : i32
      %dma_start3A_49 = arith.constant 0 : i32
      %dma_start3A_50 = tpu.memref_slice %arg8[%dma_start3A_48, %dma_start3A_49] : memref<128x128xf32, #tpu.memory_space<vmem>> -> memref<128x128xf32, #tpu.memory_space<vmem>>
      %dma_start3A_51 = arith.constant 0 : i32
      %dma_start3A_52 = tpu.memref_slice %arg10[%add3A_41, %dma_start3A_51] : memref<5248x128xf32, #tpu.memory_space<vmem_shared>> -> memref<128x128xf32, #tpu.memory_space<vmem_shared>>
      %dma_start3A_53 = arith.constant 0 : i32
      %dma_start3A_54 = arith.constant 0 : i32
      %dma_start3A_55 = tpu.memref_slice %arg8[%dma_start3A_53, %dma_start3A_54] : memref<128x128xf32, #tpu.memory_space<vmem>> -> memref<128x128xf32, #tpu.memory_space<vmem>>
      %dma_start3A_56 = arith.constant 0 : i32
      %dma_start3A_57 = tpu.memref_slice %arg10[%add3A_41, %dma_start3A_56] : memref<5248x128xf32, #tpu.memory_space<vmem_shared>> -> memref<128x128xf32, #tpu.memory_space<vmem_shared>>
      tpu.enqueue_dma source(%dma_start3A_57 : memref<128x128xf32, #tpu.memory_space<vmem_shared>>) target(%dma_start3A_55 : memref<128x128xf32, #tpu.memory_space<vmem>>) target_semaphore(%run_scoped3A : memref<!tpu.dma_semaphore, #tpu.memory_space<semaphore_mem>>)
      %dma_wait3A = arith.constant 0 : i32
      %dma_wait3A_58 = arith.constant 0 : i32
      %dma_wait3A_59 = tpu.memref_slice %arg8[%dma_wait3A, %dma_wait3A_58] : memref<128x128xf32, #tpu.memory_space<vmem>> -> memref<128x128xf32, #tpu.memory_space<vmem>>
      %dma_wait3A_60 = arith.constant 0 : i32
      %dma_wait3A_61 = tpu.memref_slice %arg10[%add3A_41, %dma_wait3A_60] : memref<5248x128xf32, #tpu.memory_space<vmem_shared>> -> memref<128x128xf32, #tpu.memory_space<vmem_shared>>
      %dma_wait3A_62 = arith.constant 0 : i32
      %dma_wait3A_63 = arith.constant 0 : i32
      %dma_wait3A_64 = tpu.memref_slice %arg8[%dma_wait3A_62, %dma_wait3A_63] : memref<128x128xf32, #tpu.memory_space<vmem>> -> memref<128x128xf32, #tpu.memory_space<vmem>>
      %dma_wait3A_65 = arith.constant 0 : i32
      %dma_wait3A_66 = tpu.memref_slice %arg10[%add3A_41, %dma_wait3A_65] : memref<5248x128xf32, #tpu.memory_space<vmem_shared>> -> memref<128x128xf32, #tpu.memory_space<vmem_shared>>
      tpu.wait_dma2 semaphore(%run_scoped3A : memref<!tpu.dma_semaphore, #tpu.memory_space<semaphore_mem>>) src(%dma_wait3A_66 : memref<128x128xf32, #tpu.memory_space<vmem_shared>>) dst(%dma_wait3A_64 : memref<128x128xf32, #tpu.memory_space<vmem>>)
      tpu.yield
    }) : () -> ()
    %add3A_42 = arith.constant 128 : i32
    %add3A_43 = arith.addi %mul3A_35, %add3A_42 : i32
    "tpu.region"() ({
      %run_scoped3A = tpu.sem_alloc : memref<!tpu.dma_semaphore, #tpu.memory_space<semaphore_mem>>
      %dma_start3A_48 = arith.constant 0 : i32
      %dma_start3A_49 = arith.constant 0 : i32
      %dma_start3A_50 = tpu.memref_slice %arg8[%dma_start3A_48, %dma_start3A_49] : memref<128x128xf32, #tpu.memory_space<vmem>> -> memref<128x128xf32, #tpu.memory_space<vmem>>
      %dma_start3A_51 = arith.constant 0 : i32
      %dma_start3A_52 = tpu.memref_slice %arg5[%arg0, %add3A_43, %dma_start3A_51] : memref<2x5120x128xf32, #tpu.memory_space<hbm>> -> memref<1x128x128xf32, #tpu.memory_space<hbm>>
      %dma_start3A_53 = tpu.memref_squeeze %dma_start3A_52 : memref<1x128x128xf32, #tpu.memory_space<hbm>> -> memref<128x128xf32, #tpu.memory_space<hbm>>
      %dma_start3A_54 = arith.constant 0 : i32
      %dma_start3A_55 = tpu.memref_slice %arg5[%arg0, %add3A_43, %dma_start3A_54] : memref<2x5120x128xf32, #tpu.memory_space<hbm>> -> memref<1x128x128xf32, #tpu.memory_space<hbm>>
      %dma_start3A_56 = tpu.memref_squeeze %dma_start3A_55 : memref<1x128x128xf32, #tpu.memory_space<hbm>> -> memref<128x128xf32, #tpu.memory_space<hbm>>
      %dma_start3A_57 = arith.constant 0 : i32
      %dma_start3A_58 = arith.constant 0 : i32
      %dma_start3A_59 = tpu.memref_slice %arg8[%dma_start3A_57, %dma_start3A_58] : memref<128x128xf32, #tpu.memory_space<vmem>> -> memref<128x128xf32, #tpu.memory_space<vmem>>
      tpu.enqueue_dma source(%dma_start3A_59 : memref<128x128xf32, #tpu.memory_space<vmem>>) target(%dma_start3A_56 : memref<128x128xf32, #tpu.memory_space<hbm>>) target_semaphore(%run_scoped3A : memref<!tpu.dma_semaphore, #tpu.memory_space<semaphore_mem>>)
      %dma_wait3A = arith.constant 0 : i32
      %dma_wait3A_60 = arith.constant 0 : i32
      %dma_wait3A_61 = tpu.memref_slice %arg8[%dma_wait3A, %dma_wait3A_60] : memref<128x128xf32, #tpu.memory_space<vmem>> -> memref<128x128xf32, #tpu.memory_space<vmem>>
      %dma_wait3A_62 = arith.constant 0 : i32
      %dma_wait3A_63 = tpu.memref_slice %arg5[%arg0, %add3A_43, %dma_wait3A_62] : memref<2x5120x128xf32, #tpu.memory_space<hbm>> -> memref<1x128x128xf32, #tpu.memory_space<hbm>>
      %dma_wait3A_64 = tpu.memref_squeeze %dma_wait3A_63 : memref<1x128x128xf32, #tpu.memory_space<hbm>> -> memref<128x128xf32, #tpu.memory_space<hbm>>
      %dma_wait3A_65 = arith.constant 0 : i32
      %dma_wait3A_66 = tpu.memref_slice %arg5[%arg0, %add3A_43, %dma_wait3A_65] : memref<2x5120x128xf32, #tpu.memory_space<hbm>> -> memref<1x128x128xf32, #tpu.memory_space<hbm>>
      %dma_wait3A_67 = tpu.memref_squeeze %dma_wait3A_66 : memref<1x128x128xf32, #tpu.memory_space<hbm>> -> memref<128x128xf32, #tpu.memory_space<hbm>>
      %dma_wait3A_68 = arith.constant 0 : i32
      %dma_wait3A_69 = arith.constant 0 : i32
      %dma_wait3A_70 = tpu.memref_slice %arg8[%dma_wait3A_68, %dma_wait3A_69] : memref<128x128xf32, #tpu.memory_space<vmem>> -> memref<128x128xf32, #tpu.memory_space<vmem>>
      tpu.wait_dma2 semaphore(%run_scoped3A : memref<!tpu.dma_semaphore, #tpu.memory_space<semaphore_mem>>) src(%dma_wait3A_70 : memref<128x128xf32, #tpu.memory_space<vmem>>) dst(%dma_wait3A_67 : memref<128x128xf32, #tpu.memory_space<hbm>>)
      tpu.yield
    }) : () -> ()
    %add3A_44 = arith.constant 256 : i32
    %add3A_45 = arith.addi %mul3A_35, %add3A_44 : i32
    "tpu.region"() ({
      %run_scoped3A = tpu.sem_alloc : memref<!tpu.dma_semaphore, #tpu.memory_space<semaphore_mem>>
      %dma_start3A_48 = arith.constant 0 : i32
      %dma_start3A_49 = arith.constant 0 : i32
      %dma_start3A_50 = tpu.memref_slice %arg8[%dma_start3A_48, %dma_start3A_49] : memref<128x128xf32, #tpu.memory_space<vmem>> -> memref<64x128xf32, #tpu.memory_space<vmem>>
      %dma_start3A_51 = arith.constant 0 : i32
      %dma_start3A_52 = tpu.memref_slice %arg10[%add3A_45, %dma_start3A_51] : memref<5248x128xf32, #tpu.memory_space<vmem_shared>> -> memref<64x128xf32, #tpu.memory_space<vmem_shared>>
      %dma_start3A_53 = arith.constant 0 : i32
      %dma_start3A_54 = arith.constant 0 : i32
      %dma_start3A_55 = tpu.memref_slice %arg8[%dma_start3A_53, %dma_start3A_54] : memref<128x128xf32, #tpu.memory_space<vmem>> -> memref<64x128xf32, #tpu.memory_space<vmem>>
      %dma_start3A_56 = arith.constant 0 : i32
      %dma_start3A_57 = tpu.memref_slice %arg10[%add3A_45, %dma_start3A_56] : memref<5248x128xf32, #tpu.memory_space<vmem_shared>> -> memref<64x128xf32, #tpu.memory_space<vmem_shared>>
      tpu.enqueue_dma source(%dma_start3A_57 : memref<64x128xf32, #tpu.memory_space<vmem_shared>>) target(%dma_start3A_55 : memref<64x128xf32, #tpu.memory_space<vmem>>) target_semaphore(%run_scoped3A : memref<!tpu.dma_semaphore, #tpu.memory_space<semaphore_mem>>)
      %dma_wait3A = arith.constant 0 : i32
      %dma_wait3A_58 = arith.constant 0 : i32
      %dma_wait3A_59 = tpu.memref_slice %arg8[%dma_wait3A, %dma_wait3A_58] : memref<128x128xf32, #tpu.memory_space<vmem>> -> memref<64x128xf32, #tpu.memory_space<vmem>>
      %dma_wait3A_60 = arith.constant 0 : i32
      %dma_wait3A_61 = tpu.memref_slice %arg10[%add3A_45, %dma_wait3A_60] : memref<5248x128xf32, #tpu.memory_space<vmem_shared>> -> memref<64x128xf32, #tpu.memory_space<vmem_shared>>
      %dma_wait3A_62 = arith.constant 0 : i32
      %dma_wait3A_63 = arith.constant 0 : i32
      %dma_wait3A_64 = tpu.memref_slice %arg8[%dma_wait3A_62, %dma_wait3A_63] : memref<128x128xf32, #tpu.memory_space<vmem>> -> memref<64x128xf32, #tpu.memory_space<vmem>>
      %dma_wait3A_65 = arith.constant 0 : i32
      %dma_wait3A_66 = tpu.memref_slice %arg10[%add3A_45, %dma_wait3A_65] : memref<5248x128xf32, #tpu.memory_space<vmem_shared>> -> memref<64x128xf32, #tpu.memory_space<vmem_shared>>
      tpu.wait_dma2 semaphore(%run_scoped3A : memref<!tpu.dma_semaphore, #tpu.memory_space<semaphore_mem>>) src(%dma_wait3A_66 : memref<64x128xf32, #tpu.memory_space<vmem_shared>>) dst(%dma_wait3A_64 : memref<64x128xf32, #tpu.memory_space<vmem>>)
      tpu.yield
    }) : () -> ()
    %add3A_46 = arith.constant 256 : i32
    %add3A_47 = arith.addi %mul3A_35, %add3A_46 : i32
    "tpu.region"() ({
      %run_scoped3A = tpu.sem_alloc : memref<!tpu.dma_semaphore, #tpu.memory_space<semaphore_mem>>
      %dma_start3A_48 = arith.constant 0 : i32
      %dma_start3A_49 = arith.constant 0 : i32
      %dma_start3A_50 = tpu.memref_slice %arg8[%dma_start3A_48, %dma_start3A_49] : memref<128x128xf32, #tpu.memory_space<vmem>> -> memref<64x128xf32, #tpu.memory_space<vmem>>
      %dma_start3A_51 = arith.constant 0 : i32
      %dma_start3A_52 = tpu.memref_slice %arg5[%arg0, %add3A_47, %dma_start3A_51] : memref<2x5120x128xf32, #tpu.memory_space<hbm>> -> memref<1x64x128xf32, #tpu.memory_space<hbm>>
      %dma_start3A_53 = tpu.memref_squeeze %dma_start3A_52 : memref<1x64x128xf32, #tpu.memory_space<hbm>> -> memref<64x128xf32, #tpu.memory_space<hbm>>
      %dma_start3A_54 = arith.constant 0 : i32
      %dma_start3A_55 = tpu.memref_slice %arg5[%arg0, %add3A_47, %dma_start3A_54] : memref<2x5120x128xf32, #tpu.memory_space<hbm>> -> memref<1x64x128xf32, #tpu.memory_space<hbm>>
      %dma_start3A_56 = tpu.memref_squeeze %dma_start3A_55 : memref<1x64x128xf32, #tpu.memory_space<hbm>> -> memref<64x128xf32, #tpu.memory_space<hbm>>
      %dma_start3A_57 = arith.constant 0 : i32
      %dma_start3A_58 = arith.constant 0 : i32
      %dma_start3A_59 = tpu.memref_slice %arg8[%dma_start3A_57, %dma_start3A_58] : memref<128x128xf32, #tpu.memory_space<vmem>> -> memref<64x128xf32, #tpu.memory_space<vmem>>
      tpu.enqueue_dma source(%dma_start3A_59 : memref<64x128xf32, #tpu.memory_space<vmem>>) target(%dma_start3A_56 : memref<64x128xf32, #tpu.memory_space<hbm>>) target_semaphore(%run_scoped3A : memref<!tpu.dma_semaphore, #tpu.memory_space<semaphore_mem>>)
      %dma_wait3A = arith.constant 0 : i32
      %dma_wait3A_60 = arith.constant 0 : i32
      %dma_wait3A_61 = tpu.memref_slice %arg8[%dma_wait3A, %dma_wait3A_60] : memref<128x128xf32, #tpu.memory_space<vmem>> -> memref<64x128xf32, #tpu.memory_space<vmem>>
      %dma_wait3A_62 = arith.constant 0 : i32
      %dma_wait3A_63 = tpu.memref_slice %arg5[%arg0, %add3A_47, %dma_wait3A_62] : memref<2x5120x128xf32, #tpu.memory_space<hbm>> -> memref<1x64x128xf32, #tpu.memory_space<hbm>>
      %dma_wait3A_64 = tpu.memref_squeeze %dma_wait3A_63 : memref<1x64x128xf32, #tpu.memory_space<hbm>> -> memref<64x128xf32, #tpu.memory_space<hbm>>
      %dma_wait3A_65 = arith.constant 0 : i32
      %dma_wait3A_66 = tpu.memref_slice %arg5[%arg0, %add3A_47, %dma_wait3A_65] : memref<2x5120x128xf32, #tpu.memory_space<hbm>> -> memref<1x64x128xf32, #tpu.memory_space<hbm>>
      %dma_wait3A_67 = tpu.memref_squeeze %dma_wait3A_66 : memref<1x64x128xf32, #tpu.memory_space<hbm>> -> memref<64x128xf32, #tpu.memory_space<hbm>>
      %dma_wait3A_68 = arith.constant 0 : i32
      %dma_wait3A_69 = arith.constant 0 : i32
      %dma_wait3A_70 = tpu.memref_slice %arg8[%dma_wait3A_68, %dma_wait3A_69] : memref<128x128xf32, #tpu.memory_space<vmem>> -> memref<64x128xf32, #tpu.memory_space<vmem>>
      tpu.wait_dma2 semaphore(%run_scoped3A : memref<!tpu.dma_semaphore, #tpu.memory_space<semaphore_mem>>) src(%dma_wait3A_70 : memref<64x128xf32, #tpu.memory_space<vmem>>) dst(%dma_wait3A_67 : memref<64x128xf32, #tpu.memory_space<hbm>>)
      tpu.yield
    }) : () -> ()
    return
  }
}

module attributes {stable_mosaic.version = 14 : i64} {
  func.func @_prologue_body(%arg0: i32, %arg1: memref<1024x128xf32, #tpu.memory_space<vmem>>, %arg2: memref<128x128xf32, #tpu.memory_space<vmem>>, %arg3: memref<1x128xf32, #tpu.memory_space<vmem>>, %arg4: memref<1024x128xf32, #tpu.memory_space<vmem>>, %arg5: memref<1024x128xf32, #tpu.memory_space<vmem>>, %arg6: memref<1024x128xf32, #tpu.memory_space<vmem>>, %arg7: memref<1024x128xf32, #tpu.memory_space<vmem>>) attributes {dimension_semantics = [#tpu.dimension_semantics<arbitrary>], iteration_bounds = array<i64: 10>, scalar_prefetch = 0 : i64, scratch_operands = 0 : i64, tpu.core_type = #tpu.core_type<tc>, window_params = [{transform_indices = @transform_0, window_bounds = array<i64: 1024, 128>}, {pipeline_mode = #tpu.pipeline_mode<synchronous>, transform_indices = @transform_1, window_bounds = array<i64: 128, 128>}, {pipeline_mode = #tpu.pipeline_mode<synchronous>, transform_indices = @transform_2, window_bounds = array<i64: 1, 128>}, {transform_indices = @transform_3, window_bounds = array<i64: 1024, 128>}, {transform_indices = @transform_4, window_bounds = array<i64: 1024, 128>}, {transform_indices = @transform_5, window_bounds = array<i64: 1024, 128>}, {transform_indices = @transform_6, window_bounds = array<i64: 1024, 128>}]} {
    %get3A = arith.constant 0 : index
    %get3A_0 = arith.constant 0 : index
    %get3A_1 = vector.load %arg1[%get3A, %get3A_0] : memref<1024x128xf32, #tpu.memory_space<vmem>>, vector<1024x128xf32>
    %get3A_2 = arith.constant 0 : index
    %get3A_3 = arith.constant 0 : index
    %get3A_4 = vector.load %arg2[%get3A_2, %get3A_3] : memref<128x128xf32, #tpu.memory_space<vmem>>, vector<128x128xf32>
    %dot_general3A = arith.constant dense<0.000000e+00> : vector<1024x128xf32>
    %dot_general3A_5 = tpu.matmul %get3A_1, %get3A_4, %dot_general3A {dimension_numbers = #tpu.dot_dimension_numbers<[1], [0], [0], [1], [0, 0, 1, 1], [], []>, transpose_lhs_hint = false} : vector<1024x128xf32>, vector<128x128xf32>, vector<1024x128xf32> -> vector<1024x128xf32>
    %get3A_6 = arith.constant 0 : index
    %get3A_7 = arith.constant 0 : index
    %get3A_8 = vector.load %arg3[%get3A_6, %get3A_7] : memref<1x128xf32, #tpu.memory_space<vmem>>, vector<1x128xf32>
    %add3A = vector.broadcast %get3A_8 : vector<1x128xf32> to vector<1024x128xf32>
    %add3A_9 = arith.addf %dot_general3A_5, %add3A : vector<1024x128xf32>
    %max3A = arith.constant 0.000000e+00 : f32
    %max3A_10 = vector.broadcast %max3A : f32 to vector<1024x128xf32>
    %max3A_11 = arith.maximumf %add3A_9, %max3A_10 : vector<1024x128xf32>
    %get3A_12 = arith.constant 0 : index
    %get3A_13 = arith.constant 0 : index
    %get3A_14 = vector.load %arg4[%get3A_12, %get3A_13] : memref<1024x128xf32, #tpu.memory_space<vmem>>, vector<1024x128xf32>
    %slice3A = vector.extract_strided_slice %get3A_14 {offsets = [0, 0], sizes = [1024, 1], strides = [1, 1]} : vector<1024x128xf32> to vector<1024x1xf32>
    %add3A_15 = arith.constant 1.000000e+00 : f32
    %add3A_16 = vector.broadcast %add3A_15 : f32 to vector<1024x1xf32>
    %add3A_17 = arith.addf %slice3A, %add3A_16 : vector<1024x1xf32>
    %rsqrt3A = math.rsqrt %add3A_17 : vector<1024x1xf32>
    %broadcast_in_dim3A = vector.shape_cast %rsqrt3A : vector<1024x1xf32> to vector<1024x1xf32>
    %broadcast_in_dim3A_18 = vector.broadcast %broadcast_in_dim3A : vector<1024x1xf32> to vector<1024x128xf32>
    %swap3A = arith.constant 0 : index
    %swap3A_19 = arith.constant 0 : index
    %swap3A_20 = vector.load %arg5[%swap3A, %swap3A_19] : memref<1024x128xf32, #tpu.memory_space<vmem>>, vector<1024x128xf32>
    tpu.vector_store %arg5[%swap3A, %swap3A_19], %max3A_11 {strides = array<i32>} : memref<1024x128xf32, #tpu.memory_space<vmem>>, vector<1024x128xf32>,
    %mul3A = arith.mulf %broadcast_in_dim3A_18, %max3A_11 : vector<1024x128xf32>
    %swap3A_21 = arith.constant 0 : index
    %swap3A_22 = arith.constant 0 : index
    %swap3A_23 = vector.load %arg6[%swap3A_21, %swap3A_22] : memref<1024x128xf32, #tpu.memory_space<vmem>>, vector<1024x128xf32>
    tpu.vector_store %arg6[%swap3A_21, %swap3A_22], %mul3A {strides = array<i32>} : memref<1024x128xf32, #tpu.memory_space<vmem>>, vector<1024x128xf32>,
    %swap3A_24 = arith.constant 0 : index
    %swap3A_25 = arith.constant 0 : index
    %swap3A_26 = vector.load %arg7[%swap3A_24, %swap3A_25] : memref<1024x128xf32, #tpu.memory_space<vmem>>, vector<1024x128xf32>
    tpu.vector_store %arg7[%swap3A_24, %swap3A_25], %broadcast_in_dim3A_18 {strides = array<i32>} : memref<1024x128xf32, #tpu.memory_space<vmem>>, vector<1024x128xf32>,
    return
  }
  func.func @transform_0(%arg0: i32) -> (i32, i32) {
    %c0_i32 = arith.constant 0 : i32
    %c0_i32_0 = arith.constant 0 : i32
    return %arg0, %c0_i32 : i32, i32
  }
  func.func @transform_1(%arg0: i32) -> (i32, i32) {
    %c0_i32 = arith.constant 0 : i32
    %c0_i32_0 = arith.constant 0 : i32
    %c0_i32_1 = arith.constant 0 : i32
    return %c0_i32, %c0_i32_0 : i32, i32
  }
  func.func @transform_2(%arg0: i32) -> (i32, i32) {
    %c0_i32 = arith.constant 0 : i32
    %c0_i32_0 = arith.constant 0 : i32
    %c0_i32_1 = arith.constant 0 : i32
    return %c0_i32, %c0_i32_0 : i32, i32
  }
  func.func @transform_3(%arg0: i32) -> (i32, i32) {
    %c0_i32 = arith.constant 0 : i32
    %c0_i32_0 = arith.constant 0 : i32
    return %arg0, %c0_i32 : i32, i32
  }
  func.func @transform_4(%arg0: i32) -> (i32, i32) {
    %c0_i32 = arith.constant 0 : i32
    %c0_i32_0 = arith.constant 0 : i32
    return %arg0, %c0_i32 : i32, i32
  }
  func.func @transform_5(%arg0: i32) -> (i32, i32) {
    %c0_i32 = arith.constant 0 : i32
    %c0_i32_0 = arith.constant 0 : i32
    return %arg0, %c0_i32 : i32, i32
  }
  func.func @transform_6(%arg0: i32) -> (i32, i32) {
    %c0_i32 = arith.constant 0 : i32
    %c0_i32_0 = arith.constant 0 : i32
    return %arg0, %c0_i32 : i32, i32
  }
}

module attributes {stable_mosaic.version = 14 : i64} {
  func.func @_layer_body(%arg0: i32, %arg1: memref<1024x128xf32, #tpu.memory_space<vmem>>, %arg2: memref<1024x128xf32, #tpu.memory_space<vmem>>, %arg3: memref<1024x128xf32, #tpu.memory_space<vmem>>, %arg4: memref<1024x128xf32, #tpu.memory_space<vmem>>, %arg5: memref<128x128xf32, #tpu.memory_space<vmem>>, %arg6: memref<1x128xf32, #tpu.memory_space<vmem>>, %arg7: memref<1024x128xf32, #tpu.memory_space<vmem>>, %arg8: memref<1024x128xf32, #tpu.memory_space<vmem>>) attributes {dimension_semantics = [#tpu.dimension_semantics<arbitrary>], iteration_bounds = array<i64: 10>, scalar_prefetch = 0 : i64, scratch_operands = 0 : i64, tpu.core_type = #tpu.core_type<tc>, window_params = [{transform_indices = @transform_0, window_bounds = array<i64: 1024, 128>}, {transform_indices = @transform_1, window_bounds = array<i64: 1024, 128>}, {transform_indices = @transform_2, window_bounds = array<i64: 1024, 128>}, {transform_indices = @transform_3, window_bounds = array<i64: 1024, 128>}, {pipeline_mode = #tpu.pipeline_mode<synchronous>, transform_indices = @transform_4, window_bounds = array<i64: 128, 128>}, {pipeline_mode = #tpu.pipeline_mode<synchronous>, transform_indices = @transform_5, window_bounds = array<i64: 1, 128>}, {transform_indices = @transform_6, window_bounds = array<i64: 1024, 128>}, {transform_indices = @transform_7, window_bounds = array<i64: 1024, 128>}]} {
    %get3A = arith.constant 0 : index
    %get3A_0 = arith.constant 0 : index
    %get3A_1 = vector.load %arg4[%get3A, %get3A_0] : memref<1024x128xf32, #tpu.memory_space<vmem>>, vector<1024x128xf32>
    %get3A_2 = arith.constant 0 : index
    %get3A_3 = arith.constant 0 : index
    %get3A_4 = vector.load %arg2[%get3A_2, %get3A_3] : memref<1024x128xf32, #tpu.memory_space<vmem>>, vector<1024x128xf32>
    %get3A_5 = arith.constant 0 : index
    %get3A_6 = arith.constant 0 : index
    %get3A_7 = vector.load %arg1[%get3A_5, %get3A_6] : memref<1024x128xf32, #tpu.memory_space<vmem>>, vector<1024x128xf32>
    %mul3A = arith.mulf %get3A_1, %get3A_7 : vector<1024x128xf32>
    %mul3A_8 = arith.mulf %get3A_1, %get3A_1 : vector<1024x128xf32>
    %mul3A_9 = arith.mulf %mul3A_8, %get3A_4 : vector<1024x128xf32>
    %add3A = arith.addf %mul3A, %mul3A_9 : vector<1024x128xf32>
    %mul3A_10 = arith.constant 8.000000e-01 : f32
    %mul3A_11 = vector.broadcast %mul3A_10 : f32 to vector<1024x128xf32>
    %mul3A_12 = arith.mulf %mul3A_11, %add3A : vector<1024x128xf32>
    %mul3A_13 = arith.constant 1.000000e-01 : f32
    %mul3A_14 = vector.broadcast %mul3A_13 : f32 to vector<1024x128xf32>
    %mul3A_15 = arith.mulf %mul3A_14, %get3A_4 : vector<1024x128xf32>
    %add3A_16 = arith.addf %mul3A_12, %mul3A_15 : vector<1024x128xf32>
    %get3A_17 = arith.constant 0 : index
    %get3A_18 = arith.constant 0 : index
    %get3A_19 = vector.load %arg3[%get3A_17, %get3A_18] : memref<1024x128xf32, #tpu.memory_space<vmem>>, vector<1024x128xf32>
    %mul3A_20 = arith.constant 1.000000e-01 : f32
    %mul3A_21 = vector.broadcast %mul3A_20 : f32 to vector<1024x128xf32>
    %mul3A_22 = arith.mulf %mul3A_21, %get3A_19 : vector<1024x128xf32>
    %add3A_23 = arith.addf %add3A_16, %mul3A_22 : vector<1024x128xf32>
    %get3A_24 = arith.constant 0 : index
    %get3A_25 = arith.constant 0 : index
    %get3A_26 = vector.load %arg5[%get3A_24, %get3A_25] : memref<128x128xf32, #tpu.memory_space<vmem>>, vector<128x128xf32>
    %dot_general3A = arith.constant dense<0.000000e+00> : vector<1024x128xf32>
    %dot_general3A_27 = tpu.matmul %add3A_23, %get3A_26, %dot_general3A {dimension_numbers = #tpu.dot_dimension_numbers<[1], [0], [0], [1], [0, 0, 1, 1], [], []>, transpose_lhs_hint = false} : vector<1024x128xf32>, vector<128x128xf32>, vector<1024x128xf32> -> vector<1024x128xf32>
    %get3A_28 = arith.constant 0 : index
    %get3A_29 = arith.constant 0 : index
    %get3A_30 = vector.load %arg6[%get3A_28, %get3A_29] : memref<1x128xf32, #tpu.memory_space<vmem>>, vector<1x128xf32>
    %sub3A = vector.broadcast %get3A_30 : vector<1x128xf32> to vector<1024x128xf32>
    %sub3A_31 = arith.subf %dot_general3A_27, %sub3A : vector<1024x128xf32>
    %max3A = arith.constant 0.000000e+00 : f32
    %max3A_32 = vector.broadcast %max3A : f32 to vector<1024x128xf32>
    %max3A_33 = arith.maximumf %sub3A_31, %max3A_32 : vector<1024x128xf32>
    %add3A_34 = vector.broadcast %get3A_30 : vector<1x128xf32> to vector<1024x128xf32>
    %add3A_35 = arith.addf %max3A_33, %add3A_34 : vector<1024x128xf32>
    %swap3A = arith.constant 0 : index
    %swap3A_36 = arith.constant 0 : index
    %swap3A_37 = vector.load %arg7[%swap3A, %swap3A_36] : memref<1024x128xf32, #tpu.memory_space<vmem>>, vector<1024x128xf32>
    tpu.vector_store %arg7[%swap3A, %swap3A_36], %add3A_35 {strides = array<i32>} : memref<1024x128xf32, #tpu.memory_space<vmem>>, vector<1024x128xf32>,
    %mul3A_38 = arith.mulf %get3A_1, %add3A_35 : vector<1024x128xf32>
    %swap3A_39 = arith.constant 0 : index
    %swap3A_40 = arith.constant 0 : index
    %swap3A_41 = vector.load %arg8[%swap3A_39, %swap3A_40] : memref<1024x128xf32, #tpu.memory_space<vmem>>, vector<1024x128xf32>
    tpu.vector_store %arg8[%swap3A_39, %swap3A_40], %mul3A_38 {strides = array<i32>} : memref<1024x128xf32, #tpu.memory_space<vmem>>, vector<1024x128xf32>,
    return
  }
  func.func @transform_0(%arg0: i32) -> (i32, i32) {
    %c0_i32 = arith.constant 0 : i32
    %c0_i32_0 = arith.constant 0 : i32
    return %arg0, %c0_i32 : i32, i32
  }
  func.func @transform_1(%arg0: i32) -> (i32, i32) {
    %c0_i32 = arith.constant 0 : i32
    %c0_i32_0 = arith.constant 0 : i32
    return %arg0, %c0_i32 : i32, i32
  }
  func.func @transform_2(%arg0: i32) -> (i32, i32) {
    %c0_i32 = arith.constant 0 : i32
    %c0_i32_0 = arith.constant 0 : i32
    return %arg0, %c0_i32 : i32, i32
  }
  func.func @transform_3(%arg0: i32) -> (i32, i32) {
    %c0_i32 = arith.constant 0 : i32
    %c0_i32_0 = arith.constant 0 : i32
    return %arg0, %c0_i32 : i32, i32
  }
  func.func @transform_4(%arg0: i32) -> (i32, i32) {
    %c0_i32 = arith.constant 0 : i32
    %c0_i32_0 = arith.constant 0 : i32
    %c0_i32_1 = arith.constant 0 : i32
    return %c0_i32, %c0_i32_0 : i32, i32
  }
  func.func @transform_5(%arg0: i32) -> (i32, i32) {
    %c0_i32 = arith.constant 0 : i32
    %c0_i32_0 = arith.constant 0 : i32
    %c0_i32_1 = arith.constant 0 : i32
    return %c0_i32, %c0_i32_0 : i32, i32
  }
  func.func @transform_6(%arg0: i32) -> (i32, i32) {
    %c0_i32 = arith.constant 0 : i32
    %c0_i32_0 = arith.constant 0 : i32
    return %arg0, %c0_i32 : i32, i32
  }
  func.func @transform_7(%arg0: i32) -> (i32, i32) {
    %c0_i32 = arith.constant 0 : i32
    %c0_i32_0 = arith.constant 0 : i32
    return %arg0, %c0_i32 : i32, i32
  }
}

module attributes {stable_mosaic.version = 14 : i64} {
  func.func @_layer_body(%arg0: i32, %arg1: memref<1024x128xf32, #tpu.memory_space<vmem>>, %arg2: memref<1024x128xf32, #tpu.memory_space<vmem>>, %arg3: memref<1024x128xf32, #tpu.memory_space<vmem>>, %arg4: memref<1024x128xf32, #tpu.memory_space<vmem>>, %arg5: memref<128x128xf32, #tpu.memory_space<vmem>>, %arg6: memref<1x128xf32, #tpu.memory_space<vmem>>, %arg7: memref<1024x128xf32, #tpu.memory_space<vmem>>, %arg8: memref<1024x128xf32, #tpu.memory_space<vmem>>) attributes {dimension_semantics = [#tpu.dimension_semantics<arbitrary>], iteration_bounds = array<i64: 10>, scalar_prefetch = 0 : i64, scratch_operands = 0 : i64, tpu.core_type = #tpu.core_type<tc>, window_params = [{transform_indices = @transform_0, window_bounds = array<i64: 1024, 128>}, {transform_indices = @transform_1, window_bounds = array<i64: 1024, 128>}, {transform_indices = @transform_2, window_bounds = array<i64: 1024, 128>}, {transform_indices = @transform_3, window_bounds = array<i64: 1024, 128>}, {pipeline_mode = #tpu.pipeline_mode<synchronous>, transform_indices = @transform_4, window_bounds = array<i64: 128, 128>}, {pipeline_mode = #tpu.pipeline_mode<synchronous>, transform_indices = @transform_5, window_bounds = array<i64: 1, 128>}, {transform_indices = @transform_6, window_bounds = array<i64: 1024, 128>}, {transform_indices = @transform_7, window_bounds = array<i64: 1024, 128>}]} {
    %get3A = arith.constant 0 : index
    %get3A_0 = arith.constant 0 : index
    %get3A_1 = vector.load %arg4[%get3A, %get3A_0] : memref<1024x128xf32, #tpu.memory_space<vmem>>, vector<1024x128xf32>
    %get3A_2 = arith.constant 0 : index
    %get3A_3 = arith.constant 0 : index
    %get3A_4 = vector.load %arg2[%get3A_2, %get3A_3] : memref<1024x128xf32, #tpu.memory_space<vmem>>, vector<1024x128xf32>
    %get3A_5 = arith.constant 0 : index
    %get3A_6 = arith.constant 0 : index
    %get3A_7 = vector.load %arg1[%get3A_5, %get3A_6] : memref<1024x128xf32, #tpu.memory_space<vmem>>, vector<1024x128xf32>
    %mul3A = arith.mulf %get3A_1, %get3A_7 : vector<1024x128xf32>
    %mul3A_8 = arith.mulf %get3A_1, %get3A_1 : vector<1024x128xf32>
    %mul3A_9 = arith.mulf %mul3A_8, %get3A_4 : vector<1024x128xf32>
    %add3A = arith.addf %mul3A, %mul3A_9 : vector<1024x128xf32>
    %mul3A_10 = arith.constant 8.000000e-01 : f32
    %mul3A_11 = vector.broadcast %mul3A_10 : f32 to vector<1024x128xf32>
    %mul3A_12 = arith.mulf %mul3A_11, %add3A : vector<1024x128xf32>
    %mul3A_13 = arith.constant 1.000000e-01 : f32
    %mul3A_14 = vector.broadcast %mul3A_13 : f32 to vector<1024x128xf32>
    %mul3A_15 = arith.mulf %mul3A_14, %get3A_4 : vector<1024x128xf32>
    %add3A_16 = arith.addf %mul3A_12, %mul3A_15 : vector<1024x128xf32>
    %get3A_17 = arith.constant 0 : index
    %get3A_18 = arith.constant 0 : index
    %get3A_19 = vector.load %arg3[%get3A_17, %get3A_18] : memref<1024x128xf32, #tpu.memory_space<vmem>>, vector<1024x128xf32>
    %mul3A_20 = arith.constant 1.000000e-01 : f32
    %mul3A_21 = vector.broadcast %mul3A_20 : f32 to vector<1024x128xf32>
    %mul3A_22 = arith.mulf %mul3A_21, %get3A_19 : vector<1024x128xf32>
    %add3A_23 = arith.addf %add3A_16, %mul3A_22 : vector<1024x128xf32>
    %get3A_24 = arith.constant 0 : index
    %get3A_25 = arith.constant 0 : index
    %get3A_26 = vector.load %arg5[%get3A_24, %get3A_25] : memref<128x128xf32, #tpu.memory_space<vmem>>, vector<128x128xf32>
    %dot_general3A = arith.constant dense<0.000000e+00> : vector<1024x128xf32>
    %dot_general3A_27 = tpu.matmul %add3A_23, %get3A_26, %dot_general3A {dimension_numbers = #tpu.dot_dimension_numbers<[1], [0], [0], [1], [0, 0, 1, 1], [], []>, transpose_lhs_hint = false} : vector<1024x128xf32>, vector<128x128xf32>, vector<1024x128xf32> -> vector<1024x128xf32>
    %get3A_28 = arith.constant 0 : index
    %get3A_29 = arith.constant 0 : index
    %get3A_30 = vector.load %arg6[%get3A_28, %get3A_29] : memref<1x128xf32, #tpu.memory_space<vmem>>, vector<1x128xf32>
    %sub3A = vector.broadcast %get3A_30 : vector<1x128xf32> to vector<1024x128xf32>
    %sub3A_31 = arith.subf %dot_general3A_27, %sub3A : vector<1024x128xf32>
    %max3A = arith.constant 0.000000e+00 : f32
    %max3A_32 = vector.broadcast %max3A : f32 to vector<1024x128xf32>
    %max3A_33 = arith.maximumf %sub3A_31, %max3A_32 : vector<1024x128xf32>
    %add3A_34 = vector.broadcast %get3A_30 : vector<1x128xf32> to vector<1024x128xf32>
    %add3A_35 = arith.addf %max3A_33, %add3A_34 : vector<1024x128xf32>
    %swap3A = arith.constant 0 : index
    %swap3A_36 = arith.constant 0 : index
    %swap3A_37 = vector.load %arg7[%swap3A, %swap3A_36] : memref<1024x128xf32, #tpu.memory_space<vmem>>, vector<1024x128xf32>
    tpu.vector_store %arg7[%swap3A, %swap3A_36], %add3A_35 {strides = array<i32>} : memref<1024x128xf32, #tpu.memory_space<vmem>>, vector<1024x128xf32>,
    %mul3A_38 = arith.mulf %get3A_1, %add3A_35 : vector<1024x128xf32>
    %swap3A_39 = arith.constant 0 : index
    %swap3A_40 = arith.constant 0 : index
    %swap3A_41 = vector.load %arg8[%swap3A_39, %swap3A_40] : memref<1024x128xf32, #tpu.memory_space<vmem>>, vector<1024x128xf32>
    tpu.vector_store %arg8[%swap3A_39, %swap3A_40], %mul3A_38 {strides = array<i32>} : memref<1024x128xf32, #tpu.memory_space<vmem>>, vector<1024x128xf32>,
    return
  }
  func.func @transform_0(%arg0: i32) -> (i32, i32) {
    %c0_i32 = arith.constant 0 : i32
    %c0_i32_0 = arith.constant 0 : i32
    return %arg0, %c0_i32 : i32, i32
  }
  func.func @transform_1(%arg0: i32) -> (i32, i32) {
    %c0_i32 = arith.constant 0 : i32
    %c0_i32_0 = arith.constant 0 : i32
    return %arg0, %c0_i32 : i32, i32
  }
  func.func @transform_2(%arg0: i32) -> (i32, i32) {
    %c0_i32 = arith.constant 0 : i32
    %c0_i32_0 = arith.constant 0 : i32
    return %arg0, %c0_i32 : i32, i32
  }
  func.func @transform_3(%arg0: i32) -> (i32, i32) {
    %c0_i32 = arith.constant 0 : i32
    %c0_i32_0 = arith.constant 0 : i32
    return %arg0, %c0_i32 : i32, i32
  }
  func.func @transform_4(%arg0: i32) -> (i32, i32) {
    %c0_i32 = arith.constant 0 : i32
    %c0_i32_0 = arith.constant 0 : i32
    %c0_i32_1 = arith.constant 0 : i32
    return %c0_i32, %c0_i32_0 : i32, i32
  }
  func.func @transform_5(%arg0: i32) -> (i32, i32) {
    %c0_i32 = arith.constant 0 : i32
    %c0_i32_0 = arith.constant 0 : i32
    %c0_i32_1 = arith.constant 0 : i32
    return %c0_i32, %c0_i32_0 : i32, i32
  }
  func.func @transform_6(%arg0: i32) -> (i32, i32) {
    %c0_i32 = arith.constant 0 : i32
    %c0_i32_0 = arith.constant 0 : i32
    return %arg0, %c0_i32 : i32, i32
  }
  func.func @transform_7(%arg0: i32) -> (i32, i32) {
    %c0_i32 = arith.constant 0 : i32
    %c0_i32_0 = arith.constant 0 : i32
    return %arg0, %c0_i32 : i32, i32
  }
}

module attributes {stable_mosaic.version = 14 : i64} {
  func.func @_final_body(%arg0: i32, %arg1: memref<1024x128xf32, #tpu.memory_space<vmem>>, %arg2: memref<1024x128xf32, #tpu.memory_space<vmem>>, %arg3: memref<1024x128xf32, #tpu.memory_space<vmem>>, %arg4: memref<1024x128xf32, #tpu.memory_space<vmem>>, %arg5: memref<128x128xf32, #tpu.memory_space<vmem>>, %arg6: memref<1x128xf32, #tpu.memory_space<vmem>>, %arg7: memref<128x40xf32, #tpu.memory_space<vmem>>, %arg8: memref<1x40xf32, #tpu.memory_space<vmem>>, %arg9: memref<1024x40xf32, #tpu.memory_space<vmem>>) attributes {dimension_semantics = [#tpu.dimension_semantics<arbitrary>], iteration_bounds = array<i64: 10>, scalar_prefetch = 0 : i64, scratch_operands = 0 : i64, tpu.core_type = #tpu.core_type<tc>, window_params = [{transform_indices = @transform_0, window_bounds = array<i64: 1024, 128>}, {transform_indices = @transform_1, window_bounds = array<i64: 1024, 128>}, {transform_indices = @transform_2, window_bounds = array<i64: 1024, 128>}, {transform_indices = @transform_3, window_bounds = array<i64: 1024, 128>}, {pipeline_mode = #tpu.pipeline_mode<synchronous>, transform_indices = @transform_4, window_bounds = array<i64: 128, 128>}, {pipeline_mode = #tpu.pipeline_mode<synchronous>, transform_indices = @transform_5, window_bounds = array<i64: 1, 128>}, {pipeline_mode = #tpu.pipeline_mode<synchronous>, transform_indices = @transform_6, window_bounds = array<i64: 128, 40>}, {pipeline_mode = #tpu.pipeline_mode<synchronous>, transform_indices = @transform_7, window_bounds = array<i64: 1, 40>}, {transform_indices = @transform_8, window_bounds = array<i64: 1024, 40>}]} {
    %get3A = arith.constant 0 : index
    %get3A_0 = arith.constant 0 : index
    %get3A_1 = vector.load %arg4[%get3A, %get3A_0] : memref<1024x128xf32, #tpu.memory_space<vmem>>, vector<1024x128xf32>
    %get3A_2 = arith.constant 0 : index
    %get3A_3 = arith.constant 0 : index
    %get3A_4 = vector.load %arg2[%get3A_2, %get3A_3] : memref<1024x128xf32, #tpu.memory_space<vmem>>, vector<1024x128xf32>
    %get3A_5 = arith.constant 0 : index
    %get3A_6 = arith.constant 0 : index
    %get3A_7 = vector.load %arg1[%get3A_5, %get3A_6] : memref<1024x128xf32, #tpu.memory_space<vmem>>, vector<1024x128xf32>
    %mul3A = arith.mulf %get3A_1, %get3A_7 : vector<1024x128xf32>
    %mul3A_8 = arith.mulf %get3A_1, %get3A_1 : vector<1024x128xf32>
    %mul3A_9 = arith.mulf %mul3A_8, %get3A_4 : vector<1024x128xf32>
    %add3A = arith.addf %mul3A, %mul3A_9 : vector<1024x128xf32>
    %mul3A_10 = arith.constant 8.000000e-01 : f32
    %mul3A_11 = vector.broadcast %mul3A_10 : f32 to vector<1024x128xf32>
    %mul3A_12 = arith.mulf %mul3A_11, %add3A : vector<1024x128xf32>
    %mul3A_13 = arith.constant 1.000000e-01 : f32
    %mul3A_14 = vector.broadcast %mul3A_13 : f32 to vector<1024x128xf32>
    %mul3A_15 = arith.mulf %mul3A_14, %get3A_4 : vector<1024x128xf32>
    %add3A_16 = arith.addf %mul3A_12, %mul3A_15 : vector<1024x128xf32>
    %get3A_17 = arith.constant 0 : index
    %get3A_18 = arith.constant 0 : index
    %get3A_19 = vector.load %arg3[%get3A_17, %get3A_18] : memref<1024x128xf32, #tpu.memory_space<vmem>>, vector<1024x128xf32>
    %mul3A_20 = arith.constant 1.000000e-01 : f32
    %mul3A_21 = vector.broadcast %mul3A_20 : f32 to vector<1024x128xf32>
    %mul3A_22 = arith.mulf %mul3A_21, %get3A_19 : vector<1024x128xf32>
    %add3A_23 = arith.addf %add3A_16, %mul3A_22 : vector<1024x128xf32>
    %get3A_24 = arith.constant 0 : index
    %get3A_25 = arith.constant 0 : index
    %get3A_26 = vector.load %arg5[%get3A_24, %get3A_25] : memref<128x128xf32, #tpu.memory_space<vmem>>, vector<128x128xf32>
    %dot_general3A = arith.constant dense<0.000000e+00> : vector<1024x128xf32>
    %dot_general3A_27 = tpu.matmul %add3A_23, %get3A_26, %dot_general3A {dimension_numbers = #tpu.dot_dimension_numbers<[1], [0], [0], [1], [0, 0, 1, 1], [], []>, transpose_lhs_hint = false} : vector<1024x128xf32>, vector<128x128xf32>, vector<1024x128xf32> -> vector<1024x128xf32>
    %get3A_28 = arith.constant 0 : index
    %get3A_29 = arith.constant 0 : index
    %get3A_30 = vector.load %arg6[%get3A_28, %get3A_29] : memref<1x128xf32, #tpu.memory_space<vmem>>, vector<1x128xf32>
    %sub3A = vector.broadcast %get3A_30 : vector<1x128xf32> to vector<1024x128xf32>
    %sub3A_31 = arith.subf %dot_general3A_27, %sub3A : vector<1024x128xf32>
    %max3A = arith.constant 0.000000e+00 : f32
    %max3A_32 = vector.broadcast %max3A : f32 to vector<1024x128xf32>
    %max3A_33 = arith.maximumf %sub3A_31, %max3A_32 : vector<1024x128xf32>
    %add3A_34 = vector.broadcast %get3A_30 : vector<1x128xf32> to vector<1024x128xf32>
    %add3A_35 = arith.addf %max3A_33, %add3A_34 : vector<1024x128xf32>
    %get3A_36 = arith.constant 0 : index
    %get3A_37 = arith.constant 0 : index
    %get3A_38 = vector.load %arg7[%get3A_36, %get3A_37] : memref<128x40xf32, #tpu.memory_space<vmem>>, vector<128x40xf32>
    %dot_general3A_39 = arith.constant dense<0.000000e+00> : vector<1024x40xf32>
    %dot_general3A_40 = tpu.matmul %add3A_35, %get3A_38, %dot_general3A_39 {dimension_numbers = #tpu.dot_dimension_numbers<[1], [0], [0], [1], [0, 0, 1, 1], [], []>, transpose_lhs_hint = false} : vector<1024x128xf32>, vector<128x40xf32>, vector<1024x40xf32> -> vector<1024x40xf32>
    %get3A_41 = arith.constant 0 : index
    %get3A_42 = arith.constant 0 : index
    %get3A_43 = vector.load %arg8[%get3A_41, %get3A_42] : memref<1x40xf32, #tpu.memory_space<vmem>>, vector<1x40xf32>
    %add3A_44 = vector.broadcast %get3A_43 : vector<1x40xf32> to vector<1024x40xf32>
    %add3A_45 = arith.addf %dot_general3A_40, %add3A_44 : vector<1024x40xf32>
    %swap3A = arith.constant 0 : index
    %swap3A_46 = arith.constant 0 : index
    %swap3A_47 = vector.load %arg9[%swap3A, %swap3A_46] : memref<1024x40xf32, #tpu.memory_space<vmem>>, vector<1024x40xf32>
    tpu.vector_store %arg9[%swap3A, %swap3A_46], %add3A_45 {strides = array<i32>} : memref<1024x40xf32, #tpu.memory_space<vmem>>, vector<1024x40xf32>,
    return
  }
  func.func @transform_0(%arg0: i32) -> (i32, i32) {
    %c0_i32 = arith.constant 0 : i32
    %c0_i32_0 = arith.constant 0 : i32
    return %arg0, %c0_i32 : i32, i32
  }
  func.func @transform_1(%arg0: i32) -> (i32, i32) {
    %c0_i32 = arith.constant 0 : i32
    %c0_i32_0 = arith.constant 0 : i32
    return %arg0, %c0_i32 : i32, i32
  }
  func.func @transform_2(%arg0: i32) -> (i32, i32) {
    %c0_i32 = arith.constant 0 : i32
    %c0_i32_0 = arith.constant 0 : i32
    return %arg0, %c0_i32 : i32, i32
  }
  func.func @transform_3(%arg0: i32) -> (i32, i32) {
    %c0_i32 = arith.constant 0 : i32
    %c0_i32_0 = arith.constant 0 : i32
    return %arg0, %c0_i32 : i32, i32
  }
  func.func @transform_4(%arg0: i32) -> (i32, i32) {
    %c0_i32 = arith.constant 0 : i32
    %c0_i32_0 = arith.constant 0 : i32
    %c0_i32_1 = arith.constant 0 : i32
    return %c0_i32, %c0_i32_0 : i32, i32
  }
  func.func @transform_5(%arg0: i32) -> (i32, i32) {
    %c0_i32 = arith.constant 0 : i32
    %c0_i32_0 = arith.constant 0 : i32
    %c0_i32_1 = arith.constant 0 : i32
    return %c0_i32, %c0_i32_0 : i32, i32
  }
  func.func @transform_6(%arg0: i32) -> (i32, i32) {
    %c0_i32 = arith.constant 0 : i32
    %c0_i32_0 = arith.constant 0 : i32
    %c0_i32_1 = arith.constant 0 : i32
    return %c0_i32, %c0_i32_0 : i32, i32
  }
  func.func @transform_7(%arg0: i32) -> (i32, i32) {
    %c0_i32 = arith.constant 0 : i32
    %c0_i32_0 = arith.constant 0 : i32
    %c0_i32_1 = arith.constant 0 : i32
    return %c0_i32, %c0_i32_0 : i32, i32
  }
  func.func @transform_8(%arg0: i32) -> (i32, i32) {
    %c0_i32 = arith.constant 0 : i32
    %c0_i32_0 = arith.constant 0 : i32
    return %arg0, %c0_i32 : i32, i32
  }
}

</mosaic_0001>

<sc_bundles>
// kernel: kernel.12.cloned.1.call-start
scs
__scs_entry_jumppad:
0x0: {  	(pc) =	sbr.rel $0x88, $3  }
0x1: {  	(tag) =	ssettag $0x0;
	lr =	simm.s32 $0x1  }
0x2: {  	[smem:$0x3F99] =	sst lr;
	_ =	strace $0xD0000000  }
0x3: {  	_ = 	snop  }
0x4: {  	_ = 	snop  }
0x5: {  	_ = 	snop  }
0x6: {  	_ = 	snop  }
0x7: {  	_ = 	snop  }
__scs_overlays_trampoline_lowered:
0x8: {  	[smem:$0x3FA8] =	sst s0  }
0x9: {  	[smem:$0x3FA9] =	sst s1  }
0xa: {  	[smem:$0x3FAA] =	sst s2  }
0xb: {  	[smem:$0x3FAB] =	sst s3  }
0xc: {  	[smem:$0x3FAC] =	sst s4  }
0xd: {  	[smem:$0x3FAD] =	sst s5  }
0xe: {  	[smem:$0x3FAE] =	sst s6  }
0xf: {  	[smem:$0x3FAF] =	sst s7  }
0x10: {  	[smem:$0x3FB0] =	sst s8  }
0x11: {  	[smem:$0x3FB1] =	sst s9;
	s0 =	simm.s32 @!p0 $0x0  }
0x12: {  	s1 =	sld [smem:$0x3F97];
	s0 =	simm.s32 @p0 $0x1  }
0x13: {  	[smem:$0x3FB2] =	sst s0;
	s0 =	simm.s32 @!p1 $0x0  }
0x14: {  	s2 =	sld [smem:$0x3F96];
	s0 =	simm.s32 @p1 $0x1  }
0x15: {  	[smem:$0x3FB3] =	sst s0;
	s0 =	simm.s32 @!p2 $0x0  }
0x16: {  	s3 =	sld [smem:$0x3FDB];
	s0 =	simm.s32 @p2 $0x1  }
0x17: {  	s4 =	simm.s32 $0x1BF5;
	[smem:$0x3FB5] =	sst s0  }
0x18: {  	s0 =	sld [smem:$0x3F98];
	_ =	swait.ge [sflag:s4], $0x0  }
0x19: {  	s7 =	sld [smem:$0x3F99]  }
0x1a: {  	s8 =	sadd.s32 $0xFFFFE003, lr  }
0x1b: {  	s9 =	sadd.s32 $0xFFFFFEF7, lr;
	s5 =	simm.s32 $0xFFFFFFFF;
	p2 =	slt.u32 s8, $0xFFFFF086  }
0x1c: {  	p1 =	slt.u32 s9, $0xF7A;
	s5 =	simm.s32 @!p2 $0x0  }
0x1d: {  	s5 =	simm.s32 @p1 $0x1;
	p0 =	seq.s32 s7, s2  }
0x1e: {  	s7 =	smul.u32 @!p0 $0xF7A, s2;
	p2 =	seq.s32 @!p0 s5, $0x0  }
0x1f: {  	s9 =	smul.u32 $0xF7A, s1;
	s8 =	simm.s32 @!p0 $0x1BF5;
	p2 =	por !p2, p0  }
0x20: {  	[sflag:s8] =	ssyncset.s32 @!p0 $0xFFFFF086;
	s6 =	sadd.s32 @!p0 s3, s7;
	s7 =	simm.s32 @!p0 $0x108  }
0x21: {  	s3 =	sadd.s32 s3, s9;
	s6 =	sadd.s32 @!p0 $0x88, s6;
	s7 =	simm.s32 @p2 $0x1082  }
0x22: {  	[simem:s7], [sflag:s8] =	dma.local @!p0 [hbm:s6], $0xF7A  }
0x23: {  	s9 =	sor.u32 $0xD0000000, s2;
	s6 =	simm.s32 $0x108;
	_ =	swait.ge @!p0 [sflag:s8], $0x0  }
0x24: {  	s3 =	sadd.s32 $0x88, s3;
	s6 =	simm.s32 @!p1 $0x1082;
	[sflag:s4] =	ssyncset.s32 $0xFFFFF086  }
0x25: {  	[simem:s6], [sflag:s4] =	dma.local [hbm:s3], $0xF7A  }
0x26: {  	[smem:$0x3F99] =	sst s1;
	(tag) =	ssettag s2;
	_ =	strace s9  }
0x27: {  	s1 =	sld [smem:$0x3FA9]  }
0x28: {  	s2 =	sld [smem:$0x3FAA]  }
0x29: {  	s4 =	sld [smem:$0x3FAC]  }
0x2a: {  	p0 =	seq.s32 s5, $0x0;
	s5 =	sld [smem:$0x3FAD]  }
0x2b: {  	s6 =	sld [smem:$0x3FAE]  }
0x2c: {  	s7 =	sld [smem:$0x3FAF]  }
0x2d: {  	s3 =	simm.s32 $0x108;
	s8 =	sld [smem:$0x3FB0]  }
0x2e: {  	s3 =	simm.s32 @!p0 $0x1082;
	s9 =	sld [smem:$0x3FB1]  }
0x2f: {  	lr =	sadd.s32 s0, s3;
	s0 =	sld [smem:$0x3FA8]  }
0x30: {  	s3 =	sld [smem:$0x3FAB]  }
0x31: {  	[smem:$0x3FB4] =	sst s10  }
0x32: {  	s10 =	sld [smem:$0x3FB2];
	_ =	sdelay $0x3  }
0x33: {  	p0 =	seq.s32 s10, $0x1;
	s10 =	sld [smem:$0x3FB4];
	_ =	sdelay $0x3  }
0x34: {  	[smem:$0x3FB4] =	sst s10  }
0x35: {  	s10 =	sld [smem:$0x3FB3];
	_ =	sdelay $0x3  }
0x36: {  	p1 =	seq.s32 s10, $0x1;
	s10 =	sld [smem:$0x3FB4];
	_ =	sdelay $0x3  }
0x37: {  	[smem:$0x3FB4] =	sst s10  }
0x38: {  	s10 =	sld [smem:$0x3FB5]  }
0x39: {  	_ = 	snop;
	(pc) =	sbr.ind lr, $3  }
0x3a: {  	_ = 	snop  }
0x3b: {  	_ = 	snop  }
0x3c: {  	p2 =	seq.s32 s10, $0x1;
	s10 =	sld [smem:$0x3FB4]  }
0x3d: {  	_ =	shalt  }
0x3e: {  	_ =	shalt  }
0x3f: {  	_ =	shalt  }
0x40: {  	_ =	shalt  }
0x41: {  	_ =	shalt  }
0x42: {  	_ =	shalt  }
0x43: {  	_ =	shalt  }
0x44: {  	_ =	shalt  }
0x45: {  	_ =	shalt  }
0x46: {  	_ =	shalt  }
0x47: {  	_ =	shalt  }
0x48: {  	_ =	shalt  }
0x49: {  	_ =	shalt  }
0x4a: {  	_ =	shalt  }
0x4b: {  	_ =	shalt  }
0x4c: {  	_ =	shalt  }
0x4d: {  	_ =	shalt  }
0x4e: {  	_ =	shalt  }
0x4f: {  	_ =	shalt  }
0x50: {  	_ =	shalt  }
0x51: {  	_ =	shalt  }
0x52: {  	_ =	shalt  }
0x53: {  	_ =	shalt  }
0x54: {  	_ =	shalt  }
0x55: {  	_ =	shalt  }
0x56: {  	_ =	shalt  }
0x57: {  	_ =	shalt  }
0x58: {  	_ =	shalt  }
0x59: {  	_ =	shalt  }
0x5a: {  	_ =	shalt  }
0x5b: {  	_ =	shalt  }
0x5c: {  	_ =	shalt  }
0x5d: {  	_ =	shalt  }
0x5e: {  	_ =	shalt  }
0x5f: {  	_ =	shalt  }
0x60: {  	_ =	shalt  }
0x61: {  	_ =	shalt  }
0x62: {  	_ =	shalt  }
0x63: {  	_ =	shalt  }
0x64: {  	_ =	shalt  }
0x65: {  	_ =	shalt  }
0x66: {  	_ =	shalt  }
0x67: {  	_ =	shalt  }
0x68: {  	_ =	shalt  }
0x69: {  	_ =	shalt  }
0x6a: {  	_ =	shalt  }
0x6b: {  	_ =	shalt  }
0x6c: {  	_ =	shalt  }
0x6d: {  	_ =	shalt  }
0x6e: {  	_ =	shalt  }
0x6f: {  	_ =	shalt  }
0x70: {  	_ =	shalt  }
0x71: {  	_ =	shalt  }
0x72: {  	_ =	shalt  }
0x73: {  	_ =	shalt  }
0x74: {  	_ =	shalt  }
0x75: {  	_ =	shalt  }
0x76: {  	_ =	shalt  }
0x77: {  	_ =	shalt  }
0x78: {  	_ =	shalt  }
0x79: {  	_ =	shalt  }
0x7a: {  	_ =	shalt  }
0x7b: {  	_ =	shalt  }
0x7c: {  	_ =	shalt  }
0x7d: {  	_ =	shalt  }
0x7e: {  	_ =	shalt  }
0x7f: {  	_ =	shalt  }
0x80: {  	_ =	shalt  }
0x81: {  	_ =	shalt  }
0x82: {  	_ =	shalt  }
0x83: {  	_ =	shalt  }
0x84: {  	_ =	shalt  }
0x85: {  	_ =	shalt  }
0x86: {  	_ =	shalt  }
0x87: {  	_ =	shalt  }
.Lfunc_end0:
.L_simem_size_0:
called_computation_lowered:
.L_overlay_start_0:
0x88: {  	s2 =	sld [smem:$0x3FD9]  }
0x89: {  	s3 =	sld [smem:$0x3FFE];
	_ =	sdelay $0x1  }
0x8a: {  	s1 =	srdreg.scid  }
0x8b: {  	s0 =	sand.u32 $0x1, s1  }
0x8c: {  	s16 =	sshll.u32 s0, $0xA;
	s2 =	sadd.s32 s3, s2  }
0x8d: {  	s2 =	sadd.s32 s2, s16  }
0x8e: {  	[smem:$0x3FC0] =	sst s2  }
0x8f: {  	_ = 	snop  }
0x90: {  	(tm) =	ssettm $0x1  }
0x91: {  	s17 =	sld [smem:$0x3FFB];
	_ =	sdelay $0x3  }
0x92: {  	_ =	strace s17  }
0x93: {  	s2 =	sld [smem:$0x3FFC];
	_ =	sdelay $0x3  }
0x94: {  	_ =	strace s2  }
0x95: {  	s2 =	sld [smem:$0x3FFD];
	_ =	sdelay $0x3  }
0x96: {  	_ =	strace s2  }
0x97: {  	_ =	strace $0x8FFFFFFF  }
0x98: {  	s18 =	sld [smem:$0x3FDB];
	_ =	sdelay $0x1  }
0x99: {  	s19 =	simm.s32 $_scs_section_size  }
0x9a: {  	s4 =	simm.s32 $_size__tile_overlayer_lowered;
	s5 =	simm.s32 $_tile_overlayer_lowered  }
0x9b: {  	s22 =	simm.s32 $0x1BFF;
	s21 =	sshll.u32 s5, $0x1;
	s2 =	sadd.s32 s19, s18  }
0x9c: {  	s6 =	simm.s32 $0x0;
	s20 =	sshll.u32 s4, $0x1;
	s4 =	sadd.s32 s21, s2  }
0x9d: {  	[timem:s6], [sflag:s22] =	dma.local [hbm:s4], s20  }
0x9e: {  	_ =	swait.ge [sflag:s22], s20  }
0x9f: {  	s3 =	ssub.s32 $0x0, s20;
	[sflag:s22] =	ssyncset.done $0x0  }
0xa0: {  	[sflag:s22] =	ssyncadd.s32 s3;
	_ =	sdelay $0x1  }
0xa1: {  	s23 =	simm.s32 $0x1B8B  }
0xa2: {  	_ =	swait.ge [sflag:s23], $0x1  }
0xa3: {  	[sflag:s23] =	ssyncset.done $0x0  }
0xa4: {  	s25 =	simm.s32 $0x1B8E;
	s24 =	sld [smem:$0x3FFE];
	[sflag:s23] =	ssyncadd.s32 $0xFFFFFFFF  }
0xa5: {  	s26 =	simm.s32 $execute0_lowered;
	[smem:$0x3FD2] =	sst s25  }
0xa6: {  	s4 =	sshll.u32 s26, $0x1;
	_ =	strace $0x80000046;
	[dreg:$0x1] =	wrdreg $0xFFFFFFFF  }
0xa7: {  	s28 =	simm.s32 $_size_execute0_lowered;
	s2 =	sadd.s32 s2, s4;
	[dreg:$0x0] =	wrdreg $0x0  }
0xa8: {  	s4 =	sshll.u32 s28, $0x1;
	[dreg:$0x2] =	wrdreg s2  }
0xa9: {  	[dreg:$0x3] =	wrdreg s4  }
0xaa: {  	[dreg:$0x4] =	wrdreg $0xC0  }
0xab: {  	_ =	task [dreg:s6], $0x5FFFF  }
0xac: {  	[dreg:$0x1] =	wrdreg $0xFFFFFFFF  }
0xad: {  	[dreg:$0x0] =	wrdreg $0x60  }
0xae: {  	[dreg:$0x2] =	wrdreg s24  }
0xaf: {  	[dreg:$0x3] =	wrdreg $0xD0000  }
0xb0: {  	[dreg:$0x4] =	wrdreg $0x9  }
0xb1: {  	_ =	task.clear_ibuf [dreg:s6], $0x5FFFF;
	_ =	strace $0x90000046  }
0xb2: {  	s29 =	simm.s32 $0x9;
	_ =	strace $0x80000048  }
0xb3: {  	_ =	swait.ge [sflag:s29], $0x1  }
0xb4: {  	[sflag:s29] =	ssyncadd.s32 $0xFFFFFFFF  }
0xb5: {  	_ =	strace $0x90000048  }
0xb6: {  	_ =	sfence  }
0xb7: {  	s30 =	sld [smem:$0x0];
	_ =	sdelay $0x2  }
0xb8: {  	s31 =	sshll.u32 s1, $0xD;
	s1 =	sshrl.u32 s1, $0x2  }
0xb9: {  	s3 =	sand.u32 $0x4000, s31;
	s1 =	sadd.s32 s1, s30  }
0xba: {  	s0 =	sor.u32 s3, s0;
	s1 =	sshll.u32 s1, $0x11  }
0xbb: {  	s0 =	sor.u32 s1, s0  }
0xbc: {  	s0 =	sadd.s32 $0x8F2B, s0  }
0xbd: {  	[sflag:s0] =	ssyncadd.remote.s32 $0x1  }
0xbe: {  	_ =	sfence.sel $0xFFFF  }
0xbf: {  	[dreg:$0x0] =	wrdreg $0xFFFFFFFF;
	(pc) =	sbr.abs _section_cstart, $3  }
0xc0: {  	[dreg:$0x1] =	wrdreg $0xFFFFFFFF  }
0xc1: {  	_ =	task.clear_ibuf [dreg:s6], $0x2FFFF;
	_ =	strace $0x9FFFFFFF  }
0xc2: {  	(tm) =	ssettm $0x7FFFFFFF  }
0xc3: {  	_ =	shalt  }
tec
execute0_lowered:
.L_overlay_start_1:
0x0: {  	(tag) =	ssettag $0x1  }
0x1: {  	s0 =	srdreg.scid;
	s6 =	rddreg [dreg:$0x0]  }
0x2: {  	s2 =	rddreg [dreg:$0x1];
	s4 =	sand.u32 $0x1, s0  }
0x3: {  	s0 =	stileid.u32;
	s5 =	smul.u32 $0x50000, s4  }
0x4: {  	s1 =	rddreg [dreg:$0x2];
	s3 =	simm.s32 $0x0;
	s7 =	smul.u32 $0x5000, s0  }
0x5: {  	s17 =	simm.s32 $0x80;
	s18 =	simm.s32 $0x5000;
	s28 =	smul.u32 $0x29000, s0  }
0x6: {  	s19 =	simm.s32 $0x0;
	[smem:$0x7FF] =	sst s3;
	s8 =	smul.u32 $0x28000, s0  }
0x7: {  	s13 =	sadd.s32 $0x18C00, s6;
	s29 =	ssub.s32 $0x2, s4;
	s10 =	smul.u32 $0xA0000, s4  }
0x8: {  	_ =	strace $0x80000047;
	s30 =	smul.u32 $0xA000, s0;
	s9 =	sshrl.u32 s29, $0x1  }
0x9: {  	s5 =	sadd.s32 s7, s5;
	s7 =	sshrl.u32 s28, $0x2;
	s14 =	ssub.s32 s29, s9  }
0xa: {  	s8 =	sshrl.u32 s8, $0x2;
	s11 =	sadd.s32 s30, s10;
	s12 =	sadd.s32 $0x4000, s30  }
0xb: {  	s15 =	sadd.s32 $0x8000, s30;
	s5 =	sshrl.u32 s5, $0x3;
	s4 =	sadd.s32 s7, s2  }
0xc: {  	s8 =	sadd.s32 s8, s2;
	s11 =	sshrl.u32 s11, $0x3;
	s31 =	sadd.s32 s10, s12  }
0xd: {  	s16 =	sadd.s32 s10, s15;
	s10 =	sadd.s32 s12, s2;
	s12 =	sadd.s32 s15, s2  }
0xe: {  	s14 =	smax.u32 s14, $0x1;
	s15 =	simm.s32 $0x1;
	s5 =	sadd.s32 s5, s6  }
0xf: {  	s6 =	sadd.s32 $0x4000, s4;
	s7 =	sadd.s32 $0x8000, s4;
	s9 =	sadd.s32 s13, s11  }
0x10: {  	s11 =	sshrl.u32 s31, $0x3;
	s16 =	sshrl.u32 s16, $0x3;
	s5 =	sadd.s32 $0x4C00, s5  }
0x11: {  	v0 =	vimm.f32 $1.000000000e+00;
	v1 =	vimm.f32 $0.0e+00;
	s11 =	sadd.s32 s13, s11;
	s13 =	sadd.s32 s13, s16;
	s16 =	simm.s32 $0x9000  }
.LBB2_1:
0x12: {  	[tilespmem:s3], [sflag:$0x1] =	stream.linear.gather [hbm4b:s5+s3], $0x4F00, $0x38;
	[tilespmem:$0x17400] =	vst v63  }
0x13: {  	_ =	swait.ge [sflag:s15], $0x4F00  }
0x14: {  	[sflag:s15] =	ssyncset.done $0x0  }
0x15: {  	s20 =	simm.s32 $0x0;
	s21 =	simm.s32 $0x200;
	[sflag:s15] =	ssyncadd.s32 $0xFFFFB100  }
.LBB2_2:
0x16: {  	p0 =	sne.s32 s21, $0xFE00;
	[tilespmem:s20+$0x9070] =	vst v1  }
0x17: {  	[tilespmem:s20+$0x5000] =	vst v0  }
0x18: {  	[tilespmem:s20+$0x9000] =	vst v1  }
0x19: {  	[tilespmem:s20+$0x5010] =	vst v0  }
0x1a: {  	[tilespmem:s20+$0x9010] =	vst v1  }
0x1b: {  	[tilespmem:s20+$0x5020] =	vst v0  }
0x1c: {  	[tilespmem:s20+$0x9020] =	vst v1  }
0x1d: {  	[tilespmem:s20+$0x5030] =	vst v0  }
0x1e: {  	[tilespmem:s20+$0x9030] =	vst v1  }
0x1f: {  	[tilespmem:s20+$0x5040] =	vst v0  }
0x20: {  	[tilespmem:s20+$0x9040] =	vst v1  }
.Ltmp0:
0x21: {  	[tilespmem:s20+$0x5050] =	vst v0;
	(pc) =	sbr.rel @p0 .LBB2_2-.Ltmp0, $4  }
0x22: {  	[tilespmem:s20+$0x9050] =	vst v1  }
0x23: {  	[tilespmem:s20+$0x5060] =	vst v0  }
0x24: {  	[tilespmem:s20+$0x9060] =	vst v1  }
0x25: {  	[tilespmem:s20+$0x5070] =	vst v0;
	s20 =	sshra.s32 s21, $0x2;
	s21 =	sadd.s32 $0x200, s21  }
0x26: {  	[tilespmem:s20+$0x9070] =	vst v1  }
0x27: {  	[tilespmem:s20+$0x5000] =	vst v0  }
0x28: {  	[tilespmem:s20+$0x9000] =	vst v1  }
0x29: {  	[tilespmem:s20+$0x5010] =	vst v0  }
0x2a: {  	[tilespmem:s20+$0x9010] =	vst v1  }
0x2b: {  	[tilespmem:s20+$0x5020] =	vst v0  }
0x2c: {  	[tilespmem:s20+$0x9020] =	vst v1  }
0x2d: {  	[tilespmem:s20+$0x5030] =	vst v0  }
0x2e: {  	[tilespmem:s20+$0x9030] =	vst v1  }
0x2f: {  	[tilespmem:s20+$0x5040] =	vst v0  }
0x30: {  	[tilespmem:s20+$0x9040] =	vst v1  }
0x31: {  	[tilespmem:s20+$0x5050] =	vst v0  }
0x32: {  	[tilespmem:s20+$0x9050] =	vst v1  }
0x33: {  	[tilespmem:s20+$0x5060] =	vst v0  }
0x34: {  	[tilespmem:s20+$0x9060] =	vst v1  }
0x35: {  	[tilespmem:s20+$0x5070] =	vst v0  }
0x36: {  	[spmem:s4] =	stream.linear.scatter [tilespmem:s16], [sflag:$0x1], $0x4000, $0x38;
	[tilespmem:$0x17400] =	vst v63  }
0x37: {  	_ =	swait.ge [sflag:s15], $0x4000  }
0x38: {  	[sflag:s15] =	ssyncset.done $0x0  }
0x39: {  	[sflag:s15] =	ssyncadd.s32 $0xFFFFC000  }
0x3a: {  	[spmem:s6] =	stream.linear.scatter [tilespmem:s16], [sflag:$0x1], $0x4000, $0x38;
	[tilespmem:$0x17400] =	vst v63  }
0x3b: {  	_ =	swait.ge [sflag:s15], $0x4000  }
0x3c: {  	[sflag:s15] =	ssyncset.done $0x0  }
0x3d: {  	[sflag:s15] =	ssyncadd.s32 $0xFFFFC000  }
0x3e: {  	[spmem:s7] =	stream.linear.scatter [tilespmem:s16], [sflag:$0x1], $0x2400, $0x38;
	[tilespmem:$0x17400] =	vst v63  }
0x3f: {  	_ =	swait.ge [sflag:s15], $0x2400  }
0x40: {  	[sflag:s15] =	ssyncset.done $0x0  }
0x41: {  	[sflag:s15] =	ssyncadd.s32 $0xFFFFDC00  }
0x42: {  	s31 =	simm.s32 $0x0;
	[bflag:$0x0] =	sbarrier.arrive $0xFFFF  }
0x43: {  	[spmem:s2] =	stream.indirect.scatter.add.f32 [tilespmem:s18], [sflag:$0x1], $0x80, s31, s17, $0xb8;
	[tilespmem:$0x17400] =	vst v63  }
0x44: {  	_ =	swait.ge [sflag:s15], $0x4000  }
0x45: {  	s20 =	simm.s32 $0x200;
	[sflag:s15] =	ssyncset.done $0x0  }
.LBB2_4:
0x46: {  	s21 =	sshra.s32 s20, $0x2;
	[sflag:s15] =	ssyncadd.s32 $0xFFFFC000;
	p0 =	sne.s32 s20, $0x13A00  }
0x47: {  	[spmem:s2] =	stream.indirect.scatter.add.f32 [tilespmem:s18], [sflag:$0x1], $0x80, s21, s17, $0xb8;
	[tilespmem:$0x17400] =	vst v63  }
.Ltmp1:
0x48: {  	_ = 	snop;
	(pc) =	sbr.rel @p0 .LBB2_4-.Ltmp1, $4  }
0x49: {  	_ = 	snop  }
0x4a: {  	s20 =	sadd.s32 $0x200, s20  }
0x4b: {  	_ =	swait.ge [sflag:s15], $0x4000  }
0x4c: {  	[sflag:s15] =	ssyncset.done $0x0  }
0x4d: {  	[sflag:s15] =	ssyncadd.s32 $0xFFFFC000  }
0x4e: {  	[bflag:$0x0] =	sbarrier.arrive $0xFFFF  }
0x4f: {  	[tilespmem:s16], [sflag:$0x1] =	stream.linear.gather [spmem:s8], $0x4000, $0x38;
	[tilespmem:$0x17400] =	vst v63  }
0x50: {  	_ =	swait.ge [sflag:s15], $0x4000  }
0x51: {  	[sflag:s15] =	ssyncset.done $0x0  }
0x52: {  	[sflag:s15] =	ssyncadd.s32 $0xFFFFC000  }
0x53: {  	[hbm4b:s9+s3] =	stream.linear.scatter [tilespmem:s16], [sflag:$0x1], $0x4000, $0x38;
	[tilespmem:$0x17400] =	vst v63  }
0x54: {  	_ =	swait.ge [sflag:s15], $0x4000  }
0x55: {  	[sflag:s15] =	ssyncset.done $0x0  }
0x56: {  	[sflag:s15] =	ssyncadd.s32 $0xFFFFC000  }
0x57: {  	[tilespmem:s16], [sflag:$0x1] =	stream.linear.gather [spmem:s10], $0x4000, $0x38;
	[tilespmem:$0x17400] =	vst v63  }
0x58: {  	_ =	swait.ge [sflag:s15], $0x4000  }
0x59: {  	[sflag:s15] =	ssyncset.done $0x0  }
0x5a: {  	[sflag:s15] =	ssyncadd.s32 $0xFFFFC000  }
0x5b: {  	[hbm4b:s11+s3] =	stream.linear.scatter [tilespmem:s16], [sflag:$0x1], $0x4000, $0x38;
	[tilespmem:$0x17400] =	vst v63  }
0x5c: {  	_ =	swait.ge [sflag:s15], $0x4000  }
0x5d: {  	[sflag:s15] =	ssyncset.done $0x0  }
0x5e: {  	[sflag:s15] =	ssyncadd.s32 $0xFFFFC000  }
0x5f: {  	[tilespmem:s16], [sflag:$0x1] =	stream.linear.gather [spmem:s12], $0x2000, $0x38;
	[tilespmem:$0x17400] =	vst v63  }
0x60: {  	s19 =	sadd.s32 $0x1, s19;
	_ =	swait.ge [sflag:s15], $0x2000  }
0x61: {  	p0 =	sne.s32 s19, s14;
	[sflag:s15] =	ssyncset.done $0x0  }
.Ltmp2:
0x62: {  	[sflag:s15] =	ssyncadd.s32 $0xFFFFE000;
	(pc) =	sbr.rel @p0 .LBB2_1-.Ltmp2, $4  }
0x63: {  	[hbm4b:s13+s3] =	stream.linear.scatter [tilespmem:s16], [sflag:$0x1], $0x2000, $0x38;
	[tilespmem:$0x17400] =	vst v63  }
0x64: {  	_ =	swait.ge [sflag:s15], $0x2000  }
0x65: {  	[sflag:s15] =	ssyncset.done $0x0  }
0x66: {  	[sflag:s15] =	ssyncadd.s32 $0xFFFFE000  }
0x67: {  	_ =	sfence.sel $0x180000  }
0x68: {  	[bflag:$0x0] =	sbarrier.arrive $0xFFFF  }
0x69: {  	p0 =	sne.s32 s0, $0x0;
	_ =	strace $0x90000047  }
0x6a: {  	s0 =	sadd.s32 @!p0 $0x100000, s1;
	[bflag:$0x2] =	sbarrier.arrive $0xFFFF  }
0x6b: {  	[sflag:s0] =	ssyncadd.tile.s32 @!p0 $0x1;
	_ =	shalt  }
.Lfunc_end2:
_tile_overlayer_lowered:
.L_overlay_start_2:
0x6c: {  	(tag) =	ssettag $0x2  }
0x6d: {  	s0 =	rddreg [dreg:$0x0];
	s2 =	stileid.u32  }
0x6e: {  	s1 =	rddreg [dreg:$0x1];
	p0 =	sne.s32 s2, $0x0  }
0x6f: {  	s3 =	rddreg [dreg:$0x2];
	[bflag:$0x3] =	sbarrier.arrive $0xFFFF;
	s2 =	simm.s32 @!p0 $0x1C01  }
0x70: {  	[timem:s3], [sflag:s2] =	dma.local @!p0 [hbm:s0], s1  }
0x71: {  	s0 =	simm.s32 @!p0 $0x1  }
0x72: {  	_ =	swait.ge @!p0 [sflag:s0], s1  }
0x73: {  	s1 =	ssub.s32 @!p0 $0x0, s1;
	[sflag:s0] =	ssyncset.done @!p0 $0x0  }
0x74: {  	[sflag:s0] =	ssyncadd.s32 @!p0 s1  }
0x75: {  	[bflag:$0x3] =	sbarrier.arrive $0xFFFF  }
0x76: {  	_ =	shalt  }

// kernel: kernel.15.cloned.1.call-start
scs
__scs_entry_jumppad:
0x0: {  	(pc) =	sbr.rel $0x88, $3  }
0x1: {  	(tag) =	ssettag $0x0;
	lr =	simm.s32 $0x1  }
0x2: {  	[smem:$0x3F99] =	sst lr;
	_ =	strace $0xD0000000  }
0x3: {  	_ = 	snop  }
0x4: {  	_ = 	snop  }
0x5: {  	_ = 	snop  }
0x6: {  	_ = 	snop  }
0x7: {  	_ = 	snop  }
__scs_overlays_trampoline_lowered:
0x8: {  	[smem:$0x3FA8] =	sst s0  }
0x9: {  	[smem:$0x3FA9] =	sst s1  }
0xa: {  	[smem:$0x3FAA] =	sst s2  }
0xb: {  	[smem:$0x3FAB] =	sst s3  }
0xc: {  	[smem:$0x3FAC] =	sst s4  }
0xd: {  	[smem:$0x3FAD] =	sst s5  }
0xe: {  	[smem:$0x3FAE] =	sst s6  }
0xf: {  	[smem:$0x3FAF] =	sst s7  }
0x10: {  	[smem:$0x3FB0] =	sst s8  }
0x11: {  	[smem:$0x3FB1] =	sst s9;
	s0 =	simm.s32 @!p0 $0x0  }
0x12: {  	s1 =	sld [smem:$0x3F97];
	s0 =	simm.s32 @p0 $0x1  }
0x13: {  	[smem:$0x3FB2] =	sst s0;
	s0 =	simm.s32 @!p1 $0x0  }
0x14: {  	s2 =	sld [smem:$0x3F96];
	s0 =	simm.s32 @p1 $0x1  }
0x15: {  	[smem:$0x3FB3] =	sst s0;
	s0 =	simm.s32 @!p2 $0x0  }
0x16: {  	s3 =	sld [smem:$0x3FDB];
	s0 =	simm.s32 @p2 $0x1  }
0x17: {  	s4 =	simm.s32 $0x1BF5;
	[smem:$0x3FB5] =	sst s0  }
0x18: {  	s0 =	sld [smem:$0x3F98];
	_ =	swait.ge [sflag:s4], $0x0  }
0x19: {  	s7 =	sld [smem:$0x3F99]  }
0x1a: {  	s8 =	sadd.s32 $0xFFFFE003, lr  }
0x1b: {  	s9 =	sadd.s32 $0xFFFFFEF7, lr;
	s5 =	simm.s32 $0xFFFFFFFF;
	p2 =	slt.u32 s8, $0xFFFFF086  }
0x1c: {  	p1 =	slt.u32 s9, $0xF7A;
	s5 =	simm.s32 @!p2 $0x0  }
0x1d: {  	s5 =	simm.s32 @p1 $0x1;
	p0 =	seq.s32 s7, s2  }
0x1e: {  	s7 =	smul.u32 @!p0 $0xF7A, s2;
	p2 =	seq.s32 @!p0 s5, $0x0  }
0x1f: {  	s9 =	smul.u32 $0xF7A, s1;
	s8 =	simm.s32 @!p0 $0x1BF5;
	p2 =	por !p2, p0  }
0x20: {  	[sflag:s8] =	ssyncset.s32 @!p0 $0xFFFFF086;
	s6 =	sadd.s32 @!p0 s3, s7;
	s7 =	simm.s32 @!p0 $0x108  }
0x21: {  	s3 =	sadd.s32 s3, s9;
	s6 =	sadd.s32 @!p0 $0x88, s6;
	s7 =	simm.s32 @p2 $0x1082  }
0x22: {  	[simem:s7], [sflag:s8] =	dma.local @!p0 [hbm:s6], $0xF7A  }
0x23: {  	s9 =	sor.u32 $0xD0000000, s2;
	s6 =	simm.s32 $0x108;
	_ =	swait.ge @!p0 [sflag:s8], $0x0  }
0x24: {  	s3 =	sadd.s32 $0x88, s3;
	s6 =	simm.s32 @!p1 $0x1082;
	[sflag:s4] =	ssyncset.s32 $0xFFFFF086  }
0x25: {  	[simem:s6], [sflag:s4] =	dma.local [hbm:s3], $0xF7A  }
0x26: {  	[smem:$0x3F99] =	sst s1;
	(tag) =	ssettag s2;
	_ =	strace s9  }
0x27: {  	s1 =	sld [smem:$0x3FA9]  }
0x28: {  	s2 =	sld [smem:$0x3FAA]  }
0x29: {  	s4 =	sld [smem:$0x3FAC]  }
0x2a: {  	p0 =	seq.s32 s5, $0x0;
	s5 =	sld [smem:$0x3FAD]  }
0x2b: {  	s6 =	sld [smem:$0x3FAE]  }
0x2c: {  	s7 =	sld [smem:$0x3FAF]  }
0x2d: {  	s3 =	simm.s32 $0x108;
	s8 =	sld [smem:$0x3FB0]  }
0x2e: {  	s3 =	simm.s32 @!p0 $0x1082;
	s9 =	sld [smem:$0x3FB1]  }
0x2f: {  	lr =	sadd.s32 s0, s3;
	s0 =	sld [smem:$0x3FA8]  }
0x30: {  	s3 =	sld [smem:$0x3FAB]  }
0x31: {  	[smem:$0x3FB4] =	sst s10  }
0x32: {  	s10 =	sld [smem:$0x3FB2];
	_ =	sdelay $0x3  }
0x33: {  	p0 =	seq.s32 s10, $0x1;
	s10 =	sld [smem:$0x3FB4];
	_ =	sdelay $0x3  }
0x34: {  	[smem:$0x3FB4] =	sst s10  }
0x35: {  	s10 =	sld [smem:$0x3FB3];
	_ =	sdelay $0x3  }
0x36: {  	p1 =	seq.s32 s10, $0x1;
	s10 =	sld [smem:$0x3FB4];
	_ =	sdelay $0x3  }
0x37: {  	[smem:$0x3FB4] =	sst s10  }
0x38: {  	s10 =	sld [smem:$0x3FB5]  }
0x39: {  	_ = 	snop;
	(pc) =	sbr.ind lr, $3  }
0x3a: {  	_ = 	snop  }
0x3b: {  	_ = 	snop  }
0x3c: {  	p2 =	seq.s32 s10, $0x1;
	s10 =	sld [smem:$0x3FB4]  }
0x3d: {  	_ =	shalt  }
0x3e: {  	_ =	shalt  }
0x3f: {  	_ =	shalt  }
0x40: {  	_ =	shalt  }
0x41: {  	_ =	shalt  }
0x42: {  	_ =	shalt  }
0x43: {  	_ =	shalt  }
0x44: {  	_ =	shalt  }
0x45: {  	_ =	shalt  }
0x46: {  	_ =	shalt  }
0x47: {  	_ =	shalt  }
0x48: {  	_ =	shalt  }
0x49: {  	_ =	shalt  }
0x4a: {  	_ =	shalt  }
0x4b: {  	_ =	shalt  }
0x4c: {  	_ =	shalt  }
0x4d: {  	_ =	shalt  }
0x4e: {  	_ =	shalt  }
0x4f: {  	_ =	shalt  }
0x50: {  	_ =	shalt  }
0x51: {  	_ =	shalt  }
0x52: {  	_ =	shalt  }
0x53: {  	_ =	shalt  }
0x54: {  	_ =	shalt  }
0x55: {  	_ =	shalt  }
0x56: {  	_ =	shalt  }
0x57: {  	_ =	shalt  }
0x58: {  	_ =	shalt  }
0x59: {  	_ =	shalt  }
0x5a: {  	_ =	shalt  }
0x5b: {  	_ =	shalt  }
0x5c: {  	_ =	shalt  }
0x5d: {  	_ =	shalt  }
0x5e: {  	_ =	shalt  }
0x5f: {  	_ =	shalt  }
0x60: {  	_ =	shalt  }
0x61: {  	_ =	shalt  }
0x62: {  	_ =	shalt  }
0x63: {  	_ =	shalt  }
0x64: {  	_ =	shalt  }
0x65: {  	_ =	shalt  }
0x66: {  	_ =	shalt  }
0x67: {  	_ =	shalt  }
0x68: {  	_ =	shalt  }
0x69: {  	_ =	shalt  }
0x6a: {  	_ =	shalt  }
0x6b: {  	_ =	shalt  }
0x6c: {  	_ =	shalt  }
0x6d: {  	_ =	shalt  }
0x6e: {  	_ =	shalt  }
0x6f: {  	_ =	shalt  }
0x70: {  	_ =	shalt  }
0x71: {  	_ =	shalt  }
0x72: {  	_ =	shalt  }
0x73: {  	_ =	shalt  }
0x74: {  	_ =	shalt  }
0x75: {  	_ =	shalt  }
0x76: {  	_ =	shalt  }
0x77: {  	_ =	shalt  }
0x78: {  	_ =	shalt  }
0x79: {  	_ =	shalt  }
0x7a: {  	_ =	shalt  }
0x7b: {  	_ =	shalt  }
0x7c: {  	_ =	shalt  }
0x7d: {  	_ =	shalt  }
0x7e: {  	_ =	shalt  }
0x7f: {  	_ =	shalt  }
0x80: {  	_ =	shalt  }
0x81: {  	_ =	shalt  }
0x82: {  	_ =	shalt  }
0x83: {  	_ =	shalt  }
0x84: {  	_ =	shalt  }
0x85: {  	_ =	shalt  }
0x86: {  	_ =	shalt  }
0x87: {  	_ =	shalt  }
.Lfunc_end0:
.L_simem_size_0:
called_computation.1_lowered:
.L_overlay_start_0:
0x88: {  	s2 =	sld [smem:$0x3FD9]  }
0x89: {  	s3 =	sld [smem:$0x3FFE];
	_ =	sdelay $0x1  }
0x8a: {  	s1 =	srdreg.scid  }
0x8b: {  	s0 =	sand.u32 $0x1, s1  }
0x8c: {  	s17 =	sshll.u32 s0, $0xA;
	s2 =	sadd.s32 s3, s2  }
0x8d: {  	s2 =	sadd.s32 s2, s17  }
0x8e: {  	[smem:$0x3FC0] =	sst s2  }
0x8f: {  	_ = 	snop  }
0x90: {  	s2 =	sld [smem:$0x3FD0];
	(tm) =	ssettm $0x1  }
0x91: {  	s18 =	sld [smem:$0x3FFB];
	_ =	sdelay $0x3  }
0x92: {  	_ =	strace s18  }
0x93: {  	s3 =	sld [smem:$0x3FFC];
	_ =	sdelay $0x3  }
0x94: {  	_ =	strace s3  }
0x95: {  	s3 =	sld [smem:$0x3FFD];
	_ =	sdelay $0x3  }
0x96: {  	_ =	strace s3  }
0x97: {  	_ =	strace $0x8FFFFFFF  }
0x98: {  	s19 =	sld [smem:$0x3FDB];
	_ =	sdelay $0x1  }
0x99: {  	s4 =	simm.s32 $_scs_section_size  }
0x9a: {  	s5 =	simm.s32 $_size__tile_overlayer_lowered;
	s6 =	simm.s32 $_tile_overlayer_lowered  }
0x9b: {  	s22 =	simm.s32 $0x1BFF;
	s21 =	sshll.u32 s6, $0x1;
	s3 =	sadd.s32 s4, s19  }
0x9c: {  	s7 =	simm.s32 $0x0;
	s20 =	sshll.u32 s5, $0x1;
	s5 =	sadd.s32 s21, s3  }
0x9d: {  	[timem:s7], [sflag:s22] =	dma.local [hbm:s5], s20  }
0x9e: {  	_ =	swait.ge [sflag:s22], s20  }
0x9f: {  	s4 =	ssub.s32 $0x0, s20;
	[sflag:s22] =	ssyncset.done $0x0  }
0xa0: {  	[sflag:s22] =	ssyncadd.s32 s4;
	_ =	sdelay $0x1  }
0xa1: {  	s23 =	simm.s32 $0x1B8B  }
0xa2: {  	_ =	swait.ge [sflag:s23], $0x1  }
0xa3: {  	[sflag:s23] =	ssyncset.done $0x0  }
0xa4: {  	s25 =	simm.s32 $0x1B8E;
	s24 =	sld [smem:$0x3FFE];
	[sflag:s23] =	ssyncadd.s32 $0xFFFFFFFF  }
0xa5: {  	s26 =	simm.s32 $execute0_lowered;
	[smem:$0x3FD2] =	sst s25  }
0xa6: {  	s5 =	sshll.u32 s26, $0x1;
	_ =	strace $0x80000049;
	[dreg:$0x1] =	wrdreg $0xFFFFFFFF  }
0xa7: {  	s28 =	simm.s32 $_size_execute0_lowered;
	s3 =	sadd.s32 s3, s5;
	[dreg:$0x0] =	wrdreg $0x0  }
0xa8: {  	s5 =	sshll.u32 s28, $0x1;
	[dreg:$0x2] =	wrdreg s3  }
0xa9: {  	[dreg:$0x3] =	wrdreg s5  }
0xaa: {  	[dreg:$0x4] =	wrdreg $0xC0  }
0xab: {  	_ =	task [dreg:s7], $0x5FFFF  }
0xac: {  	[dreg:$0x1] =	wrdreg $0xFFFFFFFF  }
0xad: {  	[dreg:$0x0] =	wrdreg $0x60  }
0xae: {  	[dreg:$0x2] =	wrdreg s24  }
0xaf: {  	[dreg:$0x3] =	wrdreg s2  }
0xb0: {  	[dreg:$0x4] =	wrdreg $0x120000  }
0xb1: {  	[dreg:$0x5] =	wrdreg $0x9  }
0xb2: {  	_ =	task.clear_ibuf [dreg:s7], $0x6FFFF;
	_ =	strace $0x90000049  }
0xb3: {  	s29 =	simm.s32 $0x9;
	_ =	strace $0x8000004B  }
0xb4: {  	_ =	swait.ge [sflag:s29], $0x1  }
0xb5: {  	[sflag:s29] =	ssyncadd.s32 $0xFFFFFFFF  }
0xb6: {  	_ =	strace $0x9000004B  }
0xb7: {  	_ =	sfence  }
0xb8: {  	s30 =	sld [smem:$0x0];
	_ =	sdelay $0x2  }
0xb9: {  	s31 =	sshll.u32 s1, $0xD;
	s1 =	sshrl.u32 s1, $0x2  }
0xba: {  	s3 =	sand.u32 $0x4000, s31;
	s1 =	sadd.s32 s1, s30  }
0xbb: {  	s0 =	sor.u32 s3, s0;
	s1 =	sshll.u32 s1, $0x11  }
0xbc: {  	s0 =	sor.u32 s1, s0  }
0xbd: {  	s0 =	sadd.s32 $0x8F2B, s0  }
0xbe: {  	[sflag:s0] =	ssyncadd.remote.s32 $0x1  }
0xbf: {  	_ =	sfence.sel $0xFFFF  }
0xc0: {  	[dreg:$0x0] =	wrdreg $0xFFFFFFFF;
	(pc) =	sbr.abs _section_cstart, $3  }
0xc1: {  	[dreg:$0x1] =	wrdreg $0xFFFFFFFF  }
0xc2: {  	_ =	task.clear_ibuf [dreg:s7], $0x2FFFF;
	_ =	strace $0x9FFFFFFF  }
0xc3: {  	(tm) =	ssettm $0x7FFFFFFF  }
tec
execute0_lowered:
.L_overlay_start_1:
0x0: {  	(tag) =	ssettag $0x1  }
0x1: {  	s5 =	rddreg [dreg:$0x0]  }
0x2: {  	s1 =	srdreg.scid;
	s6 =	rddreg [dreg:$0x1]  }
0x3: {  	s0 =	stileid.u32;
	s2 =	rddreg [dreg:$0x2];
	s3 =	simm.s32 $0x0  }
0x4: {  	s19 =	simm.s32 $0xA000;
	s20 =	simm.s32 $0x80;
	s8 =	smul.u32 $0x5000, s0  }
0x5: {  	s21 =	simm.s32 $0xE000;
	s22 =	simm.s32 $0x1;
	s11 =	smul.u32 $0x29000, s0  }
0x6: {  	s7 =	sand.u32 $0x1, s1;
	s1 =	rddreg [dreg:$0x3];
	s12 =	smul.u32 $0x28000, s0  }
0x7: {  	s23 =	simm.s32 $0x2;
	[smem:$0x7FF] =	sst s3;
	s14 =	smul.u32 $0xA000, s0  }
0x8: {  	s15 =	sadd.s32 $0x90C00, s5;
	s4 =	smul.u32 $0x50000, s7;
	s10 =	ssub.s32 $0x2, s7  }
0x9: {  	_ =	strace $0x8000004A;
	s13 =	smul.u32 $0xA0000, s7;
	s24 =	sshrl.u32 s10, $0x1  }
0xa: {  	s25 =	sshrl.u32 s11, $0x2;
	s26 =	sshrl.u32 s8, $0x3;
	s28 =	sshrl.u32 s12, $0x2  }
0xb: {  	s30 =	sadd.s32 $0x4000, s14;
	s9 =	sadd.s32 s8, s4;
	s4 =	sadd.s32 $0x18C00, s5  }
0xc: {  	s16 =	ssub.s32 s10, s24;
	s6 =	sadd.s32 s6, s26;
	s29 =	sadd.s32 s14, s13  }
0xd: {  	s10 =	sadd.s32 s28, s2;
	s17 =	sadd.s32 s13, s30;
	s14 =	sadd.s32 $0x8000, s14  }
0xe: {  	s12 =	sadd.s32 s30, s2;
	s24 =	simm.s32 $0x9E00;
	s26 =	simm.s32 $0x0  }
0xf: {  	s9 =	sshrl.u32 s9, $0x3;
	s11 =	sshrl.u32 s29, $0x3;
	s17 =	sshrl.u32 s17, $0x3  }
0x10: {  	s18 =	sadd.s32 s13, s14;
	s14 =	sadd.s32 s14, s2;
	s16 =	smax.u32 s16, $0x1  }
0x11: {  	s9 =	sadd.s32 s9, s5;
	s5 =	sadd.s32 s25, s2;
	s11 =	sadd.s32 s15, s11  }
0x12: {  	s13 =	sadd.s32 s15, s17;
	s31 =	sshrl.u32 s18, $0x3;
	s17 =	simm.s32 $0x3  }
0x13: {  	s18 =	simm.s32 $0x5000;
	s25 =	simm.s32 $0x9E80;
	s7 =	sadd.s32 $0x4C00, s9  }
0x14: {  	v0 =	vimm.f32 $0.0e+00;
	s8 =	sadd.s32 $0x4000, s5;
	s9 =	sadd.s32 $0x8000, s5;
	s15 =	sadd.s32 s15, s31  }
.LBB2_1:
0x15: {  	[tilespmem:s3], [sflag:$0x3] =	stream.linear.gather [hbm4b:s6+s3], $0x4F00, $0x38;
	[tilespmem:$0x1C400] =	vst v63  }
0x16: {  	_ =	swait.ge [sflag:s17], $0x4F00  }
0x17: {  	[sflag:s17] =	ssyncset.done $0x0  }
0x18: {  	[sflag:s17] =	ssyncadd.s32 $0xFFFFB100  }
0x19: {  	[tilespmem:s18], [sflag:$0x3] =	stream.linear.gather [hbm4b:s7+s3], $0x4F00, $0x38;
	[tilespmem:$0x1C400] =	vst v63  }
0x1a: {  	_ =	swait.ge [sflag:s17], $0x4F00  }
0x1b: {  	[sflag:s17] =	ssyncset.done $0x0  }
0x1c: {  	s28 =	simm.s32 $0x0;
	s29 =	simm.s32 $0x200;
	[sflag:s17] =	ssyncadd.s32 $0xFFFFB100  }
.LBB2_2:
0x1d: {  	p0 =	sne.s32 s29, $0xFE00;
	[tilespmem:s28+$0xA070] =	vst v0  }
0x1e: {  	[tilespmem:s28+$0xA000] =	vst v0  }
0x1f: {  	[tilespmem:s28+$0xA010] =	vst v0  }
.Ltmp0:
0x20: {  	[tilespmem:s28+$0xA020] =	vst v0;
	(pc) =	sbr.rel @p0 .LBB2_2-.Ltmp0, $4  }
0x21: {  	[tilespmem:s28+$0xA030] =	vst v0  }
0x22: {  	[tilespmem:s28+$0xA040] =	vst v0  }
0x23: {  	[tilespmem:s28+$0xA050] =	vst v0  }
0x24: {  	[tilespmem:s28+$0xA060] =	vst v0;
	s28 =	sshra.s32 s29, $0x2;
	s29 =	sadd.s32 $0x200, s29  }
0x25: {  	[tilespmem:s28+$0xA070] =	vst v0  }
0x26: {  	[tilespmem:s28+$0xA000] =	vst v0  }
0x27: {  	[tilespmem:s28+$0xA010] =	vst v0  }
0x28: {  	[tilespmem:s28+$0xA020] =	vst v0  }
0x29: {  	[tilespmem:s28+$0xA030] =	vst v0  }
0x2a: {  	[tilespmem:s28+$0xA040] =	vst v0  }
0x2b: {  	[tilespmem:s28+$0xA050] =	vst v0  }
0x2c: {  	[tilespmem:s28+$0xA060] =	vst v0  }
0x2d: {  	[spmem:s5] =	stream.linear.scatter [tilespmem:s19], [sflag:$0x3], $0x4000, $0x38;
	[tilespmem:$0x1C400] =	vst v63  }
0x2e: {  	_ =	swait.ge [sflag:s17], $0x4000  }
0x2f: {  	[sflag:s17] =	ssyncset.done $0x0  }
0x30: {  	[sflag:s17] =	ssyncadd.s32 $0xFFFFC000  }
0x31: {  	[spmem:s8] =	stream.linear.scatter [tilespmem:s19], [sflag:$0x3], $0x4000, $0x38;
	[tilespmem:$0x1C400] =	vst v63  }
0x32: {  	_ =	swait.ge [sflag:s17], $0x4000  }
0x33: {  	[sflag:s17] =	ssyncset.done $0x0  }
0x34: {  	[sflag:s17] =	ssyncadd.s32 $0xFFFFC000  }
0x35: {  	[spmem:s9] =	stream.linear.scatter [tilespmem:s19], [sflag:$0x3], $0x2400, $0x38;
	[tilespmem:$0x1C400] =	vst v63  }
0x36: {  	_ =	swait.ge [sflag:s17], $0x2400  }
0x37: {  	[sflag:s17] =	ssyncset.done $0x0  }
0x38: {  	[sflag:s17] =	ssyncadd.s32 $0xFFFFDC00  }
0x39: {  	s28 =	simm.s32 $0x0;
	[bflag:$0x0] =	sbarrier.arrive $0xFFFF  }
0x3a: {  	[tilespmem:s19], [sflag:$0x1] =	stream.indirect.gather [hbm4b:s4+s20], $0x80, s28, s20, $0xb8;
	[tilespmem:$0x1C400] =	vst v63  }
0x3b: {  	_ = 	snop  }
0x3c: {  	[tilespmem:s21], [sflag:$0x2] =	stream.indirect.gather [hbm4b:s4+s20], $0x80, s20, s20, $0xb8;
	[tilespmem:$0x1C400] =	vst v63  }
0x3d: {  	_ =	swait.ge [sflag:s22], $0x4000  }
0x3e: {  	[sflag:s22] =	ssyncset.done $0x0  }
0x3f: {  	s28 =	simm.s32 $0x5000;
	[sflag:s22] =	ssyncadd.s32 $0xFFFFC000  }
0x40: {  	[spmem:s2] =	stream.indirect.scatter.add.f32 [tilespmem:s19], [sflag:$0x3], $0x80, s28, s20, $0xb8;
	[tilespmem:$0x1C400] =	vst v63  }
0x41: {  	_ =	swait.ge [sflag:s17], $0x4000  }
0x42: {  	[sflag:s17] =	ssyncset.done $0x0  }
0x43: {  	s28 =	simm.s32 $0x100;
	[sflag:s17] =	ssyncadd.s32 $0xFFFFC000  }
0x44: {  	[tilespmem:s19], [sflag:$0x1] =	stream.indirect.gather [hbm4b:s4+s20], $0x80, s28, s20, $0xb8;
	[tilespmem:$0x1C400] =	vst v63  }
0x45: {  	_ =	swait.ge [sflag:s23], $0x4000  }
0x46: {  	[sflag:s23] =	ssyncset.done $0x0  }
0x47: {  	s28 =	simm.s32 $0x5080;
	[sflag:s23] =	ssyncadd.s32 $0xFFFFC000  }
0x48: {  	[spmem:s2] =	stream.indirect.scatter.add.f32 [tilespmem:s21], [sflag:$0x3], $0x80, s28, s20, $0xb8;
	[tilespmem:$0x1C400] =	vst v63  }
0x49: {  	_ =	swait.ge [sflag:s17], $0x4000  }
0x4a: {  	[sflag:s17] =	ssyncset.done $0x0  }
0x4b: {  	s29 =	simm.s32 $0x180;
	s28 =	simm.s32 $0x400;
	[sflag:s17] =	ssyncadd.s32 $0xFFFFC000  }
.LBB2_4:
0x4c: {  	[tilespmem:s21], [sflag:$0x2] =	stream.indirect.gather [hbm4b:s4+s20], $0x80, s29, s20, $0xb8;
	[tilespmem:$0x1C400] =	vst v63  }
0x4d: {  	s29 =	smov.u32 s28  }
0x4e: {  	p0 =	sne.s32 s28, $0x13400;
	s28 =	sadd.s32 $0x400, s28;
	_ =	swait.ge [sflag:s22], $0x4000  }
0x4f: {  	s29 =	sshra.s32 s29, $0x2;
	[sflag:s22] =	ssyncset.done $0x0  }
0x50: {  	s30 =	sadd.s32 $0x5000, s29;
	[sflag:s22] =	ssyncadd.s32 $0xFFFFC000  }
0x51: {  	[spmem:s2] =	stream.indirect.scatter.add.f32 [tilespmem:s19], [sflag:$0x3], $0x80, s30, s20, $0xb8;
	[tilespmem:$0x1C400] =	vst v63  }
0x52: {  	_ =	swait.ge [sflag:s17], $0x4000  }
0x53: {  	[sflag:s17] =	ssyncset.done $0x0  }
0x54: {  	s30 =	sadd.s32 $0x100, s29;
	[sflag:s17] =	ssyncadd.s32 $0xFFFFC000  }
0x55: {  	[tilespmem:s19], [sflag:$0x1] =	stream.indirect.gather [hbm4b:s4+s20], $0x80, s30, s20, $0xb8;
	[tilespmem:$0x1C400] =	vst v63  }
0x56: {  	_ =	swait.ge [sflag:s23], $0x4000  }
0x57: {  	[sflag:s23] =	ssyncset.done $0x0  }
.Ltmp1:
0x58: {  	s30 =	sadd.s32 $0x5080, s29;
	[sflag:s23] =	ssyncadd.s32 $0xFFFFC000;
	(pc) =	sbr.rel @p0 .LBB2_4-.Ltmp1, $4  }
0x59: {  	[spmem:s2] =	stream.indirect.scatter.add.f32 [tilespmem:s21], [sflag:$0x3], $0x80, s30, s20, $0xb8;
	[tilespmem:$0x1C400] =	vst v63  }
0x5a: {  	_ =	swait.ge [sflag:s17], $0x4000  }
0x5b: {  	[sflag:s17] =	ssyncset.done $0x0  }
0x5c: {  	s29 =	sadd.s32 $0x180, s29;
	[sflag:s17] =	ssyncadd.s32 $0xFFFFC000  }
0x5d: {  	[tilespmem:s21], [sflag:$0x2] =	stream.indirect.gather [hbm4b:s4+s20], $0x80, s29, s20, $0xb8;
	[tilespmem:$0x1C400] =	vst v63  }
0x5e: {  	_ =	swait.ge [sflag:s22], $0x4000  }
0x5f: {  	[sflag:s22] =	ssyncset.done $0x0  }
0x60: {  	[sflag:s22] =	ssyncadd.s32 $0xFFFFC000  }
0x61: {  	[spmem:s2] =	stream.indirect.scatter.add.f32 [tilespmem:s19], [sflag:$0x3], $0x80, s24, s20, $0xb8;
	[tilespmem:$0x1C400] =	vst v63  }
0x62: {  	_ =	swait.ge [sflag:s17], $0x4000  }
0x63: {  	[sflag:s17] =	ssyncset.done $0x0  }
0x64: {  	[sflag:s17] =	ssyncadd.s32 $0xFFFFC000  }
0x65: {  	_ =	swait.ge [sflag:s23], $0x4000  }
0x66: {  	[sflag:s23] =	ssyncset.done $0x0  }
0x67: {  	[sflag:s23] =	ssyncadd.s32 $0xFFFFC000  }
0x68: {  	[spmem:s2] =	stream.indirect.scatter.add.f32 [tilespmem:s21], [sflag:$0x3], $0x80, s25, s20, $0xb8;
	[tilespmem:$0x1C400] =	vst v63  }
0x69: {  	_ =	swait.ge [sflag:s17], $0x4000  }
0x6a: {  	[sflag:s17] =	ssyncset.done $0x0  }
0x6b: {  	[sflag:s17] =	ssyncadd.s32 $0xFFFFC000  }
0x6c: {  	[bflag:$0x0] =	sbarrier.arrive $0xFFFF  }
0x6d: {  	[tilespmem:s19], [sflag:$0x3] =	stream.linear.gather [spmem:s10], $0x4000, $0x38;
	[tilespmem:$0x1C400] =	vst v63  }
0x6e: {  	_ =	swait.ge [sflag:s17], $0x4000  }
0x6f: {  	[sflag:s17] =	ssyncset.done $0x0  }
0x70: {  	[sflag:s17] =	ssyncadd.s32 $0xFFFFC000  }
0x71: {  	[hbm4b:s11+s3] =	stream.linear.scatter [tilespmem:s19], [sflag:$0x3], $0x4000, $0x38;
	[tilespmem:$0x1C400] =	vst v63  }
0x72: {  	_ =	swait.ge [sflag:s17], $0x4000  }
0x73: {  	[sflag:s17] =	ssyncset.done $0x0  }
0x74: {  	[sflag:s17] =	ssyncadd.s32 $0xFFFFC000  }
0x75: {  	[tilespmem:s19], [sflag:$0x3] =	stream.linear.gather [spmem:s12], $0x4000, $0x38;
	[tilespmem:$0x1C400] =	vst v63  }
0x76: {  	_ =	swait.ge [sflag:s17], $0x4000  }
0x77: {  	[sflag:s17] =	ssyncset.done $0x0  }
0x78: {  	[sflag:s17] =	ssyncadd.s32 $0xFFFFC000  }
0x79: {  	[hbm4b:s13+s3] =	stream.linear.scatter [tilespmem:s19], [sflag:$0x3], $0x4000, $0x38;
	[tilespmem:$0x1C400] =	vst v63  }
0x7a: {  	_ =	swait.ge [sflag:s17], $0x4000  }
0x7b: {  	[sflag:s17] =	ssyncset.done $0x0  }
0x7c: {  	[sflag:s17] =	ssyncadd.s32 $0xFFFFC000  }
0x7d: {  	[tilespmem:s19], [sflag:$0x3] =	stream.linear.gather [spmem:s14], $0x2000, $0x38;
	[tilespmem:$0x1C400] =	vst v63  }
0x7e: {  	s26 =	sadd.s32 $0x1, s26;
	_ =	swait.ge [sflag:s17], $0x2000  }
0x7f: {  	p0 =	sne.s32 s26, s16;
	[sflag:s17] =	ssyncset.done $0x0  }
.Ltmp2:
0x80: {  	[sflag:s17] =	ssyncadd.s32 $0xFFFFE000;
	(pc) =	sbr.rel @p0 .LBB2_1-.Ltmp2, $4  }
0x81: {  	[hbm4b:s15+s3] =	stream.linear.scatter [tilespmem:s19], [sflag:$0x3], $0x2000, $0x38;
	[tilespmem:$0x1C400] =	vst v63  }
0x82: {  	_ =	swait.ge [sflag:s17], $0x2000  }
0x83: {  	[sflag:s17] =	ssyncset.done $0x0  }
0x84: {  	[sflag:s17] =	ssyncadd.s32 $0xFFFFE000  }
0x85: {  	_ =	sfence.sel $0x180000  }
0x86: {  	[bflag:$0x0] =	sbarrier.arrive $0xFFFF  }
0x87: {  	p0 =	sne.s32 s0, $0x0;
	_ =	strace $0x9000004A  }
0x88: {  	s0 =	sadd.s32 @!p0 $0x100000, s1;
	[bflag:$0x2] =	sbarrier.arrive $0xFFFF  }
0x89: {  	[sflag:s0] =	ssyncadd.tile.s32 @!p0 $0x1;
	_ =	shalt  }
.Lfunc_end2:
_tile_overlayer_lowered:
.L_overlay_start_2:
0x8a: {  	(tag) =	ssettag $0x2  }
0x8b: {  	s0 =	rddreg [dreg:$0x0];
	s2 =	stileid.u32  }
0x8c: {  	s1 =	rddreg [dreg:$0x1];
	p0 =	sne.s32 s2, $0x0  }
0x8d: {  	s3 =	rddreg [dreg:$0x2];
	[bflag:$0x3] =	sbarrier.arrive $0xFFFF;
	s2 =	simm.s32 @!p0 $0x1C03  }
0x8e: {  	[timem:s3], [sflag:s2] =	dma.local @!p0 [hbm:s0], s1  }
0x8f: {  	s0 =	simm.s32 @!p0 $0x3  }
0x90: {  	_ =	swait.ge @!p0 [sflag:s0], s1  }
0x91: {  	s1 =	ssub.s32 @!p0 $0x0, s1;
	[sflag:s0] =	ssyncset.done @!p0 $0x0  }
0x92: {  	[sflag:s0] =	ssyncadd.s32 @!p0 s1  }
0x93: {  	[bflag:$0x3] =	sbarrier.arrive $0xFFFF  }
0x94: {  	_ =	shalt  }

// kernel: kernel.18.cloned.1.call-start
scs
__scs_entry_jumppad:
0x0: {  	(pc) =	sbr.rel $0x88, $3  }
0x1: {  	(tag) =	ssettag $0x0;
	lr =	simm.s32 $0x1  }
0x2: {  	[smem:$0x3F99] =	sst lr;
	_ =	strace $0xD0000000  }
0x3: {  	_ = 	snop  }
0x4: {  	_ = 	snop  }
0x5: {  	_ = 	snop  }
0x6: {  	_ = 	snop  }
0x7: {  	_ = 	snop  }
__scs_overlays_trampoline_lowered:
0x8: {  	[smem:$0x3FA8] =	sst s0  }
0x9: {  	[smem:$0x3FA9] =	sst s1  }
0xa: {  	[smem:$0x3FAA] =	sst s2  }
0xb: {  	[smem:$0x3FAB] =	sst s3  }
0xc: {  	[smem:$0x3FAC] =	sst s4  }
0xd: {  	[smem:$0x3FAD] =	sst s5  }
0xe: {  	[smem:$0x3FAE] =	sst s6  }
0xf: {  	[smem:$0x3FAF] =	sst s7  }
0x10: {  	[smem:$0x3FB0] =	sst s8  }
0x11: {  	[smem:$0x3FB1] =	sst s9;
	s0 =	simm.s32 @!p0 $0x0  }
0x12: {  	s1 =	sld [smem:$0x3F97];
	s0 =	simm.s32 @p0 $0x1  }
0x13: {  	[smem:$0x3FB2] =	sst s0;
	s0 =	simm.s32 @!p1 $0x0  }
0x14: {  	s2 =	sld [smem:$0x3F96];
	s0 =	simm.s32 @p1 $0x1  }
0x15: {  	[smem:$0x3FB3] =	sst s0;
	s0 =	simm.s32 @!p2 $0x0  }
0x16: {  	s3 =	sld [smem:$0x3FDB];
	s0 =	simm.s32 @p2 $0x1  }
0x17: {  	s4 =	simm.s32 $0x1BF5;
	[smem:$0x3FB5] =	sst s0  }
0x18: {  	s0 =	sld [smem:$0x3F98];
	_ =	swait.ge [sflag:s4], $0x0  }
0x19: {  	s7 =	sld [smem:$0x3F99]  }
0x1a: {  	s8 =	sadd.s32 $0xFFFFE003, lr  }
0x1b: {  	s9 =	sadd.s32 $0xFFFFFEF7, lr;
	s5 =	simm.s32 $0xFFFFFFFF;
	p2 =	slt.u32 s8, $0xFFFFF086  }
0x1c: {  	p1 =	slt.u32 s9, $0xF7A;
	s5 =	simm.s32 @!p2 $0x0  }
0x1d: {  	s5 =	simm.s32 @p1 $0x1;
	p0 =	seq.s32 s7, s2  }
0x1e: {  	s7 =	smul.u32 @!p0 $0xF7A, s2;
	p2 =	seq.s32 @!p0 s5, $0x0  }
0x1f: {  	s9 =	smul.u32 $0xF7A, s1;
	s8 =	simm.s32 @!p0 $0x1BF5;
	p2 =	por !p2, p0  }
0x20: {  	[sflag:s8] =	ssyncset.s32 @!p0 $0xFFFFF086;
	s6 =	sadd.s32 @!p0 s3, s7;
	s7 =	simm.s32 @!p0 $0x108  }
0x21: {  	s3 =	sadd.s32 s3, s9;
	s6 =	sadd.s32 @!p0 $0x88, s6;
	s7 =	simm.s32 @p2 $0x1082  }
0x22: {  	[simem:s7], [sflag:s8] =	dma.local @!p0 [hbm:s6], $0xF7A  }
0x23: {  	s9 =	sor.u32 $0xD0000000, s2;
	s6 =	simm.s32 $0x108;
	_ =	swait.ge @!p0 [sflag:s8], $0x0  }
0x24: {  	s3 =	sadd.s32 $0x88, s3;
	s6 =	simm.s32 @!p1 $0x1082;
	[sflag:s4] =	ssyncset.s32 $0xFFFFF086  }
0x25: {  	[simem:s6], [sflag:s4] =	dma.local [hbm:s3], $0xF7A  }
0x26: {  	[smem:$0x3F99] =	sst s1;
	(tag) =	ssettag s2;
	_ =	strace s9  }
0x27: {  	s1 =	sld [smem:$0x3FA9]  }
0x28: {  	s2 =	sld [smem:$0x3FAA]  }
0x29: {  	s4 =	sld [smem:$0x3FAC]  }
0x2a: {  	p0 =	seq.s32 s5, $0x0;
	s5 =	sld [smem:$0x3FAD]  }
0x2b: {  	s6 =	sld [smem:$0x3FAE]  }
0x2c: {  	s7 =	sld [smem:$0x3FAF]  }
0x2d: {  	s3 =	simm.s32 $0x108;
	s8 =	sld [smem:$0x3FB0]  }
0x2e: {  	s3 =	simm.s32 @!p0 $0x1082;
	s9 =	sld [smem:$0x3FB1]  }
0x2f: {  	lr =	sadd.s32 s0, s3;
	s0 =	sld [smem:$0x3FA8]  }
0x30: {  	s3 =	sld [smem:$0x3FAB]  }
0x31: {  	[smem:$0x3FB4] =	sst s10  }
0x32: {  	s10 =	sld [smem:$0x3FB2];
	_ =	sdelay $0x3  }
0x33: {  	p0 =	seq.s32 s10, $0x1;
	s10 =	sld [smem:$0x3FB4];
	_ =	sdelay $0x3  }
0x34: {  	[smem:$0x3FB4] =	sst s10  }
0x35: {  	s10 =	sld [smem:$0x3FB3];
	_ =	sdelay $0x3  }
0x36: {  	p1 =	seq.s32 s10, $0x1;
	s10 =	sld [smem:$0x3FB4];
	_ =	sdelay $0x3  }
0x37: {  	[smem:$0x3FB4] =	sst s10  }
0x38: {  	s10 =	sld [smem:$0x3FB5]  }
0x39: {  	_ = 	snop;
	(pc) =	sbr.ind lr, $3  }
0x3a: {  	_ = 	snop  }
0x3b: {  	_ = 	snop  }
0x3c: {  	p2 =	seq.s32 s10, $0x1;
	s10 =	sld [smem:$0x3FB4]  }
0x3d: {  	_ =	shalt  }
0x3e: {  	_ =	shalt  }
0x3f: {  	_ =	shalt  }
0x40: {  	_ =	shalt  }
0x41: {  	_ =	shalt  }
0x42: {  	_ =	shalt  }
0x43: {  	_ =	shalt  }
0x44: {  	_ =	shalt  }
0x45: {  	_ =	shalt  }
0x46: {  	_ =	shalt  }
0x47: {  	_ =	shalt  }
0x48: {  	_ =	shalt  }
0x49: {  	_ =	shalt  }
0x4a: {  	_ =	shalt  }
0x4b: {  	_ =	shalt  }
0x4c: {  	_ =	shalt  }
0x4d: {  	_ =	shalt  }
0x4e: {  	_ =	shalt  }
0x4f: {  	_ =	shalt  }
0x50: {  	_ =	shalt  }
0x51: {  	_ =	shalt  }
0x52: {  	_ =	shalt  }
0x53: {  	_ =	shalt  }
0x54: {  	_ =	shalt  }
0x55: {  	_ =	shalt  }
0x56: {  	_ =	shalt  }
0x57: {  	_ =	shalt  }
0x58: {  	_ =	shalt  }
0x59: {  	_ =	shalt  }
0x5a: {  	_ =	shalt  }
0x5b: {  	_ =	shalt  }
0x5c: {  	_ =	shalt  }
0x5d: {  	_ =	shalt  }
0x5e: {  	_ =	shalt  }
0x5f: {  	_ =	shalt  }
0x60: {  	_ =	shalt  }
0x61: {  	_ =	shalt  }
0x62: {  	_ =	shalt  }
0x63: {  	_ =	shalt  }
0x64: {  	_ =	shalt  }
0x65: {  	_ =	shalt  }
0x66: {  	_ =	shalt  }
0x67: {  	_ =	shalt  }
0x68: {  	_ =	shalt  }
0x69: {  	_ =	shalt  }
0x6a: {  	_ =	shalt  }
0x6b: {  	_ =	shalt  }
0x6c: {  	_ =	shalt  }
0x6d: {  	_ =	shalt  }
0x6e: {  	_ =	shalt  }
0x6f: {  	_ =	shalt  }
0x70: {  	_ =	shalt  }
0x71: {  	_ =	shalt  }
0x72: {  	_ =	shalt  }
0x73: {  	_ =	shalt  }
0x74: {  	_ =	shalt  }
0x75: {  	_ =	shalt  }
0x76: {  	_ =	shalt  }
0x77: {  	_ =	shalt  }
0x78: {  	_ =	shalt  }
0x79: {  	_ =	shalt  }
0x7a: {  	_ =	shalt  }
0x7b: {  	_ =	shalt  }
0x7c: {  	_ =	shalt  }
0x7d: {  	_ =	shalt  }
0x7e: {  	_ =	shalt  }
0x7f: {  	_ =	shalt  }
0x80: {  	_ =	shalt  }
0x81: {  	_ =	shalt  }
0x82: {  	_ =	shalt  }
0x83: {  	_ =	shalt  }
0x84: {  	_ =	shalt  }
0x85: {  	_ =	shalt  }
0x86: {  	_ =	shalt  }
0x87: {  	_ =	shalt  }
.Lfunc_end0:
.L_simem_size_0:
called_computation.2_lowered:
.L_overlay_start_0:
0x88: {  	s2 =	sld [smem:$0x3FD9]  }
0x89: {  	s3 =	sld [smem:$0x3FFE];
	_ =	sdelay $0x1  }
0x8a: {  	s1 =	srdreg.scid  }
0x8b: {  	s0 =	sand.u32 $0x1, s1  }
0x8c: {  	s17 =	sshll.u32 s0, $0xA;
	s2 =	sadd.s32 s3, s2  }
0x8d: {  	s2 =	sadd.s32 s2, s17  }
0x8e: {  	[smem:$0x3FC0] =	sst s2  }
0x8f: {  	_ = 	snop  }
0x90: {  	s2 =	sld [smem:$0x3FD0];
	(tm) =	ssettm $0x1  }
0x91: {  	s18 =	sld [smem:$0x3FFB];
	_ =	sdelay $0x3  }
0x92: {  	_ =	strace s18  }
0x93: {  	s3 =	sld [smem:$0x3FFC];
	_ =	sdelay $0x3  }
0x94: {  	_ =	strace s3  }
0x95: {  	s3 =	sld [smem:$0x3FFD];
	_ =	sdelay $0x3  }
0x96: {  	_ =	strace s3  }
0x97: {  	_ =	strace $0x8FFFFFFF  }
0x98: {  	s19 =	sld [smem:$0x3FDB];
	_ =	sdelay $0x1  }
0x99: {  	s4 =	simm.s32 $_scs_section_size  }
0x9a: {  	s5 =	simm.s32 $_size__tile_overlayer_lowered;
	s6 =	simm.s32 $_tile_overlayer_lowered  }
0x9b: {  	s22 =	simm.s32 $0x1BFF;
	s21 =	sshll.u32 s6, $0x1;
	s3 =	sadd.s32 s4, s19  }
0x9c: {  	s7 =	simm.s32 $0x0;
	s20 =	sshll.u32 s5, $0x1;
	s5 =	sadd.s32 s21, s3  }
0x9d: {  	[timem:s7], [sflag:s22] =	dma.local [hbm:s5], s20  }
0x9e: {  	_ =	swait.ge [sflag:s22], s20  }
0x9f: {  	s4 =	ssub.s32 $0x0, s20;
	[sflag:s22] =	ssyncset.done $0x0  }
0xa0: {  	[sflag:s22] =	ssyncadd.s32 s4;
	_ =	sdelay $0x1  }
0xa1: {  	s23 =	simm.s32 $0x1B8B  }
0xa2: {  	_ =	swait.ge [sflag:s23], $0x1  }
0xa3: {  	[sflag:s23] =	ssyncset.done $0x0  }
0xa4: {  	s25 =	simm.s32 $0x1B8E;
	s24 =	sld [smem:$0x3FFE];
	[sflag:s23] =	ssyncadd.s32 $0xFFFFFFFF  }
0xa5: {  	s26 =	simm.s32 $execute0_lowered;
	[smem:$0x3FD2] =	sst s25  }
0xa6: {  	s5 =	sshll.u32 s26, $0x1;
	_ =	strace $0x8000004C;
	[dreg:$0x1] =	wrdreg $0xFFFFFFFF  }
0xa7: {  	s28 =	simm.s32 $_size_execute0_lowered;
	s3 =	sadd.s32 s3, s5;
	[dreg:$0x0] =	wrdreg $0x0  }
0xa8: {  	s5 =	sshll.u32 s28, $0x1;
	[dreg:$0x2] =	wrdreg s3  }
0xa9: {  	[dreg:$0x3] =	wrdreg s5  }
0xaa: {  	[dreg:$0x4] =	wrdreg $0xC0  }
0xab: {  	_ =	task [dreg:s7], $0x5FFFF  }
0xac: {  	[dreg:$0x1] =	wrdreg $0xFFFFFFFF  }
0xad: {  	[dreg:$0x0] =	wrdreg $0x60  }
0xae: {  	[dreg:$0x2] =	wrdreg s24  }
0xaf: {  	[dreg:$0x3] =	wrdreg s2  }
0xb0: {  	[dreg:$0x4] =	wrdreg $0x120000  }
0xb1: {  	[dreg:$0x5] =	wrdreg $0x9  }
0xb2: {  	_ =	task.clear_ibuf [dreg:s7], $0x6FFFF;
	_ =	strace $0x9000004C  }
0xb3: {  	s29 =	simm.s32 $0x9;
	_ =	strace $0x8000004E  }
0xb4: {  	_ =	swait.ge [sflag:s29], $0x1  }
0xb5: {  	[sflag:s29] =	ssyncadd.s32 $0xFFFFFFFF  }
0xb6: {  	_ =	strace $0x9000004E  }
0xb7: {  	_ =	sfence  }
0xb8: {  	s30 =	sld [smem:$0x0];
	_ =	sdelay $0x2  }
0xb9: {  	s31 =	sshll.u32 s1, $0xD;
	s1 =	sshrl.u32 s1, $0x2  }
0xba: {  	s3 =	sand.u32 $0x4000, s31;
	s1 =	sadd.s32 s1, s30  }
0xbb: {  	s0 =	sor.u32 s3, s0;
	s1 =	sshll.u32 s1, $0x11  }
0xbc: {  	s0 =	sor.u32 s1, s0  }
0xbd: {  	s0 =	sadd.s32 $0x8F2B, s0  }
0xbe: {  	[sflag:s0] =	ssyncadd.remote.s32 $0x1  }
0xbf: {  	_ =	sfence.sel $0xFFFF  }
0xc0: {  	[dreg:$0x0] =	wrdreg $0xFFFFFFFF;
	(pc) =	sbr.abs _section_cstart, $3  }
0xc1: {  	[dreg:$0x1] =	wrdreg $0xFFFFFFFF  }
0xc2: {  	_ =	task.clear_ibuf [dreg:s7], $0x2FFFF;
	_ =	strace $0x9FFFFFFF  }
0xc3: {  	(tm) =	ssettm $0x7FFFFFFF  }
tec
execute0_lowered:
.L_overlay_start_1:
0x0: {  	(tag) =	ssettag $0x1  }
0x1: {  	s5 =	rddreg [dreg:$0x0]  }
0x2: {  	s1 =	srdreg.scid;
	s6 =	rddreg [dreg:$0x1]  }
0x3: {  	s0 =	stileid.u32;
	s2 =	rddreg [dreg:$0x2];
	s3 =	simm.s32 $0x0  }
0x4: {  	s19 =	simm.s32 $0xA000;
	s20 =	simm.s32 $0x80;
	s8 =	smul.u32 $0x5000, s0  }
0x5: {  	s21 =	simm.s32 $0xE000;
	s22 =	simm.s32 $0x1;
	s11 =	smul.u32 $0x29000, s0  }
0x6: {  	s7 =	sand.u32 $0x1, s1;
	s1 =	rddreg [dreg:$0x3];
	s12 =	smul.u32 $0x28000, s0  }
0x7: {  	s23 =	simm.s32 $0x2;
	[smem:$0x7FF] =	sst s3;
	s14 =	smul.u32 $0xA000, s0  }
0x8: {  	s15 =	sadd.s32 $0x90C00, s5;
	s4 =	smul.u32 $0x50000, s7;
	s10 =	ssub.s32 $0x2, s7  }
0x9: {  	_ =	strace $0x8000004D;
	s13 =	smul.u32 $0xA0000, s7;
	s24 =	sshrl.u32 s10, $0x1  }
0xa: {  	s25 =	sshrl.u32 s11, $0x2;
	s26 =	sshrl.u32 s8, $0x3;
	s28 =	sshrl.u32 s12, $0x2  }
0xb: {  	s30 =	sadd.s32 $0x4000, s14;
	s9 =	sadd.s32 s8, s4;
	s4 =	sadd.s32 $0x18C00, s5  }
0xc: {  	s16 =	ssub.s32 s10, s24;
	s6 =	sadd.s32 s6, s26;
	s29 =	sadd.s32 s14, s13  }
0xd: {  	s10 =	sadd.s32 s28, s2;
	s17 =	sadd.s32 s13, s30;
	s14 =	sadd.s32 $0x8000, s14  }
0xe: {  	s12 =	sadd.s32 s30, s2;
	s24 =	simm.s32 $0x9E00;
	s26 =	simm.s32 $0x0  }
0xf: {  	s9 =	sshrl.u32 s9, $0x3;
	s11 =	sshrl.u32 s29, $0x3;
	s17 =	sshrl.u32 s17, $0x3  }
0x10: {  	s18 =	sadd.s32 s13, s14;
	s14 =	sadd.s32 s14, s2;
	s16 =	smax.u32 s16, $0x1  }
0x11: {  	s9 =	sadd.s32 s9, s5;
	s5 =	sadd.s32 s25, s2;
	s11 =	sadd.s32 s15, s11  }
0x12: {  	s13 =	sadd.s32 s15, s17;
	s31 =	sshrl.u32 s18, $0x3;
	s17 =	simm.s32 $0x3  }
0x13: {  	s18 =	simm.s32 $0x5000;
	s25 =	simm.s32 $0x9E80;
	s7 =	sadd.s32 $0x4C00, s9  }
0x14: {  	v0 =	vimm.f32 $0.0e+00;
	s8 =	sadd.s32 $0x4000, s5;
	s9 =	sadd.s32 $0x8000, s5;
	s15 =	sadd.s32 s15, s31  }
.LBB2_1:
0x15: {  	[tilespmem:s3], [sflag:$0x3] =	stream.linear.gather [hbm4b:s6+s3], $0x4F00, $0x38;
	[tilespmem:$0x1C400] =	vst v63  }
0x16: {  	_ =	swait.ge [sflag:s17], $0x4F00  }
0x17: {  	[sflag:s17] =	ssyncset.done $0x0  }
0x18: {  	[sflag:s17] =	ssyncadd.s32 $0xFFFFB100  }
0x19: {  	[tilespmem:s18], [sflag:$0x3] =	stream.linear.gather [hbm4b:s7+s3], $0x4F00, $0x38;
	[tilespmem:$0x1C400] =	vst v63  }
0x1a: {  	_ =	swait.ge [sflag:s17], $0x4F00  }
0x1b: {  	[sflag:s17] =	ssyncset.done $0x0  }
0x1c: {  	s28 =	simm.s32 $0x0;
	s29 =	simm.s32 $0x200;
	[sflag:s17] =	ssyncadd.s32 $0xFFFFB100  }
.LBB2_2:
0x1d: {  	p0 =	sne.s32 s29, $0xFE00;
	[tilespmem:s28+$0xA070] =	vst v0  }
0x1e: {  	[tilespmem:s28+$0xA000] =	vst v0  }
0x1f: {  	[tilespmem:s28+$0xA010] =	vst v0  }
.Ltmp0:
0x20: {  	[tilespmem:s28+$0xA020] =	vst v0;
	(pc) =	sbr.rel @p0 .LBB2_2-.Ltmp0, $4  }
0x21: {  	[tilespmem:s28+$0xA030] =	vst v0  }
0x22: {  	[tilespmem:s28+$0xA040] =	vst v0  }
0x23: {  	[tilespmem:s28+$0xA050] =	vst v0  }
0x24: {  	[tilespmem:s28+$0xA060] =	vst v0;
	s28 =	sshra.s32 s29, $0x2;
	s29 =	sadd.s32 $0x200, s29  }
0x25: {  	[tilespmem:s28+$0xA070] =	vst v0  }
0x26: {  	[tilespmem:s28+$0xA000] =	vst v0  }
0x27: {  	[tilespmem:s28+$0xA010] =	vst v0  }
0x28: {  	[tilespmem:s28+$0xA020] =	vst v0  }
0x29: {  	[tilespmem:s28+$0xA030] =	vst v0  }
0x2a: {  	[tilespmem:s28+$0xA040] =	vst v0  }
0x2b: {  	[tilespmem:s28+$0xA050] =	vst v0  }
0x2c: {  	[tilespmem:s28+$0xA060] =	vst v0  }
0x2d: {  	[spmem:s5] =	stream.linear.scatter [tilespmem:s19], [sflag:$0x3], $0x4000, $0x38;
	[tilespmem:$0x1C400] =	vst v63  }
0x2e: {  	_ =	swait.ge [sflag:s17], $0x4000  }
0x2f: {  	[sflag:s17] =	ssyncset.done $0x0  }
0x30: {  	[sflag:s17] =	ssyncadd.s32 $0xFFFFC000  }
0x31: {  	[spmem:s8] =	stream.linear.scatter [tilespmem:s19], [sflag:$0x3], $0x4000, $0x38;
	[tilespmem:$0x1C400] =	vst v63  }
0x32: {  	_ =	swait.ge [sflag:s17], $0x4000  }
0x33: {  	[sflag:s17] =	ssyncset.done $0x0  }
0x34: {  	[sflag:s17] =	ssyncadd.s32 $0xFFFFC000  }
0x35: {  	[spmem:s9] =	stream.linear.scatter [tilespmem:s19], [sflag:$0x3], $0x2400, $0x38;
	[tilespmem:$0x1C400] =	vst v63  }
0x36: {  	_ =	swait.ge [sflag:s17], $0x2400  }
0x37: {  	[sflag:s17] =	ssyncset.done $0x0  }
0x38: {  	[sflag:s17] =	ssyncadd.s32 $0xFFFFDC00  }
0x39: {  	s28 =	simm.s32 $0x0;
	[bflag:$0x0] =	sbarrier.arrive $0xFFFF  }
0x3a: {  	[tilespmem:s19], [sflag:$0x1] =	stream.indirect.gather [hbm4b:s4+s20], $0x80, s28, s20, $0xb8;
	[tilespmem:$0x1C400] =	vst v63  }
0x3b: {  	_ = 	snop  }
0x3c: {  	[tilespmem:s21], [sflag:$0x2] =	stream.indirect.gather [hbm4b:s4+s20], $0x80, s20, s20, $0xb8;
	[tilespmem:$0x1C400] =	vst v63  }
0x3d: {  	_ =	swait.ge [sflag:s22], $0x4000  }
0x3e: {  	[sflag:s22] =	ssyncset.done $0x0  }
0x3f: {  	s28 =	simm.s32 $0x5000;
	[sflag:s22] =	ssyncadd.s32 $0xFFFFC000  }
0x40: {  	[spmem:s2] =	stream.indirect.scatter.add.f32 [tilespmem:s19], [sflag:$0x3], $0x80, s28, s20, $0xb8;
	[tilespmem:$0x1C400] =	vst v63  }
0x41: {  	_ =	swait.ge [sflag:s17], $0x4000  }
0x42: {  	[sflag:s17] =	ssyncset.done $0x0  }
0x43: {  	s28 =	simm.s32 $0x100;
	[sflag:s17] =	ssyncadd.s32 $0xFFFFC000  }
0x44: {  	[tilespmem:s19], [sflag:$0x1] =	stream.indirect.gather [hbm4b:s4+s20], $0x80, s28, s20, $0xb8;
	[tilespmem:$0x1C400] =	vst v63  }
0x45: {  	_ =	swait.ge [sflag:s23], $0x4000  }
0x46: {  	[sflag:s23] =	ssyncset.done $0x0  }
0x47: {  	s28 =	simm.s32 $0x5080;
	[sflag:s23] =	ssyncadd.s32 $0xFFFFC000  }
0x48: {  	[spmem:s2] =	stream.indirect.scatter.add.f32 [tilespmem:s21], [sflag:$0x3], $0x80, s28, s20, $0xb8;
	[tilespmem:$0x1C400] =	vst v63  }
0x49: {  	_ =	swait.ge [sflag:s17], $0x4000  }
0x4a: {  	[sflag:s17] =	ssyncset.done $0x0  }
0x4b: {  	s29 =	simm.s32 $0x180;
	s28 =	simm.s32 $0x400;
	[sflag:s17] =	ssyncadd.s32 $0xFFFFC000  }
.LBB2_4:
0x4c: {  	[tilespmem:s21], [sflag:$0x2] =	stream.indirect.gather [hbm4b:s4+s20], $0x80, s29, s20, $0xb8;
	[tilespmem:$0x1C400] =	vst v63  }
0x4d: {  	s29 =	smov.u32 s28  }
0x4e: {  	p0 =	sne.s32 s28, $0x13400;
	s28 =	sadd.s32 $0x400, s28;
	_ =	swait.ge [sflag:s22], $0x4000  }
0x4f: {  	s29 =	sshra.s32 s29, $0x2;
	[sflag:s22] =	ssyncset.done $0x0  }
0x50: {  	s30 =	sadd.s32 $0x5000, s29;
	[sflag:s22] =	ssyncadd.s32 $0xFFFFC000  }
0x51: {  	[spmem:s2] =	stream.indirect.scatter.add.f32 [tilespmem:s19], [sflag:$0x3], $0x80, s30, s20, $0xb8;
	[tilespmem:$0x1C400] =	vst v63  }
0x52: {  	_ =	swait.ge [sflag:s17], $0x4000  }
0x53: {  	[sflag:s17] =	ssyncset.done $0x0  }
0x54: {  	s30 =	sadd.s32 $0x100, s29;
	[sflag:s17] =	ssyncadd.s32 $0xFFFFC000  }
0x55: {  	[tilespmem:s19], [sflag:$0x1] =	stream.indirect.gather [hbm4b:s4+s20], $0x80, s30, s20, $0xb8;
	[tilespmem:$0x1C400] =	vst v63  }
0x56: {  	_ =	swait.ge [sflag:s23], $0x4000  }
0x57: {  	[sflag:s23] =	ssyncset.done $0x0  }
.Ltmp1:
0x58: {  	s30 =	sadd.s32 $0x5080, s29;
	[sflag:s23] =	ssyncadd.s32 $0xFFFFC000;
	(pc) =	sbr.rel @p0 .LBB2_4-.Ltmp1, $4  }
0x59: {  	[spmem:s2] =	stream.indirect.scatter.add.f32 [tilespmem:s21], [sflag:$0x3], $0x80, s30, s20, $0xb8;
	[tilespmem:$0x1C400] =	vst v63  }
0x5a: {  	_ =	swait.ge [sflag:s17], $0x4000  }
0x5b: {  	[sflag:s17] =	ssyncset.done $0x0  }
0x5c: {  	s29 =	sadd.s32 $0x180, s29;
	[sflag:s17] =	ssyncadd.s32 $0xFFFFC000  }
0x5d: {  	[tilespmem:s21], [sflag:$0x2] =	stream.indirect.gather [hbm4b:s4+s20], $0x80, s29, s20, $0xb8;
	[tilespmem:$0x1C400] =	vst v63  }
0x5e: {  	_ =	swait.ge [sflag:s22], $0x4000  }
0x5f: {  	[sflag:s22] =	ssyncset.done $0x0  }
0x60: {  	[sflag:s22] =	ssyncadd.s32 $0xFFFFC000  }
0x61: {  	[spmem:s2] =	stream.indirect.scatter.add.f32 [tilespmem:s19], [sflag:$0x3], $0x80, s24, s20, $0xb8;
	[tilespmem:$0x1C400] =	vst v63  }
0x62: {  	_ =	swait.ge [sflag:s17], $0x4000  }
0x63: {  	[sflag:s17] =	ssyncset.done $0x0  }
0x64: {  	[sflag:s17] =	ssyncadd.s32 $0xFFFFC000  }
0x65: {  	_ =	swait.ge [sflag:s23], $0x4000  }
0x66: {  	[sflag:s23] =	ssyncset.done $0x0  }
0x67: {  	[sflag:s23] =	ssyncadd.s32 $0xFFFFC000  }
0x68: {  	[spmem:s2] =	stream.indirect.scatter.add.f32 [tilespmem:s21], [sflag:$0x3], $0x80, s25, s20, $0xb8;
	[tilespmem:$0x1C400] =	vst v63  }
0x69: {  	_ =	swait.ge [sflag:s17], $0x4000  }
0x6a: {  	[sflag:s17] =	ssyncset.done $0x0  }
0x6b: {  	[sflag:s17] =	ssyncadd.s32 $0xFFFFC000  }
0x6c: {  	[bflag:$0x0] =	sbarrier.arrive $0xFFFF  }
0x6d: {  	[tilespmem:s19], [sflag:$0x3] =	stream.linear.gather [spmem:s10], $0x4000, $0x38;
	[tilespmem:$0x1C400] =	vst v63  }
0x6e: {  	_ =	swait.ge [sflag:s17], $0x4000  }
0x6f: {  	[sflag:s17] =	ssyncset.done $0x0  }
0x70: {  	[sflag:s17] =	ssyncadd.s32 $0xFFFFC000  }
0x71: {  	[hbm4b:s11+s3] =	stream.linear.scatter [tilespmem:s19], [sflag:$0x3], $0x4000, $0x38;
	[tilespmem:$0x1C400] =	vst v63  }
0x72: {  	_ =	swait.ge [sflag:s17], $0x4000  }
0x73: {  	[sflag:s17] =	ssyncset.done $0x0  }
0x74: {  	[sflag:s17] =	ssyncadd.s32 $0xFFFFC000  }
0x75: {  	[tilespmem:s19], [sflag:$0x3] =	stream.linear.gather [spmem:s12], $0x4000, $0x38;
	[tilespmem:$0x1C400] =	vst v63  }
0x76: {  	_ =	swait.ge [sflag:s17], $0x4000  }
0x77: {  	[sflag:s17] =	ssyncset.done $0x0  }
0x78: {  	[sflag:s17] =	ssyncadd.s32 $0xFFFFC000  }
0x79: {  	[hbm4b:s13+s3] =	stream.linear.scatter [tilespmem:s19], [sflag:$0x3], $0x4000, $0x38;
	[tilespmem:$0x1C400] =	vst v63  }
0x7a: {  	_ =	swait.ge [sflag:s17], $0x4000  }
0x7b: {  	[sflag:s17] =	ssyncset.done $0x0  }
0x7c: {  	[sflag:s17] =	ssyncadd.s32 $0xFFFFC000  }
0x7d: {  	[tilespmem:s19], [sflag:$0x3] =	stream.linear.gather [spmem:s14], $0x2000, $0x38;
	[tilespmem:$0x1C400] =	vst v63  }
0x7e: {  	s26 =	sadd.s32 $0x1, s26;
	_ =	swait.ge [sflag:s17], $0x2000  }
0x7f: {  	p0 =	sne.s32 s26, s16;
	[sflag:s17] =	ssyncset.done $0x0  }
.Ltmp2:
0x80: {  	[sflag:s17] =	ssyncadd.s32 $0xFFFFE000;
	(pc) =	sbr.rel @p0 .LBB2_1-.Ltmp2, $4  }
0x81: {  	[hbm4b:s15+s3] =	stream.linear.scatter [tilespmem:s19], [sflag:$0x3], $0x2000, $0x38;
	[tilespmem:$0x1C400] =	vst v63  }
0x82: {  	_ =	swait.ge [sflag:s17], $0x2000  }
0x83: {  	[sflag:s17] =	ssyncset.done $0x0  }
0x84: {  	[sflag:s17] =	ssyncadd.s32 $0xFFFFE000  }
0x85: {  	_ =	sfence.sel $0x180000  }
0x86: {  	[bflag:$0x0] =	sbarrier.arrive $0xFFFF  }
0x87: {  	p0 =	sne.s32 s0, $0x0;
	_ =	strace $0x9000004D  }
0x88: {  	s0 =	sadd.s32 @!p0 $0x100000, s1;
	[bflag:$0x2] =	sbarrier.arrive $0xFFFF  }
0x89: {  	[sflag:s0] =	ssyncadd.tile.s32 @!p0 $0x1;
	_ =	shalt  }
.Lfunc_end2:
_tile_overlayer_lowered:
.L_overlay_start_2:
0x8a: {  	(tag) =	ssettag $0x2  }
0x8b: {  	s0 =	rddreg [dreg:$0x0];
	s2 =	stileid.u32  }
0x8c: {  	s1 =	rddreg [dreg:$0x1];
	p0 =	sne.s32 s2, $0x0  }
0x8d: {  	s3 =	rddreg [dreg:$0x2];
	[bflag:$0x3] =	sbarrier.arrive $0xFFFF;
	s2 =	simm.s32 @!p0 $0x1C03  }
0x8e: {  	[timem:s3], [sflag:s2] =	dma.local @!p0 [hbm:s0], s1  }
0x8f: {  	s0 =	simm.s32 @!p0 $0x3  }
0x90: {  	_ =	swait.ge @!p0 [sflag:s0], s1  }
0x91: {  	s1 =	ssub.s32 @!p0 $0x0, s1;
	[sflag:s0] =	ssyncset.done @!p0 $0x0  }
0x92: {  	[sflag:s0] =	ssyncadd.s32 @!p0 s1  }
0x93: {  	[bflag:$0x3] =	sbarrier.arrive $0xFFFF  }
0x94: {  	_ =	shalt  }

// kernel: kernel.21.cloned.1.call-start
scs
__scs_entry_jumppad:
0x0: {  	(pc) =	sbr.rel $0x88, $3  }
0x1: {  	(tag) =	ssettag $0x0;
	lr =	simm.s32 $0x1  }
0x2: {  	[smem:$0x3F99] =	sst lr;
	_ =	strace $0xD0000000  }
0x3: {  	_ = 	snop  }
0x4: {  	_ = 	snop  }
0x5: {  	_ = 	snop  }
0x6: {  	_ = 	snop  }
0x7: {  	_ = 	snop  }
__scs_overlays_trampoline_lowered:
0x8: {  	[smem:$0x3FA8] =	sst s0  }
0x9: {  	[smem:$0x3FA9] =	sst s1  }
0xa: {  	[smem:$0x3FAA] =	sst s2  }
0xb: {  	[smem:$0x3FAB] =	sst s3  }
0xc: {  	[smem:$0x3FAC] =	sst s4  }
0xd: {  	[smem:$0x3FAD] =	sst s5  }
0xe: {  	[smem:$0x3FAE] =	sst s6  }
0xf: {  	[smem:$0x3FAF] =	sst s7  }
0x10: {  	[smem:$0x3FB0] =	sst s8  }
0x11: {  	[smem:$0x3FB1] =	sst s9;
	s0 =	simm.s32 @!p0 $0x0  }
0x12: {  	s1 =	sld [smem:$0x3F97];
	s0 =	simm.s32 @p0 $0x1  }
0x13: {  	[smem:$0x3FB2] =	sst s0;
	s0 =	simm.s32 @!p1 $0x0  }
0x14: {  	s2 =	sld [smem:$0x3F96];
	s0 =	simm.s32 @p1 $0x1  }
0x15: {  	[smem:$0x3FB3] =	sst s0;
	s0 =	simm.s32 @!p2 $0x0  }
0x16: {  	s3 =	sld [smem:$0x3FDB];
	s0 =	simm.s32 @p2 $0x1  }
0x17: {  	s4 =	simm.s32 $0x1BF5;
	[smem:$0x3FB5] =	sst s0  }
0x18: {  	s0 =	sld [smem:$0x3F98];
	_ =	swait.ge [sflag:s4], $0x0  }
0x19: {  	s7 =	sld [smem:$0x3F99]  }
0x1a: {  	s8 =	sadd.s32 $0xFFFFE003, lr  }
0x1b: {  	s9 =	sadd.s32 $0xFFFFFEF7, lr;
	s5 =	simm.s32 $0xFFFFFFFF;
	p2 =	slt.u32 s8, $0xFFFFF086  }
0x1c: {  	p1 =	slt.u32 s9, $0xF7A;
	s5 =	simm.s32 @!p2 $0x0  }
0x1d: {  	s5 =	simm.s32 @p1 $0x1;
	p0 =	seq.s32 s7, s2  }
0x1e: {  	s7 =	smul.u32 @!p0 $0xF7A, s2;
	p2 =	seq.s32 @!p0 s5, $0x0  }
0x1f: {  	s9 =	smul.u32 $0xF7A, s1;
	s8 =	simm.s32 @!p0 $0x1BF5;
	p2 =	por !p2, p0  }
0x20: {  	[sflag:s8] =	ssyncset.s32 @!p0 $0xFFFFF086;
	s6 =	sadd.s32 @!p0 s3, s7;
	s7 =	simm.s32 @!p0 $0x108  }
0x21: {  	s3 =	sadd.s32 s3, s9;
	s6 =	sadd.s32 @!p0 $0x88, s6;
	s7 =	simm.s32 @p2 $0x1082  }
0x22: {  	[simem:s7], [sflag:s8] =	dma.local @!p0 [hbm:s6], $0xF7A  }
0x23: {  	s9 =	sor.u32 $0xD0000000, s2;
	s6 =	simm.s32 $0x108;
	_ =	swait.ge @!p0 [sflag:s8], $0x0  }
0x24: {  	s3 =	sadd.s32 $0x88, s3;
	s6 =	simm.s32 @!p1 $0x1082;
	[sflag:s4] =	ssyncset.s32 $0xFFFFF086  }
0x25: {  	[simem:s6], [sflag:s4] =	dma.local [hbm:s3], $0xF7A  }
0x26: {  	[smem:$0x3F99] =	sst s1;
	(tag) =	ssettag s2;
	_ =	strace s9  }
0x27: {  	s1 =	sld [smem:$0x3FA9]  }
0x28: {  	s2 =	sld [smem:$0x3FAA]  }
0x29: {  	s4 =	sld [smem:$0x3FAC]  }
0x2a: {  	p0 =	seq.s32 s5, $0x0;
	s5 =	sld [smem:$0x3FAD]  }
0x2b: {  	s6 =	sld [smem:$0x3FAE]  }
0x2c: {  	s7 =	sld [smem:$0x3FAF]  }
0x2d: {  	s3 =	simm.s32 $0x108;
	s8 =	sld [smem:$0x3FB0]  }
0x2e: {  	s3 =	simm.s32 @!p0 $0x1082;
	s9 =	sld [smem:$0x3FB1]  }
0x2f: {  	lr =	sadd.s32 s0, s3;
	s0 =	sld [smem:$0x3FA8]  }
0x30: {  	s3 =	sld [smem:$0x3FAB]  }
0x31: {  	[smem:$0x3FB4] =	sst s10  }
0x32: {  	s10 =	sld [smem:$0x3FB2];
	_ =	sdelay $0x3  }
0x33: {  	p0 =	seq.s32 s10, $0x1;
	s10 =	sld [smem:$0x3FB4];
	_ =	sdelay $0x3  }
0x34: {  	[smem:$0x3FB4] =	sst s10  }
0x35: {  	s10 =	sld [smem:$0x3FB3];
	_ =	sdelay $0x3  }
0x36: {  	p1 =	seq.s32 s10, $0x1;
	s10 =	sld [smem:$0x3FB4];
	_ =	sdelay $0x3  }
0x37: {  	[smem:$0x3FB4] =	sst s10  }
0x38: {  	s10 =	sld [smem:$0x3FB5]  }
0x39: {  	_ = 	snop;
	(pc) =	sbr.ind lr, $3  }
0x3a: {  	_ = 	snop  }
0x3b: {  	_ = 	snop  }
0x3c: {  	p2 =	seq.s32 s10, $0x1;
	s10 =	sld [smem:$0x3FB4]  }
0x3d: {  	_ =	shalt  }
0x3e: {  	_ =	shalt  }
0x3f: {  	_ =	shalt  }
0x40: {  	_ =	shalt  }
0x41: {  	_ =	shalt  }
0x42: {  	_ =	shalt  }
0x43: {  	_ =	shalt  }
0x44: {  	_ =	shalt  }
0x45: {  	_ =	shalt  }
0x46: {  	_ =	shalt  }
0x47: {  	_ =	shalt  }
0x48: {  	_ =	shalt  }
0x49: {  	_ =	shalt  }
0x4a: {  	_ =	shalt  }
0x4b: {  	_ =	shalt  }
0x4c: {  	_ =	shalt  }
0x4d: {  	_ =	shalt  }
0x4e: {  	_ =	shalt  }
0x4f: {  	_ =	shalt  }
0x50: {  	_ =	shalt  }
0x51: {  	_ =	shalt  }
0x52: {  	_ =	shalt  }
0x53: {  	_ =	shalt  }
0x54: {  	_ =	shalt  }
0x55: {  	_ =	shalt  }
0x56: {  	_ =	shalt  }
0x57: {  	_ =	shalt  }
0x58: {  	_ =	shalt  }
0x59: {  	_ =	shalt  }
0x5a: {  	_ =	shalt  }
0x5b: {  	_ =	shalt  }
0x5c: {  	_ =	shalt  }
0x5d: {  	_ =	shalt  }
0x5e: {  	_ =	shalt  }
0x5f: {  	_ =	shalt  }
0x60: {  	_ =	shalt  }
0x61: {  	_ =	shalt  }
0x62: {  	_ =	shalt  }
0x63: {  	_ =	shalt  }
0x64: {  	_ =	shalt  }
0x65: {  	_ =	shalt  }
0x66: {  	_ =	shalt  }
0x67: {  	_ =	shalt  }
0x68: {  	_ =	shalt  }
0x69: {  	_ =	shalt  }
0x6a: {  	_ =	shalt  }
0x6b: {  	_ =	shalt  }
0x6c: {  	_ =	shalt  }
0x6d: {  	_ =	shalt  }
0x6e: {  	_ =	shalt  }
0x6f: {  	_ =	shalt  }
0x70: {  	_ =	shalt  }
0x71: {  	_ =	shalt  }
0x72: {  	_ =	shalt  }
0x73: {  	_ =	shalt  }
0x74: {  	_ =	shalt  }
0x75: {  	_ =	shalt  }
0x76: {  	_ =	shalt  }
0x77: {  	_ =	shalt  }
0x78: {  	_ =	shalt  }
0x79: {  	_ =	shalt  }
0x7a: {  	_ =	shalt  }
0x7b: {  	_ =	shalt  }
0x7c: {  	_ =	shalt  }
0x7d: {  	_ =	shalt  }
0x7e: {  	_ =	shalt  }
0x7f: {  	_ =	shalt  }
0x80: {  	_ =	shalt  }
0x81: {  	_ =	shalt  }
0x82: {  	_ =	shalt  }
0x83: {  	_ =	shalt  }
0x84: {  	_ =	shalt  }
0x85: {  	_ =	shalt  }
0x86: {  	_ =	shalt  }
0x87: {  	_ =	shalt  }
.Lfunc_end0:
.L_simem_size_0:
called_computation.3_lowered:
.L_overlay_start_0:
0x88: {  	s2 =	sld [smem:$0x3FD9]  }
0x89: {  	s3 =	sld [smem:$0x3FFE];
	_ =	sdelay $0x1  }
0x8a: {  	s1 =	srdreg.scid  }
0x8b: {  	s0 =	sand.u32 $0x1, s1  }
0x8c: {  	s17 =	sshll.u32 s0, $0xA;
	s2 =	sadd.s32 s3, s2  }
0x8d: {  	s2 =	sadd.s32 s2, s17  }
0x8e: {  	[smem:$0x3FC0] =	sst s2  }
0x8f: {  	_ = 	snop  }
0x90: {  	s2 =	sld [smem:$0x3FD0];
	(tm) =	ssettm $0x1  }
0x91: {  	s18 =	sld [smem:$0x3FFB];
	_ =	sdelay $0x3  }
0x92: {  	_ =	strace s18  }
0x93: {  	s3 =	sld [smem:$0x3FFC];
	_ =	sdelay $0x3  }
0x94: {  	_ =	strace s3  }
0x95: {  	s3 =	sld [smem:$0x3FFD];
	_ =	sdelay $0x3  }
0x96: {  	_ =	strace s3  }
0x97: {  	_ =	strace $0x8FFFFFFF  }
0x98: {  	s19 =	sld [smem:$0x3FDB];
	_ =	sdelay $0x1  }
0x99: {  	s4 =	simm.s32 $_scs_section_size  }
0x9a: {  	s5 =	simm.s32 $_size__tile_overlayer_lowered;
	s6 =	simm.s32 $_tile_overlayer_lowered  }
0x9b: {  	s22 =	simm.s32 $0x1BFF;
	s21 =	sshll.u32 s6, $0x1;
	s3 =	sadd.s32 s4, s19  }
0x9c: {  	s7 =	simm.s32 $0x0;
	s20 =	sshll.u32 s5, $0x1;
	s5 =	sadd.s32 s21, s3  }
0x9d: {  	[timem:s7], [sflag:s22] =	dma.local [hbm:s5], s20  }
0x9e: {  	_ =	swait.ge [sflag:s22], s20  }
0x9f: {  	s4 =	ssub.s32 $0x0, s20;
	[sflag:s22] =	ssyncset.done $0x0  }
0xa0: {  	[sflag:s22] =	ssyncadd.s32 s4;
	_ =	sdelay $0x1  }
0xa1: {  	s23 =	simm.s32 $0x1B8B  }
0xa2: {  	_ =	swait.ge [sflag:s23], $0x1  }
0xa3: {  	[sflag:s23] =	ssyncset.done $0x0  }
0xa4: {  	s25 =	simm.s32 $0x1B8E;
	s24 =	sld [smem:$0x3FFE];
	[sflag:s23] =	ssyncadd.s32 $0xFFFFFFFF  }
0xa5: {  	s26 =	simm.s32 $execute0_lowered;
	[smem:$0x3FD2] =	sst s25  }
0xa6: {  	s5 =	sshll.u32 s26, $0x1;
	_ =	strace $0x8000004F;
	[dreg:$0x1] =	wrdreg $0xFFFFFFFF  }
0xa7: {  	s28 =	simm.s32 $_size_execute0_lowered;
	s3 =	sadd.s32 s3, s5;
	[dreg:$0x0] =	wrdreg $0x0  }
0xa8: {  	s5 =	sshll.u32 s28, $0x1;
	[dreg:$0x2] =	wrdreg s3  }
0xa9: {  	[dreg:$0x3] =	wrdreg s5  }
0xaa: {  	[dreg:$0x4] =	wrdreg $0xC0  }
0xab: {  	_ =	task [dreg:s7], $0x5FFFF  }
0xac: {  	[dreg:$0x1] =	wrdreg $0xFFFFFFFF  }
0xad: {  	[dreg:$0x0] =	wrdreg $0x60  }
0xae: {  	[dreg:$0x2] =	wrdreg s24  }
0xaf: {  	[dreg:$0x3] =	wrdreg s2  }
0xb0: {  	[dreg:$0x4] =	wrdreg $0x120000  }
0xb1: {  	[dreg:$0x5] =	wrdreg $0x9  }
0xb2: {  	_ =	task.clear_ibuf [dreg:s7], $0x6FFFF;
	_ =	strace $0x9000004F  }
0xb3: {  	s29 =	simm.s32 $0x9;
	_ =	strace $0x80000051  }
0xb4: {  	_ =	swait.ge [sflag:s29], $0x1  }
0xb5: {  	[sflag:s29] =	ssyncadd.s32 $0xFFFFFFFF  }
0xb6: {  	_ =	strace $0x90000051  }
0xb7: {  	_ =	sfence  }
0xb8: {  	s30 =	sld [smem:$0x0];
	_ =	sdelay $0x2  }
0xb9: {  	s31 =	sshll.u32 s1, $0xD;
	s1 =	sshrl.u32 s1, $0x2  }
0xba: {  	s3 =	sand.u32 $0x4000, s31;
	s1 =	sadd.s32 s1, s30  }
0xbb: {  	s0 =	sor.u32 s3, s0;
	s1 =	sshll.u32 s1, $0x11  }
0xbc: {  	s0 =	sor.u32 s1, s0  }
0xbd: {  	s0 =	sadd.s32 $0x8F2B, s0  }
0xbe: {  	[sflag:s0] =	ssyncadd.remote.s32 $0x1  }
0xbf: {  	_ =	sfence.sel $0xFFFF  }
0xc0: {  	[dreg:$0x0] =	wrdreg $0xFFFFFFFF;
	(pc) =	sbr.abs _section_cstart, $3  }
0xc1: {  	[dreg:$0x1] =	wrdreg $0xFFFFFFFF  }
0xc2: {  	_ =	task.clear_ibuf [dreg:s7], $0x2FFFF;
	_ =	strace $0x9FFFFFFF  }
0xc3: {  	(tm) =	ssettm $0x7FFFFFFF  }
tec
execute0_lowered:
.L_overlay_start_1:
0x0: {  	(tag) =	ssettag $0x1  }
0x1: {  	s5 =	rddreg [dreg:$0x0]  }
0x2: {  	s1 =	srdreg.scid;
	s6 =	rddreg [dreg:$0x1]  }
0x3: {  	s0 =	stileid.u32;
	s2 =	rddreg [dreg:$0x2];
	s3 =	simm.s32 $0x0  }
0x4: {  	s19 =	simm.s32 $0xA000;
	s20 =	simm.s32 $0x80;
	s8 =	smul.u32 $0x5000, s0  }
0x5: {  	s21 =	simm.s32 $0xE000;
	s22 =	simm.s32 $0x1;
	s11 =	smul.u32 $0x29000, s0  }
0x6: {  	s7 =	sand.u32 $0x1, s1;
	s1 =	rddreg [dreg:$0x3];
	s12 =	smul.u32 $0x28000, s0  }
0x7: {  	s23 =	simm.s32 $0x2;
	[smem:$0x7FF] =	sst s3;
	s14 =	smul.u32 $0xA000, s0  }
0x8: {  	s15 =	sadd.s32 $0x90C00, s5;
	s4 =	smul.u32 $0x50000, s7;
	s10 =	ssub.s32 $0x2, s7  }
0x9: {  	_ =	strace $0x80000050;
	s13 =	smul.u32 $0xA0000, s7;
	s24 =	sshrl.u32 s10, $0x1  }
0xa: {  	s25 =	sshrl.u32 s11, $0x2;
	s26 =	sshrl.u32 s8, $0x3;
	s28 =	sshrl.u32 s12, $0x2  }
0xb: {  	s30 =	sadd.s32 $0x4000, s14;
	s9 =	sadd.s32 s8, s4;
	s4 =	sadd.s32 $0x18C00, s5  }
0xc: {  	s16 =	ssub.s32 s10, s24;
	s6 =	sadd.s32 s6, s26;
	s29 =	sadd.s32 s14, s13  }
0xd: {  	s10 =	sadd.s32 s28, s2;
	s17 =	sadd.s32 s13, s30;
	s14 =	sadd.s32 $0x8000, s14  }
0xe: {  	s12 =	sadd.s32 s30, s2;
	s24 =	simm.s32 $0x9E00;
	s26 =	simm.s32 $0x0  }
0xf: {  	s9 =	sshrl.u32 s9, $0x3;
	s11 =	sshrl.u32 s29, $0x3;
	s17 =	sshrl.u32 s17, $0x3  }
0x10: {  	s18 =	sadd.s32 s13, s14;
	s14 =	sadd.s32 s14, s2;
	s16 =	smax.u32 s16, $0x1  }
0x11: {  	s9 =	sadd.s32 s9, s5;
	s5 =	sadd.s32 s25, s2;
	s11 =	sadd.s32 s15, s11  }
0x12: {  	s13 =	sadd.s32 s15, s17;
	s31 =	sshrl.u32 s18, $0x3;
	s17 =	simm.s32 $0x3  }
0x13: {  	s18 =	simm.s32 $0x5000;
	s25 =	simm.s32 $0x9E80;
	s7 =	sadd.s32 $0x4C00, s9  }
0x14: {  	v0 =	vimm.f32 $0.0e+00;
	s8 =	sadd.s32 $0x4000, s5;
	s9 =	sadd.s32 $0x8000, s5;
	s15 =	sadd.s32 s15, s31  }
.LBB2_1:
0x15: {  	[tilespmem:s3], [sflag:$0x3] =	stream.linear.gather [hbm4b:s6+s3], $0x4F00, $0x38;
	[tilespmem:$0x1C400] =	vst v63  }
0x16: {  	_ =	swait.ge [sflag:s17], $0x4F00  }
0x17: {  	[sflag:s17] =	ssyncset.done $0x0  }
0x18: {  	[sflag:s17] =	ssyncadd.s32 $0xFFFFB100  }
0x19: {  	[tilespmem:s18], [sflag:$0x3] =	stream.linear.gather [hbm4b:s7+s3], $0x4F00, $0x38;
	[tilespmem:$0x1C400] =	vst v63  }
0x1a: {  	_ =	swait.ge [sflag:s17], $0x4F00  }
0x1b: {  	[sflag:s17] =	ssyncset.done $0x0  }
0x1c: {  	s28 =	simm.s32 $0x0;
	s29 =	simm.s32 $0x200;
	[sflag:s17] =	ssyncadd.s32 $0xFFFFB100  }
.LBB2_2:
0x1d: {  	p0 =	sne.s32 s29, $0xFE00;
	[tilespmem:s28+$0xA070] =	vst v0  }
0x1e: {  	[tilespmem:s28+$0xA000] =	vst v0  }
0x1f: {  	[tilespmem:s28+$0xA010] =	vst v0  }
.Ltmp0:
0x20: {  	[tilespmem:s28+$0xA020] =	vst v0;
	(pc) =	sbr.rel @p0 .LBB2_2-.Ltmp0, $4  }
0x21: {  	[tilespmem:s28+$0xA030] =	vst v0  }
0x22: {  	[tilespmem:s28+$0xA040] =	vst v0  }
0x23: {  	[tilespmem:s28+$0xA050] =	vst v0  }
0x24: {  	[tilespmem:s28+$0xA060] =	vst v0;
	s28 =	sshra.s32 s29, $0x2;
	s29 =	sadd.s32 $0x200, s29  }
0x25: {  	[tilespmem:s28+$0xA070] =	vst v0  }
0x26: {  	[tilespmem:s28+$0xA000] =	vst v0  }
0x27: {  	[tilespmem:s28+$0xA010] =	vst v0  }
0x28: {  	[tilespmem:s28+$0xA020] =	vst v0  }
0x29: {  	[tilespmem:s28+$0xA030] =	vst v0  }
0x2a: {  	[tilespmem:s28+$0xA040] =	vst v0  }
0x2b: {  	[tilespmem:s28+$0xA050] =	vst v0  }
0x2c: {  	[tilespmem:s28+$0xA060] =	vst v0  }
0x2d: {  	[spmem:s5] =	stream.linear.scatter [tilespmem:s19], [sflag:$0x3], $0x4000, $0x38;
	[tilespmem:$0x1C400] =	vst v63  }
0x2e: {  	_ =	swait.ge [sflag:s17], $0x4000  }
0x2f: {  	[sflag:s17] =	ssyncset.done $0x0  }
0x30: {  	[sflag:s17] =	ssyncadd.s32 $0xFFFFC000  }
0x31: {  	[spmem:s8] =	stream.linear.scatter [tilespmem:s19], [sflag:$0x3], $0x4000, $0x38;
	[tilespmem:$0x1C400] =	vst v63  }
0x32: {  	_ =	swait.ge [sflag:s17], $0x4000  }
0x33: {  	[sflag:s17] =	ssyncset.done $0x0  }
0x34: {  	[sflag:s17] =	ssyncadd.s32 $0xFFFFC000  }
0x35: {  	[spmem:s9] =	stream.linear.scatter [tilespmem:s19], [sflag:$0x3], $0x2400, $0x38;
	[tilespmem:$0x1C400] =	vst v63  }
0x36: {  	_ =	swait.ge [sflag:s17], $0x2400  }
0x37: {  	[sflag:s17] =	ssyncset.done $0x0  }
0x38: {  	[sflag:s17] =	ssyncadd.s32 $0xFFFFDC00  }
0x39: {  	s28 =	simm.s32 $0x0;
	[bflag:$0x0] =	sbarrier.arrive $0xFFFF  }
0x3a: {  	[tilespmem:s19], [sflag:$0x1] =	stream.indirect.gather [hbm4b:s4+s20], $0x80, s28, s20, $0xb8;
	[tilespmem:$0x1C400] =	vst v63  }
0x3b: {  	_ = 	snop  }
0x3c: {  	[tilespmem:s21], [sflag:$0x2] =	stream.indirect.gather [hbm4b:s4+s20], $0x80, s20, s20, $0xb8;
	[tilespmem:$0x1C400] =	vst v63  }
0x3d: {  	_ =	swait.ge [sflag:s22], $0x4000  }
0x3e: {  	[sflag:s22] =	ssyncset.done $0x0  }
0x3f: {  	s28 =	simm.s32 $0x5000;
	[sflag:s22] =	ssyncadd.s32 $0xFFFFC000  }
0x40: {  	[spmem:s2] =	stream.indirect.scatter.add.f32 [tilespmem:s19], [sflag:$0x3], $0x80, s28, s20, $0xb8;
	[tilespmem:$0x1C400] =	vst v63  }
0x41: {  	_ =	swait.ge [sflag:s17], $0x4000  }
0x42: {  	[sflag:s17] =	ssyncset.done $0x0  }
0x43: {  	s28 =	simm.s32 $0x100;
	[sflag:s17] =	ssyncadd.s32 $0xFFFFC000  }
0x44: {  	[tilespmem:s19], [sflag:$0x1] =	stream.indirect.gather [hbm4b:s4+s20], $0x80, s28, s20, $0xb8;
	[tilespmem:$0x1C400] =	vst v63  }
0x45: {  	_ =	swait.ge [sflag:s23], $0x4000  }
0x46: {  	[sflag:s23] =	ssyncset.done $0x0  }
0x47: {  	s28 =	simm.s32 $0x5080;
	[sflag:s23] =	ssyncadd.s32 $0xFFFFC000  }
0x48: {  	[spmem:s2] =	stream.indirect.scatter.add.f32 [tilespmem:s21], [sflag:$0x3], $0x80, s28, s20, $0xb8;
	[tilespmem:$0x1C400] =	vst v63  }
0x49: {  	_ =	swait.ge [sflag:s17], $0x4000  }
0x4a: {  	[sflag:s17] =	ssyncset.done $0x0  }
0x4b: {  	s29 =	simm.s32 $0x180;
	s28 =	simm.s32 $0x400;
	[sflag:s17] =	ssyncadd.s32 $0xFFFFC000  }
.LBB2_4:
0x4c: {  	[tilespmem:s21], [sflag:$0x2] =	stream.indirect.gather [hbm4b:s4+s20], $0x80, s29, s20, $0xb8;
	[tilespmem:$0x1C400] =	vst v63  }
0x4d: {  	s29 =	smov.u32 s28  }
0x4e: {  	p0 =	sne.s32 s28, $0x13400;
	s28 =	sadd.s32 $0x400, s28;
	_ =	swait.ge [sflag:s22], $0x4000  }
0x4f: {  	s29 =	sshra.s32 s29, $0x2;
	[sflag:s22] =	ssyncset.done $0x0  }
0x50: {  	s30 =	sadd.s32 $0x5000, s29;
	[sflag:s22] =	ssyncadd.s32 $0xFFFFC000  }
0x51: {  	[spmem:s2] =	stream.indirect.scatter.add.f32 [tilespmem:s19], [sflag:$0x3], $0x80, s30, s20, $0xb8;
	[tilespmem:$0x1C400] =	vst v63  }
0x52: {  	_ =	swait.ge [sflag:s17], $0x4000  }
0x53: {  	[sflag:s17] =	ssyncset.done $0x0  }
0x54: {  	s30 =	sadd.s32 $0x100, s29;
	[sflag:s17] =	ssyncadd.s32 $0xFFFFC000  }
0x55: {  	[tilespmem:s19], [sflag:$0x1] =	stream.indirect.gather [hbm4b:s4+s20], $0x80, s30, s20, $0xb8;
	[tilespmem:$0x1C400] =	vst v63  }
0x56: {  	_ =	swait.ge [sflag:s23], $0x4000  }
0x57: {  	[sflag:s23] =	ssyncset.done $0x0  }
.Ltmp1:
0x58: {  	s30 =	sadd.s32 $0x5080, s29;
	[sflag:s23] =	ssyncadd.s32 $0xFFFFC000;
	(pc) =	sbr.rel @p0 .LBB2_4-.Ltmp1, $4  }
0x59: {  	[spmem:s2] =	stream.indirect.scatter.add.f32 [tilespmem:s21], [sflag:$0x3], $0x80, s30, s20, $0xb8;
	[tilespmem:$0x1C400] =	vst v63  }
0x5a: {  	_ =	swait.ge [sflag:s17], $0x4000  }
0x5b: {  	[sflag:s17] =	ssyncset.done $0x0  }
0x5c: {  	s29 =	sadd.s32 $0x180, s29;
	[sflag:s17] =	ssyncadd.s32 $0xFFFFC000  }
0x5d: {  	[tilespmem:s21], [sflag:$0x2] =	stream.indirect.gather [hbm4b:s4+s20], $0x80, s29, s20, $0xb8;
	[tilespmem:$0x1C400] =	vst v63  }
0x5e: {  	_ =	swait.ge [sflag:s22], $0x4000  }
0x5f: {  	[sflag:s22] =	ssyncset.done $0x0  }
0x60: {  	[sflag:s22] =	ssyncadd.s32 $0xFFFFC000  }
0x61: {  	[spmem:s2] =	stream.indirect.scatter.add.f32 [tilespmem:s19], [sflag:$0x3], $0x80, s24, s20, $0xb8;
	[tilespmem:$0x1C400] =	vst v63  }
0x62: {  	_ =	swait.ge [sflag:s17], $0x4000  }
0x63: {  	[sflag:s17] =	ssyncset.done $0x0  }
0x64: {  	[sflag:s17] =	ssyncadd.s32 $0xFFFFC000  }
0x65: {  	_ =	swait.ge [sflag:s23], $0x4000  }
0x66: {  	[sflag:s23] =	ssyncset.done $0x0  }
0x67: {  	[sflag:s23] =	ssyncadd.s32 $0xFFFFC000  }
0x68: {  	[spmem:s2] =	stream.indirect.scatter.add.f32 [tilespmem:s21], [sflag:$0x3], $0x80, s25, s20, $0xb8;
	[tilespmem:$0x1C400] =	vst v63  }
0x69: {  	_ =	swait.ge [sflag:s17], $0x4000  }
0x6a: {  	[sflag:s17] =	ssyncset.done $0x0  }
0x6b: {  	[sflag:s17] =	ssyncadd.s32 $0xFFFFC000  }
0x6c: {  	[bflag:$0x0] =	sbarrier.arrive $0xFFFF  }
0x6d: {  	[tilespmem:s19], [sflag:$0x3] =	stream.linear.gather [spmem:s10], $0x4000, $0x38;
	[tilespmem:$0x1C400] =	vst v63  }
0x6e: {  	_ =	swait.ge [sflag:s17], $0x4000  }
0x6f: {  	[sflag:s17] =	ssyncset.done $0x0  }
0x70: {  	[sflag:s17] =	ssyncadd.s32 $0xFFFFC000  }
0x71: {  	[hbm4b:s11+s3] =	stream.linear.scatter [tilespmem:s19], [sflag:$0x3], $0x4000, $0x38;
	[tilespmem:$0x1C400] =	vst v63  }
0x72: {  	_ =	swait.ge [sflag:s17], $0x4000  }
0x73: {  	[sflag:s17] =	ssyncset.done $0x0  }
0x74: {  	[sflag:s17] =	ssyncadd.s32 $0xFFFFC000  }
0x75: {  	[tilespmem:s19], [sflag:$0x3] =	stream.linear.gather [spmem:s12], $0x4000, $0x38;
	[tilespmem:$0x1C400] =	vst v63  }
0x76: {  	_ =	swait.ge [sflag:s17], $0x4000  }
0x77: {  	[sflag:s17] =	ssyncset.done $0x0  }
0x78: {  	[sflag:s17] =	ssyncadd.s32 $0xFFFFC000  }
0x79: {  	[hbm4b:s13+s3] =	stream.linear.scatter [tilespmem:s19], [sflag:$0x3], $0x4000, $0x38;
	[tilespmem:$0x1C400] =	vst v63  }
0x7a: {  	_ =	swait.ge [sflag:s17], $0x4000  }
0x7b: {  	[sflag:s17] =	ssyncset.done $0x0  }
0x7c: {  	[sflag:s17] =	ssyncadd.s32 $0xFFFFC000  }
0x7d: {  	[tilespmem:s19], [sflag:$0x3] =	stream.linear.gather [spmem:s14], $0x2000, $0x38;
	[tilespmem:$0x1C400] =	vst v63  }
0x7e: {  	s26 =	sadd.s32 $0x1, s26;
	_ =	swait.ge [sflag:s17], $0x2000  }
0x7f: {  	p0 =	sne.s32 s26, s16;
	[sflag:s17] =	ssyncset.done $0x0  }
.Ltmp2:
0x80: {  	[sflag:s17] =	ssyncadd.s32 $0xFFFFE000;
	(pc) =	sbr.rel @p0 .LBB2_1-.Ltmp2, $4  }
0x81: {  	[hbm4b:s15+s3] =	stream.linear.scatter [tilespmem:s19], [sflag:$0x3], $0x2000, $0x38;
	[tilespmem:$0x1C400] =	vst v63  }
0x82: {  	_ =	swait.ge [sflag:s17], $0x2000  }
0x83: {  	[sflag:s17] =	ssyncset.done $0x0  }
0x84: {  	[sflag:s17] =	ssyncadd.s32 $0xFFFFE000  }
0x85: {  	_ =	sfence.sel $0x180000  }
0x86: {  	[bflag:$0x0] =	sbarrier.arrive $0xFFFF  }
0x87: {  	p0 =	sne.s32 s0, $0x0;
	_ =	strace $0x90000050  }
0x88: {  	s0 =	sadd.s32 @!p0 $0x100000, s1;
	[bflag:$0x2] =	sbarrier.arrive $0xFFFF  }
0x89: {  	[sflag:s0] =	ssyncadd.tile.s32 @!p0 $0x1;
	_ =	shalt  }
.Lfunc_end2:
_tile_overlayer_lowered:
.L_overlay_start_2:
0x8a: {  	(tag) =	ssettag $0x2  }
0x8b: {  	s0 =	rddreg [dreg:$0x0];
	s2 =	stileid.u32  }
0x8c: {  	s1 =	rddreg [dreg:$0x1];
	p0 =	sne.s32 s2, $0x0  }
0x8d: {  	s3 =	rddreg [dreg:$0x2];
	[bflag:$0x3] =	sbarrier.arrive $0xFFFF;
	s2 =	simm.s32 @!p0 $0x1C03  }
0x8e: {  	[timem:s3], [sflag:s2] =	dma.local @!p0 [hbm:s0], s1  }
0x8f: {  	s0 =	simm.s32 @!p0 $0x3  }
0x90: {  	_ =	swait.ge @!p0 [sflag:s0], s1  }
0x91: {  	s1 =	ssub.s32 @!p0 $0x0, s1;
	[sflag:s0] =	ssyncset.done @!p0 $0x0  }
0x92: {  	[sflag:s0] =	ssyncadd.s32 @!p0 s1  }
0x93: {  	[bflag:$0x3] =	sbarrier.arrive $0xFFFF  }
0x94: {  	_ =	shalt  }

// kernel: kernel.24.cloned.1.call-start
scs
__scs_entry_jumppad:
0x0: {  	(pc) =	sbr.rel $0x88, $3  }
0x1: {  	(tag) =	ssettag $0x0;
	lr =	simm.s32 $0x1  }
0x2: {  	[smem:$0x3F99] =	sst lr;
	_ =	strace $0xD0000000  }
0x3: {  	_ = 	snop  }
0x4: {  	_ = 	snop  }
0x5: {  	_ = 	snop  }
0x6: {  	_ = 	snop  }
0x7: {  	_ = 	snop  }
__scs_overlays_trampoline_lowered:
0x8: {  	[smem:$0x3FA8] =	sst s0  }
0x9: {  	[smem:$0x3FA9] =	sst s1  }
0xa: {  	[smem:$0x3FAA] =	sst s2  }
0xb: {  	[smem:$0x3FAB] =	sst s3  }
0xc: {  	[smem:$0x3FAC] =	sst s4  }
0xd: {  	[smem:$0x3FAD] =	sst s5  }
0xe: {  	[smem:$0x3FAE] =	sst s6  }
0xf: {  	[smem:$0x3FAF] =	sst s7  }
0x10: {  	[smem:$0x3FB0] =	sst s8  }
0x11: {  	[smem:$0x3FB1] =	sst s9;
	s0 =	simm.s32 @!p0 $0x0  }
0x12: {  	s1 =	sld [smem:$0x3F97];
	s0 =	simm.s32 @p0 $0x1  }
0x13: {  	[smem:$0x3FB2] =	sst s0;
	s0 =	simm.s32 @!p1 $0x0  }
0x14: {  	s2 =	sld [smem:$0x3F96];
	s0 =	simm.s32 @p1 $0x1  }
0x15: {  	[smem:$0x3FB3] =	sst s0;
	s0 =	simm.s32 @!p2 $0x0  }
0x16: {  	s3 =	sld [smem:$0x3FDB];
	s0 =	simm.s32 @p2 $0x1  }
0x17: {  	s4 =	simm.s32 $0x1BF5;
	[smem:$0x3FB5] =	sst s0  }
0x18: {  	s0 =	sld [smem:$0x3F98];
	_ =	swait.ge [sflag:s4], $0x0  }
0x19: {  	s7 =	sld [smem:$0x3F99]  }
0x1a: {  	s8 =	sadd.s32 $0xFFFFE003, lr  }
0x1b: {  	s9 =	sadd.s32 $0xFFFFFEF7, lr;
	s5 =	simm.s32 $0xFFFFFFFF;
	p2 =	slt.u32 s8, $0xFFFFF086  }
0x1c: {  	p1 =	slt.u32 s9, $0xF7A;
	s5 =	simm.s32 @!p2 $0x0  }
0x1d: {  	s5 =	simm.s32 @p1 $0x1;
	p0 =	seq.s32 s7, s2  }
0x1e: {  	s7 =	smul.u32 @!p0 $0xF7A, s2;
	p2 =	seq.s32 @!p0 s5, $0x0  }
0x1f: {  	s9 =	smul.u32 $0xF7A, s1;
	s8 =	simm.s32 @!p0 $0x1BF5;
	p2 =	por !p2, p0  }
0x20: {  	[sflag:s8] =	ssyncset.s32 @!p0 $0xFFFFF086;
	s6 =	sadd.s32 @!p0 s3, s7;
	s7 =	simm.s32 @!p0 $0x108  }
0x21: {  	s3 =	sadd.s32 s3, s9;
	s6 =	sadd.s32 @!p0 $0x88, s6;
	s7 =	simm.s32 @p2 $0x1082  }
0x22: {  	[simem:s7], [sflag:s8] =	dma.local @!p0 [hbm:s6], $0xF7A  }
0x23: {  	s9 =	sor.u32 $0xD0000000, s2;
	s6 =	simm.s32 $0x108;
	_ =	swait.ge @!p0 [sflag:s8], $0x0  }
0x24: {  	s3 =	sadd.s32 $0x88, s3;
	s6 =	simm.s32 @!p1 $0x1082;
	[sflag:s4] =	ssyncset.s32 $0xFFFFF086  }
0x25: {  	[simem:s6], [sflag:s4] =	dma.local [hbm:s3], $0xF7A  }
0x26: {  	[smem:$0x3F99] =	sst s1;
	(tag) =	ssettag s2;
	_ =	strace s9  }
0x27: {  	s1 =	sld [smem:$0x3FA9]  }
0x28: {  	s2 =	sld [smem:$0x3FAA]  }
0x29: {  	s4 =	sld [smem:$0x3FAC]  }
0x2a: {  	p0 =	seq.s32 s5, $0x0;
	s5 =	sld [smem:$0x3FAD]  }
0x2b: {  	s6 =	sld [smem:$0x3FAE]  }
0x2c: {  	s7 =	sld [smem:$0x3FAF]  }
0x2d: {  	s3 =	simm.s32 $0x108;
	s8 =	sld [smem:$0x3FB0]  }
0x2e: {  	s3 =	simm.s32 @!p0 $0x1082;
	s9 =	sld [smem:$0x3FB1]  }
0x2f: {  	lr =	sadd.s32 s0, s3;
	s0 =	sld [smem:$0x3FA8]  }
0x30: {  	s3 =	sld [smem:$0x3FAB]  }
0x31: {  	[smem:$0x3FB4] =	sst s10  }
0x32: {  	s10 =	sld [smem:$0x3FB2];
	_ =	sdelay $0x3  }
0x33: {  	p0 =	seq.s32 s10, $0x1;
	s10 =	sld [smem:$0x3FB4];
	_ =	sdelay $0x3  }
0x34: {  	[smem:$0x3FB4] =	sst s10  }
0x35: {  	s10 =	sld [smem:$0x3FB3];
	_ =	sdelay $0x3  }
0x36: {  	p1 =	seq.s32 s10, $0x1;
	s10 =	sld [smem:$0x3FB4];
	_ =	sdelay $0x3  }
0x37: {  	[smem:$0x3FB4] =	sst s10  }
0x38: {  	s10 =	sld [smem:$0x3FB5]  }
0x39: {  	_ = 	snop;
	(pc) =	sbr.ind lr, $3  }
0x3a: {  	_ = 	snop  }
0x3b: {  	_ = 	snop  }
0x3c: {  	p2 =	seq.s32 s10, $0x1;
	s10 =	sld [smem:$0x3FB4]  }
0x3d: {  	_ =	shalt  }
0x3e: {  	_ =	shalt  }
0x3f: {  	_ =	shalt  }
0x40: {  	_ =	shalt  }
0x41: {  	_ =	shalt  }
0x42: {  	_ =	shalt  }
0x43: {  	_ =	shalt  }
0x44: {  	_ =	shalt  }
0x45: {  	_ =	shalt  }
0x46: {  	_ =	shalt  }
0x47: {  	_ =	shalt  }
0x48: {  	_ =	shalt  }
0x49: {  	_ =	shalt  }
0x4a: {  	_ =	shalt  }
0x4b: {  	_ =	shalt  }
0x4c: {  	_ =	shalt  }
0x4d: {  	_ =	shalt  }
0x4e: {  	_ =	shalt  }
0x4f: {  	_ =	shalt  }
0x50: {  	_ =	shalt  }
0x51: {  	_ =	shalt  }
0x52: {  	_ =	shalt  }
0x53: {  	_ =	shalt  }
0x54: {  	_ =	shalt  }
0x55: {  	_ =	shalt  }
0x56: {  	_ =	shalt  }
0x57: {  	_ =	shalt  }
0x58: {  	_ =	shalt  }
0x59: {  	_ =	shalt  }
0x5a: {  	_ =	shalt  }
0x5b: {  	_ =	shalt  }
0x5c: {  	_ =	shalt  }
0x5d: {  	_ =	shalt  }
0x5e: {  	_ =	shalt  }
0x5f: {  	_ =	shalt  }
0x60: {  	_ =	shalt  }
0x61: {  	_ =	shalt  }
0x62: {  	_ =	shalt  }
0x63: {  	_ =	shalt  }
0x64: {  	_ =	shalt  }
0x65: {  	_ =	shalt  }
0x66: {  	_ =	shalt  }
0x67: {  	_ =	shalt  }
0x68: {  	_ =	shalt  }
0x69: {  	_ =	shalt  }
0x6a: {  	_ =	shalt  }
0x6b: {  	_ =	shalt  }
0x6c: {  	_ =	shalt  }
0x6d: {  	_ =	shalt  }
0x6e: {  	_ =	shalt  }
0x6f: {  	_ =	shalt  }
0x70: {  	_ =	shalt  }
0x71: {  	_ =	shalt  }
0x72: {  	_ =	shalt  }
0x73: {  	_ =	shalt  }
0x74: {  	_ =	shalt  }
0x75: {  	_ =	shalt  }
0x76: {  	_ =	shalt  }
0x77: {  	_ =	shalt  }
0x78: {  	_ =	shalt  }
0x79: {  	_ =	shalt  }
0x7a: {  	_ =	shalt  }
0x7b: {  	_ =	shalt  }
0x7c: {  	_ =	shalt  }
0x7d: {  	_ =	shalt  }
0x7e: {  	_ =	shalt  }
0x7f: {  	_ =	shalt  }
0x80: {  	_ =	shalt  }
0x81: {  	_ =	shalt  }
0x82: {  	_ =	shalt  }
0x83: {  	_ =	shalt  }
0x84: {  	_ =	shalt  }
0x85: {  	_ =	shalt  }
0x86: {  	_ =	shalt  }
0x87: {  	_ =	shalt  }
.Lfunc_end0:
.L_simem_size_0:
called_computation.4_lowered:
.L_overlay_start_0:
0x88: {  	s2 =	sld [smem:$0x3FD9]  }
0x89: {  	s3 =	sld [smem:$0x3FFE];
	_ =	sdelay $0x1  }
0x8a: {  	s1 =	srdreg.scid  }
0x8b: {  	s0 =	sand.u32 $0x1, s1  }
0x8c: {  	s17 =	sshll.u32 s0, $0xA;
	s2 =	sadd.s32 s3, s2  }
0x8d: {  	s2 =	sadd.s32 s2, s17  }
0x8e: {  	[smem:$0x3FC0] =	sst s2  }
0x8f: {  	_ = 	snop  }
0x90: {  	s2 =	sld [smem:$0x3FD0];
	(tm) =	ssettm $0x1  }
0x91: {  	s18 =	sld [smem:$0x3FFB];
	_ =	sdelay $0x3  }
0x92: {  	_ =	strace s18  }
0x93: {  	s3 =	sld [smem:$0x3FFC];
	_ =	sdelay $0x3  }
0x94: {  	_ =	strace s3  }
0x95: {  	s3 =	sld [smem:$0x3FFD];
	_ =	sdelay $0x3  }
0x96: {  	_ =	strace s3  }
0x97: {  	_ =	strace $0x8FFFFFFF  }
0x98: {  	s19 =	sld [smem:$0x3FDB];
	_ =	sdelay $0x1  }
0x99: {  	s4 =	simm.s32 $_scs_section_size  }
0x9a: {  	s5 =	simm.s32 $_size__tile_overlayer_lowered;
	s6 =	simm.s32 $_tile_overlayer_lowered  }
0x9b: {  	s22 =	simm.s32 $0x1BFF;
	s21 =	sshll.u32 s6, $0x1;
	s3 =	sadd.s32 s4, s19  }
0x9c: {  	s7 =	simm.s32 $0x0;
	s20 =	sshll.u32 s5, $0x1;
	s5 =	sadd.s32 s21, s3  }
0x9d: {  	[timem:s7], [sflag:s22] =	dma.local [hbm:s5], s20  }
0x9e: {  	_ =	swait.ge [sflag:s22], s20  }
0x9f: {  	s4 =	ssub.s32 $0x0, s20;
	[sflag:s22] =	ssyncset.done $0x0  }
0xa0: {  	[sflag:s22] =	ssyncadd.s32 s4;
	_ =	sdelay $0x1  }
0xa1: {  	s23 =	simm.s32 $0x1B8B  }
0xa2: {  	_ =	swait.ge [sflag:s23], $0x1  }
0xa3: {  	[sflag:s23] =	ssyncset.done $0x0  }
0xa4: {  	s25 =	simm.s32 $0x1B8E;
	s24 =	sld [smem:$0x3FFE];
	[sflag:s23] =	ssyncadd.s32 $0xFFFFFFFF  }
0xa5: {  	s26 =	simm.s32 $execute0_lowered;
	[smem:$0x3FD2] =	sst s25  }
0xa6: {  	s5 =	sshll.u32 s26, $0x1;
	_ =	strace $0x80000052;
	[dreg:$0x1] =	wrdreg $0xFFFFFFFF  }
0xa7: {  	s28 =	simm.s32 $_size_execute0_lowered;
	s3 =	sadd.s32 s3, s5;
	[dreg:$0x0] =	wrdreg $0x0  }
0xa8: {  	s5 =	sshll.u32 s28, $0x1;
	[dreg:$0x2] =	wrdreg s3  }
0xa9: {  	[dreg:$0x3] =	wrdreg s5  }
0xaa: {  	[dreg:$0x4] =	wrdreg $0xC0  }
0xab: {  	_ =	task [dreg:s7], $0x5FFFF  }
0xac: {  	[dreg:$0x1] =	wrdreg $0xFFFFFFFF  }
0xad: {  	[dreg:$0x0] =	wrdreg $0x60  }
0xae: {  	[dreg:$0x2] =	wrdreg s24  }
0xaf: {  	[dreg:$0x3] =	wrdreg s2  }
0xb0: {  	[dreg:$0x4] =	wrdreg $0x120000  }
0xb1: {  	[dreg:$0x5] =	wrdreg $0x9  }
0xb2: {  	_ =	task.clear_ibuf [dreg:s7], $0x6FFFF;
	_ =	strace $0x90000052  }
0xb3: {  	s29 =	simm.s32 $0x9;
	_ =	strace $0x80000054  }
0xb4: {  	_ =	swait.ge [sflag:s29], $0x1  }
0xb5: {  	[sflag:s29] =	ssyncadd.s32 $0xFFFFFFFF  }
0xb6: {  	_ =	strace $0x90000054  }
0xb7: {  	_ =	sfence  }
0xb8: {  	s30 =	sld [smem:$0x0];
	_ =	sdelay $0x2  }
0xb9: {  	s31 =	sshll.u32 s1, $0xD;
	s1 =	sshrl.u32 s1, $0x2  }
0xba: {  	s3 =	sand.u32 $0x4000, s31;
	s1 =	sadd.s32 s1, s30  }
0xbb: {  	s0 =	sor.u32 s3, s0;
	s1 =	sshll.u32 s1, $0x11  }
0xbc: {  	s0 =	sor.u32 s1, s0  }
0xbd: {  	s0 =	sadd.s32 $0x8F2B, s0  }
0xbe: {  	[sflag:s0] =	ssyncadd.remote.s32 $0x1  }
0xbf: {  	_ =	sfence.sel $0xFFFF  }
0xc0: {  	[dreg:$0x0] =	wrdreg $0xFFFFFFFF;
	(pc) =	sbr.abs _section_cstart, $3  }
0xc1: {  	[dreg:$0x1] =	wrdreg $0xFFFFFFFF  }
0xc2: {  	_ =	task.clear_ibuf [dreg:s7], $0x2FFFF;
	_ =	strace $0x9FFFFFFF  }
0xc3: {  	(tm) =	ssettm $0x7FFFFFFF  }
tec
execute0_lowered:
.L_overlay_start_1:
0x0: {  	(tag) =	ssettag $0x1  }
0x1: {  	s5 =	rddreg [dreg:$0x0]  }
0x2: {  	s1 =	srdreg.scid;
	s6 =	rddreg [dreg:$0x1]  }
0x3: {  	s0 =	stileid.u32;
	s2 =	rddreg [dreg:$0x2];
	s3 =	simm.s32 $0x0  }
0x4: {  	s19 =	simm.s32 $0xA000;
	s20 =	simm.s32 $0x80;
	s8 =	smul.u32 $0x5000, s0  }
0x5: {  	s21 =	simm.s32 $0xE000;
	s22 =	simm.s32 $0x1;
	s11 =	smul.u32 $0x29000, s0  }
0x6: {  	s7 =	sand.u32 $0x1, s1;
	s1 =	rddreg [dreg:$0x3];
	s12 =	smul.u32 $0x28000, s0  }
0x7: {  	s23 =	simm.s32 $0x2;
	[smem:$0x7FF] =	sst s3;
	s14 =	smul.u32 $0xA000, s0  }
0x8: {  	s15 =	sadd.s32 $0x90C00, s5;
	s4 =	smul.u32 $0x50000, s7;
	s10 =	ssub.s32 $0x2, s7  }
0x9: {  	_ =	strace $0x80000053;
	s13 =	smul.u32 $0xA0000, s7;
	s24 =	sshrl.u32 s10, $0x1  }
0xa: {  	s25 =	sshrl.u32 s11, $0x2;
	s26 =	sshrl.u32 s8, $0x3;
	s28 =	sshrl.u32 s12, $0x2  }
0xb: {  	s30 =	sadd.s32 $0x4000, s14;
	s9 =	sadd.s32 s8, s4;
	s4 =	sadd.s32 $0x18C00, s5  }
0xc: {  	s16 =	ssub.s32 s10, s24;
	s6 =	sadd.s32 s6, s26;
	s29 =	sadd.s32 s14, s13  }
0xd: {  	s10 =	sadd.s32 s28, s2;
	s17 =	sadd.s32 s13, s30;
	s14 =	sadd.s32 $0x8000, s14  }
0xe: {  	s12 =	sadd.s32 s30, s2;
	s24 =	simm.s32 $0x9E00;
	s26 =	simm.s32 $0x0  }
0xf: {  	s9 =	sshrl.u32 s9, $0x3;
	s11 =	sshrl.u32 s29, $0x3;
	s17 =	sshrl.u32 s17, $0x3  }
0x10: {  	s18 =	sadd.s32 s13, s14;
	s14 =	sadd.s32 s14, s2;
	s16 =	smax.u32 s16, $0x1  }
0x11: {  	s9 =	sadd.s32 s9, s5;
	s5 =	sadd.s32 s25, s2;
	s11 =	sadd.s32 s15, s11  }
0x12: {  	s13 =	sadd.s32 s15, s17;
	s31 =	sshrl.u32 s18, $0x3;
	s17 =	simm.s32 $0x3  }
0x13: {  	s18 =	simm.s32 $0x5000;
	s25 =	simm.s32 $0x9E80;
	s7 =	sadd.s32 $0x4C00, s9  }
0x14: {  	v0 =	vimm.f32 $0.0e+00;
	s8 =	sadd.s32 $0x4000, s5;
	s9 =	sadd.s32 $0x8000, s5;
	s15 =	sadd.s32 s15, s31  }
.LBB2_1:
0x15: {  	[tilespmem:s3], [sflag:$0x3] =	stream.linear.gather [hbm4b:s6+s3], $0x4F00, $0x38;
	[tilespmem:$0x1C400] =	vst v63  }
0x16: {  	_ =	swait.ge [sflag:s17], $0x4F00  }
0x17: {  	[sflag:s17] =	ssyncset.done $0x0  }
0x18: {  	[sflag:s17] =	ssyncadd.s32 $0xFFFFB100  }
0x19: {  	[tilespmem:s18], [sflag:$0x3] =	stream.linear.gather [hbm4b:s7+s3], $0x4F00, $0x38;
	[tilespmem:$0x1C400] =	vst v63  }
0x1a: {  	_ =	swait.ge [sflag:s17], $0x4F00  }
0x1b: {  	[sflag:s17] =	ssyncset.done $0x0  }
0x1c: {  	s28 =	simm.s32 $0x0;
	s29 =	simm.s32 $0x200;
	[sflag:s17] =	ssyncadd.s32 $0xFFFFB100  }
.LBB2_2:
0x1d: {  	p0 =	sne.s32 s29, $0xFE00;
	[tilespmem:s28+$0xA070] =	vst v0  }
0x1e: {  	[tilespmem:s28+$0xA000] =	vst v0  }
0x1f: {  	[tilespmem:s28+$0xA010] =	vst v0  }
.Ltmp0:
0x20: {  	[tilespmem:s28+$0xA020] =	vst v0;
	(pc) =	sbr.rel @p0 .LBB2_2-.Ltmp0, $4  }
0x21: {  	[tilespmem:s28+$0xA030] =	vst v0  }
0x22: {  	[tilespmem:s28+$0xA040] =	vst v0  }
0x23: {  	[tilespmem:s28+$0xA050] =	vst v0  }
0x24: {  	[tilespmem:s28+$0xA060] =	vst v0;
	s28 =	sshra.s32 s29, $0x2;
	s29 =	sadd.s32 $0x200, s29  }
0x25: {  	[tilespmem:s28+$0xA070] =	vst v0  }
0x26: {  	[tilespmem:s28+$0xA000] =	vst v0  }
0x27: {  	[tilespmem:s28+$0xA010] =	vst v0  }
0x28: {  	[tilespmem:s28+$0xA020] =	vst v0  }
0x29: {  	[tilespmem:s28+$0xA030] =	vst v0  }
0x2a: {  	[tilespmem:s28+$0xA040] =	vst v0  }
0x2b: {  	[tilespmem:s28+$0xA050] =	vst v0  }
0x2c: {  	[tilespmem:s28+$0xA060] =	vst v0  }
0x2d: {  	[spmem:s5] =	stream.linear.scatter [tilespmem:s19], [sflag:$0x3], $0x4000, $0x38;
	[tilespmem:$0x1C400] =	vst v63  }
0x2e: {  	_ =	swait.ge [sflag:s17], $0x4000  }
0x2f: {  	[sflag:s17] =	ssyncset.done $0x0  }
0x30: {  	[sflag:s17] =	ssyncadd.s32 $0xFFFFC000  }
0x31: {  	[spmem:s8] =	stream.linear.scatter [tilespmem:s19], [sflag:$0x3], $0x4000, $0x38;
	[tilespmem:$0x1C400] =	vst v63  }
0x32: {  	_ =	swait.ge [sflag:s17], $0x4000  }
0x33: {  	[sflag:s17] =	ssyncset.done $0x0  }
0x34: {  	[sflag:s17] =	ssyncadd.s32 $0xFFFFC000  }
0x35: {  	[spmem:s9] =	stream.linear.scatter [tilespmem:s19], [sflag:$0x3], $0x2400, $0x38;
	[tilespmem:$0x1C400] =	vst v63  }
0x36: {  	_ =	swait.ge [sflag:s17], $0x2400  }
0x37: {  	[sflag:s17] =	ssyncset.done $0x0  }
0x38: {  	[sflag:s17] =	ssyncadd.s32 $0xFFFFDC00  }
0x39: {  	s28 =	simm.s32 $0x0;
	[bflag:$0x0] =	sbarrier.arrive $0xFFFF  }
0x3a: {  	[tilespmem:s19], [sflag:$0x1] =	stream.indirect.gather [hbm4b:s4+s20], $0x80, s28, s20, $0xb8;
	[tilespmem:$0x1C400] =	vst v63  }
0x3b: {  	_ = 	snop  }
0x3c: {  	[tilespmem:s21], [sflag:$0x2] =	stream.indirect.gather [hbm4b:s4+s20], $0x80, s20, s20, $0xb8;
	[tilespmem:$0x1C400] =	vst v63  }
0x3d: {  	_ =	swait.ge [sflag:s22], $0x4000  }
0x3e: {  	[sflag:s22] =	ssyncset.done $0x0  }
0x3f: {  	s28 =	simm.s32 $0x5000;
	[sflag:s22] =	ssyncadd.s32 $0xFFFFC000  }
0x40: {  	[spmem:s2] =	stream.indirect.scatter.add.f32 [tilespmem:s19], [sflag:$0x3], $0x80, s28, s20, $0xb8;
	[tilespmem:$0x1C400] =	vst v63  }
0x41: {  	_ =	swait.ge [sflag:s17], $0x4000  }
0x42: {  	[sflag:s17] =	ssyncset.done $0x0  }
0x43: {  	s28 =	simm.s32 $0x100;
	[sflag:s17] =	ssyncadd.s32 $0xFFFFC000  }
0x44: {  	[tilespmem:s19], [sflag:$0x1] =	stream.indirect.gather [hbm4b:s4+s20], $0x80, s28, s20, $0xb8;
	[tilespmem:$0x1C400] =	vst v63  }
0x45: {  	_ =	swait.ge [sflag:s23], $0x4000  }
0x46: {  	[sflag:s23] =	ssyncset.done $0x0  }
0x47: {  	s28 =	simm.s32 $0x5080;
	[sflag:s23] =	ssyncadd.s32 $0xFFFFC000  }
0x48: {  	[spmem:s2] =	stream.indirect.scatter.add.f32 [tilespmem:s21], [sflag:$0x3], $0x80, s28, s20, $0xb8;
	[tilespmem:$0x1C400] =	vst v63  }
0x49: {  	_ =	swait.ge [sflag:s17], $0x4000  }
0x4a: {  	[sflag:s17] =	ssyncset.done $0x0  }
0x4b: {  	s29 =	simm.s32 $0x180;
	s28 =	simm.s32 $0x400;
	[sflag:s17] =	ssyncadd.s32 $0xFFFFC000  }
.LBB2_4:
0x4c: {  	[tilespmem:s21], [sflag:$0x2] =	stream.indirect.gather [hbm4b:s4+s20], $0x80, s29, s20, $0xb8;
	[tilespmem:$0x1C400] =	vst v63  }
0x4d: {  	s29 =	smov.u32 s28  }
0x4e: {  	p0 =	sne.s32 s28, $0x13400;
	s28 =	sadd.s32 $0x400, s28;
	_ =	swait.ge [sflag:s22], $0x4000  }
0x4f: {  	s29 =	sshra.s32 s29, $0x2;
	[sflag:s22] =	ssyncset.done $0x0  }
0x50: {  	s30 =	sadd.s32 $0x5000, s29;
	[sflag:s22] =	ssyncadd.s32 $0xFFFFC000  }
0x51: {  	[spmem:s2] =	stream.indirect.scatter.add.f32 [tilespmem:s19], [sflag:$0x3], $0x80, s30, s20, $0xb8;
	[tilespmem:$0x1C400] =	vst v63  }
0x52: {  	_ =	swait.ge [sflag:s17], $0x4000  }
0x53: {  	[sflag:s17] =	ssyncset.done $0x0  }
0x54: {  	s30 =	sadd.s32 $0x100, s29;
	[sflag:s17] =	ssyncadd.s32 $0xFFFFC000  }
0x55: {  	[tilespmem:s19], [sflag:$0x1] =	stream.indirect.gather [hbm4b:s4+s20], $0x80, s30, s20, $0xb8;
	[tilespmem:$0x1C400] =	vst v63  }
0x56: {  	_ =	swait.ge [sflag:s23], $0x4000  }
0x57: {  	[sflag:s23] =	ssyncset.done $0x0  }
.Ltmp1:
0x58: {  	s30 =	sadd.s32 $0x5080, s29;
	[sflag:s23] =	ssyncadd.s32 $0xFFFFC000;
	(pc) =	sbr.rel @p0 .LBB2_4-.Ltmp1, $4  }
0x59: {  	[spmem:s2] =	stream.indirect.scatter.add.f32 [tilespmem:s21], [sflag:$0x3], $0x80, s30, s20, $0xb8;
	[tilespmem:$0x1C400] =	vst v63  }
0x5a: {  	_ =	swait.ge [sflag:s17], $0x4000  }
0x5b: {  	[sflag:s17] =	ssyncset.done $0x0  }
0x5c: {  	s29 =	sadd.s32 $0x180, s29;
	[sflag:s17] =	ssyncadd.s32 $0xFFFFC000  }
0x5d: {  	[tilespmem:s21], [sflag:$0x2] =	stream.indirect.gather [hbm4b:s4+s20], $0x80, s29, s20, $0xb8;
	[tilespmem:$0x1C400] =	vst v63  }
0x5e: {  	_ =	swait.ge [sflag:s22], $0x4000  }
0x5f: {  	[sflag:s22] =	ssyncset.done $0x0  }
0x60: {  	[sflag:s22] =	ssyncadd.s32 $0xFFFFC000  }
0x61: {  	[spmem:s2] =	stream.indirect.scatter.add.f32 [tilespmem:s19], [sflag:$0x3], $0x80, s24, s20, $0xb8;
	[tilespmem:$0x1C400] =	vst v63  }
0x62: {  	_ =	swait.ge [sflag:s17], $0x4000  }
0x63: {  	[sflag:s17] =	ssyncset.done $0x0  }
0x64: {  	[sflag:s17] =	ssyncadd.s32 $0xFFFFC000  }
0x65: {  	_ =	swait.ge [sflag:s23], $0x4000  }
0x66: {  	[sflag:s23] =	ssyncset.done $0x0  }
0x67: {  	[sflag:s23] =	ssyncadd.s32 $0xFFFFC000  }
0x68: {  	[spmem:s2] =	stream.indirect.scatter.add.f32 [tilespmem:s21], [sflag:$0x3], $0x80, s25, s20, $0xb8;
	[tilespmem:$0x1C400] =	vst v63  }
0x69: {  	_ =	swait.ge [sflag:s17], $0x4000  }
0x6a: {  	[sflag:s17] =	ssyncset.done $0x0  }
0x6b: {  	[sflag:s17] =	ssyncadd.s32 $0xFFFFC000  }
0x6c: {  	[bflag:$0x0] =	sbarrier.arrive $0xFFFF  }
0x6d: {  	[tilespmem:s19], [sflag:$0x3] =	stream.linear.gather [spmem:s10], $0x4000, $0x38;
	[tilespmem:$0x1C400] =	vst v63  }
0x6e: {  	_ =	swait.ge [sflag:s17], $0x4000  }
0x6f: {  	[sflag:s17] =	ssyncset.done $0x0  }
0x70: {  	[sflag:s17] =	ssyncadd.s32 $0xFFFFC000  }
0x71: {  	[hbm4b:s11+s3] =	stream.linear.scatter [tilespmem:s19], [sflag:$0x3], $0x4000, $0x38;
	[tilespmem:$0x1C400] =	vst v63  }
0x72: {  	_ =	swait.ge [sflag:s17], $0x4000  }
0x73: {  	[sflag:s17] =	ssyncset.done $0x0  }
0x74: {  	[sflag:s17] =	ssyncadd.s32 $0xFFFFC000  }
0x75: {  	[tilespmem:s19], [sflag:$0x3] =	stream.linear.gather [spmem:s12], $0x4000, $0x38;
	[tilespmem:$0x1C400] =	vst v63  }
0x76: {  	_ =	swait.ge [sflag:s17], $0x4000  }
0x77: {  	[sflag:s17] =	ssyncset.done $0x0  }
0x78: {  	[sflag:s17] =	ssyncadd.s32 $0xFFFFC000  }
0x79: {  	[hbm4b:s13+s3] =	stream.linear.scatter [tilespmem:s19], [sflag:$0x3], $0x4000, $0x38;
	[tilespmem:$0x1C400] =	vst v63  }
0x7a: {  	_ =	swait.ge [sflag:s17], $0x4000  }
0x7b: {  	[sflag:s17] =	ssyncset.done $0x0  }
0x7c: {  	[sflag:s17] =	ssyncadd.s32 $0xFFFFC000  }
0x7d: {  	[tilespmem:s19], [sflag:$0x3] =	stream.linear.gather [spmem:s14], $0x2000, $0x38;
	[tilespmem:$0x1C400] =	vst v63  }
0x7e: {  	s26 =	sadd.s32 $0x1, s26;
	_ =	swait.ge [sflag:s17], $0x2000  }
0x7f: {  	p0 =	sne.s32 s26, s16;
	[sflag:s17] =	ssyncset.done $0x0  }
.Ltmp2:
0x80: {  	[sflag:s17] =	ssyncadd.s32 $0xFFFFE000;
	(pc) =	sbr.rel @p0 .LBB2_1-.Ltmp2, $4  }
0x81: {  	[hbm4b:s15+s3] =	stream.linear.scatter [tilespmem:s19], [sflag:$0x3], $0x2000, $0x38;
	[tilespmem:$0x1C400] =	vst v63  }
0x82: {  	_ =	swait.ge [sflag:s17], $0x2000  }
0x83: {  	[sflag:s17] =	ssyncset.done $0x0  }
0x84: {  	[sflag:s17] =	ssyncadd.s32 $0xFFFFE000  }
0x85: {  	_ =	sfence.sel $0x180000  }
0x86: {  	[bflag:$0x0] =	sbarrier.arrive $0xFFFF  }
0x87: {  	p0 =	sne.s32 s0, $0x0;
	_ =	strace $0x90000053  }
0x88: {  	s0 =	sadd.s32 @!p0 $0x100000, s1;
	[bflag:$0x2] =	sbarrier.arrive $0xFFFF  }
0x89: {  	[sflag:s0] =	ssyncadd.tile.s32 @!p0 $0x1;
	_ =	shalt  }
.Lfunc_end2:
_tile_overlayer_lowered:
.L_overlay_start_2:
0x8a: {  	(tag) =	ssettag $0x2  }
0x8b: {  	s0 =	rddreg [dreg:$0x0];
	s2 =	stileid.u32  }
0x8c: {  	s1 =	rddreg [dreg:$0x1];
	p0 =	sne.s32 s2, $0x0  }
0x8d: {  	s3 =	rddreg [dreg:$0x2];
	[bflag:$0x3] =	sbarrier.arrive $0xFFFF;
	s2 =	simm.s32 @!p0 $0x1C03  }
0x8e: {  	[timem:s3], [sflag:s2] =	dma.local @!p0 [hbm:s0], s1  }
0x8f: {  	s0 =	simm.s32 @!p0 $0x3  }
0x90: {  	_ =	swait.ge @!p0 [sflag:s0], s1  }
0x91: {  	s1 =	ssub.s32 @!p0 $0x0, s1;
	[sflag:s0] =	ssyncset.done @!p0 $0x0  }
0x92: {  	[sflag:s0] =	ssyncadd.s32 @!p0 s1  }
0x93: {  	[bflag:$0x3] =	sbarrier.arrive $0xFFFF  }
0x94: {  	_ =	shalt  }

</sc_bundles>
